<compile_context>
chip_gen: v7x
topology: tpu7x:2x2x1
jax: 0.10.2.dev20260603
libtpu: 0.0.44.dev20260713+nightly
codegen_flags: <defaults>
</compile_context>

<pallas_src>
import jax
import jax.numpy as jnp
from jax import lax
from jax.experimental import pallas as pl
from jax.experimental.pallas import tpu as pltpu
from jax.experimental.pallas import tpu_sc as plsc

N = 10000
E = 160000
D_NODE = 128
D_EDGE = 4
D_OUT = 128
D_ATTR = 4

NC = 2
NS = 16
DH = D_OUT // NC
RW = D_EDGE * DH

EPT = E // NS
B = 80
NBT = EPT // B

ZR = 312

SCALE = 1.0 / 256.0

import numpy as _np
_PERM = _np.empty((D_OUT,), dtype=_np.int32)
for _h in range(NC):
    for _q in range(DH // 32):
        _base = _h * DH + _q * 32
        for _i in range(16):
            _PERM[_base + 2 * _i] = _base + _i
            _PERM[_base + 2 * _i + 1] = _base + 16 + _i



def _prep_body(x_ref, wc_ref, wl_ref, y_ref):
    wl = wl_ref[...]
    x = x_ref[...]
    for k in range(D_EDGE):
        vk = jnp.dot(wc_ref[k], wl, preferred_element_type=jnp.float32) * SCALE
        yk = jnp.dot(x, vk, preferred_element_type=jnp.float32)
        y_ref[:, 0, k * DH:(k + 1) * DH] = yk[:, :DH].astype(jnp.bfloat16)
        y_ref[:, 1, k * DH:(k + 1) * DH] = yk[:, DH:].astype(jnp.bfloat16)


def _tc_prep(node_feats, wc_perm, w_lin1):
    blk = 1000
    return pl.pallas_call(
        _prep_body,
        grid=(N // blk,),
        in_specs=[
            pl.BlockSpec((blk, D_NODE), lambda i: (i, 0)),
            pl.BlockSpec((D_EDGE, D_NODE, D_OUT), lambda i: (0, 0, 0)),
            pl.BlockSpec((D_OUT, D_OUT), lambda i: (0, 0)),
        ],
        out_specs=pl.BlockSpec((blk, NC, RW), lambda i: (i, 0, 0)),
        out_shape=jax.ShapeDtypeStruct((N, NC, RW), jnp.bfloat16),
    )(node_feats, wc_perm, w_lin1)



def _sc_edge_body(y_hbm, ef_hbm, s_hbm, r_hbm, out_hbm,
                  sidx_all, ridx_all, ef2, ridx2, rows2, outv2, zbuf, m_sh,
                  gsem0, gsem1, esem0, esem1, ssem0, ssem1):
    cid = lax.axis_index("c")
    sid = lax.axis_index("s")
    gsems = (gsem0, gsem1)
    esems = (esem0, esem1)
    ssems = (ssem0, ssem1)

    @plsc.parallel_loop(0, ZR, unroll=4)
    def zrow(i):
        for c in range(DH // 16):
            zbuf[i, pl.ds(c * 16, 16)] = jnp.zeros((16,), jnp.float32)
    del zrow

    row0 = sid * 624
    pltpu.sync_copy(zbuf, m_sh.at[pl.ds(row0, ZR)])
    pltpu.sync_copy(zbuf, m_sh.at[pl.ds(row0 + ZR, ZR)])
    @pl.when(sid == NS - 1)
    def _():
        pltpu.sync_copy(zbuf.at[pl.ds(0, 16)], m_sh.at[pl.ds(9984, 16)])

    pltpu.sync_copy(s_hbm.at[sid], sidx_all)
    pltpu.sync_copy(r_hbm.at[sid], ridx_all)

    @plsc.parallel_loop(0, EPT // 16, unroll=4)
    def sxf(i):
        v = sidx_all[pl.ds(i * 16, 16)]
        sidx_all[pl.ds(i * 16, 16)] = v * 2 + cid
    del sxf
    plsc.subcore_barrier()

    def start_gather(b, ph):
        pltpu.async_copy(y_hbm.at[sidx_all.at[pl.ds(b * B, B)]],
                         rows2.at[ph], gsems[ph])

    def wait_gather(ph):
        pltpu.make_async_copy(y_hbm.at[sidx_all.at[pl.ds(0, B)]],
                              rows2.at[ph], gsems[ph]).wait()

    def start_ef(b, ph):
        pltpu.async_copy(ef_hbm.at[sid, b], ef2.at[ph], esems[ph])

    def wait_ef(ph):
        pltpu.make_async_copy(ef_hbm.at[sid, 0], ef2.at[ph],
                              esems[ph]).wait()

    def start_scatter(ph):
        pltpu.async_copy(outv2.at[ph], m_sh.at[ridx2.at[ph]],
                         ssems[ph], add=True)

    def wait_scatter(ph):
        pltpu.make_async_copy(outv2.at[ph], m_sh.at[ridx2.at[ph]],
                              ssems[ph]).wait()

    def compute(ph):
        @plsc.parallel_loop(0, B // 4, unroll=2)
        def group(g):
            efq = ef2[ph, pl.ds(g * 16, 16)]
            for j in range(4):
                e = g * 4 + j
                ws = (efq[j * 4], efq[j * 4 + 1], efq[j * 4 + 2],
                      efq[j * 4 + 3])
                for q in range(DH // 32):
                    o32 = q * 32
                    ve = vo = None
                    for k in range(D_EDGE):
                        u = rows2[ph, e, pl.ds(k * DH + o32, 32)]
                        a, bb = plsc.unpack(
                            u, format=plsc.PackFormat.INTERLEAVED,
                            preferred_element_type=jnp.float32)
                        if ve is None:
                            ve = a * ws[k]
                            vo = bb * ws[k]
                        else:
                            ve = ve + a * ws[k]
                            vo = vo + bb * ws[k]
                    outv2[ph, e, pl.ds(o32, 16)] = ve
                    outv2[ph, e, pl.ds(o32 + 16, 16)] = vo
        del group

    start_ef(0, 0)
    start_gather(0, 0)

    def batch(b, _):
        for ph in range(2):
            @pl.when(lax.rem(b, 2) == ph)
            def _():
                @pl.when(b + 1 < NBT)
                def _():
                    start_ef(b + 1, 1 - ph)
                    start_gather(b + 1, 1 - ph)
                wait_gather(ph)
                wait_ef(ph)
                @pl.when(b >= 2)
                def _():
                    wait_scatter(ph)
                for q in range(B // 16):
                    ridx2[ph, pl.ds(q * 16, 16)] = (
                        ridx_all[pl.ds(b * B + q * 16, 16)])
                compute(ph)
                start_scatter(ph)
        return 0
    lax.fori_loop(0, NBT, batch, 0)

    wait_scatter(0)
    wait_scatter(1)
    plsc.subcore_barrier()

    pltpu.sync_copy(m_sh.at[pl.ds(row0, ZR)],
                    out_hbm.at[cid, pl.ds(row0, ZR)])
    pltpu.sync_copy(m_sh.at[pl.ds(row0 + ZR, ZR)],
                    out_hbm.at[cid, pl.ds(row0 + ZR, ZR)])
    @pl.when(sid == NS - 1)
    def _():
        pltpu.sync_copy(m_sh.at[pl.ds(9984, 16)],
                        out_hbm.at[cid, pl.ds(9984, 16)])


def _sc_edge(y2, ef3, s4, r3):
    mesh = plsc.VectorSubcoreMesh(core_axis_name="c", subcore_axis_name="s",
                                  num_cores=NC, num_subcores=NS)
    fn = pl.kernel(
        _sc_edge_body,
        out_type=jax.ShapeDtypeStruct((NC, N, DH), jnp.float32),
        mesh=mesh,
        compiler_params=pltpu.CompilerParams(use_tc_tiling_on_sc=False,
                                             needs_layout_passes=False),
        scratch_types=[
            pltpu.VMEM((EPT,), jnp.int32),
            pltpu.VMEM((EPT,), jnp.int32),
            pltpu.VMEM((2, B * 4), jnp.float32),
            pltpu.VMEM((2, B), jnp.int32),
            pltpu.VMEM((2, B, RW), jnp.bfloat16),
            pltpu.VMEM((2, B, DH), jnp.float32),
            pltpu.VMEM((ZR, DH), jnp.float32),
            pltpu.VMEM_SHARED((N, DH), jnp.float32),
            pltpu.SemaphoreType.DMA,
            pltpu.SemaphoreType.DMA,
            pltpu.SemaphoreType.DMA,
            pltpu.SemaphoreType.DMA,
            pltpu.SemaphoreType.DMA,
            pltpu.SemaphoreType.DMA,
        ],
    )
    return fn(y2, ef3, s4, r3)



def _skip_body(mp_ref, attr_ref, ws_ref, wl2_ref, out_ref):
    m = jnp.concatenate([mp_ref[0], mp_ref[1]], axis=1)
    wl2 = wl2_ref[...]
    attrs = attr_ref[...]
    acc = m
    for k in range(D_ATTR):
        vk = jnp.dot(ws_ref[k], wl2, preferred_element_type=jnp.float32) * SCALE
        acc = acc + jnp.dot(m, vk,
                            preferred_element_type=jnp.float32) * attrs[:, k:k + 1]
    out_ref[...] = acc


def _tc_skip(m_parts, node_attrs, ws_perm, w_lin2):
    blk = 1000
    return pl.pallas_call(
        _skip_body,
        grid=(N // blk,),
        in_specs=[
            pl.BlockSpec((NC, blk, DH), lambda i: (0, i, 0)),
            pl.BlockSpec((blk, D_ATTR), lambda i: (i, 0)),
            pl.BlockSpec((D_ATTR, D_OUT, D_OUT), lambda i: (0, 0, 0)),
            pl.BlockSpec((D_OUT, D_OUT), lambda i: (0, 0)),
        ],
        out_specs=pl.BlockSpec((blk, D_OUT), lambda i: (i, 0)),
        out_shape=jax.ShapeDtypeStruct((N, D_OUT), jnp.float32),
    )(m_parts, node_attrs, ws_perm, w_lin2)



@jax.jit
def kernel(node_feats, node_attrs, edge_feats, edge_index,
           W_conv, W_lin1, W_skip, W_lin2):
    senders3 = edge_index[0].reshape(NS, EPT)
    receivers = edge_index[1].reshape(NS, EPT)
    ef3 = edge_feats.reshape(NS, NBT, B * 4)
    wc_perm = W_conv.transpose(1, 0, 2)
    ws_perm = W_skip.transpose(1, 0, 2)
    wl1_perm = W_lin1[:, _PERM]

    yh = _tc_prep(node_feats, wc_perm, wl1_perm)
    y2 = yh.reshape(NC * N, RW)
    m_parts = _sc_edge(y2, ef3, senders3, receivers)
    return _tc_skip(m_parts, node_attrs, ws_perm, W_lin2)

# --- scband reference (transcript-rebuilt; emitter-appended) ---
"""Pipeline reference for scband-skip-interaction-block-13503377179219 (READ-ONLY COPY).

The authoritative reference and input builder live on the scoring server;
editing this copy changes nothing except your own understanding.
"""

import jax, jax.numpy as jnp
import numpy as np

N = 10000
E = 160000
D_NODE = 128
D_EDGE = 4
D_ATTR = 4
D_OUT = 128


def setup_inputs(seed: int = 0) -> dict:
    key = jax.random.key(seed)
    ks = jax.random.split(key, 8)
    node_feats = jax.random.normal(ks[0], (N, D_NODE), dtype=jnp.float32)
    node_attrs = jax.random.uniform(ks[1], (N, D_ATTR), dtype=jnp.float32)
    edge_feats = jax.random.normal(ks[2], (E, D_EDGE), dtype=jnp.float32)
    edge_index = jax.random.randint(ks[3], (2, E), 0, N, dtype=jnp.int32)
    # learned params: fully-connected tensor products (bilinear, all-scalar irreps) + linears
    W_conv = jax.random.normal(ks[4], (D_NODE, D_EDGE, D_OUT), dtype=jnp.float32)
    W_lin1 = jax.random.normal(ks[5], (D_OUT, D_OUT), dtype=jnp.float32)
    W_skip = jax.random.normal(ks[6], (D_OUT, D_ATTR, D_OUT), dtype=jnp.float32)
    W_lin2 = jax.random.normal(ks[7], (D_OUT, D_OUT), dtype=jnp.float32)
    return {"node_feats": node_feats, "node_attrs": node_attrs, "edge_feats": edge_feats,
            "edge_index": edge_index, "W_conv": W_conv, "W_lin1": W_lin1,
            "W_skip": W_skip, "W_lin2": W_lin2}


def reference(node_feats, node_attrs, edge_feats, edge_index, W_conv, W_lin1, W_skip, W_lin2):
    sender = edge_index[0]
    receiver = edge_index[1]
    num_nodes = node_feats.shape[0]
    # conv_tp: FullyConnectedTensorProduct over scalar irreps == normalized bilinear
    x_s = jnp.take(node_feats, sender, axis=0)                     # gather [E, D_NODE]
    outer = (x_s[:, :, None] * edge_feats[:, None, :]).reshape(E, D_NODE * D_EDGE)
    mji = outer @ W_conv.reshape(D_NODE * D_EDGE, D_OUT)
    mji = mji / np.sqrt(D_NODE * D_EDGE).astype(np.float32)
    # linear_1 (o3.Linear on scalars == dense linear with 1/sqrt(fan_in) norm)
    mji = (mji @ W_lin1) / np.sqrt(D_OUT).astype(np.float32)
    # scatter-sum messages into receivers
    m = jax.ops.segment_sum(mji, receiver, num_segments=num_nodes)  # [N, D_OUT]
    # skip_tp: bilinear with node_attrs
    outer2 = (m[:, :, None] * node_attrs[:, None, :]).reshape(num_nodes, D_OUT * D_ATTR)
    x_skip = outer2 @ W_skip.reshape(D_OUT * D_ATTR, D_OUT)
    x_skip = x_skip / np.sqrt(D_OUT * D_ATTR).astype(np.float32)
    # linear_2
    x_skip = (x_skip @ W_lin2) / np.sqrt(D_OUT).astype(np.float32)
    return m + x_skip

if __name__ == "__main__":
    import jax
    _d = setup_inputs()
    print(jax.jit(kernel)(*tuple(_d.values())))

</pallas_src>

<mosaic_0001>
#map = affine_map<(d0, d1) -> (0, 0)>
#map1 = affine_map<(d0, d1) -> (0, 0, 0)>
module attributes {stable_mosaic.version = 14 : i64} {
  func.func @_sc_edge_body(%arg0: i32, %arg1: i32, %arg2: memref<20000x256xbf16, #tpu.memory_space<hbm>>, %arg3: memref<16x125x320xf32, #tpu.memory_space<hbm>>, %arg4: memref<16x10000xi32, #tpu.memory_space<hbm>>, %arg5: memref<16x10000xi32, #tpu.memory_space<hbm>>, %arg6: memref<2x10000x64xf32, #tpu.memory_space<hbm>>, %arg7: memref<10000xi32, #tpu.memory_space<vmem>>, %arg8: memref<10000xi32, #tpu.memory_space<vmem>>, %arg9: memref<2x320xf32, #tpu.memory_space<vmem>>, %arg10: memref<2x80xi32, #tpu.memory_space<vmem>>, %arg11: memref<2x80x256xbf16, #tpu.memory_space<vmem>>, %arg12: memref<2x80x64xf32, #tpu.memory_space<vmem>>, %arg13: memref<312x64xf32, #tpu.memory_space<vmem>>, %arg14: memref<10000x64xf32, #tpu.memory_space<vmem_shared>>, %arg15: memref<!tpu.dma_semaphore, #tpu.memory_space<semaphore_mem>>, %arg16: memref<!tpu.dma_semaphore, #tpu.memory_space<semaphore_mem>>, %arg17: memref<!tpu.dma_semaphore, #tpu.memory_space<semaphore_mem>>, %arg18: memref<!tpu.dma_semaphore, #tpu.memory_space<semaphore_mem>>, %arg19: memref<!tpu.dma_semaphore, #tpu.memory_space<semaphore_mem>>, %arg20: memref<!tpu.dma_semaphore, #tpu.memory_space<semaphore_mem>>) attributes {dimension_semantics = [#tpu.dimension_semantics<core_parallel>, #tpu.dimension_semantics<subcore_parallel>], iteration_bounds = array<i64: 2, 16>, scalar_prefetch = 0 : i64, scratch_operands = 14 : i64, tpu.core_type = #tpu.core_type<sc_vector_subcore>, window_params = [{transform_indices = #map}, {transform_indices = #map1}, {transform_indices = #map}, {transform_indices = #map}, {transform_indices = #map1}]} {
    %parallel_loop3A = arith.constant 0 : i32
    %parallel_loop3A_0 = arith.constant 312 : i32
    %parallel_loop3A_1 = arith.constant 1 : i32
    scf.for %parallel_loop3A_71 = %parallel_loop3A to %parallel_loop3A_0 step %parallel_loop3A_1  : i32 {
      %parallel_loop3A_72 = arith.constant 0.000000e+00 : f32
      %parallel_loop3A_73 = vector.broadcast %parallel_loop3A_72 : f32 to vector<16xf32>
      %parallel_loop3A_74 = arith.index_cast %parallel_loop3A_71 : i32 to index
      %parallel_loop3A_75 = arith.constant 0 : index
      %parallel_loop3A_76 = tpu.vector_load %arg13[%parallel_loop3A_74, %parallel_loop3A_75] {strides = array<i32>} : memref<312x64xf32, #tpu.memory_space<vmem>>, vector<16xf32>,
      tpu.vector_store %arg13[%parallel_loop3A_74, %parallel_loop3A_75], %parallel_loop3A_73 {strides = array<i32>} : memref<312x64xf32, #tpu.memory_space<vmem>>, vector<16xf32>,
      %parallel_loop3A_77 = arith.constant 0.000000e+00 : f32
      %parallel_loop3A_78 = vector.broadcast %parallel_loop3A_77 : f32 to vector<16xf32>
      %parallel_loop3A_79 = arith.index_cast %parallel_loop3A_71 : i32 to index
      %parallel_loop3A_80 = arith.constant 16 : index
      %parallel_loop3A_81 = tpu.vector_load %arg13[%parallel_loop3A_79, %parallel_loop3A_80] {strides = array<i32>} : memref<312x64xf32, #tpu.memory_space<vmem>>, vector<16xf32>,
      tpu.vector_store %arg13[%parallel_loop3A_79, %parallel_loop3A_80], %parallel_loop3A_78 {strides = array<i32>} : memref<312x64xf32, #tpu.memory_space<vmem>>, vector<16xf32>,
      %parallel_loop3A_82 = arith.constant 0.000000e+00 : f32
      %parallel_loop3A_83 = vector.broadcast %parallel_loop3A_82 : f32 to vector<16xf32>
      %parallel_loop3A_84 = arith.index_cast %parallel_loop3A_71 : i32 to index
      %parallel_loop3A_85 = arith.constant 32 : index
      %parallel_loop3A_86 = tpu.vector_load %arg13[%parallel_loop3A_84, %parallel_loop3A_85] {strides = array<i32>} : memref<312x64xf32, #tpu.memory_space<vmem>>, vector<16xf32>,
      tpu.vector_store %arg13[%parallel_loop3A_84, %parallel_loop3A_85], %parallel_loop3A_83 {strides = array<i32>} : memref<312x64xf32, #tpu.memory_space<vmem>>, vector<16xf32>,
      %parallel_loop3A_87 = arith.constant 0.000000e+00 : f32
      %parallel_loop3A_88 = vector.broadcast %parallel_loop3A_87 : f32 to vector<16xf32>
      %parallel_loop3A_89 = arith.index_cast %parallel_loop3A_71 : i32 to index
      %parallel_loop3A_90 = arith.constant 48 : index
      %parallel_loop3A_91 = tpu.vector_load %arg13[%parallel_loop3A_89, %parallel_loop3A_90] {strides = array<i32>} : memref<312x64xf32, #tpu.memory_space<vmem>>, vector<16xf32>,
      tpu.vector_store %arg13[%parallel_loop3A_89, %parallel_loop3A_90], %parallel_loop3A_88 {strides = array<i32>} : memref<312x64xf32, #tpu.memory_space<vmem>>, vector<16xf32>,
    } {sc.loop_unroll_factor = 4 : i64, sc.parallel_access}
    %mul3A = arith.constant 624 : i32
    %mul3A_2 = arith.muli %arg1, %mul3A : i32
    "tpu.region"() ({
      %run_scoped3A = tpu.sem_alloc : memref<!tpu.dma_semaphore, #tpu.memory_space<semaphore_mem>>
      %dma_start3A_71 = arith.constant 0 : i32
      %dma_start3A_72 = tpu.memref_slice %arg14[%mul3A_2, %dma_start3A_71] : memref<10000x64xf32, #tpu.memory_space<vmem_shared>> -> memref<312x64xf32, #tpu.memory_space<vmem_shared>>
      %dma_start3A_73 = arith.constant 0 : i32
      %dma_start3A_74 = tpu.memref_slice %arg14[%mul3A_2, %dma_start3A_73] : memref<10000x64xf32, #tpu.memory_space<vmem_shared>> -> memref<312x64xf32, #tpu.memory_space<vmem_shared>>
      tpu.enqueue_dma source(%arg13 : memref<312x64xf32, #tpu.memory_space<vmem>>) target(%dma_start3A_74 : memref<312x64xf32, #tpu.memory_space<vmem_shared>>) target_semaphore(%run_scoped3A : memref<!tpu.dma_semaphore, #tpu.memory_space<semaphore_mem>>)
      %dma_wait3A_75 = arith.constant 0 : i32
      %dma_wait3A_76 = tpu.memref_slice %arg14[%mul3A_2, %dma_wait3A_75] : memref<10000x64xf32, #tpu.memory_space<vmem_shared>> -> memref<312x64xf32, #tpu.memory_space<vmem_shared>>
      %dma_wait3A_77 = arith.constant 0 : i32
      %dma_wait3A_78 = tpu.memref_slice %arg14[%mul3A_2, %dma_wait3A_77] : memref<10000x64xf32, #tpu.memory_space<vmem_shared>> -> memref<312x64xf32, #tpu.memory_space<vmem_shared>>
      tpu.wait_dma2 semaphore(%run_scoped3A : memref<!tpu.dma_semaphore, #tpu.memory_space<semaphore_mem>>) src(%arg13 : memref<312x64xf32, #tpu.memory_space<vmem>>) dst(%dma_wait3A_78 : memref<312x64xf32, #tpu.memory_space<vmem_shared>>)
      tpu.yield
    }) : () -> ()
    %add3A = arith.constant 312 : i32
    %add3A_3 = arith.addi %mul3A_2, %add3A : i32
    "tpu.region"() ({
      %run_scoped3A = tpu.sem_alloc : memref<!tpu.dma_semaphore, #tpu.memory_space<semaphore_mem>>
      %dma_start3A_71 = arith.constant 0 : i32
      %dma_start3A_72 = tpu.memref_slice %arg14[%add3A_3, %dma_start3A_71] : memref<10000x64xf32, #tpu.memory_space<vmem_shared>> -> memref<312x64xf32, #tpu.memory_space<vmem_shared>>
      %dma_start3A_73 = arith.constant 0 : i32
      %dma_start3A_74 = tpu.memref_slice %arg14[%add3A_3, %dma_start3A_73] : memref<10000x64xf32, #tpu.memory_space<vmem_shared>> -> memref<312x64xf32, #tpu.memory_space<vmem_shared>>
      tpu.enqueue_dma source(%arg13 : memref<312x64xf32, #tpu.memory_space<vmem>>) target(%dma_start3A_74 : memref<312x64xf32, #tpu.memory_space<vmem_shared>>) target_semaphore(%run_scoped3A : memref<!tpu.dma_semaphore, #tpu.memory_space<semaphore_mem>>)
      %dma_wait3A_75 = arith.constant 0 : i32
      %dma_wait3A_76 = tpu.memref_slice %arg14[%add3A_3, %dma_wait3A_75] : memref<10000x64xf32, #tpu.memory_space<vmem_shared>> -> memref<312x64xf32, #tpu.memory_space<vmem_shared>>
      %dma_wait3A_77 = arith.constant 0 : i32
      %dma_wait3A_78 = tpu.memref_slice %arg14[%add3A_3, %dma_wait3A_77] : memref<10000x64xf32, #tpu.memory_space<vmem_shared>> -> memref<312x64xf32, #tpu.memory_space<vmem_shared>>
      tpu.wait_dma2 semaphore(%run_scoped3A : memref<!tpu.dma_semaphore, #tpu.memory_space<semaphore_mem>>) src(%arg13 : memref<312x64xf32, #tpu.memory_space<vmem>>) dst(%dma_wait3A_78 : memref<312x64xf32, #tpu.memory_space<vmem_shared>>)
      tpu.yield
    }) : () -> ()
    %eq3A = arith.constant 15 : i32
    %eq3A_4 = arith.cmpi eq, %arg1, %eq3A : i32
    %convert_element_type3A = arith.extui %eq3A_4 : i1 to i32
    %cond3A = arith.constant 0 : i32
    %cond3A_5 = arith.cmpi ne, %convert_element_type3A, %cond3A : i32
    scf.if %cond3A_5 {
      "tpu.region"() ({
        %run_scoped3A = tpu.sem_alloc : memref<!tpu.dma_semaphore, #tpu.memory_space<semaphore_mem>>
        %dma_start3A_71 = arith.constant 0 : i32
        %dma_start3A_72 = arith.constant 0 : i32
        %dma_start3A_73 = tpu.memref_slice %arg13[%dma_start3A_71, %dma_start3A_72] : memref<312x64xf32, #tpu.memory_space<vmem>> -> memref<16x64xf32, #tpu.memory_space<vmem>>
        %dma_start3A_74 = arith.constant 9984 : i32
        %dma_start3A_75 = arith.constant 0 : i32
        %dma_start3A_76 = tpu.memref_slice %arg14[%dma_start3A_74, %dma_start3A_75] : memref<10000x64xf32, #tpu.memory_space<vmem_shared>> -> memref<16x64xf32, #tpu.memory_space<vmem_shared>>
        %dma_start3A_77 = arith.constant 9984 : i32
        %dma_start3A_78 = arith.constant 0 : i32
        %dma_start3A_79 = tpu.memref_slice %arg14[%dma_start3A_77, %dma_start3A_78] : memref<10000x64xf32, #tpu.memory_space<vmem_shared>> -> memref<16x64xf32, #tpu.memory_space<vmem_shared>>
        %dma_start3A_80 = arith.constant 0 : i32
        %dma_start3A_81 = arith.constant 0 : i32
        %dma_start3A_82 = tpu.memref_slice %arg13[%dma_start3A_80, %dma_start3A_81] : memref<312x64xf32, #tpu.memory_space<vmem>> -> memref<16x64xf32, #tpu.memory_space<vmem>>
        tpu.enqueue_dma source(%dma_start3A_82 : memref<16x64xf32, #tpu.memory_space<vmem>>) target(%dma_start3A_79 : memref<16x64xf32, #tpu.memory_space<vmem_shared>>) target_semaphore(%run_scoped3A : memref<!tpu.dma_semaphore, #tpu.memory_space<semaphore_mem>>)
        %dma_wait3A_83 = arith.constant 0 : i32
        %dma_wait3A_84 = arith.constant 0 : i32
        %dma_wait3A_85 = tpu.memref_slice %arg13[%dma_wait3A_83, %dma_wait3A_84] : memref<312x64xf32, #tpu.memory_space<vmem>> -> memref<16x64xf32, #tpu.memory_space<vmem>>
        %dma_wait3A_86 = arith.constant 9984 : i32
        %dma_wait3A_87 = arith.constant 0 : i32
        %dma_wait3A_88 = tpu.memref_slice %arg14[%dma_wait3A_86, %dma_wait3A_87] : memref<10000x64xf32, #tpu.memory_space<vmem_shared>> -> memref<16x64xf32, #tpu.memory_space<vmem_shared>>
        %dma_wait3A_89 = arith.constant 9984 : i32
        %dma_wait3A_90 = arith.constant 0 : i32
        %dma_wait3A_91 = tpu.memref_slice %arg14[%dma_wait3A_89, %dma_wait3A_90] : memref<10000x64xf32, #tpu.memory_space<vmem_shared>> -> memref<16x64xf32, #tpu.memory_space<vmem_shared>>
        %dma_wait3A_92 = arith.constant 0 : i32
        %dma_wait3A_93 = arith.constant 0 : i32
        %dma_wait3A_94 = tpu.memref_slice %arg13[%dma_wait3A_92, %dma_wait3A_93] : memref<312x64xf32, #tpu.memory_space<vmem>> -> memref<16x64xf32, #tpu.memory_space<vmem>>
        tpu.wait_dma2 semaphore(%run_scoped3A : memref<!tpu.dma_semaphore, #tpu.memory_space<semaphore_mem>>) src(%dma_wait3A_94 : memref<16x64xf32, #tpu.memory_space<vmem>>) dst(%dma_wait3A_91 : memref<16x64xf32, #tpu.memory_space<vmem_shared>>)
        tpu.yield
      }) : () -> ()
    } else {
    }
    "tpu.region"() ({
      %run_scoped3A = tpu.sem_alloc : memref<!tpu.dma_semaphore, #tpu.memory_space<semaphore_mem>>
      %dma_start3A_71 = arith.constant 0 : i32
      %dma_start3A_72 = tpu.memref_slice %arg4[%arg1, %dma_start3A_71] : memref<16x10000xi32, #tpu.memory_space<hbm>> -> memref<1x10000xi32, #tpu.memory_space<hbm>>
      %dma_start3A_73 = tpu.memref_squeeze %dma_start3A_72 : memref<1x10000xi32, #tpu.memory_space<hbm>> -> memref<10000xi32, #tpu.memory_space<hbm>>
      %dma_start3A_74 = arith.constant 0 : i32
      %dma_start3A_75 = tpu.memref_slice %arg4[%arg1, %dma_start3A_74] : memref<16x10000xi32, #tpu.memory_space<hbm>> -> memref<1x10000xi32, #tpu.memory_space<hbm>>
      %dma_start3A_76 = tpu.memref_squeeze %dma_start3A_75 : memref<1x10000xi32, #tpu.memory_space<hbm>> -> memref<10000xi32, #tpu.memory_space<hbm>>
      tpu.enqueue_dma source(%dma_start3A_76 : memref<10000xi32, #tpu.memory_space<hbm>>) target(%arg7 : memref<10000xi32, #tpu.memory_space<vmem>>) target_semaphore(%run_scoped3A : memref<!tpu.dma_semaphore, #tpu.memory_space<semaphore_mem>>)
      %dma_wait3A_77 = arith.constant 0 : i32
      %dma_wait3A_78 = tpu.memref_slice %arg4[%arg1, %dma_wait3A_77] : memref<16x10000xi32, #tpu.memory_space<hbm>> -> memref<1x10000xi32, #tpu.memory_space<hbm>>
      %dma_wait3A_79 = tpu.memref_squeeze %dma_wait3A_78 : memref<1x10000xi32, #tpu.memory_space<hbm>> -> memref<10000xi32, #tpu.memory_space<hbm>>
      %dma_wait3A_80 = arith.constant 0 : i32
      %dma_wait3A_81 = tpu.memref_slice %arg4[%arg1, %dma_wait3A_80] : memref<16x10000xi32, #tpu.memory_space<hbm>> -> memref<1x10000xi32, #tpu.memory_space<hbm>>
      %dma_wait3A_82 = tpu.memref_squeeze %dma_wait3A_81 : memref<1x10000xi32, #tpu.memory_space<hbm>> -> memref<10000xi32, #tpu.memory_space<hbm>>
      tpu.wait_dma2 semaphore(%run_scoped3A : memref<!tpu.dma_semaphore, #tpu.memory_space<semaphore_mem>>) src(%dma_wait3A_82 : memref<10000xi32, #tpu.memory_space<hbm>>) dst(%arg7 : memref<10000xi32, #tpu.memory_space<vmem>>)
      tpu.yield
    }) : () -> ()
    "tpu.region"() ({
      %run_scoped3A = tpu.sem_alloc : memref<!tpu.dma_semaphore, #tpu.memory_space<semaphore_mem>>
      %dma_start3A_71 = arith.constant 0 : i32
      %dma_start3A_72 = tpu.memref_slice %arg5[%arg1, %dma_start3A_71] : memref<16x10000xi32, #tpu.memory_space<hbm>> -> memref<1x10000xi32, #tpu.memory_space<hbm>>
      %dma_start3A_73 = tpu.memref_squeeze %dma_start3A_72 : memref<1x10000xi32, #tpu.memory_space<hbm>> -> memref<10000xi32, #tpu.memory_space<hbm>>
      %dma_start3A_74 = arith.constant 0 : i32
      %dma_start3A_75 = tpu.memref_slice %arg5[%arg1, %dma_start3A_74] : memref<16x10000xi32, #tpu.memory_space<hbm>> -> memref<1x10000xi32, #tpu.memory_space<hbm>>
      %dma_start3A_76 = tpu.memref_squeeze %dma_start3A_75 : memref<1x10000xi32, #tpu.memory_space<hbm>> -> memref<10000xi32, #tpu.memory_space<hbm>>
      tpu.enqueue_dma source(%dma_start3A_76 : memref<10000xi32, #tpu.memory_space<hbm>>) target(%arg8 : memref<10000xi32, #tpu.memory_space<vmem>>) target_semaphore(%run_scoped3A : memref<!tpu.dma_semaphore, #tpu.memory_space<semaphore_mem>>)
      %dma_wait3A_77 = arith.constant 0 : i32
      %dma_wait3A_78 = tpu.memref_slice %arg5[%arg1, %dma_wait3A_77] : memref<16x10000xi32, #tpu.memory_space<hbm>> -> memref<1x10000xi32, #tpu.memory_space<hbm>>
      %dma_wait3A_79 = tpu.memref_squeeze %dma_wait3A_78 : memref<1x10000xi32, #tpu.memory_space<hbm>> -> memref<10000xi32, #tpu.memory_space<hbm>>
      %dma_wait3A_80 = arith.constant 0 : i32
      %dma_wait3A_81 = tpu.memref_slice %arg5[%arg1, %dma_wait3A_80] : memref<16x10000xi32, #tpu.memory_space<hbm>> -> memref<1x10000xi32, #tpu.memory_space<hbm>>
      %dma_wait3A_82 = tpu.memref_squeeze %dma_wait3A_81 : memref<1x10000xi32, #tpu.memory_space<hbm>> -> memref<10000xi32, #tpu.memory_space<hbm>>
      tpu.wait_dma2 semaphore(%run_scoped3A : memref<!tpu.dma_semaphore, #tpu.memory_space<semaphore_mem>>) src(%dma_wait3A_82 : memref<10000xi32, #tpu.memory_space<hbm>>) dst(%arg8 : memref<10000xi32, #tpu.memory_space<vmem>>)
      tpu.yield
    }) : () -> ()
    %parallel_loop3A_6 = arith.constant 0 : i32
    %parallel_loop3A_7 = arith.constant 625 : i32
    %parallel_loop3A_8 = arith.constant 1 : i32
    scf.for %parallel_loop3A_71 = %parallel_loop3A_6 to %parallel_loop3A_7 step %parallel_loop3A_8  : i32 {
      %parallel_loop3A_72 = arith.constant 16 : i32
      %parallel_loop3A_73 = arith.muli %parallel_loop3A_71, %parallel_loop3A_72 : i32
      %parallel_loop3A_74 = arith.index_cast %parallel_loop3A_73 : i32 to index
      %parallel_loop3A_75 = tpu.vector_load %arg7[%parallel_loop3A_74] {strides = array<i32>} : memref<10000xi32, #tpu.memory_space<vmem>>, vector<16xi32>,
      %parallel_loop3A_76 = arith.constant 2 : i32
      %parallel_loop3A_77 = vector.broadcast %parallel_loop3A_76 : i32 to vector<16xi32>
      %parallel_loop3A_78 = arith.muli %parallel_loop3A_75, %parallel_loop3A_77 : vector<16xi32>
      %parallel_loop3A_79 = vector.broadcast %arg0 : i32 to vector<16xi32>
      %parallel_loop3A_80 = arith.addi %parallel_loop3A_78, %parallel_loop3A_79 : vector<16xi32>
      %parallel_loop3A_81 = arith.constant 16 : i32
      %parallel_loop3A_82 = arith.muli %parallel_loop3A_71, %parallel_loop3A_81 : i32
      %parallel_loop3A_83 = arith.index_cast %parallel_loop3A_82 : i32 to index
      %parallel_loop3A_84 = tpu.vector_load %arg7[%parallel_loop3A_83] {strides = array<i32>} : memref<10000xi32, #tpu.memory_space<vmem>>, vector<16xi32>,
      tpu.vector_store %arg7[%parallel_loop3A_83], %parallel_loop3A_80 {strides = array<i32>} : memref<10000xi32, #tpu.memory_space<vmem>>, vector<16xi32>,
    } {sc.loop_unroll_factor = 4 : i64, sc.parallel_access}
    %barrier3A = arith.constant 0 : index
    tpu.barrier barrier_id(%barrier3A)
    %dma_start3A = arith.constant 0 : i32
    %dma_start3A_9 = arith.constant 0 : i32
    %dma_start3A_10 = arith.constant 0 : i32
    %dma_start3A_11 = tpu.memref_slice %arg9[%dma_start3A_9, %dma_start3A_10] : memref<2x320xf32, #tpu.memory_space<vmem>> -> memref<1x320xf32, #tpu.memory_space<vmem>>
    %dma_start3A_12 = tpu.memref_squeeze %dma_start3A_11 : memref<1x320xf32, #tpu.memory_space<vmem>> -> memref<320xf32, #tpu.memory_space<vmem>>
    %dma_start3A_13 = arith.constant 0 : i32
    %dma_start3A_14 = tpu.memref_slice %arg3[%arg1, %dma_start3A, %dma_start3A_13] : memref<16x125x320xf32, #tpu.memory_space<hbm>> -> memref<1x1x320xf32, #tpu.memory_space<hbm>>
    %dma_start3A_15 = tpu.memref_squeeze %dma_start3A_14 : memref<1x1x320xf32, #tpu.memory_space<hbm>> -> memref<320xf32, #tpu.memory_space<hbm>>
    %dma_start3A_16 = arith.constant 0 : i32
    %dma_start3A_17 = tpu.memref_slice %arg9[%dma_start3A_9, %dma_start3A_16] : memref<2x320xf32, #tpu.memory_space<vmem>> -> memref<1x320xf32, #tpu.memory_space<vmem>>
    %dma_start3A_18 = tpu.memref_squeeze %dma_start3A_17 : memref<1x320xf32, #tpu.memory_space<vmem>> -> memref<320xf32, #tpu.memory_space<vmem>>
    %dma_start3A_19 = arith.constant 0 : i32
    %dma_start3A_20 = tpu.memref_slice %arg3[%arg1, %dma_start3A, %dma_start3A_19] : memref<16x125x320xf32, #tpu.memory_space<hbm>> -> memref<1x1x320xf32, #tpu.memory_space<hbm>>
    %dma_start3A_21 = tpu.memref_squeeze %dma_start3A_20 : memref<1x1x320xf32, #tpu.memory_space<hbm>> -> memref<320xf32, #tpu.memory_space<hbm>>
    tpu.enqueue_dma source(%dma_start3A_21 : memref<320xf32, #tpu.memory_space<hbm>>) target(%dma_start3A_18 : memref<320xf32, #tpu.memory_space<vmem>>) target_semaphore(%arg17 : memref<!tpu.dma_semaphore, #tpu.memory_space<semaphore_mem>>)
    %dma_start3A_22 = arith.constant 0 : i32
    %dma_start3A_23 = arith.constant 0 : i32
    %dma_start3A_24 = arith.constant 0 : i32
    %dma_start3A_25 = tpu.memref_slice %arg11[%dma_start3A_22, %dma_start3A_23, %dma_start3A_24] : memref<2x80x256xbf16, #tpu.memory_space<vmem>> -> memref<1x80x256xbf16, #tpu.memory_space<vmem>>
    %dma_start3A_26 = tpu.memref_squeeze %dma_start3A_25 : memref<1x80x256xbf16, #tpu.memory_space<vmem>> -> memref<80x256xbf16, #tpu.memory_space<vmem>>
    %dma_start3A_27 = arith.constant 0 : i32
    %dma_start3A_28 = tpu.memref_slice %arg7[%dma_start3A_27] : memref<10000xi32, #tpu.memory_space<vmem>> -> memref<80xi32, #tpu.memory_space<vmem>>
    %dma_start3A_29 = arith.constant 0 : i32
    %dma_start3A_30 = arith.constant 0 : i32
    %dma_start3A_31 = tpu.memref_slice %arg2[%dma_start3A_29, %dma_start3A_30] : memref<20000x256xbf16, #tpu.memory_space<hbm>> -> memref<20000x256xbf16, #tpu.memory_space<hbm>>
    tpu.enqueue_indirect_dma source(%dma_start3A_31 : memref<20000x256xbf16, #tpu.memory_space<hbm>>) target(%dma_start3A_26 : memref<80x256xbf16, #tpu.memory_space<vmem>>) offsets(%dma_start3A_28 : memref<80xi32, #tpu.memory_space<vmem>>) semaphore(%arg15 : memref<!tpu.dma_semaphore, #tpu.memory_space<semaphore_mem>>)
    %scan3A = arith.constant 0 : i32
    %scan3A_32 = arith.constant 0 : i32
    %scan3A_33 = arith.constant 125 : i32
    %scan3A_34 = arith.addi %scan3A_32, %scan3A_33 : i32
    %scan3A_35 = arith.constant 1 : i32
    %scan3A_36 = scf.for %scan3A_71 = %scan3A_32 to %scan3A_34 step %scan3A_35 iter_args(%scan3A_72 = %scan3A) -> (i32)  : i32 {
      %rem3A = arith.constant 2 : i32
      %rem3A_73 = arith.remsi %scan3A_71, %rem3A : i32
      %eq3A_74 = arith.constant 0 : i32
      %eq3A_75 = arith.cmpi eq, %rem3A_73, %eq3A_74 : i32
      %convert_element_type3A_76 = arith.extui %eq3A_75 : i1 to i32
      %cond3A_77 = arith.constant 0 : i32
      %cond3A_78 = arith.cmpi ne, %convert_element_type3A_76, %cond3A_77 : i32
      scf.if %cond3A_78 {
        %add3A_87 = arith.constant 1 : i32
        %add3A_88 = arith.addi %scan3A_71, %add3A_87 : i32
        %lt3A = arith.constant 125 : i32
        %lt3A_89 = arith.cmpi slt, %add3A_88, %lt3A : i32
        %convert_element_type3A_90 = arith.extui %lt3A_89 : i1 to i32
        %cond3A_91 = arith.constant 0 : i32
        %cond3A_92 = arith.cmpi ne, %convert_element_type3A_90, %cond3A_91 : i32
        scf.if %cond3A_92 {
          %add3A_184 = arith.constant 1 : i32
          %add3A_185 = arith.addi %scan3A_71, %add3A_184 : i32
          %dma_start3A_186 = arith.constant 1 : i32
          %dma_start3A_187 = arith.constant 0 : i32
          %dma_start3A_188 = tpu.memref_slice %arg9[%dma_start3A_186, %dma_start3A_187] : memref<2x320xf32, #tpu.memory_space<vmem>> -> memref<1x320xf32, #tpu.memory_space<vmem>>
          %dma_start3A_189 = tpu.memref_squeeze %dma_start3A_188 : memref<1x320xf32, #tpu.memory_space<vmem>> -> memref<320xf32, #tpu.memory_space<vmem>>
          %dma_start3A_190 = arith.constant 0 : i32
          %dma_start3A_191 = tpu.memref_slice %arg3[%arg1, %add3A_185, %dma_start3A_190] : memref<16x125x320xf32, #tpu.memory_space<hbm>> -> memref<1x1x320xf32, #tpu.memory_space<hbm>>
          %dma_start3A_192 = tpu.memref_squeeze %dma_start3A_191 : memref<1x1x320xf32, #tpu.memory_space<hbm>> -> memref<320xf32, #tpu.memory_space<hbm>>
          %dma_start3A_193 = arith.constant 0 : i32
          %dma_start3A_194 = tpu.memref_slice %arg9[%dma_start3A_186, %dma_start3A_193] : memref<2x320xf32, #tpu.memory_space<vmem>> -> memref<1x320xf32, #tpu.memory_space<vmem>>
          %dma_start3A_195 = tpu.memref_squeeze %dma_start3A_194 : memref<1x320xf32, #tpu.memory_space<vmem>> -> memref<320xf32, #tpu.memory_space<vmem>>
          %dma_start3A_196 = arith.constant 0 : i32
          %dma_start3A_197 = tpu.memref_slice %arg3[%arg1, %add3A_185, %dma_start3A_196] : memref<16x125x320xf32, #tpu.memory_space<hbm>> -> memref<1x1x320xf32, #tpu.memory_space<hbm>>
          %dma_start3A_198 = tpu.memref_squeeze %dma_start3A_197 : memref<1x1x320xf32, #tpu.memory_space<hbm>> -> memref<320xf32, #tpu.memory_space<hbm>>
          tpu.enqueue_dma source(%dma_start3A_198 : memref<320xf32, #tpu.memory_space<hbm>>) target(%dma_start3A_195 : memref<320xf32, #tpu.memory_space<vmem>>) target_semaphore(%arg18 : memref<!tpu.dma_semaphore, #tpu.memory_space<semaphore_mem>>)
          %add3A_199 = arith.constant 1 : i32
          %add3A_200 = arith.addi %scan3A_71, %add3A_199 : i32
          %mul3A_201 = arith.constant 80 : i32
          %mul3A_202 = arith.muli %add3A_200, %mul3A_201 : i32
          %dma_start3A_203 = arith.constant 1 : i32
          %dma_start3A_204 = arith.constant 0 : i32
          %dma_start3A_205 = arith.constant 0 : i32
          %dma_start3A_206 = tpu.memref_slice %arg11[%dma_start3A_203, %dma_start3A_204, %dma_start3A_205] : memref<2x80x256xbf16, #tpu.memory_space<vmem>> -> memref<1x80x256xbf16, #tpu.memory_space<vmem>>
          %dma_start3A_207 = tpu.memref_squeeze %dma_start3A_206 : memref<1x80x256xbf16, #tpu.memory_space<vmem>> -> memref<80x256xbf16, #tpu.memory_space<vmem>>
          %dma_start3A_208 = tpu.memref_slice %arg7[%mul3A_202] : memref<10000xi32, #tpu.memory_space<vmem>> -> memref<80xi32, #tpu.memory_space<vmem>>
          %dma_start3A_209 = arith.constant 0 : i32
          %dma_start3A_210 = arith.constant 0 : i32
          %dma_start3A_211 = tpu.memref_slice %arg2[%dma_start3A_209, %dma_start3A_210] : memref<20000x256xbf16, #tpu.memory_space<hbm>> -> memref<20000x256xbf16, #tpu.memory_space<hbm>>
          tpu.enqueue_indirect_dma source(%dma_start3A_211 : memref<20000x256xbf16, #tpu.memory_space<hbm>>) target(%dma_start3A_207 : memref<80x256xbf16, #tpu.memory_space<vmem>>) offsets(%dma_start3A_208 : memref<80xi32, #tpu.memory_space<vmem>>) semaphore(%arg16 : memref<!tpu.dma_semaphore, #tpu.memory_space<semaphore_mem>>)
        } else {
        }
        %dma_wait3A_93 = arith.constant 0 : i32
        %dma_wait3A_94 = arith.constant 0 : i32
        %dma_wait3A_95 = arith.constant 0 : i32
        %dma_wait3A_96 = tpu.memref_slice %arg11[%dma_wait3A_93, %dma_wait3A_94, %dma_wait3A_95] : memref<2x80x256xbf16, #tpu.memory_space<vmem>> -> memref<1x80x256xbf16, #tpu.memory_space<vmem>>
        %dma_wait3A_97 = tpu.memref_squeeze %dma_wait3A_96 : memref<1x80x256xbf16, #tpu.memory_space<vmem>> -> memref<80x256xbf16, #tpu.memory_space<vmem>>
        %dma_wait3A_98 = arith.constant 0 : i32
        %dma_wait3A_99 = tpu.memref_slice %arg7[%dma_wait3A_98] : memref<10000xi32, #tpu.memory_space<vmem>> -> memref<80xi32, #tpu.memory_space<vmem>>
        %dma_wait3A_100 = arith.constant 0 : i32
        %dma_wait3A_101 = arith.constant 0 : i32
        %dma_wait3A_102 = tpu.memref_slice %arg2[%dma_wait3A_100, %dma_wait3A_101] : memref<20000x256xbf16, #tpu.memory_space<hbm>> -> memref<20000x256xbf16, #tpu.memory_space<hbm>>
        tpu.wait_indirect_dma semaphore(%arg15 : memref<!tpu.dma_semaphore, #tpu.memory_space<semaphore_mem>>) src(%dma_wait3A_102 : memref<20000x256xbf16, #tpu.memory_space<hbm>>) dst(%dma_wait3A_97 : memref<80x256xbf16, #tpu.memory_space<vmem>>)
        %dma_wait3A_103 = arith.constant 0 : i32
        %dma_wait3A_104 = arith.constant 0 : i32
        %dma_wait3A_105 = arith.constant 0 : i32
        %dma_wait3A_106 = tpu.memref_slice %arg9[%dma_wait3A_104, %dma_wait3A_105] : memref<2x320xf32, #tpu.memory_space<vmem>> -> memref<1x320xf32, #tpu.memory_space<vmem>>
        %dma_wait3A_107 = tpu.memref_squeeze %dma_wait3A_106 : memref<1x320xf32, #tpu.memory_space<vmem>> -> memref<320xf32, #tpu.memory_space<vmem>>
        %dma_wait3A_108 = arith.constant 0 : i32
        %dma_wait3A_109 = tpu.memref_slice %arg3[%arg1, %dma_wait3A_103, %dma_wait3A_108] : memref<16x125x320xf32, #tpu.memory_space<hbm>> -> memref<1x1x320xf32, #tpu.memory_space<hbm>>
        %dma_wait3A_110 = tpu.memref_squeeze %dma_wait3A_109 : memref<1x1x320xf32, #tpu.memory_space<hbm>> -> memref<320xf32, #tpu.memory_space<hbm>>
        %dma_wait3A_111 = arith.constant 0 : i32
        %dma_wait3A_112 = tpu.memref_slice %arg9[%dma_wait3A_104, %dma_wait3A_111] : memref<2x320xf32, #tpu.memory_space<vmem>> -> memref<1x320xf32, #tpu.memory_space<vmem>>
        %dma_wait3A_113 = tpu.memref_squeeze %dma_wait3A_112 : memref<1x320xf32, #tpu.memory_space<vmem>> -> memref<320xf32, #tpu.memory_space<vmem>>
        %dma_wait3A_114 = arith.constant 0 : i32
        %dma_wait3A_115 = tpu.memref_slice %arg3[%arg1, %dma_wait3A_103, %dma_wait3A_114] : memref<16x125x320xf32, #tpu.memory_space<hbm>> -> memref<1x1x320xf32, #tpu.memory_space<hbm>>
        %dma_wait3A_116 = tpu.memref_squeeze %dma_wait3A_115 : memref<1x1x320xf32, #tpu.memory_space<hbm>> -> memref<320xf32, #tpu.memory_space<hbm>>
        tpu.wait_dma2 semaphore(%arg17 : memref<!tpu.dma_semaphore, #tpu.memory_space<semaphore_mem>>) src(%dma_wait3A_116 : memref<320xf32, #tpu.memory_space<hbm>>) dst(%dma_wait3A_113 : memref<320xf32, #tpu.memory_space<vmem>>)
        %ge3A = arith.constant 2 : i32
        %ge3A_117 = arith.cmpi sge, %scan3A_71, %ge3A : i32
        %convert_element_type3A_118 = arith.extui %ge3A_117 : i1 to i32
        %cond3A_119 = arith.constant 0 : i32
        %cond3A_120 = arith.cmpi ne, %convert_element_type3A_118, %cond3A_119 : i32
        scf.if %cond3A_120 {
          %dma_wait3A_184 = arith.constant 0 : i32
          %dma_wait3A_185 = arith.constant 0 : i32
          %dma_wait3A_186 = arith.constant 0 : i32
          %dma_wait3A_187 = arith.constant 0 : i32
          %dma_wait3A_188 = tpu.memref_slice %arg12[%dma_wait3A_184, %dma_wait3A_186, %dma_wait3A_187] : memref<2x80x64xf32, #tpu.memory_space<vmem>> -> memref<1x80x64xf32, #tpu.memory_space<vmem>>
          %dma_wait3A_189 = tpu.memref_squeeze %dma_wait3A_188 : memref<1x80x64xf32, #tpu.memory_space<vmem>> -> memref<80x64xf32, #tpu.memory_space<vmem>>
          %dma_wait3A_190 = arith.constant 0 : i32
          %dma_wait3A_191 = tpu.memref_slice %arg10[%dma_wait3A_185, %dma_wait3A_190] : memref<2x80xi32, #tpu.memory_space<vmem>> -> memref<1x80xi32, #tpu.memory_space<vmem>>
          %dma_wait3A_192 = tpu.memref_squeeze %dma_wait3A_191 : memref<1x80xi32, #tpu.memory_space<vmem>> -> memref<80xi32, #tpu.memory_space<vmem>>
          %dma_wait3A_193 = arith.constant 0 : i32
          %dma_wait3A_194 = arith.constant 0 : i32
          %dma_wait3A_195 = tpu.memref_slice %arg14[%dma_wait3A_193, %dma_wait3A_194] : memref<10000x64xf32, #tpu.memory_space<vmem_shared>> -> memref<10000x64xf32, #tpu.memory_space<vmem_shared>>
          tpu.wait_indirect_dma semaphore(%arg19 : memref<!tpu.dma_semaphore, #tpu.memory_space<semaphore_mem>>) src(%dma_wait3A_189 : memref<80x64xf32, #tpu.memory_space<vmem>>) dst(%dma_wait3A_195 : memref<10000x64xf32, #tpu.memory_space<vmem_shared>>)
        } else {
        }
        %mul3A_121 = arith.constant 80 : i32
        %mul3A_122 = arith.muli %scan3A_71, %mul3A_121 : i32
        %add3A_123 = arith.constant 0 : i32
        %add3A_124 = arith.addi %mul3A_122, %add3A_123 : i32
        %get3A = arith.index_cast %add3A_124 : i32 to index
        %get3A_125 = tpu.vector_load %arg8[%get3A] {strides = array<i32>} : memref<10000xi32, #tpu.memory_space<vmem>>, vector<16xi32>,
        %swap3A = arith.constant 0 : i32
        %swap3A_126 = arith.index_cast %swap3A : i32 to index
        %swap3A_127 = arith.constant 0 : index
        %swap3A_128 = tpu.vector_load %arg10[%swap3A_126, %swap3A_127] {strides = array<i32>} : memref<2x80xi32, #tpu.memory_space<vmem>>, vector<16xi32>,
        tpu.vector_store %arg10[%swap3A_126, %swap3A_127], %get3A_125 {strides = array<i32>} : memref<2x80xi32, #tpu.memory_space<vmem>>, vector<16xi32>,
        %mul3A_129 = arith.constant 80 : i32
        %mul3A_130 = arith.muli %scan3A_71, %mul3A_129 : i32
        %add3A_131 = arith.constant 16 : i32
        %add3A_132 = arith.addi %mul3A_130, %add3A_131 : i32
        %get3A_133 = arith.index_cast %add3A_132 : i32 to index
        %get3A_134 = tpu.vector_load %arg8[%get3A_133] {strides = array<i32>} : memref<10000xi32, #tpu.memory_space<vmem>>, vector<16xi32>,
        %swap3A_135 = arith.constant 0 : i32
        %swap3A_136 = arith.index_cast %swap3A_135 : i32 to index
        %swap3A_137 = arith.constant 16 : index
        %swap3A_138 = tpu.vector_load %arg10[%swap3A_136, %swap3A_137] {strides = array<i32>} : memref<2x80xi32, #tpu.memory_space<vmem>>, vector<16xi32>,
        tpu.vector_store %arg10[%swap3A_136, %swap3A_137], %get3A_134 {strides = array<i32>} : memref<2x80xi32, #tpu.memory_space<vmem>>, vector<16xi32>,
        %mul3A_139 = arith.constant 80 : i32
        %mul3A_140 = arith.muli %scan3A_71, %mul3A_139 : i32
        %add3A_141 = arith.constant 32 : i32
        %add3A_142 = arith.addi %mul3A_140, %add3A_141 : i32
        %get3A_143 = arith.index_cast %add3A_142 : i32 to index
        %get3A_144 = tpu.vector_load %arg8[%get3A_143] {strides = array<i32>} : memref<10000xi32, #tpu.memory_space<vmem>>, vector<16xi32>,
        %swap3A_145 = arith.constant 0 : i32
        %swap3A_146 = arith.index_cast %swap3A_145 : i32 to index
        %swap3A_147 = arith.constant 32 : index
        %swap3A_148 = tpu.vector_load %arg10[%swap3A_146, %swap3A_147] {strides = array<i32>} : memref<2x80xi32, #tpu.memory_space<vmem>>, vector<16xi32>,
        tpu.vector_store %arg10[%swap3A_146, %swap3A_147], %get3A_144 {strides = array<i32>} : memref<2x80xi32, #tpu.memory_space<vmem>>, vector<16xi32>,
        %mul3A_149 = arith.constant 80 : i32
        %mul3A_150 = arith.muli %scan3A_71, %mul3A_149 : i32
        %add3A_151 = arith.constant 48 : i32
        %add3A_152 = arith.addi %mul3A_150, %add3A_151 : i32
        %get3A_153 = arith.index_cast %add3A_152 : i32 to index
        %get3A_154 = tpu.vector_load %arg8[%get3A_153] {strides = array<i32>} : memref<10000xi32, #tpu.memory_space<vmem>>, vector<16xi32>,
        %swap3A_155 = arith.constant 0 : i32
        %swap3A_156 = arith.index_cast %swap3A_155 : i32 to index
        %swap3A_157 = arith.constant 48 : index
        %swap3A_158 = tpu.vector_load %arg10[%swap3A_156, %swap3A_157] {strides = array<i32>} : memref<2x80xi32, #tpu.memory_space<vmem>>, vector<16xi32>,
        tpu.vector_store %arg10[%swap3A_156, %swap3A_157], %get3A_154 {strides = array<i32>} : memref<2x80xi32, #tpu.memory_space<vmem>>, vector<16xi32>,
        %mul3A_159 = arith.constant 80 : i32
        %mul3A_160 = arith.muli %scan3A_71, %mul3A_159 : i32
        %add3A_161 = arith.constant 64 : i32
        %add3A_162 = arith.addi %mul3A_160, %add3A_161 : i32
        %get3A_163 = arith.index_cast %add3A_162 : i32 to index
        %get3A_164 = tpu.vector_load %arg8[%get3A_163] {strides = array<i32>} : memref<10000xi32, #tpu.memory_space<vmem>>, vector<16xi32>,
        %swap3A_165 = arith.constant 0 : i32
        %swap3A_166 = arith.index_cast %swap3A_165 : i32 to index
        %swap3A_167 = arith.constant 64 : index
        %swap3A_168 = tpu.vector_load %arg10[%swap3A_166, %swap3A_167] {strides = array<i32>} : memref<2x80xi32, #tpu.memory_space<vmem>>, vector<16xi32>,
        tpu.vector_store %arg10[%swap3A_166, %swap3A_167], %get3A_164 {strides = array<i32>} : memref<2x80xi32, #tpu.memory_space<vmem>>, vector<16xi32>,
        %parallel_loop3A_169 = arith.constant 0 : i32
        %parallel_loop3A_170 = arith.constant 20 : i32
        %parallel_loop3A_171 = arith.constant 1 : i32
        scf.for %parallel_loop3A_184 = %parallel_loop3A_169 to %parallel_loop3A_170 step %parallel_loop3A_171  : i32 {
          %parallel_loop3A_185 = arith.constant 16 : i32
          %parallel_loop3A_186 = arith.muli %parallel_loop3A_184, %parallel_loop3A_185 : i32
          %parallel_loop3A_187 = arith.constant 0 : i32
          %parallel_loop3A_188 = arith.index_cast %parallel_loop3A_187 : i32 to index
          %parallel_loop3A_189 = arith.index_cast %parallel_loop3A_186 : i32 to index
          %parallel_loop3A_190 = tpu.vector_load %arg9[%parallel_loop3A_188, %parallel_loop3A_189] {strides = array<i32>} : memref<2x320xf32, #tpu.memory_space<vmem>>, vector<16xf32>,
          %parallel_loop3A_191 = arith.constant 4 : i32
          %parallel_loop3A_192 = arith.muli %parallel_loop3A_184, %parallel_loop3A_191 : i32
          %parallel_loop3A_193 = arith.constant 0 : i32
          %parallel_loop3A_194 = arith.addi %parallel_loop3A_192, %parallel_loop3A_193 : i32
          %parallel_loop3A_195 = vector.extract_strided_slice %parallel_loop3A_190 {offsets = [0], sizes = [1], strides = [1]} : vector<16xf32> to vector<1xf32>
          %parallel_loop3A_196 = vector.extract %parallel_loop3A_195[0] : f32 from vector<1xf32>
          %parallel_loop3A_197 = vector.extract_strided_slice %parallel_loop3A_190 {offsets = [1], sizes = [1], strides = [1]} : vector<16xf32> to vector<1xf32>
          %parallel_loop3A_198 = vector.extract %parallel_loop3A_197[0] : f32 from vector<1xf32>
          %parallel_loop3A_199 = vector.extract_strided_slice %parallel_loop3A_190 {offsets = [2], sizes = [1], strides = [1]} : vector<16xf32> to vector<1xf32>
          %parallel_loop3A_200 = vector.extract %parallel_loop3A_199[0] : f32 from vector<1xf32>
          %parallel_loop3A_201 = vector.extract_strided_slice %parallel_loop3A_190 {offsets = [3], sizes = [1], strides = [1]} : vector<16xf32> to vector<1xf32>
          %parallel_loop3A_202 = vector.extract %parallel_loop3A_201[0] : f32 from vector<1xf32>
          %parallel_loop3A_203 = arith.constant 0 : i32
          %parallel_loop3A_204 = arith.index_cast %parallel_loop3A_203 : i32 to index
          %parallel_loop3A_205 = arith.index_cast %parallel_loop3A_194 : i32 to index
          %parallel_loop3A_206 = arith.constant 0 : index
          %parallel_loop3A_207 = tpu.vector_load %arg11[%parallel_loop3A_204, %parallel_loop3A_205, %parallel_loop3A_206] {strides = array<i32>} : memref<2x80x256xbf16, #tpu.memory_space<vmem>>, vector<32xbf16>,
          %parallel_loop3A_208 = tpu.unpack_subelements %parallel_loop3A_207, 0 {pack_format = #tpu.pack_format<interleaved>} : vector<32xbf16> -> vector<16xf32>
          %parallel_loop3A_209 = tpu.unpack_subelements %parallel_loop3A_207, 1 {pack_format = #tpu.pack_format<interleaved>} : vector<32xbf16> -> vector<16xf32>
          %parallel_loop3A_210 = vector.broadcast %parallel_loop3A_196 : f32 to vector<16xf32>
          %parallel_loop3A_211 = arith.mulf %parallel_loop3A_208, %parallel_loop3A_210 : vector<16xf32>
          %parallel_loop3A_212 = vector.broadcast %parallel_loop3A_196 : f32 to vector<16xf32>
          %parallel_loop3A_213 = arith.mulf %parallel_loop3A_209, %parallel_loop3A_212 : vector<16xf32>
          %parallel_loop3A_214 = arith.constant 0 : i32
          %parallel_loop3A_215 = arith.index_cast %parallel_loop3A_214 : i32 to index
          %parallel_loop3A_216 = arith.index_cast %parallel_loop3A_194 : i32 to index
          %parallel_loop3A_217 = arith.constant 64 : index
          %parallel_loop3A_218 = tpu.vector_load %arg11[%parallel_loop3A_215, %parallel_loop3A_216, %parallel_loop3A_217] {strides = array<i32>} : memref<2x80x256xbf16, #tpu.memory_space<vmem>>, vector<32xbf16>,
          %parallel_loop3A_219 = tpu.unpack_subelements %parallel_loop3A_218, 0 {pack_format = #tpu.pack_format<interleaved>} : vector<32xbf16> -> vector<16xf32>
          %parallel_loop3A_220 = tpu.unpack_subelements %parallel_loop3A_218, 1 {pack_format = #tpu.pack_format<interleaved>} : vector<32xbf16> -> vector<16xf32>
          %parallel_loop3A_221 = vector.broadcast %parallel_loop3A_198 : f32 to vector<16xf32>
          %parallel_loop3A_222 = arith.mulf %parallel_loop3A_219, %parallel_loop3A_221 : vector<16xf32>
          %parallel_loop3A_223 = arith.addf %parallel_loop3A_211, %parallel_loop3A_222 : vector<16xf32>
          %parallel_loop3A_224 = vector.broadcast %parallel_loop3A_198 : f32 to vector<16xf32>
          %parallel_loop3A_225 = arith.mulf %parallel_loop3A_220, %parallel_loop3A_224 : vector<16xf32>
          %parallel_loop3A_226 = arith.addf %parallel_loop3A_213, %parallel_loop3A_225 : vector<16xf32>
          %parallel_loop3A_227 = arith.constant 0 : i32
          %parallel_loop3A_228 = arith.index_cast %parallel_loop3A_227 : i32 to index
          %parallel_loop3A_229 = arith.index_cast %parallel_loop3A_194 : i32 to index
          %parallel_loop3A_230 = arith.constant 128 : index
          %parallel_loop3A_231 = tpu.vector_load %arg11[%parallel_loop3A_228, %parallel_loop3A_229, %parallel_loop3A_230] {strides = array<i32>} : memref<2x80x256xbf16, #tpu.memory_space<vmem>>, vector<32xbf16>,
          %parallel_loop3A_232 = tpu.unpack_subelements %parallel_loop3A_231, 0 {pack_format = #tpu.pack_format<interleaved>} : vector<32xbf16> -> vector<16xf32>
          %parallel_loop3A_233 = tpu.unpack_subelements %parallel_loop3A_231, 1 {pack_format = #tpu.pack_format<interleaved>} : vector<32xbf16> -> vector<16xf32>
          %parallel_loop3A_234 = vector.broadcast %parallel_loop3A_200 : f32 to vector<16xf32>
          %parallel_loop3A_235 = arith.mulf %parallel_loop3A_232, %parallel_loop3A_234 : vector<16xf32>
          %parallel_loop3A_236 = arith.addf %parallel_loop3A_223, %parallel_loop3A_235 : vector<16xf32>
          %parallel_loop3A_237 = vector.broadcast %parallel_loop3A_200 : f32 to vector<16xf32>
          %parallel_loop3A_238 = arith.mulf %parallel_loop3A_233, %parallel_loop3A_237 : vector<16xf32>
          %parallel_loop3A_239 = arith.addf %parallel_loop3A_226, %parallel_loop3A_238 : vector<16xf32>
          %parallel_loop3A_240 = arith.constant 0 : i32
          %parallel_loop3A_241 = arith.index_cast %parallel_loop3A_240 : i32 to index
          %parallel_loop3A_242 = arith.index_cast %parallel_loop3A_194 : i32 to index
          %parallel_loop3A_243 = arith.constant 192 : index
          %parallel_loop3A_244 = tpu.vector_load %arg11[%parallel_loop3A_241, %parallel_loop3A_242, %parallel_loop3A_243] {strides = array<i32>} : memref<2x80x256xbf16, #tpu.memory_space<vmem>>, vector<32xbf16>,
          %parallel_loop3A_245 = tpu.unpack_subelements %parallel_loop3A_244, 0 {pack_format = #tpu.pack_format<interleaved>} : vector<32xbf16> -> vector<16xf32>
          %parallel_loop3A_246 = tpu.unpack_subelements %parallel_loop3A_244, 1 {pack_format = #tpu.pack_format<interleaved>} : vector<32xbf16> -> vector<16xf32>
          %parallel_loop3A_247 = vector.broadcast %parallel_loop3A_202 : f32 to vector<16xf32>
          %parallel_loop3A_248 = arith.mulf %parallel_loop3A_245, %parallel_loop3A_247 : vector<16xf32>
          %parallel_loop3A_249 = arith.addf %parallel_loop3A_236, %parallel_loop3A_248 : vector<16xf32>
          %parallel_loop3A_250 = vector.broadcast %parallel_loop3A_202 : f32 to vector<16xf32>
          %parallel_loop3A_251 = arith.mulf %parallel_loop3A_246, %parallel_loop3A_250 : vector<16xf32>
          %parallel_loop3A_252 = arith.addf %parallel_loop3A_239, %parallel_loop3A_251 : vector<16xf32>
          %parallel_loop3A_253 = arith.constant 0 : i32
          %parallel_loop3A_254 = arith.index_cast %parallel_loop3A_253 : i32 to index
          %parallel_loop3A_255 = arith.index_cast %parallel_loop3A_194 : i32 to index
          %parallel_loop3A_256 = arith.constant 0 : index
          %parallel_loop3A_257 = tpu.vector_load %arg12[%parallel_loop3A_254, %parallel_loop3A_255, %parallel_loop3A_256] {strides = array<i32>} : memref<2x80x64xf32, #tpu.memory_space<vmem>>, vector<16xf32>,
          tpu.vector_store %arg12[%parallel_loop3A_254, %parallel_loop3A_255, %parallel_loop3A_256], %parallel_loop3A_249 {strides = array<i32>} : memref<2x80x64xf32, #tpu.memory_space<vmem>>, vector<16xf32>,
          %parallel_loop3A_258 = arith.constant 0 : i32
          %parallel_loop3A_259 = arith.index_cast %parallel_loop3A_258 : i32 to index
          %parallel_loop3A_260 = arith.index_cast %parallel_loop3A_194 : i32 to index
          %parallel_loop3A_261 = arith.constant 16 : index
          %parallel_loop3A_262 = tpu.vector_load %arg12[%parallel_loop3A_259, %parallel_loop3A_260, %parallel_loop3A_261] {strides = array<i32>} : memref<2x80x64xf32, #tpu.memory_space<vmem>>, vector<16xf32>,
          tpu.vector_store %arg12[%parallel_loop3A_259, %parallel_loop3A_260, %parallel_loop3A_261], %parallel_loop3A_252 {strides = array<i32>} : memref<2x80x64xf32, #tpu.memory_space<vmem>>, vector<16xf32>,
          %parallel_loop3A_263 = arith.constant 0 : i32
          %parallel_loop3A_264 = arith.index_cast %parallel_loop3A_263 : i32 to index
          %parallel_loop3A_265 = arith.index_cast %parallel_loop3A_194 : i32 to index
          %parallel_loop3A_266 = arith.constant 32 : index
          %parallel_loop3A_267 = tpu.vector_load %arg11[%parallel_loop3A_264, %parallel_loop3A_265, %parallel_loop3A_266] {strides = array<i32>} : memref<2x80x256xbf16, #tpu.memory_space<vmem>>, vector<32xbf16>,
          %parallel_loop3A_268 = tpu.unpack_subelements %parallel_loop3A_267, 0 {pack_format = #tpu.pack_format<interleaved>} : vector<32xbf16> -> vector<16xf32>
          %parallel_loop3A_269 = tpu.unpack_subelements %parallel_loop3A_267, 1 {pack_format = #tpu.pack_format<interleaved>} : vector<32xbf16> -> vector<16xf32>
          %parallel_loop3A_270 = vector.broadcast %parallel_loop3A_196 : f32 to vector<16xf32>
          %parallel_loop3A_271 = arith.mulf %parallel_loop3A_268, %parallel_loop3A_270 : vector<16xf32>
          %parallel_loop3A_272 = vector.broadcast %parallel_loop3A_196 : f32 to vector<16xf32>
          %parallel_loop3A_273 = arith.mulf %parallel_loop3A_269, %parallel_loop3A_272 : vector<16xf32>
          %parallel_loop3A_274 = arith.constant 0 : i32
          %parallel_loop3A_275 = arith.index_cast %parallel_loop3A_274 : i32 to index
          %parallel_loop3A_276 = arith.index_cast %parallel_loop3A_194 : i32 to index
          %parallel_loop3A_277 = arith.constant 96 : index
          %parallel_loop3A_278 = tpu.vector_load %arg11[%parallel_loop3A_275, %parallel_loop3A_276, %parallel_loop3A_277] {strides = array<i32>} : memref<2x80x256xbf16, #tpu.memory_space<vmem>>, vector<32xbf16>,
          %parallel_loop3A_279 = tpu.unpack_subelements %parallel_loop3A_278, 0 {pack_format = #tpu.pack_format<interleaved>} : vector<32xbf16> -> vector<16xf32>
          %parallel_loop3A_280 = tpu.unpack_subelements %parallel_loop3A_278, 1 {pack_format = #tpu.pack_format<interleaved>} : vector<32xbf16> -> vector<16xf32>
          %parallel_loop3A_281 = vector.broadcast %parallel_loop3A_198 : f32 to vector<16xf32>
          %parallel_loop3A_282 = arith.mulf %parallel_loop3A_279, %parallel_loop3A_281 : vector<16xf32>
          %parallel_loop3A_283 = arith.addf %parallel_loop3A_271, %parallel_loop3A_282 : vector<16xf32>
          %parallel_loop3A_284 = vector.broadcast %parallel_loop3A_198 : f32 to vector<16xf32>
          %parallel_loop3A_285 = arith.mulf %parallel_loop3A_280, %parallel_loop3A_284 : vector<16xf32>
          %parallel_loop3A_286 = arith.addf %parallel_loop3A_273, %parallel_loop3A_285 : vector<16xf32>
          %parallel_loop3A_287 = arith.constant 0 : i32
          %parallel_loop3A_288 = arith.index_cast %parallel_loop3A_287 : i32 to index
          %parallel_loop3A_289 = arith.index_cast %parallel_loop3A_194 : i32 to index
          %parallel_loop3A_290 = arith.constant 160 : index
          %parallel_loop3A_291 = tpu.vector_load %arg11[%parallel_loop3A_288, %parallel_loop3A_289, %parallel_loop3A_290] {strides = array<i32>} : memref<2x80x256xbf16, #tpu.memory_space<vmem>>, vector<32xbf16>,
          %parallel_loop3A_292 = tpu.unpack_subelements %parallel_loop3A_291, 0 {pack_format = #tpu.pack_format<interleaved>} : vector<32xbf16> -> vector<16xf32>
          %parallel_loop3A_293 = tpu.unpack_subelements %parallel_loop3A_291, 1 {pack_format = #tpu.pack_format<interleaved>} : vector<32xbf16> -> vector<16xf32>
          %parallel_loop3A_294 = vector.broadcast %parallel_loop3A_200 : f32 to vector<16xf32>
          %parallel_loop3A_295 = arith.mulf %parallel_loop3A_292, %parallel_loop3A_294 : vector<16xf32>
          %parallel_loop3A_296 = arith.addf %parallel_loop3A_283, %parallel_loop3A_295 : vector<16xf32>
          %parallel_loop3A_297 = vector.broadcast %parallel_loop3A_200 : f32 to vector<16xf32>
          %parallel_loop3A_298 = arith.mulf %parallel_loop3A_293, %parallel_loop3A_297 : vector<16xf32>
          %parallel_loop3A_299 = arith.addf %parallel_loop3A_286, %parallel_loop3A_298 : vector<16xf32>
          %parallel_loop3A_300 = arith.constant 0 : i32
          %parallel_loop3A_301 = arith.index_cast %parallel_loop3A_300 : i32 to index
          %parallel_loop3A_302 = arith.index_cast %parallel_loop3A_194 : i32 to index
          %parallel_loop3A_303 = arith.constant 224 : index
          %parallel_loop3A_304 = tpu.vector_load %arg11[%parallel_loop3A_301, %parallel_loop3A_302, %parallel_loop3A_303] {strides = array<i32>} : memref<2x80x256xbf16, #tpu.memory_space<vmem>>, vector<32xbf16>,
          %parallel_loop3A_305 = tpu.unpack_subelements %parallel_loop3A_304, 0 {pack_format = #tpu.pack_format<interleaved>} : vector<32xbf16> -> vector<16xf32>
          %parallel_loop3A_306 = tpu.unpack_subelements %parallel_loop3A_304, 1 {pack_format = #tpu.pack_format<interleaved>} : vector<32xbf16> -> vector<16xf32>
          %parallel_loop3A_307 = vector.broadcast %parallel_loop3A_202 : f32 to vector<16xf32>
          %parallel_loop3A_308 = arith.mulf %parallel_loop3A_305, %parallel_loop3A_307 : vector<16xf32>
          %parallel_loop3A_309 = arith.addf %parallel_loop3A_296, %parallel_loop3A_308 : vector<16xf32>
          %parallel_loop3A_310 = vector.broadcast %parallel_loop3A_202 : f32 to vector<16xf32>
          %parallel_loop3A_311 = arith.mulf %parallel_loop3A_306, %parallel_loop3A_310 : vector<16xf32>
          %parallel_loop3A_312 = arith.addf %parallel_loop3A_299, %parallel_loop3A_311 : vector<16xf32>
          %parallel_loop3A_313 = arith.constant 0 : i32
          %parallel_loop3A_314 = arith.index_cast %parallel_loop3A_313 : i32 to index
          %parallel_loop3A_315 = arith.index_cast %parallel_loop3A_194 : i32 to index
          %parallel_loop3A_316 = arith.constant 32 : index
          %parallel_loop3A_317 = tpu.vector_load %arg12[%parallel_loop3A_314, %parallel_loop3A_315, %parallel_loop3A_316] {strides = array<i32>} : memref<2x80x64xf32, #tpu.memory_space<vmem>>, vector<16xf32>,
          tpu.vector_store %arg12[%parallel_loop3A_314, %parallel_loop3A_315, %parallel_loop3A_316], %parallel_loop3A_309 {strides = array<i32>} : memref<2x80x64xf32, #tpu.memory_space<vmem>>, vector<16xf32>,
          %parallel_loop3A_318 = arith.constant 0 : i32
          %parallel_loop3A_319 = arith.index_cast %parallel_loop3A_318 : i32 to index
          %parallel_loop3A_320 = arith.index_cast %parallel_loop3A_194 : i32 to index
          %parallel_loop3A_321 = arith.constant 48 : index
          %parallel_loop3A_322 = tpu.vector_load %arg12[%parallel_loop3A_319, %parallel_loop3A_320, %parallel_loop3A_321] {strides = array<i32>} : memref<2x80x64xf32, #tpu.memory_space<vmem>>, vector<16xf32>,
          tpu.vector_store %arg12[%parallel_loop3A_319, %parallel_loop3A_320, %parallel_loop3A_321], %parallel_loop3A_312 {strides = array<i32>} : memref<2x80x64xf32, #tpu.memory_space<vmem>>, vector<16xf32>,
          %parallel_loop3A_323 = arith.constant 4 : i32
          %parallel_loop3A_324 = arith.muli %parallel_loop3A_184, %parallel_loop3A_323 : i32
          %parallel_loop3A_325 = arith.constant 1 : i32
          %parallel_loop3A_326 = arith.addi %parallel_loop3A_324, %parallel_loop3A_325 : i32
          %parallel_loop3A_327 = vector.extract_strided_slice %parallel_loop3A_190 {offsets = [4], sizes = [1], strides = [1]} : vector<16xf32> to vector<1xf32>
          %parallel_loop3A_328 = vector.extract %parallel_loop3A_327[0] : f32 from vector<1xf32>
          %parallel_loop3A_329 = vector.extract_strided_slice %parallel_loop3A_190 {offsets = [5], sizes = [1], strides = [1]} : vector<16xf32> to vector<1xf32>
          %parallel_loop3A_330 = vector.extract %parallel_loop3A_329[0] : f32 from vector<1xf32>
          %parallel_loop3A_331 = vector.extract_strided_slice %parallel_loop3A_190 {offsets = [6], sizes = [1], strides = [1]} : vector<16xf32> to vector<1xf32>
          %parallel_loop3A_332 = vector.extract %parallel_loop3A_331[0] : f32 from vector<1xf32>
          %parallel_loop3A_333 = vector.extract_strided_slice %parallel_loop3A_190 {offsets = [7], sizes = [1], strides = [1]} : vector<16xf32> to vector<1xf32>
          %parallel_loop3A_334 = vector.extract %parallel_loop3A_333[0] : f32 from vector<1xf32>
          %parallel_loop3A_335 = arith.constant 0 : i32
          %parallel_loop3A_336 = arith.index_cast %parallel_loop3A_335 : i32 to index
          %parallel_loop3A_337 = arith.index_cast %parallel_loop3A_326 : i32 to index
          %parallel_loop3A_338 = arith.constant 0 : index
          %parallel_loop3A_339 = tpu.vector_load %arg11[%parallel_loop3A_336, %parallel_loop3A_337, %parallel_loop3A_338] {strides = array<i32>} : memref<2x80x256xbf16, #tpu.memory_space<vmem>>, vector<32xbf16>,
          %parallel_loop3A_340 = tpu.unpack_subelements %parallel_loop3A_339, 0 {pack_format = #tpu.pack_format<interleaved>} : vector<32xbf16> -> vector<16xf32>
          %parallel_loop3A_341 = tpu.unpack_subelements %parallel_loop3A_339, 1 {pack_format = #tpu.pack_format<interleaved>} : vector<32xbf16> -> vector<16xf32>
          %parallel_loop3A_342 = vector.broadcast %parallel_loop3A_328 : f32 to vector<16xf32>
          %parallel_loop3A_343 = arith.mulf %parallel_loop3A_340, %parallel_loop3A_342 : vector<16xf32>
          %parallel_loop3A_344 = vector.broadcast %parallel_loop3A_328 : f32 to vector<16xf32>
          %parallel_loop3A_345 = arith.mulf %parallel_loop3A_341, %parallel_loop3A_344 : vector<16xf32>
          %parallel_loop3A_346 = arith.constant 0 : i32
          %parallel_loop3A_347 = arith.index_cast %parallel_loop3A_346 : i32 to index
          %parallel_loop3A_348 = arith.index_cast %parallel_loop3A_326 : i32 to index
          %parallel_loop3A_349 = arith.constant 64 : index
          %parallel_loop3A_350 = tpu.vector_load %arg11[%parallel_loop3A_347, %parallel_loop3A_348, %parallel_loop3A_349] {strides = array<i32>} : memref<2x80x256xbf16, #tpu.memory_space<vmem>>, vector<32xbf16>,
          %parallel_loop3A_351 = tpu.unpack_subelements %parallel_loop3A_350, 0 {pack_format = #tpu.pack_format<interleaved>} : vector<32xbf16> -> vector<16xf32>
          %parallel_loop3A_352 = tpu.unpack_subelements %parallel_loop3A_350, 1 {pack_format = #tpu.pack_format<interleaved>} : vector<32xbf16> -> vector<16xf32>
          %parallel_loop3A_353 = vector.broadcast %parallel_loop3A_330 : f32 to vector<16xf32>
          %parallel_loop3A_354 = arith.mulf %parallel_loop3A_351, %parallel_loop3A_353 : vector<16xf32>
          %parallel_loop3A_355 = arith.addf %parallel_loop3A_343, %parallel_loop3A_354 : vector<16xf32>
          %parallel_loop3A_356 = vector.broadcast %parallel_loop3A_330 : f32 to vector<16xf32>
          %parallel_loop3A_357 = arith.mulf %parallel_loop3A_352, %parallel_loop3A_356 : vector<16xf32>
          %parallel_loop3A_358 = arith.addf %parallel_loop3A_345, %parallel_loop3A_357 : vector<16xf32>
          %parallel_loop3A_359 = arith.constant 0 : i32
          %parallel_loop3A_360 = arith.index_cast %parallel_loop3A_359 : i32 to index
          %parallel_loop3A_361 = arith.index_cast %parallel_loop3A_326 : i32 to index
          %parallel_loop3A_362 = arith.constant 128 : index
          %parallel_loop3A_363 = tpu.vector_load %arg11[%parallel_loop3A_360, %parallel_loop3A_361, %parallel_loop3A_362] {strides = array<i32>} : memref<2x80x256xbf16, #tpu.memory_space<vmem>>, vector<32xbf16>,
          %parallel_loop3A_364 = tpu.unpack_subelements %parallel_loop3A_363, 0 {pack_format = #tpu.pack_format<interleaved>} : vector<32xbf16> -> vector<16xf32>
          %parallel_loop3A_365 = tpu.unpack_subelements %parallel_loop3A_363, 1 {pack_format = #tpu.pack_format<interleaved>} : vector<32xbf16> -> vector<16xf32>
          %parallel_loop3A_366 = vector.broadcast %parallel_loop3A_332 : f32 to vector<16xf32>
          %parallel_loop3A_367 = arith.mulf %parallel_loop3A_364, %parallel_loop3A_366 : vector<16xf32>
          %parallel_loop3A_368 = arith.addf %parallel_loop3A_355, %parallel_loop3A_367 : vector<16xf32>
          %parallel_loop3A_369 = vector.broadcast %parallel_loop3A_332 : f32 to vector<16xf32>
          %parallel_loop3A_370 = arith.mulf %parallel_loop3A_365, %parallel_loop3A_369 : vector<16xf32>
          %parallel_loop3A_371 = arith.addf %parallel_loop3A_358, %parallel_loop3A_370 : vector<16xf32>
          %parallel_loop3A_372 = arith.constant 0 : i32
          %parallel_loop3A_373 = arith.index_cast %parallel_loop3A_372 : i32 to index
          %parallel_loop3A_374 = arith.index_cast %parallel_loop3A_326 : i32 to index
          %parallel_loop3A_375 = arith.constant 192 : index
          %parallel_loop3A_376 = tpu.vector_load %arg11[%parallel_loop3A_373, %parallel_loop3A_374, %parallel_loop3A_375] {strides = array<i32>} : memref<2x80x256xbf16, #tpu.memory_space<vmem>>, vector<32xbf16>,
          %parallel_loop3A_377 = tpu.unpack_subelements %parallel_loop3A_376, 0 {pack_format = #tpu.pack_format<interleaved>} : vector<32xbf16> -> vector<16xf32>
          %parallel_loop3A_378 = tpu.unpack_subelements %parallel_loop3A_376, 1 {pack_format = #tpu.pack_format<interleaved>} : vector<32xbf16> -> vector<16xf32>
          %parallel_loop3A_379 = vector.broadcast %parallel_loop3A_334 : f32 to vector<16xf32>
          %parallel_loop3A_380 = arith.mulf %parallel_loop3A_377, %parallel_loop3A_379 : vector<16xf32>
          %parallel_loop3A_381 = arith.addf %parallel_loop3A_368, %parallel_loop3A_380 : vector<16xf32>
          %parallel_loop3A_382 = vector.broadcast %parallel_loop3A_334 : f32 to vector<16xf32>
          %parallel_loop3A_383 = arith.mulf %parallel_loop3A_378, %parallel_loop3A_382 : vector<16xf32>
          %parallel_loop3A_384 = arith.addf %parallel_loop3A_371, %parallel_loop3A_383 : vector<16xf32>
          %parallel_loop3A_385 = arith.constant 0 : i32
          %parallel_loop3A_386 = arith.index_cast %parallel_loop3A_385 : i32 to index
          %parallel_loop3A_387 = arith.index_cast %parallel_loop3A_326 : i32 to index
          %parallel_loop3A_388 = arith.constant 0 : index
          %parallel_loop3A_389 = tpu.vector_load %arg12[%parallel_loop3A_386, %parallel_loop3A_387, %parallel_loop3A_388] {strides = array<i32>} : memref<2x80x64xf32, #tpu.memory_space<vmem>>, vector<16xf32>,
          tpu.vector_store %arg12[%parallel_loop3A_386, %parallel_loop3A_387, %parallel_loop3A_388], %parallel_loop3A_381 {strides = array<i32>} : memref<2x80x64xf32, #tpu.memory_space<vmem>>, vector<16xf32>,
          %parallel_loop3A_390 = arith.constant 0 : i32
          %parallel_loop3A_391 = arith.index_cast %parallel_loop3A_390 : i32 to index
          %parallel_loop3A_392 = arith.index_cast %parallel_loop3A_326 : i32 to index
          %parallel_loop3A_393 = arith.constant 16 : index
          %parallel_loop3A_394 = tpu.vector_load %arg12[%parallel_loop3A_391, %parallel_loop3A_392, %parallel_loop3A_393] {strides = array<i32>} : memref<2x80x64xf32, #tpu.memory_space<vmem>>, vector<16xf32>,
          tpu.vector_store %arg12[%parallel_loop3A_391, %parallel_loop3A_392, %parallel_loop3A_393], %parallel_loop3A_384 {strides = array<i32>} : memref<2x80x64xf32, #tpu.memory_space<vmem>>, vector<16xf32>,
          %parallel_loop3A_395 = arith.constant 0 : i32
          %parallel_loop3A_396 = arith.index_cast %parallel_loop3A_395 : i32 to index
          %parallel_loop3A_397 = arith.index_cast %parallel_loop3A_326 : i32 to index
          %parallel_loop3A_398 = arith.constant 32 : index
          %parallel_loop3A_399 = tpu.vector_load %arg11[%parallel_loop3A_396, %parallel_loop3A_397, %parallel_loop3A_398] {strides = array<i32>} : memref<2x80x256xbf16, #tpu.memory_space<vmem>>, vector<32xbf16>,
          %parallel_loop3A_400 = tpu.unpack_subelements %parallel_loop3A_399, 0 {pack_format = #tpu.pack_format<interleaved>} : vector<32xbf16> -> vector<16xf32>
          %parallel_loop3A_401 = tpu.unpack_subelements %parallel_loop3A_399, 1 {pack_format = #tpu.pack_format<interleaved>} : vector<32xbf16> -> vector<16xf32>
          %parallel_loop3A_402 = vector.broadcast %parallel_loop3A_328 : f32 to vector<16xf32>
          %parallel_loop3A_403 = arith.mulf %parallel_loop3A_400, %parallel_loop3A_402 : vector<16xf32>
          %parallel_loop3A_404 = vector.broadcast %parallel_loop3A_328 : f32 to vector<16xf32>
          %parallel_loop3A_405 = arith.mulf %parallel_loop3A_401, %parallel_loop3A_404 : vector<16xf32>
          %parallel_loop3A_406 = arith.constant 0 : i32
          %parallel_loop3A_407 = arith.index_cast %parallel_loop3A_406 : i32 to index
          %parallel_loop3A_408 = arith.index_cast %parallel_loop3A_326 : i32 to index
          %parallel_loop3A_409 = arith.constant 96 : index
          %parallel_loop3A_410 = tpu.vector_load %arg11[%parallel_loop3A_407, %parallel_loop3A_408, %parallel_loop3A_409] {strides = array<i32>} : memref<2x80x256xbf16, #tpu.memory_space<vmem>>, vector<32xbf16>,
          %parallel_loop3A_411 = tpu.unpack_subelements %parallel_loop3A_410, 0 {pack_format = #tpu.pack_format<interleaved>} : vector<32xbf16> -> vector<16xf32>
          %parallel_loop3A_412 = tpu.unpack_subelements %parallel_loop3A_410, 1 {pack_format = #tpu.pack_format<interleaved>} : vector<32xbf16> -> vector<16xf32>
          %parallel_loop3A_413 = vector.broadcast %parallel_loop3A_330 : f32 to vector<16xf32>
          %parallel_loop3A_414 = arith.mulf %parallel_loop3A_411, %parallel_loop3A_413 : vector<16xf32>
          %parallel_loop3A_415 = arith.addf %parallel_loop3A_403, %parallel_loop3A_414 : vector<16xf32>
          %parallel_loop3A_416 = vector.broadcast %parallel_loop3A_330 : f32 to vector<16xf32>
          %parallel_loop3A_417 = arith.mulf %parallel_loop3A_412, %parallel_loop3A_416 : vector<16xf32>
          %parallel_loop3A_418 = arith.addf %parallel_loop3A_405, %parallel_loop3A_417 : vector<16xf32>
          %parallel_loop3A_419 = arith.constant 0 : i32
          %parallel_loop3A_420 = arith.index_cast %parallel_loop3A_419 : i32 to index
          %parallel_loop3A_421 = arith.index_cast %parallel_loop3A_326 : i32 to index
          %parallel_loop3A_422 = arith.constant 160 : index
          %parallel_loop3A_423 = tpu.vector_load %arg11[%parallel_loop3A_420, %parallel_loop3A_421, %parallel_loop3A_422] {strides = array<i32>} : memref<2x80x256xbf16, #tpu.memory_space<vmem>>, vector<32xbf16>,
          %parallel_loop3A_424 = tpu.unpack_subelements %parallel_loop3A_423, 0 {pack_format = #tpu.pack_format<interleaved>} : vector<32xbf16> -> vector<16xf32>
          %parallel_loop3A_425 = tpu.unpack_subelements %parallel_loop3A_423, 1 {pack_format = #tpu.pack_format<interleaved>} : vector<32xbf16> -> vector<16xf32>
          %parallel_loop3A_426 = vector.broadcast %parallel_loop3A_332 : f32 to vector<16xf32>
          %parallel_loop3A_427 = arith.mulf %parallel_loop3A_424, %parallel_loop3A_426 : vector<16xf32>
          %parallel_loop3A_428 = arith.addf %parallel_loop3A_415, %parallel_loop3A_427 : vector<16xf32>
          %parallel_loop3A_429 = vector.broadcast %parallel_loop3A_332 : f32 to vector<16xf32>
          %parallel_loop3A_430 = arith.mulf %parallel_loop3A_425, %parallel_loop3A_429 : vector<16xf32>
          %parallel_loop3A_431 = arith.addf %parallel_loop3A_418, %parallel_loop3A_430 : vector<16xf32>
          %parallel_loop3A_432 = arith.constant 0 : i32
          %parallel_loop3A_433 = arith.index_cast %parallel_loop3A_432 : i32 to index
          %parallel_loop3A_434 = arith.index_cast %parallel_loop3A_326 : i32 to index
          %parallel_loop3A_435 = arith.constant 224 : index
          %parallel_loop3A_436 = tpu.vector_load %arg11[%parallel_loop3A_433, %parallel_loop3A_434, %parallel_loop3A_435] {strides = array<i32>} : memref<2x80x256xbf16, #tpu.memory_space<vmem>>, vector<32xbf16>,
          %parallel_loop3A_437 = tpu.unpack_subelements %parallel_loop3A_436, 0 {pack_format = #tpu.pack_format<interleaved>} : vector<32xbf16> -> vector<16xf32>
          %parallel_loop3A_438 = tpu.unpack_subelements %parallel_loop3A_436, 1 {pack_format = #tpu.pack_format<interleaved>} : vector<32xbf16> -> vector<16xf32>
          %parallel_loop3A_439 = vector.broadcast %parallel_loop3A_334 : f32 to vector<16xf32>
          %parallel_loop3A_440 = arith.mulf %parallel_loop3A_437, %parallel_loop3A_439 : vector<16xf32>
          %parallel_loop3A_441 = arith.addf %parallel_loop3A_428, %parallel_loop3A_440 : vector<16xf32>
          %parallel_loop3A_442 = vector.broadcast %parallel_loop3A_334 : f32 to vector<16xf32>
          %parallel_loop3A_443 = arith.mulf %parallel_loop3A_438, %parallel_loop3A_442 : vector<16xf32>
          %parallel_loop3A_444 = arith.addf %parallel_loop3A_431, %parallel_loop3A_443 : vector<16xf32>
          %parallel_loop3A_445 = arith.constant 0 : i32
          %parallel_loop3A_446 = arith.index_cast %parallel_loop3A_445 : i32 to index
          %parallel_loop3A_447 = arith.index_cast %parallel_loop3A_326 : i32 to index
          %parallel_loop3A_448 = arith.constant 32 : index
          %parallel_loop3A_449 = tpu.vector_load %arg12[%parallel_loop3A_446, %parallel_loop3A_447, %parallel_loop3A_448] {strides = array<i32>} : memref<2x80x64xf32, #tpu.memory_space<vmem>>, vector<16xf32>,
          tpu.vector_store %arg12[%parallel_loop3A_446, %parallel_loop3A_447, %parallel_loop3A_448], %parallel_loop3A_441 {strides = array<i32>} : memref<2x80x64xf32, #tpu.memory_space<vmem>>, vector<16xf32>,
          %parallel_loop3A_450 = arith.constant 0 : i32
          %parallel_loop3A_451 = arith.index_cast %parallel_loop3A_450 : i32 to index
          %parallel_loop3A_452 = arith.index_cast %parallel_loop3A_326 : i32 to index
          %parallel_loop3A_453 = arith.constant 48 : index
          %parallel_loop3A_454 = tpu.vector_load %arg12[%parallel_loop3A_451, %parallel_loop3A_452, %parallel_loop3A_453] {strides = array<i32>} : memref<2x80x64xf32, #tpu.memory_space<vmem>>, vector<16xf32>,
          tpu.vector_store %arg12[%parallel_loop3A_451, %parallel_loop3A_452, %parallel_loop3A_453], %parallel_loop3A_444 {strides = array<i32>} : memref<2x80x64xf32, #tpu.memory_space<vmem>>, vector<16xf32>,
          %parallel_loop3A_455 = arith.constant 4 : i32
          %parallel_loop3A_456 = arith.muli %parallel_loop3A_184, %parallel_loop3A_455 : i32
          %parallel_loop3A_457 = arith.constant 2 : i32
          %parallel_loop3A_458 = arith.addi %parallel_loop3A_456, %parallel_loop3A_457 : i32
          %parallel_loop3A_459 = vector.extract_strided_slice %parallel_loop3A_190 {offsets = [8], sizes = [1], strides = [1]} : vector<16xf32> to vector<1xf32>
          %parallel_loop3A_460 = vector.extract %parallel_loop3A_459[0] : f32 from vector<1xf32>
          %parallel_loop3A_461 = vector.extract_strided_slice %parallel_loop3A_190 {offsets = [9], sizes = [1], strides = [1]} : vector<16xf32> to vector<1xf32>
          %parallel_loop3A_462 = vector.extract %parallel_loop3A_461[0] : f32 from vector<1xf32>
          %parallel_loop3A_463 = vector.extract_strided_slice %parallel_loop3A_190 {offsets = [10], sizes = [1], strides = [1]} : vector<16xf32> to vector<1xf32>
          %parallel_loop3A_464 = vector.extract %parallel_loop3A_463[0] : f32 from vector<1xf32>
          %parallel_loop3A_465 = vector.extract_strided_slice %parallel_loop3A_190 {offsets = [11], sizes = [1], strides = [1]} : vector<16xf32> to vector<1xf32>
          %parallel_loop3A_466 = vector.extract %parallel_loop3A_465[0] : f32 from vector<1xf32>
          %parallel_loop3A_467 = arith.constant 0 : i32
          %parallel_loop3A_468 = arith.index_cast %parallel_loop3A_467 : i32 to index
          %parallel_loop3A_469 = arith.index_cast %parallel_loop3A_458 : i32 to index
          %parallel_loop3A_470 = arith.constant 0 : index
          %parallel_loop3A_471 = tpu.vector_load %arg11[%parallel_loop3A_468, %parallel_loop3A_469, %parallel_loop3A_470] {strides = array<i32>} : memref<2x80x256xbf16, #tpu.memory_space<vmem>>, vector<32xbf16>,
          %parallel_loop3A_472 = tpu.unpack_subelements %parallel_loop3A_471, 0 {pack_format = #tpu.pack_format<interleaved>} : vector<32xbf16> -> vector<16xf32>
          %parallel_loop3A_473 = tpu.unpack_subelements %parallel_loop3A_471, 1 {pack_format = #tpu.pack_format<interleaved>} : vector<32xbf16> -> vector<16xf32>
          %parallel_loop3A_474 = vector.broadcast %parallel_loop3A_460 : f32 to vector<16xf32>
          %parallel_loop3A_475 = arith.mulf %parallel_loop3A_472, %parallel_loop3A_474 : vector<16xf32>
          %parallel_loop3A_476 = vector.broadcast %parallel_loop3A_460 : f32 to vector<16xf32>
          %parallel_loop3A_477 = arith.mulf %parallel_loop3A_473, %parallel_loop3A_476 : vector<16xf32>
          %parallel_loop3A_478 = arith.constant 0 : i32
          %parallel_loop3A_479 = arith.index_cast %parallel_loop3A_478 : i32 to index
          %parallel_loop3A_480 = arith.index_cast %parallel_loop3A_458 : i32 to index
          %parallel_loop3A_481 = arith.constant 64 : index
          %parallel_loop3A_482 = tpu.vector_load %arg11[%parallel_loop3A_479, %parallel_loop3A_480, %parallel_loop3A_481] {strides = array<i32>} : memref<2x80x256xbf16, #tpu.memory_space<vmem>>, vector<32xbf16>,
          %parallel_loop3A_483 = tpu.unpack_subelements %parallel_loop3A_482, 0 {pack_format = #tpu.pack_format<interleaved>} : vector<32xbf16> -> vector<16xf32>
          %parallel_loop3A_484 = tpu.unpack_subelements %parallel_loop3A_482, 1 {pack_format = #tpu.pack_format<interleaved>} : vector<32xbf16> -> vector<16xf32>
          %parallel_loop3A_485 = vector.broadcast %parallel_loop3A_462 : f32 to vector<16xf32>
          %parallel_loop3A_486 = arith.mulf %parallel_loop3A_483, %parallel_loop3A_485 : vector<16xf32>
          %parallel_loop3A_487 = arith.addf %parallel_loop3A_475, %parallel_loop3A_486 : vector<16xf32>
          %parallel_loop3A_488 = vector.broadcast %parallel_loop3A_462 : f32 to vector<16xf32>
          %parallel_loop3A_489 = arith.mulf %parallel_loop3A_484, %parallel_loop3A_488 : vector<16xf32>
          %parallel_loop3A_490 = arith.addf %parallel_loop3A_477, %parallel_loop3A_489 : vector<16xf32>
          %parallel_loop3A_491 = arith.constant 0 : i32
          %parallel_loop3A_492 = arith.index_cast %parallel_loop3A_491 : i32 to index
          %parallel_loop3A_493 = arith.index_cast %parallel_loop3A_458 : i32 to index
          %parallel_loop3A_494 = arith.constant 128 : index
          %parallel_loop3A_495 = tpu.vector_load %arg11[%parallel_loop3A_492, %parallel_loop3A_493, %parallel_loop3A_494] {strides = array<i32>} : memref<2x80x256xbf16, #tpu.memory_space<vmem>>, vector<32xbf16>,
          %parallel_loop3A_496 = tpu.unpack_subelements %parallel_loop3A_495, 0 {pack_format = #tpu.pack_format<interleaved>} : vector<32xbf16> -> vector<16xf32>
          %parallel_loop3A_497 = tpu.unpack_subelements %parallel_loop3A_495, 1 {pack_format = #tpu.pack_format<interleaved>} : vector<32xbf16> -> vector<16xf32>
          %parallel_loop3A_498 = vector.broadcast %parallel_loop3A_464 : f32 to vector<16xf32>
          %parallel_loop3A_499 = arith.mulf %parallel_loop3A_496, %parallel_loop3A_498 : vector<16xf32>
          %parallel_loop3A_500 = arith.addf %parallel_loop3A_487, %parallel_loop3A_499 : vector<16xf32>
          %parallel_loop3A_501 = vector.broadcast %parallel_loop3A_464 : f32 to vector<16xf32>
          %parallel_loop3A_502 = arith.mulf %parallel_loop3A_497, %parallel_loop3A_501 : vector<16xf32>
          %parallel_loop3A_503 = arith.addf %parallel_loop3A_490, %parallel_loop3A_502 : vector<16xf32>
          %parallel_loop3A_504 = arith.constant 0 : i32
          %parallel_loop3A_505 = arith.index_cast %parallel_loop3A_504 : i32 to index
          %parallel_loop3A_506 = arith.index_cast %parallel_loop3A_458 : i32 to index
          %parallel_loop3A_507 = arith.constant 192 : index
          %parallel_loop3A_508 = tpu.vector_load %arg11[%parallel_loop3A_505, %parallel_loop3A_506, %parallel_loop3A_507] {strides = array<i32>} : memref<2x80x256xbf16, #tpu.memory_space<vmem>>, vector<32xbf16>,
          %parallel_loop3A_509 = tpu.unpack_subelements %parallel_loop3A_508, 0 {pack_format = #tpu.pack_format<interleaved>} : vector<32xbf16> -> vector<16xf32>
          %parallel_loop3A_510 = tpu.unpack_subelements %parallel_loop3A_508, 1 {pack_format = #tpu.pack_format<interleaved>} : vector<32xbf16> -> vector<16xf32>
          %parallel_loop3A_511 = vector.broadcast %parallel_loop3A_466 : f32 to vector<16xf32>
          %parallel_loop3A_512 = arith.mulf %parallel_loop3A_509, %parallel_loop3A_511 : vector<16xf32>
          %parallel_loop3A_513 = arith.addf %parallel_loop3A_500, %parallel_loop3A_512 : vector<16xf32>
          %parallel_loop3A_514 = vector.broadcast %parallel_loop3A_466 : f32 to vector<16xf32>
          %parallel_loop3A_515 = arith.mulf %parallel_loop3A_510, %parallel_loop3A_514 : vector<16xf32>
          %parallel_loop3A_516 = arith.addf %parallel_loop3A_503, %parallel_loop3A_515 : vector<16xf32>
          %parallel_loop3A_517 = arith.constant 0 : i32
          %parallel_loop3A_518 = arith.index_cast %parallel_loop3A_517 : i32 to index
          %parallel_loop3A_519 = arith.index_cast %parallel_loop3A_458 : i32 to index
          %parallel_loop3A_520 = arith.constant 0 : index
          %parallel_loop3A_521 = tpu.vector_load %arg12[%parallel_loop3A_518, %parallel_loop3A_519, %parallel_loop3A_520] {strides = array<i32>} : memref<2x80x64xf32, #tpu.memory_space<vmem>>, vector<16xf32>,
          tpu.vector_store %arg12[%parallel_loop3A_518, %parallel_loop3A_519, %parallel_loop3A_520], %parallel_loop3A_513 {strides = array<i32>} : memref<2x80x64xf32, #tpu.memory_space<vmem>>, vector<16xf32>,
          %parallel_loop3A_522 = arith.constant 0 : i32
          %parallel_loop3A_523 = arith.index_cast %parallel_loop3A_522 : i32 to index
          %parallel_loop3A_524 = arith.index_cast %parallel_loop3A_458 : i32 to index
          %parallel_loop3A_525 = arith.constant 16 : index
          %parallel_loop3A_526 = tpu.vector_load %arg12[%parallel_loop3A_523, %parallel_loop3A_524, %parallel_loop3A_525] {strides = array<i32>} : memref<2x80x64xf32, #tpu.memory_space<vmem>>, vector<16xf32>,
          tpu.vector_store %arg12[%parallel_loop3A_523, %parallel_loop3A_524, %parallel_loop3A_525], %parallel_loop3A_516 {strides = array<i32>} : memref<2x80x64xf32, #tpu.memory_space<vmem>>, vector<16xf32>,
          %parallel_loop3A_527 = arith.constant 0 : i32
          %parallel_loop3A_528 = arith.index_cast %parallel_loop3A_527 : i32 to index
          %parallel_loop3A_529 = arith.index_cast %parallel_loop3A_458 : i32 to index
          %parallel_loop3A_530 = arith.constant 32 : index
          %parallel_loop3A_531 = tpu.vector_load %arg11[%parallel_loop3A_528, %parallel_loop3A_529, %parallel_loop3A_530] {strides = array<i32>} : memref<2x80x256xbf16, #tpu.memory_space<vmem>>, vector<32xbf16>,
          %parallel_loop3A_532 = tpu.unpack_subelements %parallel_loop3A_531, 0 {pack_format = #tpu.pack_format<interleaved>} : vector<32xbf16> -> vector<16xf32>
          %parallel_loop3A_533 = tpu.unpack_subelements %parallel_loop3A_531, 1 {pack_format = #tpu.pack_format<interleaved>} : vector<32xbf16> -> vector<16xf32>
          %parallel_loop3A_534 = vector.broadcast %parallel_loop3A_460 : f32 to vector<16xf32>
          %parallel_loop3A_535 = arith.mulf %parallel_loop3A_532, %parallel_loop3A_534 : vector<16xf32>
          %parallel_loop3A_536 = vector.broadcast %parallel_loop3A_460 : f32 to vector<16xf32>
          %parallel_loop3A_537 = arith.mulf %parallel_loop3A_533, %parallel_loop3A_536 : vector<16xf32>
          %parallel_loop3A_538 = arith.constant 0 : i32
          %parallel_loop3A_539 = arith.index_cast %parallel_loop3A_538 : i32 to index
          %parallel_loop3A_540 = arith.index_cast %parallel_loop3A_458 : i32 to index
          %parallel_loop3A_541 = arith.constant 96 : index
          %parallel_loop3A_542 = tpu.vector_load %arg11[%parallel_loop3A_539, %parallel_loop3A_540, %parallel_loop3A_541] {strides = array<i32>} : memref<2x80x256xbf16, #tpu.memory_space<vmem>>, vector<32xbf16>,
          %parallel_loop3A_543 = tpu.unpack_subelements %parallel_loop3A_542, 0 {pack_format = #tpu.pack_format<interleaved>} : vector<32xbf16> -> vector<16xf32>
          %parallel_loop3A_544 = tpu.unpack_subelements %parallel_loop3A_542, 1 {pack_format = #tpu.pack_format<interleaved>} : vector<32xbf16> -> vector<16xf32>
          %parallel_loop3A_545 = vector.broadcast %parallel_loop3A_462 : f32 to vector<16xf32>
          %parallel_loop3A_546 = arith.mulf %parallel_loop3A_543, %parallel_loop3A_545 : vector<16xf32>
          %parallel_loop3A_547 = arith.addf %parallel_loop3A_535, %parallel_loop3A_546 : vector<16xf32>
          %parallel_loop3A_548 = vector.broadcast %parallel_loop3A_462 : f32 to vector<16xf32>
          %parallel_loop3A_549 = arith.mulf %parallel_loop3A_544, %parallel_loop3A_548 : vector<16xf32>
          %parallel_loop3A_550 = arith.addf %parallel_loop3A_537, %parallel_loop3A_549 : vector<16xf32>
          %parallel_loop3A_551 = arith.constant 0 : i32
          %parallel_loop3A_552 = arith.index_cast %parallel_loop3A_551 : i32 to index
          %parallel_loop3A_553 = arith.index_cast %parallel_loop3A_458 : i32 to index
          %parallel_loop3A_554 = arith.constant 160 : index
          %parallel_loop3A_555 = tpu.vector_load %arg11[%parallel_loop3A_552, %parallel_loop3A_553, %parallel_loop3A_554] {strides = array<i32>} : memref<2x80x256xbf16, #tpu.memory_space<vmem>>, vector<32xbf16>,
          %parallel_loop3A_556 = tpu.unpack_subelements %parallel_loop3A_555, 0 {pack_format = #tpu.pack_format<interleaved>} : vector<32xbf16> -> vector<16xf32>
          %parallel_loop3A_557 = tpu.unpack_subelements %parallel_loop3A_555, 1 {pack_format = #tpu.pack_format<interleaved>} : vector<32xbf16> -> vector<16xf32>
          %parallel_loop3A_558 = vector.broadcast %parallel_loop3A_464 : f32 to vector<16xf32>
          %parallel_loop3A_559 = arith.mulf %parallel_loop3A_556, %parallel_loop3A_558 : vector<16xf32>
          %parallel_loop3A_560 = arith.addf %parallel_loop3A_547, %parallel_loop3A_559 : vector<16xf32>
          %parallel_loop3A_561 = vector.broadcast %parallel_loop3A_464 : f32 to vector<16xf32>
          %parallel_loop3A_562 = arith.mulf %parallel_loop3A_557, %parallel_loop3A_561 : vector<16xf32>
          %parallel_loop3A_563 = arith.addf %parallel_loop3A_550, %parallel_loop3A_562 : vector<16xf32>
          %parallel_loop3A_564 = arith.constant 0 : i32
          %parallel_loop3A_565 = arith.index_cast %parallel_loop3A_564 : i32 to index
          %parallel_loop3A_566 = arith.index_cast %parallel_loop3A_458 : i32 to index
          %parallel_loop3A_567 = arith.constant 224 : index
          %parallel_loop3A_568 = tpu.vector_load %arg11[%parallel_loop3A_565, %parallel_loop3A_566, %parallel_loop3A_567] {strides = array<i32>} : memref<2x80x256xbf16, #tpu.memory_space<vmem>>, vector<32xbf16>,
          %parallel_loop3A_569 = tpu.unpack_subelements %parallel_loop3A_568, 0 {pack_format = #tpu.pack_format<interleaved>} : vector<32xbf16> -> vector<16xf32>
          %parallel_loop3A_570 = tpu.unpack_subelements %parallel_loop3A_568, 1 {pack_format = #tpu.pack_format<interleaved>} : vector<32xbf16> -> vector<16xf32>
          %parallel_loop3A_571 = vector.broadcast %parallel_loop3A_466 : f32 to vector<16xf32>
          %parallel_loop3A_572 = arith.mulf %parallel_loop3A_569, %parallel_loop3A_571 : vector<16xf32>
          %parallel_loop3A_573 = arith.addf %parallel_loop3A_560, %parallel_loop3A_572 : vector<16xf32>
          %parallel_loop3A_574 = vector.broadcast %parallel_loop3A_466 : f32 to vector<16xf32>
          %parallel_loop3A_575 = arith.mulf %parallel_loop3A_570, %parallel_loop3A_574 : vector<16xf32>
          %parallel_loop3A_576 = arith.addf %parallel_loop3A_563, %parallel_loop3A_575 : vector<16xf32>
          %parallel_loop3A_577 = arith.constant 0 : i32
          %parallel_loop3A_578 = arith.index_cast %parallel_loop3A_577 : i32 to index
          %parallel_loop3A_579 = arith.index_cast %parallel_loop3A_458 : i32 to index
          %parallel_loop3A_580 = arith.constant 32 : index
          %parallel_loop3A_581 = tpu.vector_load %arg12[%parallel_loop3A_578, %parallel_loop3A_579, %parallel_loop3A_580] {strides = array<i32>} : memref<2x80x64xf32, #tpu.memory_space<vmem>>, vector<16xf32>,
          tpu.vector_store %arg12[%parallel_loop3A_578, %parallel_loop3A_579, %parallel_loop3A_580], %parallel_loop3A_573 {strides = array<i32>} : memref<2x80x64xf32, #tpu.memory_space<vmem>>, vector<16xf32>,
          %parallel_loop3A_582 = arith.constant 0 : i32
          %parallel_loop3A_583 = arith.index_cast %parallel_loop3A_582 : i32 to index
          %parallel_loop3A_584 = arith.index_cast %parallel_loop3A_458 : i32 to index
          %parallel_loop3A_585 = arith.constant 48 : index
          %parallel_loop3A_586 = tpu.vector_load %arg12[%parallel_loop3A_583, %parallel_loop3A_584, %parallel_loop3A_585] {strides = array<i32>} : memref<2x80x64xf32, #tpu.memory_space<vmem>>, vector<16xf32>,
          tpu.vector_store %arg12[%parallel_loop3A_583, %parallel_loop3A_584, %parallel_loop3A_585], %parallel_loop3A_576 {strides = array<i32>} : memref<2x80x64xf32, #tpu.memory_space<vmem>>, vector<16xf32>,
          %parallel_loop3A_587 = arith.constant 4 : i32
          %parallel_loop3A_588 = arith.muli %parallel_loop3A_184, %parallel_loop3A_587 : i32
          %parallel_loop3A_589 = arith.constant 3 : i32
          %parallel_loop3A_590 = arith.addi %parallel_loop3A_588, %parallel_loop3A_589 : i32
          %parallel_loop3A_591 = vector.extract_strided_slice %parallel_loop3A_190 {offsets = [12], sizes = [1], strides = [1]} : vector<16xf32> to vector<1xf32>
          %parallel_loop3A_592 = vector.extract %parallel_loop3A_591[0] : f32 from vector<1xf32>
          %parallel_loop3A_593 = vector.extract_strided_slice %parallel_loop3A_190 {offsets = [13], sizes = [1], strides = [1]} : vector<16xf32> to vector<1xf32>
          %parallel_loop3A_594 = vector.extract %parallel_loop3A_593[0] : f32 from vector<1xf32>
          %parallel_loop3A_595 = vector.extract_strided_slice %parallel_loop3A_190 {offsets = [14], sizes = [1], strides = [1]} : vector<16xf32> to vector<1xf32>
          %parallel_loop3A_596 = vector.extract %parallel_loop3A_595[0] : f32 from vector<1xf32>
          %parallel_loop3A_597 = vector.extract_strided_slice %parallel_loop3A_190 {offsets = [15], sizes = [1], strides = [1]} : vector<16xf32> to vector<1xf32>
          %parallel_loop3A_598 = vector.extract %parallel_loop3A_597[0] : f32 from vector<1xf32>
          %parallel_loop3A_599 = arith.constant 0 : i32
          %parallel_loop3A_600 = arith.index_cast %parallel_loop3A_599 : i32 to index
          %parallel_loop3A_601 = arith.index_cast %parallel_loop3A_590 : i32 to index
          %parallel_loop3A_602 = arith.constant 0 : index
          %parallel_loop3A_603 = tpu.vector_load %arg11[%parallel_loop3A_600, %parallel_loop3A_601, %parallel_loop3A_602] {strides = array<i32>} : memref<2x80x256xbf16, #tpu.memory_space<vmem>>, vector<32xbf16>,
          %parallel_loop3A_604 = tpu.unpack_subelements %parallel_loop3A_603, 0 {pack_format = #tpu.pack_format<interleaved>} : vector<32xbf16> -> vector<16xf32>
          %parallel_loop3A_605 = tpu.unpack_subelements %parallel_loop3A_603, 1 {pack_format = #tpu.pack_format<interleaved>} : vector<32xbf16> -> vector<16xf32>
          %parallel_loop3A_606 = vector.broadcast %parallel_loop3A_592 : f32 to vector<16xf32>
          %parallel_loop3A_607 = arith.mulf %parallel_loop3A_604, %parallel_loop3A_606 : vector<16xf32>
          %parallel_loop3A_608 = vector.broadcast %parallel_loop3A_592 : f32 to vector<16xf32>
          %parallel_loop3A_609 = arith.mulf %parallel_loop3A_605, %parallel_loop3A_608 : vector<16xf32>
          %parallel_loop3A_610 = arith.constant 0 : i32
          %parallel_loop3A_611 = arith.index_cast %parallel_loop3A_610 : i32 to index
          %parallel_loop3A_612 = arith.index_cast %parallel_loop3A_590 : i32 to index
          %parallel_loop3A_613 = arith.constant 64 : index
          %parallel_loop3A_614 = tpu.vector_load %arg11[%parallel_loop3A_611, %parallel_loop3A_612, %parallel_loop3A_613] {strides = array<i32>} : memref<2x80x256xbf16, #tpu.memory_space<vmem>>, vector<32xbf16>,
          %parallel_loop3A_615 = tpu.unpack_subelements %parallel_loop3A_614, 0 {pack_format = #tpu.pack_format<interleaved>} : vector<32xbf16> -> vector<16xf32>
          %parallel_loop3A_616 = tpu.unpack_subelements %parallel_loop3A_614, 1 {pack_format = #tpu.pack_format<interleaved>} : vector<32xbf16> -> vector<16xf32>
          %parallel_loop3A_617 = vector.broadcast %parallel_loop3A_594 : f32 to vector<16xf32>
          %parallel_loop3A_618 = arith.mulf %parallel_loop3A_615, %parallel_loop3A_617 : vector<16xf32>
          %parallel_loop3A_619 = arith.addf %parallel_loop3A_607, %parallel_loop3A_618 : vector<16xf32>
          %parallel_loop3A_620 = vector.broadcast %parallel_loop3A_594 : f32 to vector<16xf32>
          %parallel_loop3A_621 = arith.mulf %parallel_loop3A_616, %parallel_loop3A_620 : vector<16xf32>
          %parallel_loop3A_622 = arith.addf %parallel_loop3A_609, %parallel_loop3A_621 : vector<16xf32>
          %parallel_loop3A_623 = arith.constant 0 : i32
          %parallel_loop3A_624 = arith.index_cast %parallel_loop3A_623 : i32 to index
          %parallel_loop3A_625 = arith.index_cast %parallel_loop3A_590 : i32 to index
          %parallel_loop3A_626 = arith.constant 128 : index
          %parallel_loop3A_627 = tpu.vector_load %arg11[%parallel_loop3A_624, %parallel_loop3A_625, %parallel_loop3A_626] {strides = array<i32>} : memref<2x80x256xbf16, #tpu.memory_space<vmem>>, vector<32xbf16>,
          %parallel_loop3A_628 = tpu.unpack_subelements %parallel_loop3A_627, 0 {pack_format = #tpu.pack_format<interleaved>} : vector<32xbf16> -> vector<16xf32>
          %parallel_loop3A_629 = tpu.unpack_subelements %parallel_loop3A_627, 1 {pack_format = #tpu.pack_format<interleaved>} : vector<32xbf16> -> vector<16xf32>
          %parallel_loop3A_630 = vector.broadcast %parallel_loop3A_596 : f32 to vector<16xf32>
          %parallel_loop3A_631 = arith.mulf %parallel_loop3A_628, %parallel_loop3A_630 : vector<16xf32>
          %parallel_loop3A_632 = arith.addf %parallel_loop3A_619, %parallel_loop3A_631 : vector<16xf32>
          %parallel_loop3A_633 = vector.broadcast %parallel_loop3A_596 : f32 to vector<16xf32>
          %parallel_loop3A_634 = arith.mulf %parallel_loop3A_629, %parallel_loop3A_633 : vector<16xf32>
          %parallel_loop3A_635 = arith.addf %parallel_loop3A_622, %parallel_loop3A_634 : vector<16xf32>
          %parallel_loop3A_636 = arith.constant 0 : i32
          %parallel_loop3A_637 = arith.index_cast %parallel_loop3A_636 : i32 to index
          %parallel_loop3A_638 = arith.index_cast %parallel_loop3A_590 : i32 to index
          %parallel_loop3A_639 = arith.constant 192 : index
          %parallel_loop3A_640 = tpu.vector_load %arg11[%parallel_loop3A_637, %parallel_loop3A_638, %parallel_loop3A_639] {strides = array<i32>} : memref<2x80x256xbf16, #tpu.memory_space<vmem>>, vector<32xbf16>,
          %parallel_loop3A_641 = tpu.unpack_subelements %parallel_loop3A_640, 0 {pack_format = #tpu.pack_format<interleaved>} : vector<32xbf16> -> vector<16xf32>
          %parallel_loop3A_642 = tpu.unpack_subelements %parallel_loop3A_640, 1 {pack_format = #tpu.pack_format<interleaved>} : vector<32xbf16> -> vector<16xf32>
          %parallel_loop3A_643 = vector.broadcast %parallel_loop3A_598 : f32 to vector<16xf32>
          %parallel_loop3A_644 = arith.mulf %parallel_loop3A_641, %parallel_loop3A_643 : vector<16xf32>
          %parallel_loop3A_645 = arith.addf %parallel_loop3A_632, %parallel_loop3A_644 : vector<16xf32>
          %parallel_loop3A_646 = vector.broadcast %parallel_loop3A_598 : f32 to vector<16xf32>
          %parallel_loop3A_647 = arith.mulf %parallel_loop3A_642, %parallel_loop3A_646 : vector<16xf32>
          %parallel_loop3A_648 = arith.addf %parallel_loop3A_635, %parallel_loop3A_647 : vector<16xf32>
          %parallel_loop3A_649 = arith.constant 0 : i32
          %parallel_loop3A_650 = arith.index_cast %parallel_loop3A_649 : i32 to index
          %parallel_loop3A_651 = arith.index_cast %parallel_loop3A_590 : i32 to index
          %parallel_loop3A_652 = arith.constant 0 : index
          %parallel_loop3A_653 = tpu.vector_load %arg12[%parallel_loop3A_650, %parallel_loop3A_651, %parallel_loop3A_652] {strides = array<i32>} : memref<2x80x64xf32, #tpu.memory_space<vmem>>, vector<16xf32>,
          tpu.vector_store %arg12[%parallel_loop3A_650, %parallel_loop3A_651, %parallel_loop3A_652], %parallel_loop3A_645 {strides = array<i32>} : memref<2x80x64xf32, #tpu.memory_space<vmem>>, vector<16xf32>,
          %parallel_loop3A_654 = arith.constant 0 : i32
          %parallel_loop3A_655 = arith.index_cast %parallel_loop3A_654 : i32 to index
          %parallel_loop3A_656 = arith.index_cast %parallel_loop3A_590 : i32 to index
          %parallel_loop3A_657 = arith.constant 16 : index
          %parallel_loop3A_658 = tpu.vector_load %arg12[%parallel_loop3A_655, %parallel_loop3A_656, %parallel_loop3A_657] {strides = array<i32>} : memref<2x80x64xf32, #tpu.memory_space<vmem>>, vector<16xf32>,
          tpu.vector_store %arg12[%parallel_loop3A_655, %parallel_loop3A_656, %parallel_loop3A_657], %parallel_loop3A_648 {strides = array<i32>} : memref<2x80x64xf32, #tpu.memory_space<vmem>>, vector<16xf32>,
          %parallel_loop3A_659 = arith.constant 0 : i32
          %parallel_loop3A_660 = arith.index_cast %parallel_loop3A_659 : i32 to index
          %parallel_loop3A_661 = arith.index_cast %parallel_loop3A_590 : i32 to index
          %parallel_loop3A_662 = arith.constant 32 : index
          %parallel_loop3A_663 = tpu.vector_load %arg11[%parallel_loop3A_660, %parallel_loop3A_661, %parallel_loop3A_662] {strides = array<i32>} : memref<2x80x256xbf16, #tpu.memory_space<vmem>>, vector<32xbf16>,
          %parallel_loop3A_664 = tpu.unpack_subelements %parallel_loop3A_663, 0 {pack_format = #tpu.pack_format<interleaved>} : vector<32xbf16> -> vector<16xf32>
          %parallel_loop3A_665 = tpu.unpack_subelements %parallel_loop3A_663, 1 {pack_format = #tpu.pack_format<interleaved>} : vector<32xbf16> -> vector<16xf32>
          %parallel_loop3A_666 = vector.broadcast %parallel_loop3A_592 : f32 to vector<16xf32>
          %parallel_loop3A_667 = arith.mulf %parallel_loop3A_664, %parallel_loop3A_666 : vector<16xf32>
          %parallel_loop3A_668 = vector.broadcast %parallel_loop3A_592 : f32 to vector<16xf32>
          %parallel_loop3A_669 = arith.mulf %parallel_loop3A_665, %parallel_loop3A_668 : vector<16xf32>
          %parallel_loop3A_670 = arith.constant 0 : i32
          %parallel_loop3A_671 = arith.index_cast %parallel_loop3A_670 : i32 to index
          %parallel_loop3A_672 = arith.index_cast %parallel_loop3A_590 : i32 to index
          %parallel_loop3A_673 = arith.constant 96 : index
          %parallel_loop3A_674 = tpu.vector_load %arg11[%parallel_loop3A_671, %parallel_loop3A_672, %parallel_loop3A_673] {strides = array<i32>} : memref<2x80x256xbf16, #tpu.memory_space<vmem>>, vector<32xbf16>,
          %parallel_loop3A_675 = tpu.unpack_subelements %parallel_loop3A_674, 0 {pack_format = #tpu.pack_format<interleaved>} : vector<32xbf16> -> vector<16xf32>
          %parallel_loop3A_676 = tpu.unpack_subelements %parallel_loop3A_674, 1 {pack_format = #tpu.pack_format<interleaved>} : vector<32xbf16> -> vector<16xf32>
          %parallel_loop3A_677 = vector.broadcast %parallel_loop3A_594 : f32 to vector<16xf32>
          %parallel_loop3A_678 = arith.mulf %parallel_loop3A_675, %parallel_loop3A_677 : vector<16xf32>
          %parallel_loop3A_679 = arith.addf %parallel_loop3A_667, %parallel_loop3A_678 : vector<16xf32>
          %parallel_loop3A_680 = vector.broadcast %parallel_loop3A_594 : f32 to vector<16xf32>
          %parallel_loop3A_681 = arith.mulf %parallel_loop3A_676, %parallel_loop3A_680 : vector<16xf32>
          %parallel_loop3A_682 = arith.addf %parallel_loop3A_669, %parallel_loop3A_681 : vector<16xf32>
          %parallel_loop3A_683 = arith.constant 0 : i32
          %parallel_loop3A_684 = arith.index_cast %parallel_loop3A_683 : i32 to index
          %parallel_loop3A_685 = arith.index_cast %parallel_loop3A_590 : i32 to index
          %parallel_loop3A_686 = arith.constant 160 : index
          %parallel_loop3A_687 = tpu.vector_load %arg11[%parallel_loop3A_684, %parallel_loop3A_685, %parallel_loop3A_686] {strides = array<i32>} : memref<2x80x256xbf16, #tpu.memory_space<vmem>>, vector<32xbf16>,
          %parallel_loop3A_688 = tpu.unpack_subelements %parallel_loop3A_687, 0 {pack_format = #tpu.pack_format<interleaved>} : vector<32xbf16> -> vector<16xf32>
          %parallel_loop3A_689 = tpu.unpack_subelements %parallel_loop3A_687, 1 {pack_format = #tpu.pack_format<interleaved>} : vector<32xbf16> -> vector<16xf32>
          %parallel_loop3A_690 = vector.broadcast %parallel_loop3A_596 : f32 to vector<16xf32>
          %parallel_loop3A_691 = arith.mulf %parallel_loop3A_688, %parallel_loop3A_690 : vector<16xf32>
          %parallel_loop3A_692 = arith.addf %parallel_loop3A_679, %parallel_loop3A_691 : vector<16xf32>
          %parallel_loop3A_693 = vector.broadcast %parallel_loop3A_596 : f32 to vector<16xf32>
          %parallel_loop3A_694 = arith.mulf %parallel_loop3A_689, %parallel_loop3A_693 : vector<16xf32>
          %parallel_loop3A_695 = arith.addf %parallel_loop3A_682, %parallel_loop3A_694 : vector<16xf32>
          %parallel_loop3A_696 = arith.constant 0 : i32
          %parallel_loop3A_697 = arith.index_cast %parallel_loop3A_696 : i32 to index
          %parallel_loop3A_698 = arith.index_cast %parallel_loop3A_590 : i32 to index
          %parallel_loop3A_699 = arith.constant 224 : index
          %parallel_loop3A_700 = tpu.vector_load %arg11[%parallel_loop3A_697, %parallel_loop3A_698, %parallel_loop3A_699] {strides = array<i32>} : memref<2x80x256xbf16, #tpu.memory_space<vmem>>, vector<32xbf16>,
          %parallel_loop3A_701 = tpu.unpack_subelements %parallel_loop3A_700, 0 {pack_format = #tpu.pack_format<interleaved>} : vector<32xbf16> -> vector<16xf32>
          %parallel_loop3A_702 = tpu.unpack_subelements %parallel_loop3A_700, 1 {pack_format = #tpu.pack_format<interleaved>} : vector<32xbf16> -> vector<16xf32>
          %parallel_loop3A_703 = vector.broadcast %parallel_loop3A_598 : f32 to vector<16xf32>
          %parallel_loop3A_704 = arith.mulf %parallel_loop3A_701, %parallel_loop3A_703 : vector<16xf32>
          %parallel_loop3A_705 = arith.addf %parallel_loop3A_692, %parallel_loop3A_704 : vector<16xf32>
          %parallel_loop3A_706 = vector.broadcast %parallel_loop3A_598 : f32 to vector<16xf32>
          %parallel_loop3A_707 = arith.mulf %parallel_loop3A_702, %parallel_loop3A_706 : vector<16xf32>
          %parallel_loop3A_708 = arith.addf %parallel_loop3A_695, %parallel_loop3A_707 : vector<16xf32>
          %parallel_loop3A_709 = arith.constant 0 : i32
          %parallel_loop3A_710 = arith.index_cast %parallel_loop3A_709 : i32 to index
          %parallel_loop3A_711 = arith.index_cast %parallel_loop3A_590 : i32 to index
          %parallel_loop3A_712 = arith.constant 32 : index
          %parallel_loop3A_713 = tpu.vector_load %arg12[%parallel_loop3A_710, %parallel_loop3A_711, %parallel_loop3A_712] {strides = array<i32>} : memref<2x80x64xf32, #tpu.memory_space<vmem>>, vector<16xf32>,
          tpu.vector_store %arg12[%parallel_loop3A_710, %parallel_loop3A_711, %parallel_loop3A_712], %parallel_loop3A_705 {strides = array<i32>} : memref<2x80x64xf32, #tpu.memory_space<vmem>>, vector<16xf32>,
          %parallel_loop3A_714 = arith.constant 0 : i32
          %parallel_loop3A_715 = arith.index_cast %parallel_loop3A_714 : i32 to index
          %parallel_loop3A_716 = arith.index_cast %parallel_loop3A_590 : i32 to index
          %parallel_loop3A_717 = arith.constant 48 : index
          %parallel_loop3A_718 = tpu.vector_load %arg12[%parallel_loop3A_715, %parallel_loop3A_716, %parallel_loop3A_717] {strides = array<i32>} : memref<2x80x64xf32, #tpu.memory_space<vmem>>, vector<16xf32>,
          tpu.vector_store %arg12[%parallel_loop3A_715, %parallel_loop3A_716, %parallel_loop3A_717], %parallel_loop3A_708 {strides = array<i32>} : memref<2x80x64xf32, #tpu.memory_space<vmem>>, vector<16xf32>,
        } {sc.loop_unroll_factor = 2 : i64, sc.parallel_access}
        %dma_start3A_172 = arith.constant 0 : i32
        %dma_start3A_173 = arith.constant 0 : i32
        %dma_start3A_174 = arith.constant 0 : i32
        %dma_start3A_175 = arith.constant 0 : i32
        %dma_start3A_176 = tpu.memref_slice %arg12[%dma_start3A_172, %dma_start3A_174, %dma_start3A_175] : memref<2x80x64xf32, #tpu.memory_space<vmem>> -> memref<1x80x64xf32, #tpu.memory_space<vmem>>
        %dma_start3A_177 = tpu.memref_squeeze %dma_start3A_176 : memref<1x80x64xf32, #tpu.memory_space<vmem>> -> memref<80x64xf32, #tpu.memory_space<vmem>>
        %dma_start3A_178 = arith.constant 0 : i32
        %dma_start3A_179 = tpu.memref_slice %arg10[%dma_start3A_173, %dma_start3A_178] : memref<2x80xi32, #tpu.memory_space<vmem>> -> memref<1x80xi32, #tpu.memory_space<vmem>>
        %dma_start3A_180 = tpu.memref_squeeze %dma_start3A_179 : memref<1x80xi32, #tpu.memory_space<vmem>> -> memref<80xi32, #tpu.memory_space<vmem>>
        %dma_start3A_181 = arith.constant 0 : i32
        %dma_start3A_182 = arith.constant 0 : i32
        %dma_start3A_183 = tpu.memref_slice %arg14[%dma_start3A_181, %dma_start3A_182] : memref<10000x64xf32, #tpu.memory_space<vmem_shared>> -> memref<10000x64xf32, #tpu.memory_space<vmem_shared>>
        tpu.enqueue_indirect_dma source(%dma_start3A_177 : memref<80x64xf32, #tpu.memory_space<vmem>>) target(%dma_start3A_183 : memref<10000x64xf32, #tpu.memory_space<vmem_shared>>) offsets(%dma_start3A_180 : memref<80xi32, #tpu.memory_space<vmem>>) semaphore(%arg19 : memref<!tpu.dma_semaphore, #tpu.memory_space<semaphore_mem>>) {add = true}
      } else {
      }
      %rem3A_79 = arith.constant 2 : i32
      %rem3A_80 = arith.remsi %scan3A_71, %rem3A_79 : i32
      %eq3A_81 = arith.constant 1 : i32
      %eq3A_82 = arith.cmpi eq, %rem3A_80, %eq3A_81 : i32
      %convert_element_type3A_83 = arith.extui %eq3A_82 : i1 to i32
      %cond3A_84 = arith.constant 0 : i32
      %cond3A_85 = arith.cmpi ne, %convert_element_type3A_83, %cond3A_84 : i32
      scf.if %cond3A_85 {
        %add3A_87 = arith.constant 1 : i32
        %add3A_88 = arith.addi %scan3A_71, %add3A_87 : i32
        %lt3A = arith.constant 125 : i32
        %lt3A_89 = arith.cmpi slt, %add3A_88, %lt3A : i32
        %convert_element_type3A_90 = arith.extui %lt3A_89 : i1 to i32
        %cond3A_91 = arith.constant 0 : i32
        %cond3A_92 = arith.cmpi ne, %convert_element_type3A_90, %cond3A_91 : i32
        scf.if %cond3A_92 {
          %add3A_184 = arith.constant 1 : i32
          %add3A_185 = arith.addi %scan3A_71, %add3A_184 : i32
          %dma_start3A_186 = arith.constant 0 : i32
          %dma_start3A_187 = arith.constant 0 : i32
          %dma_start3A_188 = tpu.memref_slice %arg9[%dma_start3A_186, %dma_start3A_187] : memref<2x320xf32, #tpu.memory_space<vmem>> -> memref<1x320xf32, #tpu.memory_space<vmem>>
          %dma_start3A_189 = tpu.memref_squeeze %dma_start3A_188 : memref<1x320xf32, #tpu.memory_space<vmem>> -> memref<320xf32, #tpu.memory_space<vmem>>
          %dma_start3A_190 = arith.constant 0 : i32
          %dma_start3A_191 = tpu.memref_slice %arg3[%arg1, %add3A_185, %dma_start3A_190] : memref<16x125x320xf32, #tpu.memory_space<hbm>> -> memref<1x1x320xf32, #tpu.memory_space<hbm>>
          %dma_start3A_192 = tpu.memref_squeeze %dma_start3A_191 : memref<1x1x320xf32, #tpu.memory_space<hbm>> -> memref<320xf32, #tpu.memory_space<hbm>>
          %dma_start3A_193 = arith.constant 0 : i32
          %dma_start3A_194 = tpu.memref_slice %arg9[%dma_start3A_186, %dma_start3A_193] : memref<2x320xf32, #tpu.memory_space<vmem>> -> memref<1x320xf32, #tpu.memory_space<vmem>>
          %dma_start3A_195 = tpu.memref_squeeze %dma_start3A_194 : memref<1x320xf32, #tpu.memory_space<vmem>> -> memref<320xf32, #tpu.memory_space<vmem>>
          %dma_start3A_196 = arith.constant 0 : i32
          %dma_start3A_197 = tpu.memref_slice %arg3[%arg1, %add3A_185, %dma_start3A_196] : memref<16x125x320xf32, #tpu.memory_space<hbm>> -> memref<1x1x320xf32, #tpu.memory_space<hbm>>
          %dma_start3A_198 = tpu.memref_squeeze %dma_start3A_197 : memref<1x1x320xf32, #tpu.memory_space<hbm>> -> memref<320xf32, #tpu.memory_space<hbm>>
          tpu.enqueue_dma source(%dma_start3A_198 : memref<320xf32, #tpu.memory_space<hbm>>) target(%dma_start3A_195 : memref<320xf32, #tpu.memory_space<vmem>>) target_semaphore(%arg17 : memref<!tpu.dma_semaphore, #tpu.memory_space<semaphore_mem>>)
          %add3A_199 = arith.constant 1 : i32
          %add3A_200 = arith.addi %scan3A_71, %add3A_199 : i32
          %mul3A_201 = arith.constant 80 : i32
          %mul3A_202 = arith.muli %add3A_200, %mul3A_201 : i32
          %dma_start3A_203 = arith.constant 0 : i32
          %dma_start3A_204 = arith.constant 0 : i32
          %dma_start3A_205 = arith.constant 0 : i32
          %dma_start3A_206 = tpu.memref_slice %arg11[%dma_start3A_203, %dma_start3A_204, %dma_start3A_205] : memref<2x80x256xbf16, #tpu.memory_space<vmem>> -> memref<1x80x256xbf16, #tpu.memory_space<vmem>>
          %dma_start3A_207 = tpu.memref_squeeze %dma_start3A_206 : memref<1x80x256xbf16, #tpu.memory_space<vmem>> -> memref<80x256xbf16, #tpu.memory_space<vmem>>
          %dma_start3A_208 = tpu.memref_slice %arg7[%mul3A_202] : memref<10000xi32, #tpu.memory_space<vmem>> -> memref<80xi32, #tpu.memory_space<vmem>>
          %dma_start3A_209 = arith.constant 0 : i32
          %dma_start3A_210 = arith.constant 0 : i32
          %dma_start3A_211 = tpu.memref_slice %arg2[%dma_start3A_209, %dma_start3A_210] : memref<20000x256xbf16, #tpu.memory_space<hbm>> -> memref<20000x256xbf16, #tpu.memory_space<hbm>>
          tpu.enqueue_indirect_dma source(%dma_start3A_211 : memref<20000x256xbf16, #tpu.memory_space<hbm>>) target(%dma_start3A_207 : memref<80x256xbf16, #tpu.memory_space<vmem>>) offsets(%dma_start3A_208 : memref<80xi32, #tpu.memory_space<vmem>>) semaphore(%arg15 : memref<!tpu.dma_semaphore, #tpu.memory_space<semaphore_mem>>)
        } else {
        }
        %dma_wait3A_93 = arith.constant 1 : i32
        %dma_wait3A_94 = arith.constant 0 : i32
        %dma_wait3A_95 = arith.constant 0 : i32
        %dma_wait3A_96 = tpu.memref_slice %arg11[%dma_wait3A_93, %dma_wait3A_94, %dma_wait3A_95] : memref<2x80x256xbf16, #tpu.memory_space<vmem>> -> memref<1x80x256xbf16, #tpu.memory_space<vmem>>
        %dma_wait3A_97 = tpu.memref_squeeze %dma_wait3A_96 : memref<1x80x256xbf16, #tpu.memory_space<vmem>> -> memref<80x256xbf16, #tpu.memory_space<vmem>>
        %dma_wait3A_98 = arith.constant 0 : i32
        %dma_wait3A_99 = tpu.memref_slice %arg7[%dma_wait3A_98] : memref<10000xi32, #tpu.memory_space<vmem>> -> memref<80xi32, #tpu.memory_space<vmem>>
        %dma_wait3A_100 = arith.constant 0 : i32
        %dma_wait3A_101 = arith.constant 0 : i32
        %dma_wait3A_102 = tpu.memref_slice %arg2[%dma_wait3A_100, %dma_wait3A_101] : memref<20000x256xbf16, #tpu.memory_space<hbm>> -> memref<20000x256xbf16, #tpu.memory_space<hbm>>
        tpu.wait_indirect_dma semaphore(%arg16 : memref<!tpu.dma_semaphore, #tpu.memory_space<semaphore_mem>>) src(%dma_wait3A_102 : memref<20000x256xbf16, #tpu.memory_space<hbm>>) dst(%dma_wait3A_97 : memref<80x256xbf16, #tpu.memory_space<vmem>>)
        %dma_wait3A_103 = arith.constant 0 : i32
        %dma_wait3A_104 = arith.constant 1 : i32
        %dma_wait3A_105 = arith.constant 0 : i32
        %dma_wait3A_106 = tpu.memref_slice %arg9[%dma_wait3A_104, %dma_wait3A_105] : memref<2x320xf32, #tpu.memory_space<vmem>> -> memref<1x320xf32, #tpu.memory_space<vmem>>
        %dma_wait3A_107 = tpu.memref_squeeze %dma_wait3A_106 : memref<1x320xf32, #tpu.memory_space<vmem>> -> memref<320xf32, #tpu.memory_space<vmem>>
        %dma_wait3A_108 = arith.constant 0 : i32
        %dma_wait3A_109 = tpu.memref_slice %arg3[%arg1, %dma_wait3A_103, %dma_wait3A_108] : memref<16x125x320xf32, #tpu.memory_space<hbm>> -> memref<1x1x320xf32, #tpu.memory_space<hbm>>
        %dma_wait3A_110 = tpu.memref_squeeze %dma_wait3A_109 : memref<1x1x320xf32, #tpu.memory_space<hbm>> -> memref<320xf32, #tpu.memory_space<hbm>>
        %dma_wait3A_111 = arith.constant 0 : i32
        %dma_wait3A_112 = tpu.memref_slice %arg9[%dma_wait3A_104, %dma_wait3A_111] : memref<2x320xf32, #tpu.memory_space<vmem>> -> memref<1x320xf32, #tpu.memory_space<vmem>>
        %dma_wait3A_113 = tpu.memref_squeeze %dma_wait3A_112 : memref<1x320xf32, #tpu.memory_space<vmem>> -> memref<320xf32, #tpu.memory_space<vmem>>
        %dma_wait3A_114 = arith.constant 0 : i32
        %dma_wait3A_115 = tpu.memref_slice %arg3[%arg1, %dma_wait3A_103, %dma_wait3A_114] : memref<16x125x320xf32, #tpu.memory_space<hbm>> -> memref<1x1x320xf32, #tpu.memory_space<hbm>>
        %dma_wait3A_116 = tpu.memref_squeeze %dma_wait3A_115 : memref<1x1x320xf32, #tpu.memory_space<hbm>> -> memref<320xf32, #tpu.memory_space<hbm>>
        tpu.wait_dma2 semaphore(%arg18 : memref<!tpu.dma_semaphore, #tpu.memory_space<semaphore_mem>>) src(%dma_wait3A_116 : memref<320xf32, #tpu.memory_space<hbm>>) dst(%dma_wait3A_113 : memref<320xf32, #tpu.memory_space<vmem>>)
        %ge3A = arith.constant 2 : i32
        %ge3A_117 = arith.cmpi sge, %scan3A_71, %ge3A : i32
        %convert_element_type3A_118 = arith.extui %ge3A_117 : i1 to i32
        %cond3A_119 = arith.constant 0 : i32
        %cond3A_120 = arith.cmpi ne, %convert_element_type3A_118, %cond3A_119 : i32
        scf.if %cond3A_120 {
          %dma_wait3A_184 = arith.constant 1 : i32
          %dma_wait3A_185 = arith.constant 1 : i32
          %dma_wait3A_186 = arith.constant 0 : i32
          %dma_wait3A_187 = arith.constant 0 : i32
          %dma_wait3A_188 = tpu.memref_slice %arg12[%dma_wait3A_184, %dma_wait3A_186, %dma_wait3A_187] : memref<2x80x64xf32, #tpu.memory_space<vmem>> -> memref<1x80x64xf32, #tpu.memory_space<vmem>>
          %dma_wait3A_189 = tpu.memref_squeeze %dma_wait3A_188 : memref<1x80x64xf32, #tpu.memory_space<vmem>> -> memref<80x64xf32, #tpu.memory_space<vmem>>
          %dma_wait3A_190 = arith.constant 0 : i32
          %dma_wait3A_191 = tpu.memref_slice %arg10[%dma_wait3A_185, %dma_wait3A_190] : memref<2x80xi32, #tpu.memory_space<vmem>> -> memref<1x80xi32, #tpu.memory_space<vmem>>
          %dma_wait3A_192 = tpu.memref_squeeze %dma_wait3A_191 : memref<1x80xi32, #tpu.memory_space<vmem>> -> memref<80xi32, #tpu.memory_space<vmem>>
          %dma_wait3A_193 = arith.constant 0 : i32
          %dma_wait3A_194 = arith.constant 0 : i32
          %dma_wait3A_195 = tpu.memref_slice %arg14[%dma_wait3A_193, %dma_wait3A_194] : memref<10000x64xf32, #tpu.memory_space<vmem_shared>> -> memref<10000x64xf32, #tpu.memory_space<vmem_shared>>
          tpu.wait_indirect_dma semaphore(%arg20 : memref<!tpu.dma_semaphore, #tpu.memory_space<semaphore_mem>>) src(%dma_wait3A_189 : memref<80x64xf32, #tpu.memory_space<vmem>>) dst(%dma_wait3A_195 : memref<10000x64xf32, #tpu.memory_space<vmem_shared>>)
        } else {
        }
        %mul3A_121 = arith.constant 80 : i32
        %mul3A_122 = arith.muli %scan3A_71, %mul3A_121 : i32
        %add3A_123 = arith.constant 0 : i32
        %add3A_124 = arith.addi %mul3A_122, %add3A_123 : i32
        %get3A = arith.index_cast %add3A_124 : i32 to index
        %get3A_125 = tpu.vector_load %arg8[%get3A] {strides = array<i32>} : memref<10000xi32, #tpu.memory_space<vmem>>, vector<16xi32>,
        %swap3A = arith.constant 1 : i32
        %swap3A_126 = arith.index_cast %swap3A : i32 to index
        %swap3A_127 = arith.constant 0 : index
        %swap3A_128 = tpu.vector_load %arg10[%swap3A_126, %swap3A_127] {strides = array<i32>} : memref<2x80xi32, #tpu.memory_space<vmem>>, vector<16xi32>,
        tpu.vector_store %arg10[%swap3A_126, %swap3A_127], %get3A_125 {strides = array<i32>} : memref<2x80xi32, #tpu.memory_space<vmem>>, vector<16xi32>,
        %mul3A_129 = arith.constant 80 : i32
        %mul3A_130 = arith.muli %scan3A_71, %mul3A_129 : i32
        %add3A_131 = arith.constant 16 : i32
        %add3A_132 = arith.addi %mul3A_130, %add3A_131 : i32
        %get3A_133 = arith.index_cast %add3A_132 : i32 to index
        %get3A_134 = tpu.vector_load %arg8[%get3A_133] {strides = array<i32>} : memref<10000xi32, #tpu.memory_space<vmem>>, vector<16xi32>,
        %swap3A_135 = arith.constant 1 : i32
        %swap3A_136 = arith.index_cast %swap3A_135 : i32 to index
        %swap3A_137 = arith.constant 16 : index
        %swap3A_138 = tpu.vector_load %arg10[%swap3A_136, %swap3A_137] {strides = array<i32>} : memref<2x80xi32, #tpu.memory_space<vmem>>, vector<16xi32>,
        tpu.vector_store %arg10[%swap3A_136, %swap3A_137], %get3A_134 {strides = array<i32>} : memref<2x80xi32, #tpu.memory_space<vmem>>, vector<16xi32>,
        %mul3A_139 = arith.constant 80 : i32
        %mul3A_140 = arith.muli %scan3A_71, %mul3A_139 : i32
        %add3A_141 = arith.constant 32 : i32
        %add3A_142 = arith.addi %mul3A_140, %add3A_141 : i32
        %get3A_143 = arith.index_cast %add3A_142 : i32 to index
        %get3A_144 = tpu.vector_load %arg8[%get3A_143] {strides = array<i32>} : memref<10000xi32, #tpu.memory_space<vmem>>, vector<16xi32>,
        %swap3A_145 = arith.constant 1 : i32
        %swap3A_146 = arith.index_cast %swap3A_145 : i32 to index
        %swap3A_147 = arith.constant 32 : index
        %swap3A_148 = tpu.vector_load %arg10[%swap3A_146, %swap3A_147] {strides = array<i32>} : memref<2x80xi32, #tpu.memory_space<vmem>>, vector<16xi32>,
        tpu.vector_store %arg10[%swap3A_146, %swap3A_147], %get3A_144 {strides = array<i32>} : memref<2x80xi32, #tpu.memory_space<vmem>>, vector<16xi32>,
        %mul3A_149 = arith.constant 80 : i32
        %mul3A_150 = arith.muli %scan3A_71, %mul3A_149 : i32
        %add3A_151 = arith.constant 48 : i32
        %add3A_152 = arith.addi %mul3A_150, %add3A_151 : i32
        %get3A_153 = arith.index_cast %add3A_152 : i32 to index
        %get3A_154 = tpu.vector_load %arg8[%get3A_153] {strides = array<i32>} : memref<10000xi32, #tpu.memory_space<vmem>>, vector<16xi32>,
        %swap3A_155 = arith.constant 1 : i32
        %swap3A_156 = arith.index_cast %swap3A_155 : i32 to index
        %swap3A_157 = arith.constant 48 : index
        %swap3A_158 = tpu.vector_load %arg10[%swap3A_156, %swap3A_157] {strides = array<i32>} : memref<2x80xi32, #tpu.memory_space<vmem>>, vector<16xi32>,
        tpu.vector_store %arg10[%swap3A_156, %swap3A_157], %get3A_154 {strides = array<i32>} : memref<2x80xi32, #tpu.memory_space<vmem>>, vector<16xi32>,
        %mul3A_159 = arith.constant 80 : i32
        %mul3A_160 = arith.muli %scan3A_71, %mul3A_159 : i32
        %add3A_161 = arith.constant 64 : i32
        %add3A_162 = arith.addi %mul3A_160, %add3A_161 : i32
        %get3A_163 = arith.index_cast %add3A_162 : i32 to index
        %get3A_164 = tpu.vector_load %arg8[%get3A_163] {strides = array<i32>} : memref<10000xi32, #tpu.memory_space<vmem>>, vector<16xi32>,
        %swap3A_165 = arith.constant 1 : i32
        %swap3A_166 = arith.index_cast %swap3A_165 : i32 to index
        %swap3A_167 = arith.constant 64 : index
        %swap3A_168 = tpu.vector_load %arg10[%swap3A_166, %swap3A_167] {strides = array<i32>} : memref<2x80xi32, #tpu.memory_space<vmem>>, vector<16xi32>,
        tpu.vector_store %arg10[%swap3A_166, %swap3A_167], %get3A_164 {strides = array<i32>} : memref<2x80xi32, #tpu.memory_space<vmem>>, vector<16xi32>,
        %parallel_loop3A_169 = arith.constant 0 : i32
        %parallel_loop3A_170 = arith.constant 20 : i32
        %parallel_loop3A_171 = arith.constant 1 : i32
        scf.for %parallel_loop3A_184 = %parallel_loop3A_169 to %parallel_loop3A_170 step %parallel_loop3A_171  : i32 {
          %parallel_loop3A_185 = arith.constant 16 : i32
          %parallel_loop3A_186 = arith.muli %parallel_loop3A_184, %parallel_loop3A_185 : i32
          %parallel_loop3A_187 = arith.constant 1 : i32
          %parallel_loop3A_188 = arith.index_cast %parallel_loop3A_187 : i32 to index
          %parallel_loop3A_189 = arith.index_cast %parallel_loop3A_186 : i32 to index
          %parallel_loop3A_190 = tpu.vector_load %arg9[%parallel_loop3A_188, %parallel_loop3A_189] {strides = array<i32>} : memref<2x320xf32, #tpu.memory_space<vmem>>, vector<16xf32>,
          %parallel_loop3A_191 = arith.constant 4 : i32
          %parallel_loop3A_192 = arith.muli %parallel_loop3A_184, %parallel_loop3A_191 : i32
          %parallel_loop3A_193 = arith.constant 0 : i32
          %parallel_loop3A_194 = arith.addi %parallel_loop3A_192, %parallel_loop3A_193 : i32
          %parallel_loop3A_195 = vector.extract_strided_slice %parallel_loop3A_190 {offsets = [0], sizes = [1], strides = [1]} : vector<16xf32> to vector<1xf32>
          %parallel_loop3A_196 = vector.extract %parallel_loop3A_195[0] : f32 from vector<1xf32>
          %parallel_loop3A_197 = vector.extract_strided_slice %parallel_loop3A_190 {offsets = [1], sizes = [1], strides = [1]} : vector<16xf32> to vector<1xf32>
          %parallel_loop3A_198 = vector.extract %parallel_loop3A_197[0] : f32 from vector<1xf32>
          %parallel_loop3A_199 = vector.extract_strided_slice %parallel_loop3A_190 {offsets = [2], sizes = [1], strides = [1]} : vector<16xf32> to vector<1xf32>
          %parallel_loop3A_200 = vector.extract %parallel_loop3A_199[0] : f32 from vector<1xf32>
          %parallel_loop3A_201 = vector.extract_strided_slice %parallel_loop3A_190 {offsets = [3], sizes = [1], strides = [1]} : vector<16xf32> to vector<1xf32>
          %parallel_loop3A_202 = vector.extract %parallel_loop3A_201[0] : f32 from vector<1xf32>
          %parallel_loop3A_203 = arith.constant 1 : i32
          %parallel_loop3A_204 = arith.index_cast %parallel_loop3A_203 : i32 to index
          %parallel_loop3A_205 = arith.index_cast %parallel_loop3A_194 : i32 to index
          %parallel_loop3A_206 = arith.constant 0 : index
          %parallel_loop3A_207 = tpu.vector_load %arg11[%parallel_loop3A_204, %parallel_loop3A_205, %parallel_loop3A_206] {strides = array<i32>} : memref<2x80x256xbf16, #tpu.memory_space<vmem>>, vector<32xbf16>,
          %parallel_loop3A_208 = tpu.unpack_subelements %parallel_loop3A_207, 0 {pack_format = #tpu.pack_format<interleaved>} : vector<32xbf16> -> vector<16xf32>
          %parallel_loop3A_209 = tpu.unpack_subelements %parallel_loop3A_207, 1 {pack_format = #tpu.pack_format<interleaved>} : vector<32xbf16> -> vector<16xf32>
          %parallel_loop3A_210 = vector.broadcast %parallel_loop3A_196 : f32 to vector<16xf32>
          %parallel_loop3A_211 = arith.mulf %parallel_loop3A_208, %parallel_loop3A_210 : vector<16xf32>
          %parallel_loop3A_212 = vector.broadcast %parallel_loop3A_196 : f32 to vector<16xf32>
          %parallel_loop3A_213 = arith.mulf %parallel_loop3A_209, %parallel_loop3A_212 : vector<16xf32>
          %parallel_loop3A_214 = arith.constant 1 : i32
          %parallel_loop3A_215 = arith.index_cast %parallel_loop3A_214 : i32 to index
          %parallel_loop3A_216 = arith.index_cast %parallel_loop3A_194 : i32 to index
          %parallel_loop3A_217 = arith.constant 64 : index
          %parallel_loop3A_218 = tpu.vector_load %arg11[%parallel_loop3A_215, %parallel_loop3A_216, %parallel_loop3A_217] {strides = array<i32>} : memref<2x80x256xbf16, #tpu.memory_space<vmem>>, vector<32xbf16>,
          %parallel_loop3A_219 = tpu.unpack_subelements %parallel_loop3A_218, 0 {pack_format = #tpu.pack_format<interleaved>} : vector<32xbf16> -> vector<16xf32>
          %parallel_loop3A_220 = tpu.unpack_subelements %parallel_loop3A_218, 1 {pack_format = #tpu.pack_format<interleaved>} : vector<32xbf16> -> vector<16xf32>
          %parallel_loop3A_221 = vector.broadcast %parallel_loop3A_198 : f32 to vector<16xf32>
          %parallel_loop3A_222 = arith.mulf %parallel_loop3A_219, %parallel_loop3A_221 : vector<16xf32>
          %parallel_loop3A_223 = arith.addf %parallel_loop3A_211, %parallel_loop3A_222 : vector<16xf32>
          %parallel_loop3A_224 = vector.broadcast %parallel_loop3A_198 : f32 to vector<16xf32>
          %parallel_loop3A_225 = arith.mulf %parallel_loop3A_220, %parallel_loop3A_224 : vector<16xf32>
          %parallel_loop3A_226 = arith.addf %parallel_loop3A_213, %parallel_loop3A_225 : vector<16xf32>
          %parallel_loop3A_227 = arith.constant 1 : i32
          %parallel_loop3A_228 = arith.index_cast %parallel_loop3A_227 : i32 to index
          %parallel_loop3A_229 = arith.index_cast %parallel_loop3A_194 : i32 to index
          %parallel_loop3A_230 = arith.constant 128 : index
          %parallel_loop3A_231 = tpu.vector_load %arg11[%parallel_loop3A_228, %parallel_loop3A_229, %parallel_loop3A_230] {strides = array<i32>} : memref<2x80x256xbf16, #tpu.memory_space<vmem>>, vector<32xbf16>,
          %parallel_loop3A_232 = tpu.unpack_subelements %parallel_loop3A_231, 0 {pack_format = #tpu.pack_format<interleaved>} : vector<32xbf16> -> vector<16xf32>
          %parallel_loop3A_233 = tpu.unpack_subelements %parallel_loop3A_231, 1 {pack_format = #tpu.pack_format<interleaved>} : vector<32xbf16> -> vector<16xf32>
          %parallel_loop3A_234 = vector.broadcast %parallel_loop3A_200 : f32 to vector<16xf32>
          %parallel_loop3A_235 = arith.mulf %parallel_loop3A_232, %parallel_loop3A_234 : vector<16xf32>
          %parallel_loop3A_236 = arith.addf %parallel_loop3A_223, %parallel_loop3A_235 : vector<16xf32>
          %parallel_loop3A_237 = vector.broadcast %parallel_loop3A_200 : f32 to vector<16xf32>
          %parallel_loop3A_238 = arith.mulf %parallel_loop3A_233, %parallel_loop3A_237 : vector<16xf32>
          %parallel_loop3A_239 = arith.addf %parallel_loop3A_226, %parallel_loop3A_238 : vector<16xf32>
          %parallel_loop3A_240 = arith.constant 1 : i32
          %parallel_loop3A_241 = arith.index_cast %parallel_loop3A_240 : i32 to index
          %parallel_loop3A_242 = arith.index_cast %parallel_loop3A_194 : i32 to index
          %parallel_loop3A_243 = arith.constant 192 : index
          %parallel_loop3A_244 = tpu.vector_load %arg11[%parallel_loop3A_241, %parallel_loop3A_242, %parallel_loop3A_243] {strides = array<i32>} : memref<2x80x256xbf16, #tpu.memory_space<vmem>>, vector<32xbf16>,
          %parallel_loop3A_245 = tpu.unpack_subelements %parallel_loop3A_244, 0 {pack_format = #tpu.pack_format<interleaved>} : vector<32xbf16> -> vector<16xf32>
          %parallel_loop3A_246 = tpu.unpack_subelements %parallel_loop3A_244, 1 {pack_format = #tpu.pack_format<interleaved>} : vector<32xbf16> -> vector<16xf32>
          %parallel_loop3A_247 = vector.broadcast %parallel_loop3A_202 : f32 to vector<16xf32>
          %parallel_loop3A_248 = arith.mulf %parallel_loop3A_245, %parallel_loop3A_247 : vector<16xf32>
          %parallel_loop3A_249 = arith.addf %parallel_loop3A_236, %parallel_loop3A_248 : vector<16xf32>
          %parallel_loop3A_250 = vector.broadcast %parallel_loop3A_202 : f32 to vector<16xf32>
          %parallel_loop3A_251 = arith.mulf %parallel_loop3A_246, %parallel_loop3A_250 : vector<16xf32>
          %parallel_loop3A_252 = arith.addf %parallel_loop3A_239, %parallel_loop3A_251 : vector<16xf32>
          %parallel_loop3A_253 = arith.constant 1 : i32
          %parallel_loop3A_254 = arith.index_cast %parallel_loop3A_253 : i32 to index
          %parallel_loop3A_255 = arith.index_cast %parallel_loop3A_194 : i32 to index
          %parallel_loop3A_256 = arith.constant 0 : index
          %parallel_loop3A_257 = tpu.vector_load %arg12[%parallel_loop3A_254, %parallel_loop3A_255, %parallel_loop3A_256] {strides = array<i32>} : memref<2x80x64xf32, #tpu.memory_space<vmem>>, vector<16xf32>,
          tpu.vector_store %arg12[%parallel_loop3A_254, %parallel_loop3A_255, %parallel_loop3A_256], %parallel_loop3A_249 {strides = array<i32>} : memref<2x80x64xf32, #tpu.memory_space<vmem>>, vector<16xf32>,
          %parallel_loop3A_258 = arith.constant 1 : i32
          %parallel_loop3A_259 = arith.index_cast %parallel_loop3A_258 : i32 to index
          %parallel_loop3A_260 = arith.index_cast %parallel_loop3A_194 : i32 to index
          %parallel_loop3A_261 = arith.constant 16 : index
          %parallel_loop3A_262 = tpu.vector_load %arg12[%parallel_loop3A_259, %parallel_loop3A_260, %parallel_loop3A_261] {strides = array<i32>} : memref<2x80x64xf32, #tpu.memory_space<vmem>>, vector<16xf32>,
          tpu.vector_store %arg12[%parallel_loop3A_259, %parallel_loop3A_260, %parallel_loop3A_261], %parallel_loop3A_252 {strides = array<i32>} : memref<2x80x64xf32, #tpu.memory_space<vmem>>, vector<16xf32>,
          %parallel_loop3A_263 = arith.constant 1 : i32
          %parallel_loop3A_264 = arith.index_cast %parallel_loop3A_263 : i32 to index
          %parallel_loop3A_265 = arith.index_cast %parallel_loop3A_194 : i32 to index
          %parallel_loop3A_266 = arith.constant 32 : index
          %parallel_loop3A_267 = tpu.vector_load %arg11[%parallel_loop3A_264, %parallel_loop3A_265, %parallel_loop3A_266] {strides = array<i32>} : memref<2x80x256xbf16, #tpu.memory_space<vmem>>, vector<32xbf16>,
          %parallel_loop3A_268 = tpu.unpack_subelements %parallel_loop3A_267, 0 {pack_format = #tpu.pack_format<interleaved>} : vector<32xbf16> -> vector<16xf32>
          %parallel_loop3A_269 = tpu.unpack_subelements %parallel_loop3A_267, 1 {pack_format = #tpu.pack_format<interleaved>} : vector<32xbf16> -> vector<16xf32>
          %parallel_loop3A_270 = vector.broadcast %parallel_loop3A_196 : f32 to vector<16xf32>
          %parallel_loop3A_271 = arith.mulf %parallel_loop3A_268, %parallel_loop3A_270 : vector<16xf32>
          %parallel_loop3A_272 = vector.broadcast %parallel_loop3A_196 : f32 to vector<16xf32>
          %parallel_loop3A_273 = arith.mulf %parallel_loop3A_269, %parallel_loop3A_272 : vector<16xf32>
          %parallel_loop3A_274 = arith.constant 1 : i32
          %parallel_loop3A_275 = arith.index_cast %parallel_loop3A_274 : i32 to index
          %parallel_loop3A_276 = arith.index_cast %parallel_loop3A_194 : i32 to index
          %parallel_loop3A_277 = arith.constant 96 : index
          %parallel_loop3A_278 = tpu.vector_load %arg11[%parallel_loop3A_275, %parallel_loop3A_276, %parallel_loop3A_277] {strides = array<i32>} : memref<2x80x256xbf16, #tpu.memory_space<vmem>>, vector<32xbf16>,
          %parallel_loop3A_279 = tpu.unpack_subelements %parallel_loop3A_278, 0 {pack_format = #tpu.pack_format<interleaved>} : vector<32xbf16> -> vector<16xf32>
          %parallel_loop3A_280 = tpu.unpack_subelements %parallel_loop3A_278, 1 {pack_format = #tpu.pack_format<interleaved>} : vector<32xbf16> -> vector<16xf32>
          %parallel_loop3A_281 = vector.broadcast %parallel_loop3A_198 : f32 to vector<16xf32>
          %parallel_loop3A_282 = arith.mulf %parallel_loop3A_279, %parallel_loop3A_281 : vector<16xf32>
          %parallel_loop3A_283 = arith.addf %parallel_loop3A_271, %parallel_loop3A_282 : vector<16xf32>
          %parallel_loop3A_284 = vector.broadcast %parallel_loop3A_198 : f32 to vector<16xf32>
          %parallel_loop3A_285 = arith.mulf %parallel_loop3A_280, %parallel_loop3A_284 : vector<16xf32>
          %parallel_loop3A_286 = arith.addf %parallel_loop3A_273, %parallel_loop3A_285 : vector<16xf32>
          %parallel_loop3A_287 = arith.constant 1 : i32
          %parallel_loop3A_288 = arith.index_cast %parallel_loop3A_287 : i32 to index
          %parallel_loop3A_289 = arith.index_cast %parallel_loop3A_194 : i32 to index
          %parallel_loop3A_290 = arith.constant 160 : index
          %parallel_loop3A_291 = tpu.vector_load %arg11[%parallel_loop3A_288, %parallel_loop3A_289, %parallel_loop3A_290] {strides = array<i32>} : memref<2x80x256xbf16, #tpu.memory_space<vmem>>, vector<32xbf16>,
          %parallel_loop3A_292 = tpu.unpack_subelements %parallel_loop3A_291, 0 {pack_format = #tpu.pack_format<interleaved>} : vector<32xbf16> -> vector<16xf32>
          %parallel_loop3A_293 = tpu.unpack_subelements %parallel_loop3A_291, 1 {pack_format = #tpu.pack_format<interleaved>} : vector<32xbf16> -> vector<16xf32>
          %parallel_loop3A_294 = vector.broadcast %parallel_loop3A_200 : f32 to vector<16xf32>
          %parallel_loop3A_295 = arith.mulf %parallel_loop3A_292, %parallel_loop3A_294 : vector<16xf32>
          %parallel_loop3A_296 = arith.addf %parallel_loop3A_283, %parallel_loop3A_295 : vector<16xf32>
          %parallel_loop3A_297 = vector.broadcast %parallel_loop3A_200 : f32 to vector<16xf32>
          %parallel_loop3A_298 = arith.mulf %parallel_loop3A_293, %parallel_loop3A_297 : vector<16xf32>
          %parallel_loop3A_299 = arith.addf %parallel_loop3A_286, %parallel_loop3A_298 : vector<16xf32>
          %parallel_loop3A_300 = arith.constant 1 : i32
          %parallel_loop3A_301 = arith.index_cast %parallel_loop3A_300 : i32 to index
          %parallel_loop3A_302 = arith.index_cast %parallel_loop3A_194 : i32 to index
          %parallel_loop3A_303 = arith.constant 224 : index
          %parallel_loop3A_304 = tpu.vector_load %arg11[%parallel_loop3A_301, %parallel_loop3A_302, %parallel_loop3A_303] {strides = array<i32>} : memref<2x80x256xbf16, #tpu.memory_space<vmem>>, vector<32xbf16>,
          %parallel_loop3A_305 = tpu.unpack_subelements %parallel_loop3A_304, 0 {pack_format = #tpu.pack_format<interleaved>} : vector<32xbf16> -> vector<16xf32>
          %parallel_loop3A_306 = tpu.unpack_subelements %parallel_loop3A_304, 1 {pack_format = #tpu.pack_format<interleaved>} : vector<32xbf16> -> vector<16xf32>
          %parallel_loop3A_307 = vector.broadcast %parallel_loop3A_202 : f32 to vector<16xf32>
          %parallel_loop3A_308 = arith.mulf %parallel_loop3A_305, %parallel_loop3A_307 : vector<16xf32>
          %parallel_loop3A_309 = arith.addf %parallel_loop3A_296, %parallel_loop3A_308 : vector<16xf32>
          %parallel_loop3A_310 = vector.broadcast %parallel_loop3A_202 : f32 to vector<16xf32>
          %parallel_loop3A_311 = arith.mulf %parallel_loop3A_306, %parallel_loop3A_310 : vector<16xf32>
          %parallel_loop3A_312 = arith.addf %parallel_loop3A_299, %parallel_loop3A_311 : vector<16xf32>
          %parallel_loop3A_313 = arith.constant 1 : i32
          %parallel_loop3A_314 = arith.index_cast %parallel_loop3A_313 : i32 to index
          %parallel_loop3A_315 = arith.index_cast %parallel_loop3A_194 : i32 to index
          %parallel_loop3A_316 = arith.constant 32 : index
          %parallel_loop3A_317 = tpu.vector_load %arg12[%parallel_loop3A_314, %parallel_loop3A_315, %parallel_loop3A_316] {strides = array<i32>} : memref<2x80x64xf32, #tpu.memory_space<vmem>>, vector<16xf32>,
          tpu.vector_store %arg12[%parallel_loop3A_314, %parallel_loop3A_315, %parallel_loop3A_316], %parallel_loop3A_309 {strides = array<i32>} : memref<2x80x64xf32, #tpu.memory_space<vmem>>, vector<16xf32>,
          %parallel_loop3A_318 = arith.constant 1 : i32
          %parallel_loop3A_319 = arith.index_cast %parallel_loop3A_318 : i32 to index
          %parallel_loop3A_320 = arith.index_cast %parallel_loop3A_194 : i32 to index
          %parallel_loop3A_321 = arith.constant 48 : index
          %parallel_loop3A_322 = tpu.vector_load %arg12[%parallel_loop3A_319, %parallel_loop3A_320, %parallel_loop3A_321] {strides = array<i32>} : memref<2x80x64xf32, #tpu.memory_space<vmem>>, vector<16xf32>,
          tpu.vector_store %arg12[%parallel_loop3A_319, %parallel_loop3A_320, %parallel_loop3A_321], %parallel_loop3A_312 {strides = array<i32>} : memref<2x80x64xf32, #tpu.memory_space<vmem>>, vector<16xf32>,
          %parallel_loop3A_323 = arith.constant 4 : i32
          %parallel_loop3A_324 = arith.muli %parallel_loop3A_184, %parallel_loop3A_323 : i32
          %parallel_loop3A_325 = arith.constant 1 : i32
          %parallel_loop3A_326 = arith.addi %parallel_loop3A_324, %parallel_loop3A_325 : i32
          %parallel_loop3A_327 = vector.extract_strided_slice %parallel_loop3A_190 {offsets = [4], sizes = [1], strides = [1]} : vector<16xf32> to vector<1xf32>
          %parallel_loop3A_328 = vector.extract %parallel_loop3A_327[0] : f32 from vector<1xf32>
          %parallel_loop3A_329 = vector.extract_strided_slice %parallel_loop3A_190 {offsets = [5], sizes = [1], strides = [1]} : vector<16xf32> to vector<1xf32>
          %parallel_loop3A_330 = vector.extract %parallel_loop3A_329[0] : f32 from vector<1xf32>
          %parallel_loop3A_331 = vector.extract_strided_slice %parallel_loop3A_190 {offsets = [6], sizes = [1], strides = [1]} : vector<16xf32> to vector<1xf32>
          %parallel_loop3A_332 = vector.extract %parallel_loop3A_331[0] : f32 from vector<1xf32>
          %parallel_loop3A_333 = vector.extract_strided_slice %parallel_loop3A_190 {offsets = [7], sizes = [1], strides = [1]} : vector<16xf32> to vector<1xf32>
          %parallel_loop3A_334 = vector.extract %parallel_loop3A_333[0] : f32 from vector<1xf32>
          %parallel_loop3A_335 = arith.constant 1 : i32
          %parallel_loop3A_336 = arith.index_cast %parallel_loop3A_335 : i32 to index
          %parallel_loop3A_337 = arith.index_cast %parallel_loop3A_326 : i32 to index
          %parallel_loop3A_338 = arith.constant 0 : index
          %parallel_loop3A_339 = tpu.vector_load %arg11[%parallel_loop3A_336, %parallel_loop3A_337, %parallel_loop3A_338] {strides = array<i32>} : memref<2x80x256xbf16, #tpu.memory_space<vmem>>, vector<32xbf16>,
          %parallel_loop3A_340 = tpu.unpack_subelements %parallel_loop3A_339, 0 {pack_format = #tpu.pack_format<interleaved>} : vector<32xbf16> -> vector<16xf32>
          %parallel_loop3A_341 = tpu.unpack_subelements %parallel_loop3A_339, 1 {pack_format = #tpu.pack_format<interleaved>} : vector<32xbf16> -> vector<16xf32>
          %parallel_loop3A_342 = vector.broadcast %parallel_loop3A_328 : f32 to vector<16xf32>
          %parallel_loop3A_343 = arith.mulf %parallel_loop3A_340, %parallel_loop3A_342 : vector<16xf32>
          %parallel_loop3A_344 = vector.broadcast %parallel_loop3A_328 : f32 to vector<16xf32>
          %parallel_loop3A_345 = arith.mulf %parallel_loop3A_341, %parallel_loop3A_344 : vector<16xf32>
          %parallel_loop3A_346 = arith.constant 1 : i32
          %parallel_loop3A_347 = arith.index_cast %parallel_loop3A_346 : i32 to index
          %parallel_loop3A_348 = arith.index_cast %parallel_loop3A_326 : i32 to index
          %parallel_loop3A_349 = arith.constant 64 : index
          %parallel_loop3A_350 = tpu.vector_load %arg11[%parallel_loop3A_347, %parallel_loop3A_348, %parallel_loop3A_349] {strides = array<i32>} : memref<2x80x256xbf16, #tpu.memory_space<vmem>>, vector<32xbf16>,
          %parallel_loop3A_351 = tpu.unpack_subelements %parallel_loop3A_350, 0 {pack_format = #tpu.pack_format<interleaved>} : vector<32xbf16> -> vector<16xf32>
          %parallel_loop3A_352 = tpu.unpack_subelements %parallel_loop3A_350, 1 {pack_format = #tpu.pack_format<interleaved>} : vector<32xbf16> -> vector<16xf32>
          %parallel_loop3A_353 = vector.broadcast %parallel_loop3A_330 : f32 to vector<16xf32>
          %parallel_loop3A_354 = arith.mulf %parallel_loop3A_351, %parallel_loop3A_353 : vector<16xf32>
          %parallel_loop3A_355 = arith.addf %parallel_loop3A_343, %parallel_loop3A_354 : vector<16xf32>
          %parallel_loop3A_356 = vector.broadcast %parallel_loop3A_330 : f32 to vector<16xf32>
          %parallel_loop3A_357 = arith.mulf %parallel_loop3A_352, %parallel_loop3A_356 : vector<16xf32>
          %parallel_loop3A_358 = arith.addf %parallel_loop3A_345, %parallel_loop3A_357 : vector<16xf32>
          %parallel_loop3A_359 = arith.constant 1 : i32
          %parallel_loop3A_360 = arith.index_cast %parallel_loop3A_359 : i32 to index
          %parallel_loop3A_361 = arith.index_cast %parallel_loop3A_326 : i32 to index
          %parallel_loop3A_362 = arith.constant 128 : index
          %parallel_loop3A_363 = tpu.vector_load %arg11[%parallel_loop3A_360, %parallel_loop3A_361, %parallel_loop3A_362] {strides = array<i32>} : memref<2x80x256xbf16, #tpu.memory_space<vmem>>, vector<32xbf16>,
          %parallel_loop3A_364 = tpu.unpack_subelements %parallel_loop3A_363, 0 {pack_format = #tpu.pack_format<interleaved>} : vector<32xbf16> -> vector<16xf32>
          %parallel_loop3A_365 = tpu.unpack_subelements %parallel_loop3A_363, 1 {pack_format = #tpu.pack_format<interleaved>} : vector<32xbf16> -> vector<16xf32>
          %parallel_loop3A_366 = vector.broadcast %parallel_loop3A_332 : f32 to vector<16xf32>
          %parallel_loop3A_367 = arith.mulf %parallel_loop3A_364, %parallel_loop3A_366 : vector<16xf32>
          %parallel_loop3A_368 = arith.addf %parallel_loop3A_355, %parallel_loop3A_367 : vector<16xf32>
          %parallel_loop3A_369 = vector.broadcast %parallel_loop3A_332 : f32 to vector<16xf32>
          %parallel_loop3A_370 = arith.mulf %parallel_loop3A_365, %parallel_loop3A_369 : vector<16xf32>
          %parallel_loop3A_371 = arith.addf %parallel_loop3A_358, %parallel_loop3A_370 : vector<16xf32>
          %parallel_loop3A_372 = arith.constant 1 : i32
          %parallel_loop3A_373 = arith.index_cast %parallel_loop3A_372 : i32 to index
          %parallel_loop3A_374 = arith.index_cast %parallel_loop3A_326 : i32 to index
          %parallel_loop3A_375 = arith.constant 192 : index
          %parallel_loop3A_376 = tpu.vector_load %arg11[%parallel_loop3A_373, %parallel_loop3A_374, %parallel_loop3A_375] {strides = array<i32>} : memref<2x80x256xbf16, #tpu.memory_space<vmem>>, vector<32xbf16>,
          %parallel_loop3A_377 = tpu.unpack_subelements %parallel_loop3A_376, 0 {pack_format = #tpu.pack_format<interleaved>} : vector<32xbf16> -> vector<16xf32>
          %parallel_loop3A_378 = tpu.unpack_subelements %parallel_loop3A_376, 1 {pack_format = #tpu.pack_format<interleaved>} : vector<32xbf16> -> vector<16xf32>
          %parallel_loop3A_379 = vector.broadcast %parallel_loop3A_334 : f32 to vector<16xf32>
          %parallel_loop3A_380 = arith.mulf %parallel_loop3A_377, %parallel_loop3A_379 : vector<16xf32>
          %parallel_loop3A_381 = arith.addf %parallel_loop3A_368, %parallel_loop3A_380 : vector<16xf32>
          %parallel_loop3A_382 = vector.broadcast %parallel_loop3A_334 : f32 to vector<16xf32>
          %parallel_loop3A_383 = arith.mulf %parallel_loop3A_378, %parallel_loop3A_382 : vector<16xf32>
          %parallel_loop3A_384 = arith.addf %parallel_loop3A_371, %parallel_loop3A_383 : vector<16xf32>
          %parallel_loop3A_385 = arith.constant 1 : i32
          %parallel_loop3A_386 = arith.index_cast %parallel_loop3A_385 : i32 to index
          %parallel_loop3A_387 = arith.index_cast %parallel_loop3A_326 : i32 to index
          %parallel_loop3A_388 = arith.constant 0 : index
          %parallel_loop3A_389 = tpu.vector_load %arg12[%parallel_loop3A_386, %parallel_loop3A_387, %parallel_loop3A_388] {strides = array<i32>} : memref<2x80x64xf32, #tpu.memory_space<vmem>>, vector<16xf32>,
          tpu.vector_store %arg12[%parallel_loop3A_386, %parallel_loop3A_387, %parallel_loop3A_388], %parallel_loop3A_381 {strides = array<i32>} : memref<2x80x64xf32, #tpu.memory_space<vmem>>, vector<16xf32>,
          %parallel_loop3A_390 = arith.constant 1 : i32
          %parallel_loop3A_391 = arith.index_cast %parallel_loop3A_390 : i32 to index
          %parallel_loop3A_392 = arith.index_cast %parallel_loop3A_326 : i32 to index
          %parallel_loop3A_393 = arith.constant 16 : index
          %parallel_loop3A_394 = tpu.vector_load %arg12[%parallel_loop3A_391, %parallel_loop3A_392, %parallel_loop3A_393] {strides = array<i32>} : memref<2x80x64xf32, #tpu.memory_space<vmem>>, vector<16xf32>,
          tpu.vector_store %arg12[%parallel_loop3A_391, %parallel_loop3A_392, %parallel_loop3A_393], %parallel_loop3A_384 {strides = array<i32>} : memref<2x80x64xf32, #tpu.memory_space<vmem>>, vector<16xf32>,
          %parallel_loop3A_395 = arith.constant 1 : i32
          %parallel_loop3A_396 = arith.index_cast %parallel_loop3A_395 : i32 to index
          %parallel_loop3A_397 = arith.index_cast %parallel_loop3A_326 : i32 to index
          %parallel_loop3A_398 = arith.constant 32 : index
          %parallel_loop3A_399 = tpu.vector_load %arg11[%parallel_loop3A_396, %parallel_loop3A_397, %parallel_loop3A_398] {strides = array<i32>} : memref<2x80x256xbf16, #tpu.memory_space<vmem>>, vector<32xbf16>,
          %parallel_loop3A_400 = tpu.unpack_subelements %parallel_loop3A_399, 0 {pack_format = #tpu.pack_format<interleaved>} : vector<32xbf16> -> vector<16xf32>
          %parallel_loop3A_401 = tpu.unpack_subelements %parallel_loop3A_399, 1 {pack_format = #tpu.pack_format<interleaved>} : vector<32xbf16> -> vector<16xf32>
          %parallel_loop3A_402 = vector.broadcast %parallel_loop3A_328 : f32 to vector<16xf32>
          %parallel_loop3A_403 = arith.mulf %parallel_loop3A_400, %parallel_loop3A_402 : vector<16xf32>
          %parallel_loop3A_404 = vector.broadcast %parallel_loop3A_328 : f32 to vector<16xf32>
          %parallel_loop3A_405 = arith.mulf %parallel_loop3A_401, %parallel_loop3A_404 : vector<16xf32>
          %parallel_loop3A_406 = arith.constant 1 : i32
          %parallel_loop3A_407 = arith.index_cast %parallel_loop3A_406 : i32 to index
          %parallel_loop3A_408 = arith.index_cast %parallel_loop3A_326 : i32 to index
          %parallel_loop3A_409 = arith.constant 96 : index
          %parallel_loop3A_410 = tpu.vector_load %arg11[%parallel_loop3A_407, %parallel_loop3A_408, %parallel_loop3A_409] {strides = array<i32>} : memref<2x80x256xbf16, #tpu.memory_space<vmem>>, vector<32xbf16>,
          %parallel_loop3A_411 = tpu.unpack_subelements %parallel_loop3A_410, 0 {pack_format = #tpu.pack_format<interleaved>} : vector<32xbf16> -> vector<16xf32>
          %parallel_loop3A_412 = tpu.unpack_subelements %parallel_loop3A_410, 1 {pack_format = #tpu.pack_format<interleaved>} : vector<32xbf16> -> vector<16xf32>
          %parallel_loop3A_413 = vector.broadcast %parallel_loop3A_330 : f32 to vector<16xf32>
          %parallel_loop3A_414 = arith.mulf %parallel_loop3A_411, %parallel_loop3A_413 : vector<16xf32>
          %parallel_loop3A_415 = arith.addf %parallel_loop3A_403, %parallel_loop3A_414 : vector<16xf32>
          %parallel_loop3A_416 = vector.broadcast %parallel_loop3A_330 : f32 to vector<16xf32>
          %parallel_loop3A_417 = arith.mulf %parallel_loop3A_412, %parallel_loop3A_416 : vector<16xf32>
          %parallel_loop3A_418 = arith.addf %parallel_loop3A_405, %parallel_loop3A_417 : vector<16xf32>
          %parallel_loop3A_419 = arith.constant 1 : i32
          %parallel_loop3A_420 = arith.index_cast %parallel_loop3A_419 : i32 to index
          %parallel_loop3A_421 = arith.index_cast %parallel_loop3A_326 : i32 to index
          %parallel_loop3A_422 = arith.constant 160 : index
          %parallel_loop3A_423 = tpu.vector_load %arg11[%parallel_loop3A_420, %parallel_loop3A_421, %parallel_loop3A_422] {strides = array<i32>} : memref<2x80x256xbf16, #tpu.memory_space<vmem>>, vector<32xbf16>,
          %parallel_loop3A_424 = tpu.unpack_subelements %parallel_loop3A_423, 0 {pack_format = #tpu.pack_format<interleaved>} : vector<32xbf16> -> vector<16xf32>
          %parallel_loop3A_425 = tpu.unpack_subelements %parallel_loop3A_423, 1 {pack_format = #tpu.pack_format<interleaved>} : vector<32xbf16> -> vector<16xf32>
          %parallel_loop3A_426 = vector.broadcast %parallel_loop3A_332 : f32 to vector<16xf32>
          %parallel_loop3A_427 = arith.mulf %parallel_loop3A_424, %parallel_loop3A_426 : vector<16xf32>
          %parallel_loop3A_428 = arith.addf %parallel_loop3A_415, %parallel_loop3A_427 : vector<16xf32>
          %parallel_loop3A_429 = vector.broadcast %parallel_loop3A_332 : f32 to vector<16xf32>
          %parallel_loop3A_430 = arith.mulf %parallel_loop3A_425, %parallel_loop3A_429 : vector<16xf32>
          %parallel_loop3A_431 = arith.addf %parallel_loop3A_418, %parallel_loop3A_430 : vector<16xf32>
          %parallel_loop3A_432 = arith.constant 1 : i32
          %parallel_loop3A_433 = arith.index_cast %parallel_loop3A_432 : i32 to index
          %parallel_loop3A_434 = arith.index_cast %parallel_loop3A_326 : i32 to index
          %parallel_loop3A_435 = arith.constant 224 : index
          %parallel_loop3A_436 = tpu.vector_load %arg11[%parallel_loop3A_433, %parallel_loop3A_434, %parallel_loop3A_435] {strides = array<i32>} : memref<2x80x256xbf16, #tpu.memory_space<vmem>>, vector<32xbf16>,
          %parallel_loop3A_437 = tpu.unpack_subelements %parallel_loop3A_436, 0 {pack_format = #tpu.pack_format<interleaved>} : vector<32xbf16> -> vector<16xf32>
          %parallel_loop3A_438 = tpu.unpack_subelements %parallel_loop3A_436, 1 {pack_format = #tpu.pack_format<interleaved>} : vector<32xbf16> -> vector<16xf32>
          %parallel_loop3A_439 = vector.broadcast %parallel_loop3A_334 : f32 to vector<16xf32>
          %parallel_loop3A_440 = arith.mulf %parallel_loop3A_437, %parallel_loop3A_439 : vector<16xf32>
          %parallel_loop3A_441 = arith.addf %parallel_loop3A_428, %parallel_loop3A_440 : vector<16xf32>
          %parallel_loop3A_442 = vector.broadcast %parallel_loop3A_334 : f32 to vector<16xf32>
          %parallel_loop3A_443 = arith.mulf %parallel_loop3A_438, %parallel_loop3A_442 : vector<16xf32>
          %parallel_loop3A_444 = arith.addf %parallel_loop3A_431, %parallel_loop3A_443 : vector<16xf32>
          %parallel_loop3A_445 = arith.constant 1 : i32
          %parallel_loop3A_446 = arith.index_cast %parallel_loop3A_445 : i32 to index
          %parallel_loop3A_447 = arith.index_cast %parallel_loop3A_326 : i32 to index
          %parallel_loop3A_448 = arith.constant 32 : index
          %parallel_loop3A_449 = tpu.vector_load %arg12[%parallel_loop3A_446, %parallel_loop3A_447, %parallel_loop3A_448] {strides = array<i32>} : memref<2x80x64xf32, #tpu.memory_space<vmem>>, vector<16xf32>,
          tpu.vector_store %arg12[%parallel_loop3A_446, %parallel_loop3A_447, %parallel_loop3A_448], %parallel_loop3A_441 {strides = array<i32>} : memref<2x80x64xf32, #tpu.memory_space<vmem>>, vector<16xf32>,
          %parallel_loop3A_450 = arith.constant 1 : i32
          %parallel_loop3A_451 = arith.index_cast %parallel_loop3A_450 : i32 to index
          %parallel_loop3A_452 = arith.index_cast %parallel_loop3A_326 : i32 to index
          %parallel_loop3A_453 = arith.constant 48 : index
          %parallel_loop3A_454 = tpu.vector_load %arg12[%parallel_loop3A_451, %parallel_loop3A_452, %parallel_loop3A_453] {strides = array<i32>} : memref<2x80x64xf32, #tpu.memory_space<vmem>>, vector<16xf32>,
          tpu.vector_store %arg12[%parallel_loop3A_451, %parallel_loop3A_452, %parallel_loop3A_453], %parallel_loop3A_444 {strides = array<i32>} : memref<2x80x64xf32, #tpu.memory_space<vmem>>, vector<16xf32>,
          %parallel_loop3A_455 = arith.constant 4 : i32
          %parallel_loop3A_456 = arith.muli %parallel_loop3A_184, %parallel_loop3A_455 : i32
          %parallel_loop3A_457 = arith.constant 2 : i32
          %parallel_loop3A_458 = arith.addi %parallel_loop3A_456, %parallel_loop3A_457 : i32
          %parallel_loop3A_459 = vector.extract_strided_slice %parallel_loop3A_190 {offsets = [8], sizes = [1], strides = [1]} : vector<16xf32> to vector<1xf32>
          %parallel_loop3A_460 = vector.extract %parallel_loop3A_459[0] : f32 from vector<1xf32>
          %parallel_loop3A_461 = vector.extract_strided_slice %parallel_loop3A_190 {offsets = [9], sizes = [1], strides = [1]} : vector<16xf32> to vector<1xf32>
          %parallel_loop3A_462 = vector.extract %parallel_loop3A_461[0] : f32 from vector<1xf32>
          %parallel_loop3A_463 = vector.extract_strided_slice %parallel_loop3A_190 {offsets = [10], sizes = [1], strides = [1]} : vector<16xf32> to vector<1xf32>
          %parallel_loop3A_464 = vector.extract %parallel_loop3A_463[0] : f32 from vector<1xf32>
          %parallel_loop3A_465 = vector.extract_strided_slice %parallel_loop3A_190 {offsets = [11], sizes = [1], strides = [1]} : vector<16xf32> to vector<1xf32>
          %parallel_loop3A_466 = vector.extract %parallel_loop3A_465[0] : f32 from vector<1xf32>
          %parallel_loop3A_467 = arith.constant 1 : i32
          %parallel_loop3A_468 = arith.index_cast %parallel_loop3A_467 : i32 to index
          %parallel_loop3A_469 = arith.index_cast %parallel_loop3A_458 : i32 to index
          %parallel_loop3A_470 = arith.constant 0 : index
          %parallel_loop3A_471 = tpu.vector_load %arg11[%parallel_loop3A_468, %parallel_loop3A_469, %parallel_loop3A_470] {strides = array<i32>} : memref<2x80x256xbf16, #tpu.memory_space<vmem>>, vector<32xbf16>,
          %parallel_loop3A_472 = tpu.unpack_subelements %parallel_loop3A_471, 0 {pack_format = #tpu.pack_format<interleaved>} : vector<32xbf16> -> vector<16xf32>
          %parallel_loop3A_473 = tpu.unpack_subelements %parallel_loop3A_471, 1 {pack_format = #tpu.pack_format<interleaved>} : vector<32xbf16> -> vector<16xf32>
          %parallel_loop3A_474 = vector.broadcast %parallel_loop3A_460 : f32 to vector<16xf32>
          %parallel_loop3A_475 = arith.mulf %parallel_loop3A_472, %parallel_loop3A_474 : vector<16xf32>
          %parallel_loop3A_476 = vector.broadcast %parallel_loop3A_460 : f32 to vector<16xf32>
          %parallel_loop3A_477 = arith.mulf %parallel_loop3A_473, %parallel_loop3A_476 : vector<16xf32>
          %parallel_loop3A_478 = arith.constant 1 : i32
          %parallel_loop3A_479 = arith.index_cast %parallel_loop3A_478 : i32 to index
          %parallel_loop3A_480 = arith.index_cast %parallel_loop3A_458 : i32 to index
          %parallel_loop3A_481 = arith.constant 64 : index
          %parallel_loop3A_482 = tpu.vector_load %arg11[%parallel_loop3A_479, %parallel_loop3A_480, %parallel_loop3A_481] {strides = array<i32>} : memref<2x80x256xbf16, #tpu.memory_space<vmem>>, vector<32xbf16>,
          %parallel_loop3A_483 = tpu.unpack_subelements %parallel_loop3A_482, 0 {pack_format = #tpu.pack_format<interleaved>} : vector<32xbf16> -> vector<16xf32>
          %parallel_loop3A_484 = tpu.unpack_subelements %parallel_loop3A_482, 1 {pack_format = #tpu.pack_format<interleaved>} : vector<32xbf16> -> vector<16xf32>
          %parallel_loop3A_485 = vector.broadcast %parallel_loop3A_462 : f32 to vector<16xf32>
          %parallel_loop3A_486 = arith.mulf %parallel_loop3A_483, %parallel_loop3A_485 : vector<16xf32>
          %parallel_loop3A_487 = arith.addf %parallel_loop3A_475, %parallel_loop3A_486 : vector<16xf32>
          %parallel_loop3A_488 = vector.broadcast %parallel_loop3A_462 : f32 to vector<16xf32>
          %parallel_loop3A_489 = arith.mulf %parallel_loop3A_484, %parallel_loop3A_488 : vector<16xf32>
          %parallel_loop3A_490 = arith.addf %parallel_loop3A_477, %parallel_loop3A_489 : vector<16xf32>
          %parallel_loop3A_491 = arith.constant 1 : i32
          %parallel_loop3A_492 = arith.index_cast %parallel_loop3A_491 : i32 to index
          %parallel_loop3A_493 = arith.index_cast %parallel_loop3A_458 : i32 to index
          %parallel_loop3A_494 = arith.constant 128 : index
          %parallel_loop3A_495 = tpu.vector_load %arg11[%parallel_loop3A_492, %parallel_loop3A_493, %parallel_loop3A_494] {strides = array<i32>} : memref<2x80x256xbf16, #tpu.memory_space<vmem>>, vector<32xbf16>,
          %parallel_loop3A_496 = tpu.unpack_subelements %parallel_loop3A_495, 0 {pack_format = #tpu.pack_format<interleaved>} : vector<32xbf16> -> vector<16xf32>
          %parallel_loop3A_497 = tpu.unpack_subelements %parallel_loop3A_495, 1 {pack_format = #tpu.pack_format<interleaved>} : vector<32xbf16> -> vector<16xf32>
          %parallel_loop3A_498 = vector.broadcast %parallel_loop3A_464 : f32 to vector<16xf32>
          %parallel_loop3A_499 = arith.mulf %parallel_loop3A_496, %parallel_loop3A_498 : vector<16xf32>
          %parallel_loop3A_500 = arith.addf %parallel_loop3A_487, %parallel_loop3A_499 : vector<16xf32>
          %parallel_loop3A_501 = vector.broadcast %parallel_loop3A_464 : f32 to vector<16xf32>
          %parallel_loop3A_502 = arith.mulf %parallel_loop3A_497, %parallel_loop3A_501 : vector<16xf32>
          %parallel_loop3A_503 = arith.addf %parallel_loop3A_490, %parallel_loop3A_502 : vector<16xf32>
          %parallel_loop3A_504 = arith.constant 1 : i32
          %parallel_loop3A_505 = arith.index_cast %parallel_loop3A_504 : i32 to index
          %parallel_loop3A_506 = arith.index_cast %parallel_loop3A_458 : i32 to index
          %parallel_loop3A_507 = arith.constant 192 : index
          %parallel_loop3A_508 = tpu.vector_load %arg11[%parallel_loop3A_505, %parallel_loop3A_506, %parallel_loop3A_507] {strides = array<i32>} : memref<2x80x256xbf16, #tpu.memory_space<vmem>>, vector<32xbf16>,
          %parallel_loop3A_509 = tpu.unpack_subelements %parallel_loop3A_508, 0 {pack_format = #tpu.pack_format<interleaved>} : vector<32xbf16> -> vector<16xf32>
          %parallel_loop3A_510 = tpu.unpack_subelements %parallel_loop3A_508, 1 {pack_format = #tpu.pack_format<interleaved>} : vector<32xbf16> -> vector<16xf32>
          %parallel_loop3A_511 = vector.broadcast %parallel_loop3A_466 : f32 to vector<16xf32>
          %parallel_loop3A_512 = arith.mulf %parallel_loop3A_509, %parallel_loop3A_511 : vector<16xf32>
          %parallel_loop3A_513 = arith.addf %parallel_loop3A_500, %parallel_loop3A_512 : vector<16xf32>
          %parallel_loop3A_514 = vector.broadcast %parallel_loop3A_466 : f32 to vector<16xf32>
          %parallel_loop3A_515 = arith.mulf %parallel_loop3A_510, %parallel_loop3A_514 : vector<16xf32>
          %parallel_loop3A_516 = arith.addf %parallel_loop3A_503, %parallel_loop3A_515 : vector<16xf32>
          %parallel_loop3A_517 = arith.constant 1 : i32
          %parallel_loop3A_518 = arith.index_cast %parallel_loop3A_517 : i32 to index
          %parallel_loop3A_519 = arith.index_cast %parallel_loop3A_458 : i32 to index
          %parallel_loop3A_520 = arith.constant 0 : index
          %parallel_loop3A_521 = tpu.vector_load %arg12[%parallel_loop3A_518, %parallel_loop3A_519, %parallel_loop3A_520] {strides = array<i32>} : memref<2x80x64xf32, #tpu.memory_space<vmem>>, vector<16xf32>,
          tpu.vector_store %arg12[%parallel_loop3A_518, %parallel_loop3A_519, %parallel_loop3A_520], %parallel_loop3A_513 {strides = array<i32>} : memref<2x80x64xf32, #tpu.memory_space<vmem>>, vector<16xf32>,
          %parallel_loop3A_522 = arith.constant 1 : i32
          %parallel_loop3A_523 = arith.index_cast %parallel_loop3A_522 : i32 to index
          %parallel_loop3A_524 = arith.index_cast %parallel_loop3A_458 : i32 to index
          %parallel_loop3A_525 = arith.constant 16 : index
          %parallel_loop3A_526 = tpu.vector_load %arg12[%parallel_loop3A_523, %parallel_loop3A_524, %parallel_loop3A_525] {strides = array<i32>} : memref<2x80x64xf32, #tpu.memory_space<vmem>>, vector<16xf32>,
          tpu.vector_store %arg12[%parallel_loop3A_523, %parallel_loop3A_524, %parallel_loop3A_525], %parallel_loop3A_516 {strides = array<i32>} : memref<2x80x64xf32, #tpu.memory_space<vmem>>, vector<16xf32>,
          %parallel_loop3A_527 = arith.constant 1 : i32
          %parallel_loop3A_528 = arith.index_cast %parallel_loop3A_527 : i32 to index
          %parallel_loop3A_529 = arith.index_cast %parallel_loop3A_458 : i32 to index
          %parallel_loop3A_530 = arith.constant 32 : index
          %parallel_loop3A_531 = tpu.vector_load %arg11[%parallel_loop3A_528, %parallel_loop3A_529, %parallel_loop3A_530] {strides = array<i32>} : memref<2x80x256xbf16, #tpu.memory_space<vmem>>, vector<32xbf16>,
          %parallel_loop3A_532 = tpu.unpack_subelements %parallel_loop3A_531, 0 {pack_format = #tpu.pack_format<interleaved>} : vector<32xbf16> -> vector<16xf32>
          %parallel_loop3A_533 = tpu.unpack_subelements %parallel_loop3A_531, 1 {pack_format = #tpu.pack_format<interleaved>} : vector<32xbf16> -> vector<16xf32>
          %parallel_loop3A_534 = vector.broadcast %parallel_loop3A_460 : f32 to vector<16xf32>
          %parallel_loop3A_535 = arith.mulf %parallel_loop3A_532, %parallel_loop3A_534 : vector<16xf32>
          %parallel_loop3A_536 = vector.broadcast %parallel_loop3A_460 : f32 to vector<16xf32>
          %parallel_loop3A_537 = arith.mulf %parallel_loop3A_533, %parallel_loop3A_536 : vector<16xf32>
          %parallel_loop3A_538 = arith.constant 1 : i32
          %parallel_loop3A_539 = arith.index_cast %parallel_loop3A_538 : i32 to index
          %parallel_loop3A_540 = arith.index_cast %parallel_loop3A_458 : i32 to index
          %parallel_loop3A_541 = arith.constant 96 : index
          %parallel_loop3A_542 = tpu.vector_load %arg11[%parallel_loop3A_539, %parallel_loop3A_540, %parallel_loop3A_541] {strides = array<i32>} : memref<2x80x256xbf16, #tpu.memory_space<vmem>>, vector<32xbf16>,
          %parallel_loop3A_543 = tpu.unpack_subelements %parallel_loop3A_542, 0 {pack_format = #tpu.pack_format<interleaved>} : vector<32xbf16> -> vector<16xf32>
          %parallel_loop3A_544 = tpu.unpack_subelements %parallel_loop3A_542, 1 {pack_format = #tpu.pack_format<interleaved>} : vector<32xbf16> -> vector<16xf32>
          %parallel_loop3A_545 = vector.broadcast %parallel_loop3A_462 : f32 to vector<16xf32>
          %parallel_loop3A_546 = arith.mulf %parallel_loop3A_543, %parallel_loop3A_545 : vector<16xf32>
          %parallel_loop3A_547 = arith.addf %parallel_loop3A_535, %parallel_loop3A_546 : vector<16xf32>
          %parallel_loop3A_548 = vector.broadcast %parallel_loop3A_462 : f32 to vector<16xf32>
          %parallel_loop3A_549 = arith.mulf %parallel_loop3A_544, %parallel_loop3A_548 : vector<16xf32>
          %parallel_loop3A_550 = arith.addf %parallel_loop3A_537, %parallel_loop3A_549 : vector<16xf32>
          %parallel_loop3A_551 = arith.constant 1 : i32
          %parallel_loop3A_552 = arith.index_cast %parallel_loop3A_551 : i32 to index
          %parallel_loop3A_553 = arith.index_cast %parallel_loop3A_458 : i32 to index
          %parallel_loop3A_554 = arith.constant 160 : index
          %parallel_loop3A_555 = tpu.vector_load %arg11[%parallel_loop3A_552, %parallel_loop3A_553, %parallel_loop3A_554] {strides = array<i32>} : memref<2x80x256xbf16, #tpu.memory_space<vmem>>, vector<32xbf16>,
          %parallel_loop3A_556 = tpu.unpack_subelements %parallel_loop3A_555, 0 {pack_format = #tpu.pack_format<interleaved>} : vector<32xbf16> -> vector<16xf32>
          %parallel_loop3A_557 = tpu.unpack_subelements %parallel_loop3A_555, 1 {pack_format = #tpu.pack_format<interleaved>} : vector<32xbf16> -> vector<16xf32>
          %parallel_loop3A_558 = vector.broadcast %parallel_loop3A_464 : f32 to vector<16xf32>
          %parallel_loop3A_559 = arith.mulf %parallel_loop3A_556, %parallel_loop3A_558 : vector<16xf32>
          %parallel_loop3A_560 = arith.addf %parallel_loop3A_547, %parallel_loop3A_559 : vector<16xf32>
          %parallel_loop3A_561 = vector.broadcast %parallel_loop3A_464 : f32 to vector<16xf32>
          %parallel_loop3A_562 = arith.mulf %parallel_loop3A_557, %parallel_loop3A_561 : vector<16xf32>
          %parallel_loop3A_563 = arith.addf %parallel_loop3A_550, %parallel_loop3A_562 : vector<16xf32>
          %parallel_loop3A_564 = arith.constant 1 : i32
          %parallel_loop3A_565 = arith.index_cast %parallel_loop3A_564 : i32 to index
          %parallel_loop3A_566 = arith.index_cast %parallel_loop3A_458 : i32 to index
          %parallel_loop3A_567 = arith.constant 224 : index
          %parallel_loop3A_568 = tpu.vector_load %arg11[%parallel_loop3A_565, %parallel_loop3A_566, %parallel_loop3A_567] {strides = array<i32>} : memref<2x80x256xbf16, #tpu.memory_space<vmem>>, vector<32xbf16>,
          %parallel_loop3A_569 = tpu.unpack_subelements %parallel_loop3A_568, 0 {pack_format = #tpu.pack_format<interleaved>} : vector<32xbf16> -> vector<16xf32>
          %parallel_loop3A_570 = tpu.unpack_subelements %parallel_loop3A_568, 1 {pack_format = #tpu.pack_format<interleaved>} : vector<32xbf16> -> vector<16xf32>
          %parallel_loop3A_571 = vector.broadcast %parallel_loop3A_466 : f32 to vector<16xf32>
          %parallel_loop3A_572 = arith.mulf %parallel_loop3A_569, %parallel_loop3A_571 : vector<16xf32>
          %parallel_loop3A_573 = arith.addf %parallel_loop3A_560, %parallel_loop3A_572 : vector<16xf32>
          %parallel_loop3A_574 = vector.broadcast %parallel_loop3A_466 : f32 to vector<16xf32>
          %parallel_loop3A_575 = arith.mulf %parallel_loop3A_570, %parallel_loop3A_574 : vector<16xf32>
          %parallel_loop3A_576 = arith.addf %parallel_loop3A_563, %parallel_loop3A_575 : vector<16xf32>
          %parallel_loop3A_577 = arith.constant 1 : i32
          %parallel_loop3A_578 = arith.index_cast %parallel_loop3A_577 : i32 to index
          %parallel_loop3A_579 = arith.index_cast %parallel_loop3A_458 : i32 to index
          %parallel_loop3A_580 = arith.constant 32 : index
          %parallel_loop3A_581 = tpu.vector_load %arg12[%parallel_loop3A_578, %parallel_loop3A_579, %parallel_loop3A_580] {strides = array<i32>} : memref<2x80x64xf32, #tpu.memory_space<vmem>>, vector<16xf32>,
          tpu.vector_store %arg12[%parallel_loop3A_578, %parallel_loop3A_579, %parallel_loop3A_580], %parallel_loop3A_573 {strides = array<i32>} : memref<2x80x64xf32, #tpu.memory_space<vmem>>, vector<16xf32>,
          %parallel_loop3A_582 = arith.constant 1 : i32
          %parallel_loop3A_583 = arith.index_cast %parallel_loop3A_582 : i32 to index
          %parallel_loop3A_584 = arith.index_cast %parallel_loop3A_458 : i32 to index
          %parallel_loop3A_585 = arith.constant 48 : index
          %parallel_loop3A_586 = tpu.vector_load %arg12[%parallel_loop3A_583, %parallel_loop3A_584, %parallel_loop3A_585] {strides = array<i32>} : memref<2x80x64xf32, #tpu.memory_space<vmem>>, vector<16xf32>,
          tpu.vector_store %arg12[%parallel_loop3A_583, %parallel_loop3A_584, %parallel_loop3A_585], %parallel_loop3A_576 {strides = array<i32>} : memref<2x80x64xf32, #tpu.memory_space<vmem>>, vector<16xf32>,
          %parallel_loop3A_587 = arith.constant 4 : i32
          %parallel_loop3A_588 = arith.muli %parallel_loop3A_184, %parallel_loop3A_587 : i32
          %parallel_loop3A_589 = arith.constant 3 : i32
          %parallel_loop3A_590 = arith.addi %parallel_loop3A_588, %parallel_loop3A_589 : i32
          %parallel_loop3A_591 = vector.extract_strided_slice %parallel_loop3A_190 {offsets = [12], sizes = [1], strides = [1]} : vector<16xf32> to vector<1xf32>
          %parallel_loop3A_592 = vector.extract %parallel_loop3A_591[0] : f32 from vector<1xf32>
          %parallel_loop3A_593 = vector.extract_strided_slice %parallel_loop3A_190 {offsets = [13], sizes = [1], strides = [1]} : vector<16xf32> to vector<1xf32>
          %parallel_loop3A_594 = vector.extract %parallel_loop3A_593[0] : f32 from vector<1xf32>
          %parallel_loop3A_595 = vector.extract_strided_slice %parallel_loop3A_190 {offsets = [14], sizes = [1], strides = [1]} : vector<16xf32> to vector<1xf32>
          %parallel_loop3A_596 = vector.extract %parallel_loop3A_595[0] : f32 from vector<1xf32>
          %parallel_loop3A_597 = vector.extract_strided_slice %parallel_loop3A_190 {offsets = [15], sizes = [1], strides = [1]} : vector<16xf32> to vector<1xf32>
          %parallel_loop3A_598 = vector.extract %parallel_loop3A_597[0] : f32 from vector<1xf32>
          %parallel_loop3A_599 = arith.constant 1 : i32
          %parallel_loop3A_600 = arith.index_cast %parallel_loop3A_599 : i32 to index
          %parallel_loop3A_601 = arith.index_cast %parallel_loop3A_590 : i32 to index
          %parallel_loop3A_602 = arith.constant 0 : index
          %parallel_loop3A_603 = tpu.vector_load %arg11[%parallel_loop3A_600, %parallel_loop3A_601, %parallel_loop3A_602] {strides = array<i32>} : memref<2x80x256xbf16, #tpu.memory_space<vmem>>, vector<32xbf16>,
          %parallel_loop3A_604 = tpu.unpack_subelements %parallel_loop3A_603, 0 {pack_format = #tpu.pack_format<interleaved>} : vector<32xbf16> -> vector<16xf32>
          %parallel_loop3A_605 = tpu.unpack_subelements %parallel_loop3A_603, 1 {pack_format = #tpu.pack_format<interleaved>} : vector<32xbf16> -> vector<16xf32>
          %parallel_loop3A_606 = vector.broadcast %parallel_loop3A_592 : f32 to vector<16xf32>
          %parallel_loop3A_607 = arith.mulf %parallel_loop3A_604, %parallel_loop3A_606 : vector<16xf32>
          %parallel_loop3A_608 = vector.broadcast %parallel_loop3A_592 : f32 to vector<16xf32>
          %parallel_loop3A_609 = arith.mulf %parallel_loop3A_605, %parallel_loop3A_608 : vector<16xf32>
          %parallel_loop3A_610 = arith.constant 1 : i32
          %parallel_loop3A_611 = arith.index_cast %parallel_loop3A_610 : i32 to index
          %parallel_loop3A_612 = arith.index_cast %parallel_loop3A_590 : i32 to index
          %parallel_loop3A_613 = arith.constant 64 : index
          %parallel_loop3A_614 = tpu.vector_load %arg11[%parallel_loop3A_611, %parallel_loop3A_612, %parallel_loop3A_613] {strides = array<i32>} : memref<2x80x256xbf16, #tpu.memory_space<vmem>>, vector<32xbf16>,
          %parallel_loop3A_615 = tpu.unpack_subelements %parallel_loop3A_614, 0 {pack_format = #tpu.pack_format<interleaved>} : vector<32xbf16> -> vector<16xf32>
          %parallel_loop3A_616 = tpu.unpack_subelements %parallel_loop3A_614, 1 {pack_format = #tpu.pack_format<interleaved>} : vector<32xbf16> -> vector<16xf32>
          %parallel_loop3A_617 = vector.broadcast %parallel_loop3A_594 : f32 to vector<16xf32>
          %parallel_loop3A_618 = arith.mulf %parallel_loop3A_615, %parallel_loop3A_617 : vector<16xf32>
          %parallel_loop3A_619 = arith.addf %parallel_loop3A_607, %parallel_loop3A_618 : vector<16xf32>
          %parallel_loop3A_620 = vector.broadcast %parallel_loop3A_594 : f32 to vector<16xf32>
          %parallel_loop3A_621 = arith.mulf %parallel_loop3A_616, %parallel_loop3A_620 : vector<16xf32>
          %parallel_loop3A_622 = arith.addf %parallel_loop3A_609, %parallel_loop3A_621 : vector<16xf32>
          %parallel_loop3A_623 = arith.constant 1 : i32
          %parallel_loop3A_624 = arith.index_cast %parallel_loop3A_623 : i32 to index
          %parallel_loop3A_625 = arith.index_cast %parallel_loop3A_590 : i32 to index
          %parallel_loop3A_626 = arith.constant 128 : index
          %parallel_loop3A_627 = tpu.vector_load %arg11[%parallel_loop3A_624, %parallel_loop3A_625, %parallel_loop3A_626] {strides = array<i32>} : memref<2x80x256xbf16, #tpu.memory_space<vmem>>, vector<32xbf16>,
          %parallel_loop3A_628 = tpu.unpack_subelements %parallel_loop3A_627, 0 {pack_format = #tpu.pack_format<interleaved>} : vector<32xbf16> -> vector<16xf32>
          %parallel_loop3A_629 = tpu.unpack_subelements %parallel_loop3A_627, 1 {pack_format = #tpu.pack_format<interleaved>} : vector<32xbf16> -> vector<16xf32>
          %parallel_loop3A_630 = vector.broadcast %parallel_loop3A_596 : f32 to vector<16xf32>
          %parallel_loop3A_631 = arith.mulf %parallel_loop3A_628, %parallel_loop3A_630 : vector<16xf32>
          %parallel_loop3A_632 = arith.addf %parallel_loop3A_619, %parallel_loop3A_631 : vector<16xf32>
          %parallel_loop3A_633 = vector.broadcast %parallel_loop3A_596 : f32 to vector<16xf32>
          %parallel_loop3A_634 = arith.mulf %parallel_loop3A_629, %parallel_loop3A_633 : vector<16xf32>
          %parallel_loop3A_635 = arith.addf %parallel_loop3A_622, %parallel_loop3A_634 : vector<16xf32>
          %parallel_loop3A_636 = arith.constant 1 : i32
          %parallel_loop3A_637 = arith.index_cast %parallel_loop3A_636 : i32 to index
          %parallel_loop3A_638 = arith.index_cast %parallel_loop3A_590 : i32 to index
          %parallel_loop3A_639 = arith.constant 192 : index
          %parallel_loop3A_640 = tpu.vector_load %arg11[%parallel_loop3A_637, %parallel_loop3A_638, %parallel_loop3A_639] {strides = array<i32>} : memref<2x80x256xbf16, #tpu.memory_space<vmem>>, vector<32xbf16>,
          %parallel_loop3A_641 = tpu.unpack_subelements %parallel_loop3A_640, 0 {pack_format = #tpu.pack_format<interleaved>} : vector<32xbf16> -> vector<16xf32>
          %parallel_loop3A_642 = tpu.unpack_subelements %parallel_loop3A_640, 1 {pack_format = #tpu.pack_format<interleaved>} : vector<32xbf16> -> vector<16xf32>
          %parallel_loop3A_643 = vector.broadcast %parallel_loop3A_598 : f32 to vector<16xf32>
          %parallel_loop3A_644 = arith.mulf %parallel_loop3A_641, %parallel_loop3A_643 : vector<16xf32>
          %parallel_loop3A_645 = arith.addf %parallel_loop3A_632, %parallel_loop3A_644 : vector<16xf32>
          %parallel_loop3A_646 = vector.broadcast %parallel_loop3A_598 : f32 to vector<16xf32>
          %parallel_loop3A_647 = arith.mulf %parallel_loop3A_642, %parallel_loop3A_646 : vector<16xf32>
          %parallel_loop3A_648 = arith.addf %parallel_loop3A_635, %parallel_loop3A_647 : vector<16xf32>
          %parallel_loop3A_649 = arith.constant 1 : i32
          %parallel_loop3A_650 = arith.index_cast %parallel_loop3A_649 : i32 to index
          %parallel_loop3A_651 = arith.index_cast %parallel_loop3A_590 : i32 to index
          %parallel_loop3A_652 = arith.constant 0 : index
          %parallel_loop3A_653 = tpu.vector_load %arg12[%parallel_loop3A_650, %parallel_loop3A_651, %parallel_loop3A_652] {strides = array<i32>} : memref<2x80x64xf32, #tpu.memory_space<vmem>>, vector<16xf32>,
          tpu.vector_store %arg12[%parallel_loop3A_650, %parallel_loop3A_651, %parallel_loop3A_652], %parallel_loop3A_645 {strides = array<i32>} : memref<2x80x64xf32, #tpu.memory_space<vmem>>, vector<16xf32>,
          %parallel_loop3A_654 = arith.constant 1 : i32
          %parallel_loop3A_655 = arith.index_cast %parallel_loop3A_654 : i32 to index
          %parallel_loop3A_656 = arith.index_cast %parallel_loop3A_590 : i32 to index
          %parallel_loop3A_657 = arith.constant 16 : index
          %parallel_loop3A_658 = tpu.vector_load %arg12[%parallel_loop3A_655, %parallel_loop3A_656, %parallel_loop3A_657] {strides = array<i32>} : memref<2x80x64xf32, #tpu.memory_space<vmem>>, vector<16xf32>,
          tpu.vector_store %arg12[%parallel_loop3A_655, %parallel_loop3A_656, %parallel_loop3A_657], %parallel_loop3A_648 {strides = array<i32>} : memref<2x80x64xf32, #tpu.memory_space<vmem>>, vector<16xf32>,
          %parallel_loop3A_659 = arith.constant 1 : i32
          %parallel_loop3A_660 = arith.index_cast %parallel_loop3A_659 : i32 to index
          %parallel_loop3A_661 = arith.index_cast %parallel_loop3A_590 : i32 to index
          %parallel_loop3A_662 = arith.constant 32 : index
          %parallel_loop3A_663 = tpu.vector_load %arg11[%parallel_loop3A_660, %parallel_loop3A_661, %parallel_loop3A_662] {strides = array<i32>} : memref<2x80x256xbf16, #tpu.memory_space<vmem>>, vector<32xbf16>,
          %parallel_loop3A_664 = tpu.unpack_subelements %parallel_loop3A_663, 0 {pack_format = #tpu.pack_format<interleaved>} : vector<32xbf16> -> vector<16xf32>
          %parallel_loop3A_665 = tpu.unpack_subelements %parallel_loop3A_663, 1 {pack_format = #tpu.pack_format<interleaved>} : vector<32xbf16> -> vector<16xf32>
          %parallel_loop3A_666 = vector.broadcast %parallel_loop3A_592 : f32 to vector<16xf32>
          %parallel_loop3A_667 = arith.mulf %parallel_loop3A_664, %parallel_loop3A_666 : vector<16xf32>
          %parallel_loop3A_668 = vector.broadcast %parallel_loop3A_592 : f32 to vector<16xf32>
          %parallel_loop3A_669 = arith.mulf %parallel_loop3A_665, %parallel_loop3A_668 : vector<16xf32>
          %parallel_loop3A_670 = arith.constant 1 : i32
          %parallel_loop3A_671 = arith.index_cast %parallel_loop3A_670 : i32 to index
          %parallel_loop3A_672 = arith.index_cast %parallel_loop3A_590 : i32 to index
          %parallel_loop3A_673 = arith.constant 96 : index
          %parallel_loop3A_674 = tpu.vector_load %arg11[%parallel_loop3A_671, %parallel_loop3A_672, %parallel_loop3A_673] {strides = array<i32>} : memref<2x80x256xbf16, #tpu.memory_space<vmem>>, vector<32xbf16>,
          %parallel_loop3A_675 = tpu.unpack_subelements %parallel_loop3A_674, 0 {pack_format = #tpu.pack_format<interleaved>} : vector<32xbf16> -> vector<16xf32>
          %parallel_loop3A_676 = tpu.unpack_subelements %parallel_loop3A_674, 1 {pack_format = #tpu.pack_format<interleaved>} : vector<32xbf16> -> vector<16xf32>
          %parallel_loop3A_677 = vector.broadcast %parallel_loop3A_594 : f32 to vector<16xf32>
          %parallel_loop3A_678 = arith.mulf %parallel_loop3A_675, %parallel_loop3A_677 : vector<16xf32>
          %parallel_loop3A_679 = arith.addf %parallel_loop3A_667, %parallel_loop3A_678 : vector<16xf32>
          %parallel_loop3A_680 = vector.broadcast %parallel_loop3A_594 : f32 to vector<16xf32>
          %parallel_loop3A_681 = arith.mulf %parallel_loop3A_676, %parallel_loop3A_680 : vector<16xf32>
          %parallel_loop3A_682 = arith.addf %parallel_loop3A_669, %parallel_loop3A_681 : vector<16xf32>
          %parallel_loop3A_683 = arith.constant 1 : i32
          %parallel_loop3A_684 = arith.index_cast %parallel_loop3A_683 : i32 to index
          %parallel_loop3A_685 = arith.index_cast %parallel_loop3A_590 : i32 to index
          %parallel_loop3A_686 = arith.constant 160 : index
          %parallel_loop3A_687 = tpu.vector_load %arg11[%parallel_loop3A_684, %parallel_loop3A_685, %parallel_loop3A_686] {strides = array<i32>} : memref<2x80x256xbf16, #tpu.memory_space<vmem>>, vector<32xbf16>,
          %parallel_loop3A_688 = tpu.unpack_subelements %parallel_loop3A_687, 0 {pack_format = #tpu.pack_format<interleaved>} : vector<32xbf16> -> vector<16xf32>
          %parallel_loop3A_689 = tpu.unpack_subelements %parallel_loop3A_687, 1 {pack_format = #tpu.pack_format<interleaved>} : vector<32xbf16> -> vector<16xf32>
          %parallel_loop3A_690 = vector.broadcast %parallel_loop3A_596 : f32 to vector<16xf32>
          %parallel_loop3A_691 = arith.mulf %parallel_loop3A_688, %parallel_loop3A_690 : vector<16xf32>
          %parallel_loop3A_692 = arith.addf %parallel_loop3A_679, %parallel_loop3A_691 : vector<16xf32>
          %parallel_loop3A_693 = vector.broadcast %parallel_loop3A_596 : f32 to vector<16xf32>
          %parallel_loop3A_694 = arith.mulf %parallel_loop3A_689, %parallel_loop3A_693 : vector<16xf32>
          %parallel_loop3A_695 = arith.addf %parallel_loop3A_682, %parallel_loop3A_694 : vector<16xf32>
          %parallel_loop3A_696 = arith.constant 1 : i32
          %parallel_loop3A_697 = arith.index_cast %parallel_loop3A_696 : i32 to index
          %parallel_loop3A_698 = arith.index_cast %parallel_loop3A_590 : i32 to index
          %parallel_loop3A_699 = arith.constant 224 : index
          %parallel_loop3A_700 = tpu.vector_load %arg11[%parallel_loop3A_697, %parallel_loop3A_698, %parallel_loop3A_699] {strides = array<i32>} : memref<2x80x256xbf16, #tpu.memory_space<vmem>>, vector<32xbf16>,
          %parallel_loop3A_701 = tpu.unpack_subelements %parallel_loop3A_700, 0 {pack_format = #tpu.pack_format<interleaved>} : vector<32xbf16> -> vector<16xf32>
          %parallel_loop3A_702 = tpu.unpack_subelements %parallel_loop3A_700, 1 {pack_format = #tpu.pack_format<interleaved>} : vector<32xbf16> -> vector<16xf32>
          %parallel_loop3A_703 = vector.broadcast %parallel_loop3A_598 : f32 to vector<16xf32>
          %parallel_loop3A_704 = arith.mulf %parallel_loop3A_701, %parallel_loop3A_703 : vector<16xf32>
          %parallel_loop3A_705 = arith.addf %parallel_loop3A_692, %parallel_loop3A_704 : vector<16xf32>
          %parallel_loop3A_706 = vector.broadcast %parallel_loop3A_598 : f32 to vector<16xf32>
          %parallel_loop3A_707 = arith.mulf %parallel_loop3A_702, %parallel_loop3A_706 : vector<16xf32>
          %parallel_loop3A_708 = arith.addf %parallel_loop3A_695, %parallel_loop3A_707 : vector<16xf32>
          %parallel_loop3A_709 = arith.constant 1 : i32
          %parallel_loop3A_710 = arith.index_cast %parallel_loop3A_709 : i32 to index
          %parallel_loop3A_711 = arith.index_cast %parallel_loop3A_590 : i32 to index
          %parallel_loop3A_712 = arith.constant 32 : index
          %parallel_loop3A_713 = tpu.vector_load %arg12[%parallel_loop3A_710, %parallel_loop3A_711, %parallel_loop3A_712] {strides = array<i32>} : memref<2x80x64xf32, #tpu.memory_space<vmem>>, vector<16xf32>,
          tpu.vector_store %arg12[%parallel_loop3A_710, %parallel_loop3A_711, %parallel_loop3A_712], %parallel_loop3A_705 {strides = array<i32>} : memref<2x80x64xf32, #tpu.memory_space<vmem>>, vector<16xf32>,
          %parallel_loop3A_714 = arith.constant 1 : i32
          %parallel_loop3A_715 = arith.index_cast %parallel_loop3A_714 : i32 to index
          %parallel_loop3A_716 = arith.index_cast %parallel_loop3A_590 : i32 to index
          %parallel_loop3A_717 = arith.constant 48 : index
          %parallel_loop3A_718 = tpu.vector_load %arg12[%parallel_loop3A_715, %parallel_loop3A_716, %parallel_loop3A_717] {strides = array<i32>} : memref<2x80x64xf32, #tpu.memory_space<vmem>>, vector<16xf32>,
          tpu.vector_store %arg12[%parallel_loop3A_715, %parallel_loop3A_716, %parallel_loop3A_717], %parallel_loop3A_708 {strides = array<i32>} : memref<2x80x64xf32, #tpu.memory_space<vmem>>, vector<16xf32>,
        } {sc.loop_unroll_factor = 2 : i64, sc.parallel_access}
        %dma_start3A_172 = arith.constant 1 : i32
        %dma_start3A_173 = arith.constant 1 : i32
        %dma_start3A_174 = arith.constant 0 : i32
        %dma_start3A_175 = arith.constant 0 : i32
        %dma_start3A_176 = tpu.memref_slice %arg12[%dma_start3A_172, %dma_start3A_174, %dma_start3A_175] : memref<2x80x64xf32, #tpu.memory_space<vmem>> -> memref<1x80x64xf32, #tpu.memory_space<vmem>>
        %dma_start3A_177 = tpu.memref_squeeze %dma_start3A_176 : memref<1x80x64xf32, #tpu.memory_space<vmem>> -> memref<80x64xf32, #tpu.memory_space<vmem>>
        %dma_start3A_178 = arith.constant 0 : i32
        %dma_start3A_179 = tpu.memref_slice %arg10[%dma_start3A_173, %dma_start3A_178] : memref<2x80xi32, #tpu.memory_space<vmem>> -> memref<1x80xi32, #tpu.memory_space<vmem>>
        %dma_start3A_180 = tpu.memref_squeeze %dma_start3A_179 : memref<1x80xi32, #tpu.memory_space<vmem>> -> memref<80xi32, #tpu.memory_space<vmem>>
        %dma_start3A_181 = arith.constant 0 : i32
        %dma_start3A_182 = arith.constant 0 : i32
        %dma_start3A_183 = tpu.memref_slice %arg14[%dma_start3A_181, %dma_start3A_182] : memref<10000x64xf32, #tpu.memory_space<vmem_shared>> -> memref<10000x64xf32, #tpu.memory_space<vmem_shared>>
        tpu.enqueue_indirect_dma source(%dma_start3A_177 : memref<80x64xf32, #tpu.memory_space<vmem>>) target(%dma_start3A_183 : memref<10000x64xf32, #tpu.memory_space<vmem_shared>>) offsets(%dma_start3A_180 : memref<80xi32, #tpu.memory_space<vmem>>) semaphore(%arg20 : memref<!tpu.dma_semaphore, #tpu.memory_space<semaphore_mem>>) {add = true}
      } else {
      }
      %scan3A_86 = arith.constant 0 : i32
      scf.yield %scan3A_86 : i32
    }
    %scan3A_37 = arith.constant 125 : i32
    %dma_wait3A = arith.constant 0 : i32
    %dma_wait3A_38 = arith.constant 0 : i32
    %dma_wait3A_39 = arith.constant 0 : i32
    %dma_wait3A_40 = arith.constant 0 : i32
    %dma_wait3A_41 = tpu.memref_slice %arg12[%dma_wait3A, %dma_wait3A_39, %dma_wait3A_40] : memref<2x80x64xf32, #tpu.memory_space<vmem>> -> memref<1x80x64xf32, #tpu.memory_space<vmem>>
    %dma_wait3A_42 = tpu.memref_squeeze %dma_wait3A_41 : memref<1x80x64xf32, #tpu.memory_space<vmem>> -> memref<80x64xf32, #tpu.memory_space<vmem>>
    %dma_wait3A_43 = arith.constant 0 : i32
    %dma_wait3A_44 = tpu.memref_slice %arg10[%dma_wait3A_38, %dma_wait3A_43] : memref<2x80xi32, #tpu.memory_space<vmem>> -> memref<1x80xi32, #tpu.memory_space<vmem>>
    %dma_wait3A_45 = tpu.memref_squeeze %dma_wait3A_44 : memref<1x80xi32, #tpu.memory_space<vmem>> -> memref<80xi32, #tpu.memory_space<vmem>>
    %dma_wait3A_46 = arith.constant 0 : i32
    %dma_wait3A_47 = arith.constant 0 : i32
    %dma_wait3A_48 = tpu.memref_slice %arg14[%dma_wait3A_46, %dma_wait3A_47] : memref<10000x64xf32, #tpu.memory_space<vmem_shared>> -> memref<10000x64xf32, #tpu.memory_space<vmem_shared>>
    tpu.wait_indirect_dma semaphore(%arg19 : memref<!tpu.dma_semaphore, #tpu.memory_space<semaphore_mem>>) src(%dma_wait3A_42 : memref<80x64xf32, #tpu.memory_space<vmem>>) dst(%dma_wait3A_48 : memref<10000x64xf32, #tpu.memory_space<vmem_shared>>)
    %dma_wait3A_49 = arith.constant 1 : i32
    %dma_wait3A_50 = arith.constant 1 : i32
    %dma_wait3A_51 = arith.constant 0 : i32
    %dma_wait3A_52 = arith.constant 0 : i32
    %dma_wait3A_53 = tpu.memref_slice %arg12[%dma_wait3A_49, %dma_wait3A_51, %dma_wait3A_52] : memref<2x80x64xf32, #tpu.memory_space<vmem>> -> memref<1x80x64xf32, #tpu.memory_space<vmem>>
    %dma_wait3A_54 = tpu.memref_squeeze %dma_wait3A_53 : memref<1x80x64xf32, #tpu.memory_space<vmem>> -> memref<80x64xf32, #tpu.memory_space<vmem>>
    %dma_wait3A_55 = arith.constant 0 : i32
    %dma_wait3A_56 = tpu.memref_slice %arg10[%dma_wait3A_50, %dma_wait3A_55] : memref<2x80xi32, #tpu.memory_space<vmem>> -> memref<1x80xi32, #tpu.memory_space<vmem>>
    %dma_wait3A_57 = tpu.memref_squeeze %dma_wait3A_56 : memref<1x80xi32, #tpu.memory_space<vmem>> -> memref<80xi32, #tpu.memory_space<vmem>>
    %dma_wait3A_58 = arith.constant 0 : i32
    %dma_wait3A_59 = arith.constant 0 : i32
    %dma_wait3A_60 = tpu.memref_slice %arg14[%dma_wait3A_58, %dma_wait3A_59] : memref<10000x64xf32, #tpu.memory_space<vmem_shared>> -> memref<10000x64xf32, #tpu.memory_space<vmem_shared>>
    tpu.wait_indirect_dma semaphore(%arg20 : memref<!tpu.dma_semaphore, #tpu.memory_space<semaphore_mem>>) src(%dma_wait3A_54 : memref<80x64xf32, #tpu.memory_space<vmem>>) dst(%dma_wait3A_60 : memref<10000x64xf32, #tpu.memory_space<vmem_shared>>)
    %barrier3A_61 = arith.constant 0 : index
    tpu.barrier barrier_id(%barrier3A_61)
    "tpu.region"() ({
      %run_scoped3A = tpu.sem_alloc : memref<!tpu.dma_semaphore, #tpu.memory_space<semaphore_mem>>
      %dma_start3A_71 = arith.constant 0 : i32
      %dma_start3A_72 = tpu.memref_slice %arg6[%arg0, %mul3A_2, %dma_start3A_71] : memref<2x10000x64xf32, #tpu.memory_space<hbm>> -> memref<1x312x64xf32, #tpu.memory_space<hbm>>
      %dma_start3A_73 = tpu.memref_squeeze %dma_start3A_72 : memref<1x312x64xf32, #tpu.memory_space<hbm>> -> memref<312x64xf32, #tpu.memory_space<hbm>>
      %dma_start3A_74 = arith.constant 0 : i32
      %dma_start3A_75 = tpu.memref_slice %arg14[%mul3A_2, %dma_start3A_74] : memref<10000x64xf32, #tpu.memory_space<vmem_shared>> -> memref<312x64xf32, #tpu.memory_space<vmem_shared>>
      tpu.enqueue_dma source(%dma_start3A_75 : memref<312x64xf32, #tpu.memory_space<vmem_shared>>) target(%dma_start3A_73 : memref<312x64xf32, #tpu.memory_space<hbm>>) target_semaphore(%run_scoped3A : memref<!tpu.dma_semaphore, #tpu.memory_space<semaphore_mem>>)
      %dma_wait3A_76 = arith.constant 0 : i32
      %dma_wait3A_77 = tpu.memref_slice %arg6[%arg0, %mul3A_2, %dma_wait3A_76] : memref<2x10000x64xf32, #tpu.memory_space<hbm>> -> memref<1x312x64xf32, #tpu.memory_space<hbm>>
      %dma_wait3A_78 = tpu.memref_squeeze %dma_wait3A_77 : memref<1x312x64xf32, #tpu.memory_space<hbm>> -> memref<312x64xf32, #tpu.memory_space<hbm>>
      %dma_wait3A_79 = arith.constant 0 : i32
      %dma_wait3A_80 = tpu.memref_slice %arg14[%mul3A_2, %dma_wait3A_79] : memref<10000x64xf32, #tpu.memory_space<vmem_shared>> -> memref<312x64xf32, #tpu.memory_space<vmem_shared>>
      tpu.wait_dma2 semaphore(%run_scoped3A : memref<!tpu.dma_semaphore, #tpu.memory_space<semaphore_mem>>) src(%dma_wait3A_80 : memref<312x64xf32, #tpu.memory_space<vmem_shared>>) dst(%dma_wait3A_78 : memref<312x64xf32, #tpu.memory_space<hbm>>)
      tpu.yield
    }) : () -> ()
    %add3A_62 = arith.constant 312 : i32
    %add3A_63 = arith.addi %mul3A_2, %add3A_62 : i32
    %add3A_64 = arith.constant 312 : i32
    %add3A_65 = arith.addi %mul3A_2, %add3A_64 : i32
    "tpu.region"() ({
      %run_scoped3A = tpu.sem_alloc : memref<!tpu.dma_semaphore, #tpu.memory_space<semaphore_mem>>
      %dma_start3A_71 = arith.constant 0 : i32
      %dma_start3A_72 = tpu.memref_slice %arg6[%arg0, %add3A_65, %dma_start3A_71] : memref<2x10000x64xf32, #tpu.memory_space<hbm>> -> memref<1x312x64xf32, #tpu.memory_space<hbm>>
      %dma_start3A_73 = tpu.memref_squeeze %dma_start3A_72 : memref<1x312x64xf32, #tpu.memory_space<hbm>> -> memref<312x64xf32, #tpu.memory_space<hbm>>
      %dma_start3A_74 = arith.constant 0 : i32
      %dma_start3A_75 = tpu.memref_slice %arg14[%add3A_63, %dma_start3A_74] : memref<10000x64xf32, #tpu.memory_space<vmem_shared>> -> memref<312x64xf32, #tpu.memory_space<vmem_shared>>
      tpu.enqueue_dma source(%dma_start3A_75 : memref<312x64xf32, #tpu.memory_space<vmem_shared>>) target(%dma_start3A_73 : memref<312x64xf32, #tpu.memory_space<hbm>>) target_semaphore(%run_scoped3A : memref<!tpu.dma_semaphore, #tpu.memory_space<semaphore_mem>>)
      %dma_wait3A_76 = arith.constant 0 : i32
      %dma_wait3A_77 = tpu.memref_slice %arg6[%arg0, %add3A_65, %dma_wait3A_76] : memref<2x10000x64xf32, #tpu.memory_space<hbm>> -> memref<1x312x64xf32, #tpu.memory_space<hbm>>
      %dma_wait3A_78 = tpu.memref_squeeze %dma_wait3A_77 : memref<1x312x64xf32, #tpu.memory_space<hbm>> -> memref<312x64xf32, #tpu.memory_space<hbm>>
      %dma_wait3A_79 = arith.constant 0 : i32
      %dma_wait3A_80 = tpu.memref_slice %arg14[%add3A_63, %dma_wait3A_79] : memref<10000x64xf32, #tpu.memory_space<vmem_shared>> -> memref<312x64xf32, #tpu.memory_space<vmem_shared>>
      tpu.wait_dma2 semaphore(%run_scoped3A : memref<!tpu.dma_semaphore, #tpu.memory_space<semaphore_mem>>) src(%dma_wait3A_80 : memref<312x64xf32, #tpu.memory_space<vmem_shared>>) dst(%dma_wait3A_78 : memref<312x64xf32, #tpu.memory_space<hbm>>)
      tpu.yield
    }) : () -> ()
    %eq3A_66 = arith.constant 15 : i32
    %eq3A_67 = arith.cmpi eq, %arg1, %eq3A_66 : i32
    %convert_element_type3A_68 = arith.extui %eq3A_67 : i1 to i32
    %cond3A_69 = arith.constant 0 : i32
    %cond3A_70 = arith.cmpi ne, %convert_element_type3A_68, %cond3A_69 : i32
    scf.if %cond3A_70 {
      "tpu.region"() ({
        %run_scoped3A = tpu.sem_alloc : memref<!tpu.dma_semaphore, #tpu.memory_space<semaphore_mem>>
        %dma_start3A_71 = arith.constant 9984 : i32
        %dma_start3A_72 = arith.constant 0 : i32
        %dma_start3A_73 = tpu.memref_slice %arg6[%arg0, %dma_start3A_71, %dma_start3A_72] : memref<2x10000x64xf32, #tpu.memory_space<hbm>> -> memref<1x16x64xf32, #tpu.memory_space<hbm>>
        %dma_start3A_74 = tpu.memref_squeeze %dma_start3A_73 : memref<1x16x64xf32, #tpu.memory_space<hbm>> -> memref<16x64xf32, #tpu.memory_space<hbm>>
        %dma_start3A_75 = arith.constant 9984 : i32
        %dma_start3A_76 = arith.constant 0 : i32
        %dma_start3A_77 = tpu.memref_slice %arg14[%dma_start3A_75, %dma_start3A_76] : memref<10000x64xf32, #tpu.memory_space<vmem_shared>> -> memref<16x64xf32, #tpu.memory_space<vmem_shared>>
        tpu.enqueue_dma source(%dma_start3A_77 : memref<16x64xf32, #tpu.memory_space<vmem_shared>>) target(%dma_start3A_74 : memref<16x64xf32, #tpu.memory_space<hbm>>) target_semaphore(%run_scoped3A : memref<!tpu.dma_semaphore, #tpu.memory_space<semaphore_mem>>)
        %dma_wait3A_78 = arith.constant 9984 : i32
        %dma_wait3A_79 = arith.constant 0 : i32
        %dma_wait3A_80 = tpu.memref_slice %arg6[%arg0, %dma_wait3A_78, %dma_wait3A_79] : memref<2x10000x64xf32, #tpu.memory_space<hbm>> -> memref<1x16x64xf32, #tpu.memory_space<hbm>>
        %dma_wait3A_81 = tpu.memref_squeeze %dma_wait3A_80 : memref<1x16x64xf32, #tpu.memory_space<hbm>> -> memref<16x64xf32, #tpu.memory_space<hbm>>
        %dma_wait3A_82 = arith.constant 9984 : i32
        %dma_wait3A_83 = arith.constant 0 : i32
        %dma_wait3A_84 = tpu.memref_slice %arg14[%dma_wait3A_82, %dma_wait3A_83] : memref<10000x64xf32, #tpu.memory_space<vmem_shared>> -> memref<16x64xf32, #tpu.memory_space<vmem_shared>>
        tpu.wait_dma2 semaphore(%run_scoped3A : memref<!tpu.dma_semaphore, #tpu.memory_space<semaphore_mem>>) src(%dma_wait3A_84 : memref<16x64xf32, #tpu.memory_space<vmem_shared>>) dst(%dma_wait3A_81 : memref<16x64xf32, #tpu.memory_space<hbm>>)
        tpu.yield
      }) : () -> ()
    } else {
    }
    return
  }
}

module attributes {stable_mosaic.version = 14 : i64} {
  func.func @_prep_body(%arg0: i32, %arg1: memref<1000x128xf32, #tpu.memory_space<vmem>>, %arg2: memref<4x128x128xf32, #tpu.memory_space<vmem>>, %arg3: memref<128x128xf32, #tpu.memory_space<vmem>>, %arg4: memref<1000x2x256xbf16, #tpu.memory_space<vmem>>) attributes {dimension_semantics = [#tpu.dimension_semantics<arbitrary>], iteration_bounds = array<i64: 10>, scalar_prefetch = 0 : i64, scratch_operands = 0 : i64, tpu.core_type = #tpu.core_type<tc>, window_params = [{transform_indices = @transform_0, window_bounds = array<i64: 1000, 128>}, {pipeline_mode = #tpu.pipeline_mode<synchronous>, transform_indices = @transform_1, window_bounds = array<i64: 4, 128, 128>}, {pipeline_mode = #tpu.pipeline_mode<synchronous>, transform_indices = @transform_2, window_bounds = array<i64: 128, 128>}, {transform_indices = @transform_3, window_bounds = array<i64: 1000, 2, 256>}]} {
    %get3A = arith.constant 0 : index
    %get3A_0 = arith.constant 0 : index
    %get3A_1 = vector.load %arg3[%get3A, %get3A_0] : memref<128x128xf32, #tpu.memory_space<vmem>>, vector<128x128xf32>
    %get3A_2 = arith.constant 0 : index
    %get3A_3 = arith.constant 0 : index
    %get3A_4 = vector.load %arg1[%get3A_2, %get3A_3] : memref<1000x128xf32, #tpu.memory_space<vmem>>, vector<1000x128xf32>
    %get3A_5 = arith.constant 0 : index
    %get3A_6 = arith.constant 0 : index
    %get3A_7 = arith.constant 0 : index
    %get3A_8 = vector.load %arg2[%get3A_5, %get3A_6, %get3A_7] : memref<4x128x128xf32, #tpu.memory_space<vmem>>, vector<1x128x128xf32>
    %get3A_9 = vector.shape_cast %get3A_8 : vector<1x128x128xf32> to vector<128x128xf32>
    %dot_general3A = arith.constant dense<0.000000e+00> : vector<128x128xf32>
    %dot_general3A_10 = tpu.matmul %get3A_9, %get3A_1, %dot_general3A {dimension_numbers = #tpu.dot_dimension_numbers<[1], [0], [0], [1], [0, 0, 1, 1], [], []>, transpose_lhs_hint = false} : vector<128x128xf32>, vector<128x128xf32>, vector<128x128xf32> -> vector<128x128xf32>
    %mul3A = arith.constant 3.906250e-03 : f32
    %mul3A_11 = vector.broadcast %mul3A : f32 to vector<128x128xf32>
    %mul3A_12 = arith.mulf %dot_general3A_10, %mul3A_11 : vector<128x128xf32>
    %dot_general3A_13 = arith.constant dense<0.000000e+00> : vector<1000x128xf32>
    %dot_general3A_14 = tpu.matmul %get3A_4, %mul3A_12, %dot_general3A_13 {dimension_numbers = #tpu.dot_dimension_numbers<[1], [0], [0], [1], [0, 0, 1, 1], [], []>, transpose_lhs_hint = false} : vector<1000x128xf32>, vector<128x128xf32>, vector<1000x128xf32> -> vector<1000x128xf32>
    %slice3A = vector.extract_strided_slice %dot_general3A_14 {offsets = [0, 0], sizes = [1000, 64], strides = [1, 1]} : vector<1000x128xf32> to vector<1000x64xf32>
    %convert_element_type3A = arith.truncf %slice3A : vector<1000x64xf32> to vector<1000x64xbf16>
    %swap3A = arith.constant 0 : index
    %swap3A_15 = arith.constant 0 : index
    %swap3A_16 = arith.constant 0 : index
    %swap3A_17 = vector.load %arg4[%swap3A, %swap3A_15, %swap3A_16] : memref<1000x2x256xbf16, #tpu.memory_space<vmem>>, vector<1000x1x64xbf16>
    %swap3A_18 = vector.shape_cast %swap3A_17 : vector<1000x1x64xbf16> to vector<1000x64xbf16>
    %swap3A_19 = vector.shape_cast %convert_element_type3A : vector<1000x64xbf16> to vector<1000x1x64xbf16>
    tpu.vector_store %arg4[%swap3A, %swap3A_15, %swap3A_16], %swap3A_19 {strides = array<i32>} : memref<1000x2x256xbf16, #tpu.memory_space<vmem>>, vector<1000x1x64xbf16>,
    %slice3A_20 = vector.extract_strided_slice %dot_general3A_14 {offsets = [0, 64], sizes = [1000, 64], strides = [1, 1]} : vector<1000x128xf32> to vector<1000x64xf32>
    %convert_element_type3A_21 = arith.truncf %slice3A_20 : vector<1000x64xf32> to vector<1000x64xbf16>
    %swap3A_22 = arith.constant 0 : index
    %swap3A_23 = arith.constant 1 : index
    %swap3A_24 = arith.constant 0 : index
    %swap3A_25 = vector.load %arg4[%swap3A_22, %swap3A_23, %swap3A_24] : memref<1000x2x256xbf16, #tpu.memory_space<vmem>>, vector<1000x1x64xbf16>
    %swap3A_26 = vector.shape_cast %swap3A_25 : vector<1000x1x64xbf16> to vector<1000x64xbf16>
    %swap3A_27 = vector.shape_cast %convert_element_type3A_21 : vector<1000x64xbf16> to vector<1000x1x64xbf16>
    tpu.vector_store %arg4[%swap3A_22, %swap3A_23, %swap3A_24], %swap3A_27 {strides = array<i32>} : memref<1000x2x256xbf16, #tpu.memory_space<vmem>>, vector<1000x1x64xbf16>,
    %get3A_28 = arith.constant 1 : index
    %get3A_29 = arith.constant 0 : index
    %get3A_30 = arith.constant 0 : index
    %get3A_31 = vector.load %arg2[%get3A_28, %get3A_29, %get3A_30] : memref<4x128x128xf32, #tpu.memory_space<vmem>>, vector<1x128x128xf32>
    %get3A_32 = vector.shape_cast %get3A_31 : vector<1x128x128xf32> to vector<128x128xf32>
    %dot_general3A_33 = arith.constant dense<0.000000e+00> : vector<128x128xf32>
    %dot_general3A_34 = tpu.matmul %get3A_32, %get3A_1, %dot_general3A_33 {dimension_numbers = #tpu.dot_dimension_numbers<[1], [0], [0], [1], [0, 0, 1, 1], [], []>, transpose_lhs_hint = false} : vector<128x128xf32>, vector<128x128xf32>, vector<128x128xf32> -> vector<128x128xf32>
    %mul3A_35 = arith.constant 3.906250e-03 : f32
    %mul3A_36 = vector.broadcast %mul3A_35 : f32 to vector<128x128xf32>
    %mul3A_37 = arith.mulf %dot_general3A_34, %mul3A_36 : vector<128x128xf32>
    %dot_general3A_38 = arith.constant dense<0.000000e+00> : vector<1000x128xf32>
    %dot_general3A_39 = tpu.matmul %get3A_4, %mul3A_37, %dot_general3A_38 {dimension_numbers = #tpu.dot_dimension_numbers<[1], [0], [0], [1], [0, 0, 1, 1], [], []>, transpose_lhs_hint = false} : vector<1000x128xf32>, vector<128x128xf32>, vector<1000x128xf32> -> vector<1000x128xf32>
    %slice3A_40 = vector.extract_strided_slice %dot_general3A_39 {offsets = [0, 0], sizes = [1000, 64], strides = [1, 1]} : vector<1000x128xf32> to vector<1000x64xf32>
    %convert_element_type3A_41 = arith.truncf %slice3A_40 : vector<1000x64xf32> to vector<1000x64xbf16>
    %swap3A_42 = arith.constant 0 : index
    %swap3A_43 = arith.constant 0 : index
    %swap3A_44 = arith.constant 64 : index
    %swap3A_45 = vector.load %arg4[%swap3A_42, %swap3A_43, %swap3A_44] : memref<1000x2x256xbf16, #tpu.memory_space<vmem>>, vector<1000x1x64xbf16>
    %swap3A_46 = vector.shape_cast %swap3A_45 : vector<1000x1x64xbf16> to vector<1000x64xbf16>
    %swap3A_47 = vector.shape_cast %convert_element_type3A_41 : vector<1000x64xbf16> to vector<1000x1x64xbf16>
    tpu.vector_store %arg4[%swap3A_42, %swap3A_43, %swap3A_44], %swap3A_47 {strides = array<i32>} : memref<1000x2x256xbf16, #tpu.memory_space<vmem>>, vector<1000x1x64xbf16>,
    %slice3A_48 = vector.extract_strided_slice %dot_general3A_39 {offsets = [0, 64], sizes = [1000, 64], strides = [1, 1]} : vector<1000x128xf32> to vector<1000x64xf32>
    %convert_element_type3A_49 = arith.truncf %slice3A_48 : vector<1000x64xf32> to vector<1000x64xbf16>
    %swap3A_50 = arith.constant 0 : index
    %swap3A_51 = arith.constant 1 : index
    %swap3A_52 = arith.constant 64 : index
    %swap3A_53 = vector.load %arg4[%swap3A_50, %swap3A_51, %swap3A_52] : memref<1000x2x256xbf16, #tpu.memory_space<vmem>>, vector<1000x1x64xbf16>
    %swap3A_54 = vector.shape_cast %swap3A_53 : vector<1000x1x64xbf16> to vector<1000x64xbf16>
    %swap3A_55 = vector.shape_cast %convert_element_type3A_49 : vector<1000x64xbf16> to vector<1000x1x64xbf16>
    tpu.vector_store %arg4[%swap3A_50, %swap3A_51, %swap3A_52], %swap3A_55 {strides = array<i32>} : memref<1000x2x256xbf16, #tpu.memory_space<vmem>>, vector<1000x1x64xbf16>,
    %get3A_56 = arith.constant 2 : index
    %get3A_57 = arith.constant 0 : index
    %get3A_58 = arith.constant 0 : index
    %get3A_59 = vector.load %arg2[%get3A_56, %get3A_57, %get3A_58] : memref<4x128x128xf32, #tpu.memory_space<vmem>>, vector<1x128x128xf32>
    %get3A_60 = vector.shape_cast %get3A_59 : vector<1x128x128xf32> to vector<128x128xf32>
    %dot_general3A_61 = arith.constant dense<0.000000e+00> : vector<128x128xf32>
    %dot_general3A_62 = tpu.matmul %get3A_60, %get3A_1, %dot_general3A_61 {dimension_numbers = #tpu.dot_dimension_numbers<[1], [0], [0], [1], [0, 0, 1, 1], [], []>, transpose_lhs_hint = false} : vector<128x128xf32>, vector<128x128xf32>, vector<128x128xf32> -> vector<128x128xf32>
    %mul3A_63 = arith.constant 3.906250e-03 : f32
    %mul3A_64 = vector.broadcast %mul3A_63 : f32 to vector<128x128xf32>
    %mul3A_65 = arith.mulf %dot_general3A_62, %mul3A_64 : vector<128x128xf32>
    %dot_general3A_66 = arith.constant dense<0.000000e+00> : vector<1000x128xf32>
    %dot_general3A_67 = tpu.matmul %get3A_4, %mul3A_65, %dot_general3A_66 {dimension_numbers = #tpu.dot_dimension_numbers<[1], [0], [0], [1], [0, 0, 1, 1], [], []>, transpose_lhs_hint = false} : vector<1000x128xf32>, vector<128x128xf32>, vector<1000x128xf32> -> vector<1000x128xf32>
    %slice3A_68 = vector.extract_strided_slice %dot_general3A_67 {offsets = [0, 0], sizes = [1000, 64], strides = [1, 1]} : vector<1000x128xf32> to vector<1000x64xf32>
    %convert_element_type3A_69 = arith.truncf %slice3A_68 : vector<1000x64xf32> to vector<1000x64xbf16>
    %swap3A_70 = arith.constant 0 : index
    %swap3A_71 = arith.constant 0 : index
    %swap3A_72 = arith.constant 128 : index
    %swap3A_73 = vector.load %arg4[%swap3A_70, %swap3A_71, %swap3A_72] : memref<1000x2x256xbf16, #tpu.memory_space<vmem>>, vector<1000x1x64xbf16>
    %swap3A_74 = vector.shape_cast %swap3A_73 : vector<1000x1x64xbf16> to vector<1000x64xbf16>
    %swap3A_75 = vector.shape_cast %convert_element_type3A_69 : vector<1000x64xbf16> to vector<1000x1x64xbf16>
    tpu.vector_store %arg4[%swap3A_70, %swap3A_71, %swap3A_72], %swap3A_75 {strides = array<i32>} : memref<1000x2x256xbf16, #tpu.memory_space<vmem>>, vector<1000x1x64xbf16>,
    %slice3A_76 = vector.extract_strided_slice %dot_general3A_67 {offsets = [0, 64], sizes = [1000, 64], strides = [1, 1]} : vector<1000x128xf32> to vector<1000x64xf32>
    %convert_element_type3A_77 = arith.truncf %slice3A_76 : vector<1000x64xf32> to vector<1000x64xbf16>
    %swap3A_78 = arith.constant 0 : index
    %swap3A_79 = arith.constant 1 : index
    %swap3A_80 = arith.constant 128 : index
    %swap3A_81 = vector.load %arg4[%swap3A_78, %swap3A_79, %swap3A_80] : memref<1000x2x256xbf16, #tpu.memory_space<vmem>>, vector<1000x1x64xbf16>
    %swap3A_82 = vector.shape_cast %swap3A_81 : vector<1000x1x64xbf16> to vector<1000x64xbf16>
    %swap3A_83 = vector.shape_cast %convert_element_type3A_77 : vector<1000x64xbf16> to vector<1000x1x64xbf16>
    tpu.vector_store %arg4[%swap3A_78, %swap3A_79, %swap3A_80], %swap3A_83 {strides = array<i32>} : memref<1000x2x256xbf16, #tpu.memory_space<vmem>>, vector<1000x1x64xbf16>,
    %get3A_84 = arith.constant 3 : index
    %get3A_85 = arith.constant 0 : index
    %get3A_86 = arith.constant 0 : index
    %get3A_87 = vector.load %arg2[%get3A_84, %get3A_85, %get3A_86] : memref<4x128x128xf32, #tpu.memory_space<vmem>>, vector<1x128x128xf32>
    %get3A_88 = vector.shape_cast %get3A_87 : vector<1x128x128xf32> to vector<128x128xf32>
    %dot_general3A_89 = arith.constant dense<0.000000e+00> : vector<128x128xf32>
    %dot_general3A_90 = tpu.matmul %get3A_88, %get3A_1, %dot_general3A_89 {dimension_numbers = #tpu.dot_dimension_numbers<[1], [0], [0], [1], [0, 0, 1, 1], [], []>, transpose_lhs_hint = false} : vector<128x128xf32>, vector<128x128xf32>, vector<128x128xf32> -> vector<128x128xf32>
    %mul3A_91 = arith.constant 3.906250e-03 : f32
    %mul3A_92 = vector.broadcast %mul3A_91 : f32 to vector<128x128xf32>
    %mul3A_93 = arith.mulf %dot_general3A_90, %mul3A_92 : vector<128x128xf32>
    %dot_general3A_94 = arith.constant dense<0.000000e+00> : vector<1000x128xf32>
    %dot_general3A_95 = tpu.matmul %get3A_4, %mul3A_93, %dot_general3A_94 {dimension_numbers = #tpu.dot_dimension_numbers<[1], [0], [0], [1], [0, 0, 1, 1], [], []>, transpose_lhs_hint = false} : vector<1000x128xf32>, vector<128x128xf32>, vector<1000x128xf32> -> vector<1000x128xf32>
    %slice3A_96 = vector.extract_strided_slice %dot_general3A_95 {offsets = [0, 0], sizes = [1000, 64], strides = [1, 1]} : vector<1000x128xf32> to vector<1000x64xf32>
    %convert_element_type3A_97 = arith.truncf %slice3A_96 : vector<1000x64xf32> to vector<1000x64xbf16>
    %swap3A_98 = arith.constant 0 : index
    %swap3A_99 = arith.constant 0 : index
    %swap3A_100 = arith.constant 192 : index
    %swap3A_101 = vector.load %arg4[%swap3A_98, %swap3A_99, %swap3A_100] : memref<1000x2x256xbf16, #tpu.memory_space<vmem>>, vector<1000x1x64xbf16>
    %swap3A_102 = vector.shape_cast %swap3A_101 : vector<1000x1x64xbf16> to vector<1000x64xbf16>
    %swap3A_103 = vector.shape_cast %convert_element_type3A_97 : vector<1000x64xbf16> to vector<1000x1x64xbf16>
    tpu.vector_store %arg4[%swap3A_98, %swap3A_99, %swap3A_100], %swap3A_103 {strides = array<i32>} : memref<1000x2x256xbf16, #tpu.memory_space<vmem>>, vector<1000x1x64xbf16>,
    %slice3A_104 = vector.extract_strided_slice %dot_general3A_95 {offsets = [0, 64], sizes = [1000, 64], strides = [1, 1]} : vector<1000x128xf32> to vector<1000x64xf32>
    %convert_element_type3A_105 = arith.truncf %slice3A_104 : vector<1000x64xf32> to vector<1000x64xbf16>
    %swap3A_106 = arith.constant 0 : index
    %swap3A_107 = arith.constant 1 : index
    %swap3A_108 = arith.constant 192 : index
    %swap3A_109 = vector.load %arg4[%swap3A_106, %swap3A_107, %swap3A_108] : memref<1000x2x256xbf16, #tpu.memory_space<vmem>>, vector<1000x1x64xbf16>
    %swap3A_110 = vector.shape_cast %swap3A_109 : vector<1000x1x64xbf16> to vector<1000x64xbf16>
    %swap3A_111 = vector.shape_cast %convert_element_type3A_105 : vector<1000x64xbf16> to vector<1000x1x64xbf16>
    tpu.vector_store %arg4[%swap3A_106, %swap3A_107, %swap3A_108], %swap3A_111 {strides = array<i32>} : memref<1000x2x256xbf16, #tpu.memory_space<vmem>>, vector<1000x1x64xbf16>,
    return
  }
  func.func @transform_0(%arg0: i32) -> (i32, i32) {
    %c0_i32 = arith.constant 0 : i32
    %c0_i32_0 = arith.constant 0 : i32
    return %arg0, %c0_i32 : i32, i32
  }
  func.func @transform_1(%arg0: i32) -> (i32, i32, i32) {
    %c0_i32 = arith.constant 0 : i32
    %c0_i32_0 = arith.constant 0 : i32
    %c0_i32_1 = arith.constant 0 : i32
    %c0_i32_2 = arith.constant 0 : i32
    return %c0_i32, %c0_i32_0, %c0_i32_1 : i32, i32, i32
  }
  func.func @transform_2(%arg0: i32) -> (i32, i32) {
    %c0_i32 = arith.constant 0 : i32
    %c0_i32_0 = arith.constant 0 : i32
    %c0_i32_1 = arith.constant 0 : i32
    return %c0_i32, %c0_i32_0 : i32, i32
  }
  func.func @transform_3(%arg0: i32) -> (i32, i32, i32) {
    %c0_i32 = arith.constant 0 : i32
    %c0_i32_0 = arith.constant 0 : i32
    %c0_i32_1 = arith.constant 0 : i32
    return %arg0, %c0_i32, %c0_i32_0 : i32, i32, i32
  }
}

module attributes {stable_mosaic.version = 14 : i64} {
  func.func @_skip_body(%arg0: i32, %arg1: memref<2x1000x64xf32, #tpu.memory_space<vmem>>, %arg2: memref<1000x4xf32, #tpu.memory_space<vmem>>, %arg3: memref<4x128x128xf32, #tpu.memory_space<vmem>>, %arg4: memref<128x128xf32, #tpu.memory_space<vmem>>, %arg5: memref<1000x128xf32, #tpu.memory_space<vmem>>) attributes {dimension_semantics = [#tpu.dimension_semantics<arbitrary>], iteration_bounds = array<i64: 10>, scalar_prefetch = 0 : i64, scratch_operands = 0 : i64, tpu.core_type = #tpu.core_type<tc>, window_params = [{transform_indices = @transform_0, window_bounds = array<i64: 2, 1000, 64>}, {transform_indices = @transform_1, window_bounds = array<i64: 1000, 4>}, {pipeline_mode = #tpu.pipeline_mode<synchronous>, transform_indices = @transform_2, window_bounds = array<i64: 4, 128, 128>}, {pipeline_mode = #tpu.pipeline_mode<synchronous>, transform_indices = @transform_3, window_bounds = array<i64: 128, 128>}, {transform_indices = @transform_4, window_bounds = array<i64: 1000, 128>}]} {
    %get3A = arith.constant 0 : index
    %get3A_0 = arith.constant 0 : index
    %get3A_1 = arith.constant 0 : index
    %get3A_2 = vector.load %arg1[%get3A, %get3A_0, %get3A_1] : memref<2x1000x64xf32, #tpu.memory_space<vmem>>, vector<1x1000x64xf32>
    %get3A_3 = vector.shape_cast %get3A_2 : vector<1x1000x64xf32> to vector<1000x64xf32>
    %get3A_4 = arith.constant 1 : index
    %get3A_5 = arith.constant 0 : index
    %get3A_6 = arith.constant 0 : index
    %get3A_7 = vector.load %arg1[%get3A_4, %get3A_5, %get3A_6] : memref<2x1000x64xf32, #tpu.memory_space<vmem>>, vector<1x1000x64xf32>
    %get3A_8 = vector.shape_cast %get3A_7 : vector<1x1000x64xf32> to vector<1000x64xf32>
    %concatenate3A = tpu.concatenate %get3A_3, %get3A_8 in 1 : vector<1000x64xf32>, vector<1000x64xf32> -> vector<1000x128xf32>
    %get3A_9 = arith.constant 0 : index
    %get3A_10 = arith.constant 0 : index
    %get3A_11 = vector.load %arg4[%get3A_9, %get3A_10] : memref<128x128xf32, #tpu.memory_space<vmem>>, vector<128x128xf32>
    %get3A_12 = arith.constant 0 : index
    %get3A_13 = arith.constant 0 : index
    %get3A_14 = vector.load %arg2[%get3A_12, %get3A_13] : memref<1000x4xf32, #tpu.memory_space<vmem>>, vector<1000x4xf32>
    %get3A_15 = arith.constant 0 : index
    %get3A_16 = arith.constant 0 : index
    %get3A_17 = arith.constant 0 : index
    %get3A_18 = vector.load %arg3[%get3A_15, %get3A_16, %get3A_17] : memref<4x128x128xf32, #tpu.memory_space<vmem>>, vector<1x128x128xf32>
    %get3A_19 = vector.shape_cast %get3A_18 : vector<1x128x128xf32> to vector<128x128xf32>
    %dot_general3A = arith.constant dense<0.000000e+00> : vector<128x128xf32>
    %dot_general3A_20 = tpu.matmul %get3A_19, %get3A_11, %dot_general3A {dimension_numbers = #tpu.dot_dimension_numbers<[1], [0], [0], [1], [0, 0, 1, 1], [], []>, transpose_lhs_hint = false} : vector<128x128xf32>, vector<128x128xf32>, vector<128x128xf32> -> vector<128x128xf32>
    %mul3A = arith.constant 3.906250e-03 : f32
    %mul3A_21 = vector.broadcast %mul3A : f32 to vector<128x128xf32>
    %mul3A_22 = arith.mulf %dot_general3A_20, %mul3A_21 : vector<128x128xf32>
    %dot_general3A_23 = arith.constant dense<0.000000e+00> : vector<1000x128xf32>
    %dot_general3A_24 = tpu.matmul %concatenate3A, %mul3A_22, %dot_general3A_23 {dimension_numbers = #tpu.dot_dimension_numbers<[1], [0], [0], [1], [0, 0, 1, 1], [], []>, transpose_lhs_hint = false} : vector<1000x128xf32>, vector<128x128xf32>, vector<1000x128xf32> -> vector<1000x128xf32>
    %slice3A = vector.extract_strided_slice %get3A_14 {offsets = [0, 0], sizes = [1000, 1], strides = [1, 1]} : vector<1000x4xf32> to vector<1000x1xf32>
    %mul3A_25 = vector.broadcast %slice3A : vector<1000x1xf32> to vector<1000x128xf32>
    %mul3A_26 = arith.mulf %dot_general3A_24, %mul3A_25 : vector<1000x128xf32>
    %add3A = arith.addf %concatenate3A, %mul3A_26 : vector<1000x128xf32>
    %get3A_27 = arith.constant 1 : index
    %get3A_28 = arith.constant 0 : index
    %get3A_29 = arith.constant 0 : index
    %get3A_30 = vector.load %arg3[%get3A_27, %get3A_28, %get3A_29] : memref<4x128x128xf32, #tpu.memory_space<vmem>>, vector<1x128x128xf32>
    %get3A_31 = vector.shape_cast %get3A_30 : vector<1x128x128xf32> to vector<128x128xf32>
    %dot_general3A_32 = arith.constant dense<0.000000e+00> : vector<128x128xf32>
    %dot_general3A_33 = tpu.matmul %get3A_31, %get3A_11, %dot_general3A_32 {dimension_numbers = #tpu.dot_dimension_numbers<[1], [0], [0], [1], [0, 0, 1, 1], [], []>, transpose_lhs_hint = false} : vector<128x128xf32>, vector<128x128xf32>, vector<128x128xf32> -> vector<128x128xf32>
    %mul3A_34 = arith.constant 3.906250e-03 : f32
    %mul3A_35 = vector.broadcast %mul3A_34 : f32 to vector<128x128xf32>
    %mul3A_36 = arith.mulf %dot_general3A_33, %mul3A_35 : vector<128x128xf32>
    %dot_general3A_37 = arith.constant dense<0.000000e+00> : vector<1000x128xf32>
    %dot_general3A_38 = tpu.matmul %concatenate3A, %mul3A_36, %dot_general3A_37 {dimension_numbers = #tpu.dot_dimension_numbers<[1], [0], [0], [1], [0, 0, 1, 1], [], []>, transpose_lhs_hint = false} : vector<1000x128xf32>, vector<128x128xf32>, vector<1000x128xf32> -> vector<1000x128xf32>
    %slice3A_39 = vector.extract_strided_slice %get3A_14 {offsets = [0, 1], sizes = [1000, 1], strides = [1, 1]} : vector<1000x4xf32> to vector<1000x1xf32>
    %mul3A_40 = vector.broadcast %slice3A_39 : vector<1000x1xf32> to vector<1000x128xf32>
    %mul3A_41 = arith.mulf %dot_general3A_38, %mul3A_40 : vector<1000x128xf32>
    %add3A_42 = arith.addf %add3A, %mul3A_41 : vector<1000x128xf32>
    %get3A_43 = arith.constant 2 : index
    %get3A_44 = arith.constant 0 : index
    %get3A_45 = arith.constant 0 : index
    %get3A_46 = vector.load %arg3[%get3A_43, %get3A_44, %get3A_45] : memref<4x128x128xf32, #tpu.memory_space<vmem>>, vector<1x128x128xf32>
    %get3A_47 = vector.shape_cast %get3A_46 : vector<1x128x128xf32> to vector<128x128xf32>
    %dot_general3A_48 = arith.constant dense<0.000000e+00> : vector<128x128xf32>
    %dot_general3A_49 = tpu.matmul %get3A_47, %get3A_11, %dot_general3A_48 {dimension_numbers = #tpu.dot_dimension_numbers<[1], [0], [0], [1], [0, 0, 1, 1], [], []>, transpose_lhs_hint = false} : vector<128x128xf32>, vector<128x128xf32>, vector<128x128xf32> -> vector<128x128xf32>
    %mul3A_50 = arith.constant 3.906250e-03 : f32
    %mul3A_51 = vector.broadcast %mul3A_50 : f32 to vector<128x128xf32>
    %mul3A_52 = arith.mulf %dot_general3A_49, %mul3A_51 : vector<128x128xf32>
    %dot_general3A_53 = arith.constant dense<0.000000e+00> : vector<1000x128xf32>
    %dot_general3A_54 = tpu.matmul %concatenate3A, %mul3A_52, %dot_general3A_53 {dimension_numbers = #tpu.dot_dimension_numbers<[1], [0], [0], [1], [0, 0, 1, 1], [], []>, transpose_lhs_hint = false} : vector<1000x128xf32>, vector<128x128xf32>, vector<1000x128xf32> -> vector<1000x128xf32>
    %slice3A_55 = vector.extract_strided_slice %get3A_14 {offsets = [0, 2], sizes = [1000, 1], strides = [1, 1]} : vector<1000x4xf32> to vector<1000x1xf32>
    %mul3A_56 = vector.broadcast %slice3A_55 : vector<1000x1xf32> to vector<1000x128xf32>
    %mul3A_57 = arith.mulf %dot_general3A_54, %mul3A_56 : vector<1000x128xf32>
    %add3A_58 = arith.addf %add3A_42, %mul3A_57 : vector<1000x128xf32>
    %get3A_59 = arith.constant 3 : index
    %get3A_60 = arith.constant 0 : index
    %get3A_61 = arith.constant 0 : index
    %get3A_62 = vector.load %arg3[%get3A_59, %get3A_60, %get3A_61] : memref<4x128x128xf32, #tpu.memory_space<vmem>>, vector<1x128x128xf32>
    %get3A_63 = vector.shape_cast %get3A_62 : vector<1x128x128xf32> to vector<128x128xf32>
    %dot_general3A_64 = arith.constant dense<0.000000e+00> : vector<128x128xf32>
    %dot_general3A_65 = tpu.matmul %get3A_63, %get3A_11, %dot_general3A_64 {dimension_numbers = #tpu.dot_dimension_numbers<[1], [0], [0], [1], [0, 0, 1, 1], [], []>, transpose_lhs_hint = false} : vector<128x128xf32>, vector<128x128xf32>, vector<128x128xf32> -> vector<128x128xf32>
    %mul3A_66 = arith.constant 3.906250e-03 : f32
    %mul3A_67 = vector.broadcast %mul3A_66 : f32 to vector<128x128xf32>
    %mul3A_68 = arith.mulf %dot_general3A_65, %mul3A_67 : vector<128x128xf32>
    %dot_general3A_69 = arith.constant dense<0.000000e+00> : vector<1000x128xf32>
    %dot_general3A_70 = tpu.matmul %concatenate3A, %mul3A_68, %dot_general3A_69 {dimension_numbers = #tpu.dot_dimension_numbers<[1], [0], [0], [1], [0, 0, 1, 1], [], []>, transpose_lhs_hint = false} : vector<1000x128xf32>, vector<128x128xf32>, vector<1000x128xf32> -> vector<1000x128xf32>
    %slice3A_71 = vector.extract_strided_slice %get3A_14 {offsets = [0, 3], sizes = [1000, 1], strides = [1, 1]} : vector<1000x4xf32> to vector<1000x1xf32>
    %mul3A_72 = vector.broadcast %slice3A_71 : vector<1000x1xf32> to vector<1000x128xf32>
    %mul3A_73 = arith.mulf %dot_general3A_70, %mul3A_72 : vector<1000x128xf32>
    %add3A_74 = arith.addf %add3A_58, %mul3A_73 : vector<1000x128xf32>
    %swap3A = arith.constant 0 : index
    %swap3A_75 = arith.constant 0 : index
    %swap3A_76 = vector.load %arg5[%swap3A, %swap3A_75] : memref<1000x128xf32, #tpu.memory_space<vmem>>, vector<1000x128xf32>
    tpu.vector_store %arg5[%swap3A, %swap3A_75], %add3A_74 {strides = array<i32>} : memref<1000x128xf32, #tpu.memory_space<vmem>>, vector<1000x128xf32>,
    return
  }
  func.func @transform_0(%arg0: i32) -> (i32, i32, i32) {
    %c0_i32 = arith.constant 0 : i32
    %c0_i32_0 = arith.constant 0 : i32
    %c0_i32_1 = arith.constant 0 : i32
    return %c0_i32, %arg0, %c0_i32_0 : i32, i32, i32
  }
  func.func @transform_1(%arg0: i32) -> (i32, i32) {
    %c0_i32 = arith.constant 0 : i32
    %c0_i32_0 = arith.constant 0 : i32
    return %arg0, %c0_i32 : i32, i32
  }
  func.func @transform_2(%arg0: i32) -> (i32, i32, i32) {
    %c0_i32 = arith.constant 0 : i32
    %c0_i32_0 = arith.constant 0 : i32
    %c0_i32_1 = arith.constant 0 : i32
    %c0_i32_2 = arith.constant 0 : i32
    return %c0_i32, %c0_i32_0, %c0_i32_1 : i32, i32, i32
  }
  func.func @transform_3(%arg0: i32) -> (i32, i32) {
    %c0_i32 = arith.constant 0 : i32
    %c0_i32_0 = arith.constant 0 : i32
    %c0_i32_1 = arith.constant 0 : i32
    return %c0_i32, %c0_i32_0 : i32, i32
  }
  func.func @transform_4(%arg0: i32) -> (i32, i32) {
    %c0_i32 = arith.constant 0 : i32
    %c0_i32_0 = arith.constant 0 : i32
    return %arg0, %c0_i32 : i32, i32
  }
}

</mosaic_0001>

<sc_bundles>
// kernel: kernel.5.cloned.1.call-start
scs
__scs_entry_jumppad:
0x0: {  	(pc) =	sbr.rel $0x88, $3  }
0x1: {  	(tag) =	ssettag $0x0;
	lr =	simm.s32 $0x1  }
0x2: {  	[smem:$0x3F99] =	sst lr;
	_ =	strace $0xD0000000  }
0x3: {  	_ = 	snop  }
0x4: {  	_ = 	snop  }
0x5: {  	_ = 	snop  }
0x6: {  	_ = 	snop  }
0x7: {  	_ = 	snop  }
__scs_overlays_trampoline_lowered:
0x8: {  	[smem:$0x3FA8] =	sst s0  }
0x9: {  	[smem:$0x3FA9] =	sst s1  }
0xa: {  	[smem:$0x3FAA] =	sst s2  }
0xb: {  	[smem:$0x3FAB] =	sst s3  }
0xc: {  	[smem:$0x3FAC] =	sst s4  }
0xd: {  	[smem:$0x3FAD] =	sst s5  }
0xe: {  	[smem:$0x3FAE] =	sst s6  }
0xf: {  	[smem:$0x3FAF] =	sst s7  }
0x10: {  	[smem:$0x3FB0] =	sst s8  }
0x11: {  	[smem:$0x3FB1] =	sst s9;
	s0 =	simm.s32 @!p0 $0x0  }
0x12: {  	s1 =	sld [smem:$0x3F97];
	s0 =	simm.s32 @p0 $0x1  }
0x13: {  	[smem:$0x3FB2] =	sst s0;
	s0 =	simm.s32 @!p1 $0x0  }
0x14: {  	s2 =	sld [smem:$0x3F96];
	s0 =	simm.s32 @p1 $0x1  }
0x15: {  	[smem:$0x3FB3] =	sst s0;
	s0 =	simm.s32 @!p2 $0x0  }
0x16: {  	s3 =	sld [smem:$0x3FDB];
	s0 =	simm.s32 @p2 $0x1  }
0x17: {  	s4 =	simm.s32 $0x1BF5;
	[smem:$0x3FB5] =	sst s0  }
0x18: {  	s0 =	sld [smem:$0x3F98];
	_ =	swait.ge [sflag:s4], $0x0  }
0x19: {  	s7 =	sld [smem:$0x3F99]  }
0x1a: {  	s8 =	sadd.s32 $0xFFFFE003, lr  }
0x1b: {  	s9 =	sadd.s32 $0xFFFFFEF7, lr;
	s5 =	simm.s32 $0xFFFFFFFF;
	p2 =	slt.u32 s8, $0xFFFFF086  }
0x1c: {  	p1 =	slt.u32 s9, $0xF7A;
	s5 =	simm.s32 @!p2 $0x0  }
0x1d: {  	s5 =	simm.s32 @p1 $0x1;
	p0 =	seq.s32 s7, s2  }
0x1e: {  	s7 =	smul.u32 @!p0 $0xF7A, s2;
	p2 =	seq.s32 @!p0 s5, $0x0  }
0x1f: {  	s9 =	smul.u32 $0xF7A, s1;
	s8 =	simm.s32 @!p0 $0x1BF5;
	p2 =	por !p2, p0  }
0x20: {  	[sflag:s8] =	ssyncset.s32 @!p0 $0xFFFFF086;
	s6 =	sadd.s32 @!p0 s3, s7;
	s7 =	simm.s32 @!p0 $0x108  }
0x21: {  	s3 =	sadd.s32 s3, s9;
	s6 =	sadd.s32 @!p0 $0x88, s6;
	s7 =	simm.s32 @p2 $0x1082  }
0x22: {  	[simem:s7], [sflag:s8] =	dma.local @!p0 [hbm:s6], $0xF7A  }
0x23: {  	s9 =	sor.u32 $0xD0000000, s2;
	s6 =	simm.s32 $0x108;
	_ =	swait.ge @!p0 [sflag:s8], $0x0  }
0x24: {  	s3 =	sadd.s32 $0x88, s3;
	s6 =	simm.s32 @!p1 $0x1082;
	[sflag:s4] =	ssyncset.s32 $0xFFFFF086  }
0x25: {  	[simem:s6], [sflag:s4] =	dma.local [hbm:s3], $0xF7A  }
0x26: {  	[smem:$0x3F99] =	sst s1;
	(tag) =	ssettag s2;
	_ =	strace s9  }
0x27: {  	s1 =	sld [smem:$0x3FA9]  }
0x28: {  	s2 =	sld [smem:$0x3FAA]  }
0x29: {  	s4 =	sld [smem:$0x3FAC]  }
0x2a: {  	p0 =	seq.s32 s5, $0x0;
	s5 =	sld [smem:$0x3FAD]  }
0x2b: {  	s6 =	sld [smem:$0x3FAE]  }
0x2c: {  	s7 =	sld [smem:$0x3FAF]  }
0x2d: {  	s3 =	simm.s32 $0x108;
	s8 =	sld [smem:$0x3FB0]  }
0x2e: {  	s3 =	simm.s32 @!p0 $0x1082;
	s9 =	sld [smem:$0x3FB1]  }
0x2f: {  	lr =	sadd.s32 s0, s3;
	s0 =	sld [smem:$0x3FA8]  }
0x30: {  	s3 =	sld [smem:$0x3FAB]  }
0x31: {  	[smem:$0x3FB4] =	sst s10  }
0x32: {  	s10 =	sld [smem:$0x3FB2];
	_ =	sdelay $0x3  }
0x33: {  	p0 =	seq.s32 s10, $0x1;
	s10 =	sld [smem:$0x3FB4];
	_ =	sdelay $0x3  }
0x34: {  	[smem:$0x3FB4] =	sst s10  }
0x35: {  	s10 =	sld [smem:$0x3FB3];
	_ =	sdelay $0x3  }
0x36: {  	p1 =	seq.s32 s10, $0x1;
	s10 =	sld [smem:$0x3FB4];
	_ =	sdelay $0x3  }
0x37: {  	[smem:$0x3FB4] =	sst s10  }
0x38: {  	s10 =	sld [smem:$0x3FB5]  }
0x39: {  	_ = 	snop;
	(pc) =	sbr.ind lr, $3  }
0x3a: {  	_ = 	snop  }
0x3b: {  	_ = 	snop  }
0x3c: {  	p2 =	seq.s32 s10, $0x1;
	s10 =	sld [smem:$0x3FB4]  }
0x3d: {  	_ =	shalt  }
0x3e: {  	_ =	shalt  }
0x3f: {  	_ =	shalt  }
0x40: {  	_ =	shalt  }
0x41: {  	_ =	shalt  }
0x42: {  	_ =	shalt  }
0x43: {  	_ =	shalt  }
0x44: {  	_ =	shalt  }
0x45: {  	_ =	shalt  }
0x46: {  	_ =	shalt  }
0x47: {  	_ =	shalt  }
0x48: {  	_ =	shalt  }
0x49: {  	_ =	shalt  }
0x4a: {  	_ =	shalt  }
0x4b: {  	_ =	shalt  }
0x4c: {  	_ =	shalt  }
0x4d: {  	_ =	shalt  }
0x4e: {  	_ =	shalt  }
0x4f: {  	_ =	shalt  }
0x50: {  	_ =	shalt  }
0x51: {  	_ =	shalt  }
0x52: {  	_ =	shalt  }
0x53: {  	_ =	shalt  }
0x54: {  	_ =	shalt  }
0x55: {  	_ =	shalt  }
0x56: {  	_ =	shalt  }
0x57: {  	_ =	shalt  }
0x58: {  	_ =	shalt  }
0x59: {  	_ =	shalt  }
0x5a: {  	_ =	shalt  }
0x5b: {  	_ =	shalt  }
0x5c: {  	_ =	shalt  }
0x5d: {  	_ =	shalt  }
0x5e: {  	_ =	shalt  }
0x5f: {  	_ =	shalt  }
0x60: {  	_ =	shalt  }
0x61: {  	_ =	shalt  }
0x62: {  	_ =	shalt  }
0x63: {  	_ =	shalt  }
0x64: {  	_ =	shalt  }
0x65: {  	_ =	shalt  }
0x66: {  	_ =	shalt  }
0x67: {  	_ =	shalt  }
0x68: {  	_ =	shalt  }
0x69: {  	_ =	shalt  }
0x6a: {  	_ =	shalt  }
0x6b: {  	_ =	shalt  }
0x6c: {  	_ =	shalt  }
0x6d: {  	_ =	shalt  }
0x6e: {  	_ =	shalt  }
0x6f: {  	_ =	shalt  }
0x70: {  	_ =	shalt  }
0x71: {  	_ =	shalt  }
0x72: {  	_ =	shalt  }
0x73: {  	_ =	shalt  }
0x74: {  	_ =	shalt  }
0x75: {  	_ =	shalt  }
0x76: {  	_ =	shalt  }
0x77: {  	_ =	shalt  }
0x78: {  	_ =	shalt  }
0x79: {  	_ =	shalt  }
0x7a: {  	_ =	shalt  }
0x7b: {  	_ =	shalt  }
0x7c: {  	_ =	shalt  }
0x7d: {  	_ =	shalt  }
0x7e: {  	_ =	shalt  }
0x7f: {  	_ =	shalt  }
0x80: {  	_ =	shalt  }
0x81: {  	_ =	shalt  }
0x82: {  	_ =	shalt  }
0x83: {  	_ =	shalt  }
0x84: {  	_ =	shalt  }
0x85: {  	_ =	shalt  }
0x86: {  	_ =	shalt  }
0x87: {  	_ =	shalt  }
.Lfunc_end0:
.L_simem_size_0:
called_computation_lowered:
.L_overlay_start_0:
0x88: {  	s2 =	sld [smem:$0x3FD9]  }
0x89: {  	s3 =	sld [smem:$0x3FFE];
	_ =	sdelay $0x1  }
0x8a: {  	s1 =	srdreg.scid  }
0x8b: {  	s0 =	sand.u32 $0x1, s1  }
0x8c: {  	s17 =	sshll.u32 s0, $0xA;
	s2 =	sadd.s32 s3, s2  }
0x8d: {  	s2 =	sadd.s32 s2, s17  }
0x8e: {  	[smem:$0x3FC0] =	sst s2  }
0x8f: {  	_ = 	snop  }
0x90: {  	s2 =	sld [smem:$0x3FD0];
	(tm) =	ssettm $0x1  }
0x91: {  	s18 =	sld [smem:$0x3FFB];
	_ =	sdelay $0x3  }
0x92: {  	_ =	strace s18  }
0x93: {  	s3 =	sld [smem:$0x3FFC];
	_ =	sdelay $0x3  }
0x94: {  	_ =	strace s3  }
0x95: {  	s3 =	sld [smem:$0x3FFD];
	_ =	sdelay $0x3  }
0x96: {  	_ =	strace s3  }
0x97: {  	_ =	strace $0x8FFFFFFF  }
0x98: {  	s19 =	sld [smem:$0x3FDB];
	_ =	sdelay $0x1  }
0x99: {  	s4 =	simm.s32 $_scs_section_size  }
0x9a: {  	s5 =	simm.s32 $_size__tile_overlayer_lowered;
	s6 =	simm.s32 $_tile_overlayer_lowered  }
0x9b: {  	s22 =	simm.s32 $0x1BFF;
	s21 =	sshll.u32 s6, $0x1;
	s3 =	sadd.s32 s4, s19  }
0x9c: {  	s7 =	simm.s32 $0x0;
	s20 =	sshll.u32 s5, $0x1;
	s5 =	sadd.s32 s21, s3  }
0x9d: {  	[timem:s7], [sflag:s22] =	dma.local [hbm:s5], s20  }
0x9e: {  	_ =	swait.ge [sflag:s22], s20  }
0x9f: {  	s4 =	ssub.s32 $0x0, s20;
	[sflag:s22] =	ssyncset.done $0x0  }
0xa0: {  	[sflag:s22] =	ssyncadd.s32 s4;
	_ =	sdelay $0x1  }
0xa1: {  	s23 =	simm.s32 $0x1B8B  }
0xa2: {  	_ =	swait.ge [sflag:s23], $0x1  }
0xa3: {  	[sflag:s23] =	ssyncset.done $0x0  }
0xa4: {  	s25 =	simm.s32 $0x1B8E;
	s24 =	sld [smem:$0x3FFE];
	[sflag:s23] =	ssyncadd.s32 $0xFFFFFFFF  }
0xa5: {  	s26 =	simm.s32 $execute0_lowered;
	[smem:$0x3FD2] =	sst s25  }
0xa6: {  	s5 =	sshll.u32 s26, $0x1;
	_ =	strace $0x80000046;
	[dreg:$0x1] =	wrdreg $0xFFFFFFFF  }
0xa7: {  	s28 =	simm.s32 $_size_execute0_lowered;
	s3 =	sadd.s32 s3, s5;
	[dreg:$0x0] =	wrdreg $0x0  }
0xa8: {  	s5 =	sshll.u32 s28, $0x1;
	[dreg:$0x2] =	wrdreg s3  }
0xa9: {  	[dreg:$0x3] =	wrdreg s5  }
0xaa: {  	[dreg:$0x4] =	wrdreg $0xC0  }
0xab: {  	_ =	task [dreg:s7], $0x5FFFF  }
0xac: {  	[dreg:$0x1] =	wrdreg $0xFFFFFFFF  }
0xad: {  	[dreg:$0x0] =	wrdreg $0x60  }
0xae: {  	[dreg:$0x2] =	wrdreg s24  }
0xaf: {  	[dreg:$0x3] =	wrdreg s2  }
0xb0: {  	[dreg:$0x4] =	wrdreg $0x117400  }
0xb1: {  	[dreg:$0x5] =	wrdreg $0x9  }
0xb2: {  	_ =	task.clear_ibuf [dreg:s7], $0x6FFFF;
	_ =	strace $0x90000046  }
0xb3: {  	s29 =	simm.s32 $0x9;
	_ =	strace $0x80000048  }
0xb4: {  	_ =	swait.ge [sflag:s29], $0x1  }
0xb5: {  	[sflag:s29] =	ssyncadd.s32 $0xFFFFFFFF  }
0xb6: {  	_ =	strace $0x90000048  }
0xb7: {  	_ =	sfence  }
0xb8: {  	s30 =	sld [smem:$0x0];
	_ =	sdelay $0x2  }
0xb9: {  	s31 =	sshll.u32 s1, $0xD;
	s1 =	sshrl.u32 s1, $0x2  }
0xba: {  	s3 =	sand.u32 $0x4000, s31;
	s1 =	sadd.s32 s1, s30  }
0xbb: {  	s0 =	sor.u32 s3, s0;
	s1 =	sshll.u32 s1, $0x11  }
0xbc: {  	s0 =	sor.u32 s1, s0  }
0xbd: {  	s0 =	sadd.s32 $0x8F2B, s0  }
0xbe: {  	[sflag:s0] =	ssyncadd.remote.s32 $0x1  }
0xbf: {  	_ =	sfence.sel $0xFFFF  }
0xc0: {  	[dreg:$0x0] =	wrdreg $0xFFFFFFFF;
	(pc) =	sbr.abs _section_cstart, $3  }
0xc1: {  	[dreg:$0x1] =	wrdreg $0xFFFFFFFF  }
0xc2: {  	_ =	task.clear_ibuf [dreg:s7], $0x2FFFF;
	_ =	strace $0x9FFFFFFF  }
0xc3: {  	(tm) =	ssettm $0x7FFFFFFF  }
tec
execute0_lowered:
.L_overlay_start_1:
0x0: {  	(tag) =	ssettag $0x1  }
0x1: {  	s0 =	rddreg [dreg:$0x0]  }
0x2: {  	s1 =	rddreg [dreg:$0x1]  }
0x3: {  	s2 =	rddreg [dreg:$0x2];
	s3 =	simm.s32 $0x0  }
0x4: {  	s16 =	stileid.u32;
	s4 =	srdreg.scid;
	s28 =	simm.s32 $0x5  }
0x5: {  	s29 =	simm.s32 $0x6;
	s30 =	simm.s32 $0x1;
	s31 =	simm.s32 $0x3  }
0x6: {  	[smem:$0x7FF] =	sst s3;
	s6 =	smul.u32 $0x4E2, s16;
	s10 =	sand.u32 $0x1, s4  }
0x7: {  	s4 =	sadd.s32 $0xB000, s0;
	s11 =	smul.u32 $0x9C00, s16;
	s5 =	sadd.s32 $0x27C000, s0  }
0x8: {  	s9 =	sadd.s32 $0x9C000, s2;
	p0 =	sne.s32 s16, $0xF;
	_ =	strace $0x80000047  }
0x9: {  	s7 =	ssub.s32 $0x2, s10;
	s14 =	smul.u32 $0x9C400, s10;
	s0 =	sadd.s32 s6, s0  }
0xa: {  	s17 =	sshrl.u32 s7, $0x1;
	s13 =	sadd.s32 $0x4E00, s11;
	s6 =	smul.u32 $0x9C40, s16  }
0xb: {  	s12 =	ssub.s32 s7, s17;
	s7 =	sadd.s32 s11, s2;
	s8 =	sadd.s32 s13, s2  }
0xc: {  	s15 =	sadd.s32 $0x6000, s0;
	s0 =	sadd.s32 $0x1000, s0;
	s20 =	sadd.s32 s11, s14  }
0xd: {  	s21 =	sadd.s32 s14, s13;
	s22 =	sshrl.u32 s14, $0x3;
	[dreg:$0x4] =	wrdreg s15  }
0xe: {  	s18 =	sshrl.u32 s6, $0x3;
	[dreg:$0x5] =	wrdreg s0;
	s0 =	sshrl.u32 s20, $0x3  }
0xf: {  	s23 =	sshrl.u32 s21, $0x3;
	s24 =	sadd.s32 s1, s22;
	s26 =	smax.u32 s12, $0x1  }
0x10: {  	s20 =	simm.s32 $0x4E20;
	s21 =	simm.s32 $0x50;
	s22 =	simm.s32 $0x5140  }
0x11: {  	s19 =	sadd.s32 s5, s18;
	s0 =	sadd.s32 s1, s0;
	[dreg:$0xa] =	wrdreg s26  }
.Ltmp0:
0x12: {  	s25 =	sadd.s32 $0x13800, s24;
	[dreg:$0x6] =	wrdreg s19;
	(pc) =	sbr.rel .LBB2_1-.Ltmp0, $4  }
0x13: {  	s18 =	simm.s32 $0x7;
	s24 =	simm.s32 $0x4;
	[dreg:$0x7] =	wrdreg s0  }
0x14: {  	s26 =	simm.s32 $0xB540;
	s0 =	sadd.s32 s1, s23;
	[dreg:$0x9] =	wrdreg s25  }
0x15: {  	s23 =	simm.s32 $0x2;
	s25 =	simm.s32 $0x50F0;
	s19 =	simm.s32 $0xA140  }
0x16: {  	v1 =	vimm.f32 $0.0e+00;
	v0 =	vmov s10;
	s1 =	simm.s32 $0x0;
	[dreg:$0x8] =	wrdreg s0;
	s0 =	simm.s32 $0x50A0  }
.LBB2_14:
0x17: {  	_ =	swait.ge [sflag:s28], $0x1400  }
0x18: {  	[sflag:s28] =	ssyncset.done $0x0  }
0x19: {  	[sflag:s28] =	ssyncadd.s32 $0xFFFFEC00  }
0x1a: {  	_ =	swait.ge [sflag:s29], $0x1400  }
0x1b: {  	[sflag:s29] =	ssyncset.done $0x0  }
0x1c: {  	s10 =	stileid.u32;
	[sflag:s29] =	ssyncadd.s32 $0xFFFFEC00  }
0x1d: {  	s10 =	sshll.u32 s10, $0x6;
	[bflag:$0x0] =	sbarrier.arrive $0xFFFF  }
0x1e: {  	s11 =	sshrl.u32 s7, $0x3;
	s10 =	sor.u32 $0x1C07, s10;
	s12 =	rddreg [dreg:$0x7]  }
0x1f: {  	[hbm:s12], [sflag:s10] =	dma.local [spmem:s11], $0x9C0  }
0x20: {  	_ =	swait.ge [sflag:s18], $0x9C0  }
0x21: {  	[sflag:s18] =	ssyncset.done $0x0  }
0x22: {  	s15 =	sshrl.u32 s8, $0x3;
	s16 =	rddreg [dreg:$0x8];
	[sflag:s18] =	ssyncadd.s32 $0xFFFFF640  }
0x23: {  	[hbm:s16], [sflag:s10] =	dma.local [spmem:s15], $0x9C0  }
0x24: {  	_ =	swait.ge [sflag:s18], $0x9C0  }
0x25: {  	[sflag:s18] =	ssyncset.done $0x0  }
0x26: {  	s11 =	sshrl.u32 @!p0 s9, $0x3;
	s12 =	rddreg [dreg:$0x9];
	[sflag:s18] =	ssyncadd.s32 $0xFFFFF640  }
0x27: {  	[hbm:s12], [sflag:s10] =	dma.local @!p0 [spmem:s11], $0x80  }
0x28: {  	s10 =	simm.s32 @!p0 $0x7  }
0x29: {  	_ =	swait.ge @!p0 [sflag:s10], $0x80  }
0x2a: {  	s1 =	sadd.s32 $0x1, s1;
	s17 =	rddreg [dreg:$0xa]  }
0x2b: {  	p1 =	sne.s32 s1, s17  }
.Ltmp1:
0x2c: {  	_ = 	snop;
	(pc) =	sbr.rel @!p1 .LBB2_15-.Ltmp1, $3  }
0x2d: {  	_ =	sdelay $0x1  }
0x2e: {  	[sflag:s10] =	ssyncset.done @!p0 $0x0  }
0x2f: {  	[sflag:s10] =	ssyncadd.s32 @!p0 $0xFFFFFF80  }
.LBB2_1:
0x30: {  	s10 =	simm.s32 $0xC9C0  }
0x31: {  	[tilespmem:s10+$0xFFFFFF80] =	vst v1  }
0x32: {  	[tilespmem:s10+$0x70] =	vst v1  }
0x33: {  	[tilespmem:s10+$0x60] =	vst v1  }
0x34: {  	[tilespmem:s10+$0x50] =	vst v1  }
0x35: {  	[tilespmem:s10+$0x40] =	vst v1  }
0x36: {  	[tilespmem:s10+$0x30] =	vst v1  }
0x37: {  	[tilespmem:s10+$0x20] =	vst v1  }
0x38: {  	[tilespmem:s10+$0x10] =	vst v1  }
0x39: {  	[tilespmem:s10+$0x0] =	vst v1  }
0x3a: {  	[tilespmem:s10+$0xFFFFFFF0] =	vst v1  }
0x3b: {  	[tilespmem:s10+$0xFFFFFFE0] =	vst v1  }
0x3c: {  	[tilespmem:s10+$0xFFFFFFD0] =	vst v1  }
0x3d: {  	[tilespmem:s10+$0xFFFFFFC0] =	vst v1  }
0x3e: {  	[tilespmem:s10+$0xFFFFFFB0] =	vst v1  }
0x3f: {  	s11 =	simm.s32 $0x0;
	[tilespmem:s10+$0xFFFFFFA0] =	vst v1  }
.LBB2_2:
0x40: {  	s11 =	sadd.s32 $0x4, s11;
	[tilespmem:s10+$0xFFFFFF90] =	vst v1;
	s10 =	sadd.s32 $0x100, s10  }
0x41: {  	[tilespmem:s10+$0xFFFFFF80] =	vst v1;
	p1 =	slt.u32 s11, $0x134  }
0x42: {  	[tilespmem:s10+$0x70] =	vst v1  }
0x43: {  	[tilespmem:s10+$0x60] =	vst v1  }
0x44: {  	[tilespmem:s10+$0x50] =	vst v1  }
0x45: {  	[tilespmem:s10+$0x40] =	vst v1  }
0x46: {  	[tilespmem:s10+$0x30] =	vst v1  }
0x47: {  	[tilespmem:s10+$0x20] =	vst v1  }
0x48: {  	[tilespmem:s10+$0x10] =	vst v1  }
0x49: {  	[tilespmem:s10+$0x0] =	vst v1  }
0x4a: {  	[tilespmem:s10+$0xFFFFFFF0] =	vst v1  }
.Ltmp2:
0x4b: {  	[tilespmem:s10+$0xFFFFFFE0] =	vst v1;
	(pc) =	sbr.rel @p1 .LBB2_2-.Ltmp2, $4  }
0x4c: {  	[tilespmem:s10+$0xFFFFFFD0] =	vst v1  }
0x4d: {  	[tilespmem:s10+$0xFFFFFFC0] =	vst v1  }
0x4e: {  	[tilespmem:s10+$0xFFFFFFB0] =	vst v1  }
0x4f: {  	[tilespmem:s10+$0xFFFFFFA0] =	vst v1  }
0x50: {  	[tilespmem:s10+$0xFFFFFF90] =	vst v1;
	s15 =	simm.s32 $0xC940  }
0x51: {  	[spmem:s7] =	stream.linear.scatter [tilespmem:s15], [sflag:$0x7], $0x4E00, $0x38;
	[tilespmem:$0x1B380] =	vst v63  }
0x52: {  	_ =	swait.ge [sflag:s18], $0x4E00  }
0x53: {  	[sflag:s18] =	ssyncset.done $0x0  }
0x54: {  	[sflag:s18] =	ssyncadd.s32 $0xFFFFB200  }
0x55: {  	[spmem:s8] =	stream.linear.scatter [tilespmem:s15], [sflag:$0x7], $0x4E00, $0x38;
	[tilespmem:$0x1B380] =	vst v63  }
0x56: {  	_ =	swait.ge [sflag:s18], $0x4E00  }
0x57: {  	[sflag:s18] =	ssyncset.done $0x0  }
0x58: {  	s10 =	simm.s32 @!p0 $0xC940;
	[sflag:s18] =	ssyncadd.s32 $0xFFFFB200  }
0x59: {  	[spmem:s9] =	stream.linear.scatter @!p0 [tilespmem:s10], [sflag:$0x7], $0x400, $0x38;
	[tilespmem:$0x1B380] =	vst v63  }
0x5a: {  	s10 =	simm.s32 @!p0 $0x7  }
0x5b: {  	_ =	swait.ge @!p0 [sflag:s10], $0x400  }
0x5c: {  	[sflag:s10] =	ssyncset.done @!p0 $0x0  }
0x5d: {  	s16 =	rddreg [dreg:$0x4];
	[sflag:s10] =	ssyncadd.s32 @!p0 $0xFFFFFC00  }
0x5e: {  	[tilespmem:s3], [sflag:$0x7] =	stream.linear.gather [hbm4b:s16+s3], $0x2710, $0x38;
	[tilespmem:$0x1B380] =	vst v63  }
0x5f: {  	_ =	swait.ge [sflag:s18], $0x2710  }
0x60: {  	[sflag:s18] =	ssyncset.done $0x0  }
0x61: {  	s11 =	simm.s32 $0x2710;
	s17 =	rddreg [dreg:$0x5];
	[sflag:s18] =	ssyncadd.s32 $0xFFFFD8F0  }
0x62: {  	[tilespmem:s11], [sflag:$0x7] =	stream.linear.gather [hbm4b:s17+s3], $0x2710, $0x38;
	[tilespmem:$0x1B380] =	vst v63  }
0x63: {  	_ =	swait.ge [sflag:s18], $0x2710  }
0x64: {  	[sflag:s18] =	ssyncset.done $0x0  }
0x65: {  	s11 =	simm.s32 $0x20;
	[sflag:s18] =	ssyncadd.s32 $0xFFFFD8F0  }
0x66: {  	v2 =	vld [tilespmem:s11+$0xFFFFFFE0]  }
0x67: {  	v5 =	vld [tilespmem:s11+$0x0]  }
0x68: {  	v4 =	vld [tilespmem:s11+$0x10]  }
0x69: {  	v6 =	vld [tilespmem:s11+$0xFFFFFFF0];
	_ =	sdelay $0x1  }
0x6a: {  	s10 =	simm.s32 $0x60;
	v2 =	vshll.u32 v2, $0x1  }
0x6b: {  	v3 =	vld [tilespmem:s10+$0xFFFFFFE0];
	v5 =	vshll.u32 v5, $0x1;
	v7 =	vor.u32 v0, v2  }
0x6c: {  	v4 =	vshll.u32 v4, $0x1;
	v2 =	vld [tilespmem:s10+$0x10];
	v8 =	vor.u32 v0, v5;
	[tilespmem:s11+$0xFFFFFFE0] =	vst v7  }
0x6d: {  	v6 =	vshll.u32 v6, $0x1;
	v5 =	vld [tilespmem:s10+$0xFFFFFFF0];
	v7 =	vor.u32 v0, v4;
	[tilespmem:s11+$0x0] =	vst v8  }
0x6e: {  	s12 =	simm.s32 $0x4;
	v6 =	vor.u32 v0, v6;
	v4 =	vld [tilespmem:s10+$0x0];
	[tilespmem:s11+$0x10] =	vst v7  }
.LBB2_4:
0x6f: {  	s12 =	sadd.s32 $0x4, s12  }
0x70: {  	[tilespmem:s11+$0xFFFFFFF0] =	vst v6;
	s11 =	smov.u32 s10;
	p1 =	slt.u32 s12, $0x26C  }
.Ltmp3:
0x71: {  	s10 =	sadd.s32 $0x40, s10;
	v6 =	vshll.u32 v3, $0x1;
	(pc) =	sbr.rel @p1 .LBB2_4-.Ltmp3, $4  }
0x72: {  	v3 =	vld [tilespmem:s10+$0xFFFFFFE0];
	v6 =	vor.u32 v0, v6;
	v7 =	vshll.u32 v2, $0x1  }
0x73: {  	v2 =	vld [tilespmem:s10+$0x10];
	[tilespmem:s11+$0xFFFFFFE0] =	vst v6;
	v6 =	vshll.u32 v4, $0x1;
	v7 =	vor.u32 v0, v7  }
0x74: {  	v4 =	vld [tilespmem:s10+$0x0];
	v8 =	vshll.u32 v5, $0x1;
	v9 =	vor.u32 v0, v6;
	[tilespmem:s11+$0x10] =	vst v7  }
0x75: {  	v5 =	vld [tilespmem:s10+$0xFFFFFFF0];
	v6 =	vor.u32 v0, v8;
	[tilespmem:s11+$0x0] =	vst v9  }
0x76: {  	_ = 	snop  }
0x77: {  	v3 =	vshll.u32 v3, $0x1  }
0x78: {  	[tilespmem:s11+$0xFFFFFFF0] =	vst v6;
	v3 =	vor.u32 v0, v3;
	v2 =	vshll.u32 v2, $0x1  }
0x79: {  	[tilespmem:s10+$0xFFFFFFE0] =	vst v3;
	v3 =	vshll.u32 v4, $0x1;
	v2 =	vor.u32 v0, v2  }
0x7a: {  	v63 =	vshll.u32 v5, $0x1;
	v3 =	vor.u32 v0, v3;
	[tilespmem:s10+$0x10] =	vst v2  }
0x7b: {  	v2 =	vor.u32 v0, v63;
	[tilespmem:s10+$0x0] =	vst v3  }
0x7c: {  	[tilespmem:s10+$0xFFFFFFF0] =	vst v2  }
0x7d: {  	v2 =	vld [tilespmem:$0x2700];
	_ =	sdelay $0x4  }
0x7e: {  	v2 =	vshll.u32 v2, $0x1  }
0x7f: {  	v2 =	vor.u32 v0, v2  }
0x80: {  	[tilespmem:$0x2700] =	vst v2  }
.Ltmp4:
0x81: {  	[bflag:$0x0] =	sbarrier.arrive $0xFFFF;
	(pc) =	sbr.rel .LBB2_6-.Ltmp4, $4  }
0x82: {  	s17 =	simm.s32 $0x0;
	s16 =	rddreg [dreg:$0x6]  }
0x83: {  	[tilespmem:s20], [sflag:$0x3] =	stream.linear.gather [hbm4b:s16+s17], $0x140, $0x38;
	[tilespmem:$0x1B380] =	vst v63  }
0x84: {  	_ = 	snop  }
0x85: {  	[tilespmem:s22], [sflag:$0x1] =	stream.indirect.gather [hbm4b:s4+s21], $0x80, s17, s21, $0xb8;
	[tilespmem:$0x1B380] =	vst v63  }
.LBB2_9:
0x86: {  	v12 =	vld [tilespmem:s14+$0xFFFFFF30];
	_ =	sdelay $0x1  }
0x87: {  	v27 =	vld [tilespmem:s14+$0xFFFFFF50];
	_ =	sdelay $0x1  }
0x88: {  	v28 =	vld [tilespmem:s14+$0xFFFFFF70]  }
0x89: {  	v29 =	vunpack.i.u.bf16.f32 v26;
	v59 =	vunpack.i.l.bf16.f32 v26;
	v30 =	vunpack.i.l.bf16.f32 v12  }
0x8a: {  	v26 =	vmul.f32 v59, v5;
	v12 =	vunpack.i.u.bf16.f32 v12;
	v30 =	vmul.f32 v30, v6  }
0x8b: {  	v60 =	vmul.f32 v29, v5;
	v62 =	vunpack.i.l.bf16.f32 v27;
	v61 =	vmul.f32 v12, v6  }
0x8c: {  	v27 =	vunpack.i.u.bf16.f32 v27;
	v12 =	vmul.f32 v62, v4;
	v26 =	vadd.f32 v30, v26  }
0x8d: {  	v63 =	vmul.f32 v27, v4;
	v5 =	vadd.f32 v61, v60;
	v30 =	vunpack.i.l.bf16.f32 v28  }
0x8e: {  	v31 =	vunpack.i.u.bf16.f32 v28;
	v6 =	vmul.f32 v30, v3;
	v12 =	vadd.f32 v12, v26  }
0x8f: {  	v3 =	vmul.f32 v31, v3;
	v4 =	vadd.f32 v63, v5  }
0x90: {  	v32 =	vadd.f32 v6, v12  }
0x91: {  	v3 =	vadd.f32 v3, v4  }
0x92: {  	[tilespmem:s13+$0xFFFFFFA0] =	vst v32  }
0x93: {  	[tilespmem:s13+$0xFFFFFFB0] =	vst v3  }
0x94: {  	v3 =	vld [tilespmem:s14+$0xFFFFFF80]  }
0x95: {  	v33 =	vld [tilespmem:s14+$0xFFFFFFA0];
	_ =	sdelay $0x1  }
0x96: {  	v5 =	vld [tilespmem:s14+$0xFFFFFFC0];
	_ =	sdelay $0x1  }
0x97: {  	v34 =	vld [tilespmem:s14+$0xFFFFFFE0]  }
0x98: {  	v35 =	vunpack.i.u.bf16.f32 v3;
	v3 =	vunpack.i.l.bf16.f32 v3;
	v36 =	vunpack.i.l.bf16.f32 v33  }
0x99: {  	v4 =	vunpack.i.u.bf16.f32 v33;
	v3 =	vmul.f32 v3, v9;
	v26 =	vmul.f32 v36, v8  }
0x9a: {  	v37 =	vunpack.i.l.bf16.f32 v5;
	v12 =	vmul.f32 v35, v9;
	v4 =	vmul.f32 v4, v8  }
0x9b: {  	v5 =	vunpack.i.u.bf16.f32 v5;
	v38 =	vmul.f32 v37, v7;
	v3 =	vadd.f32 v26, v3  }
0x9c: {  	v39 =	vunpack.i.l.bf16.f32 v34;
	v5 =	vmul.f32 v5, v7;
	v4 =	vadd.f32 v4, v12  }
0x9d: {  	v6 =	vunpack.i.u.bf16.f32 v34;
	v12 =	vmul.f32 v39, v10;
	v3 =	vadd.f32 v38, v3  }
0x9e: {  	v6 =	vmul.f32 v6, v10;
	v4 =	vadd.f32 v5, v4  }
0x9f: {  	v3 =	vadd.f32 v12, v3  }
0xa0: {  	v4 =	vadd.f32 v6, v4  }
0xa1: {  	[tilespmem:s13+$0xFFFFFFC0] =	vst v3  }
0xa2: {  	[tilespmem:s13+$0xFFFFFFD0] =	vst v4  }
0xa3: {  	v40 =	vmul.f32 v25, v17;
	v42 =	vunpack.i.l.bf16.f32 v19;
	v41 =	vld [tilespmem:s14+$0xFFFFFF90]  }
0xa4: {  	v43 =	vadd.f32 v24, v22;
	v44 =	vunpack.i.u.bf16.f32 v21;
	v3 =	vadd.f32 v23, v13;
	v45 =	vld [tilespmem:s14+$0xFFFFFFB0]  }
0xa5: {  	v47 =	vadd.f32 v14, v18;
	v48 =	vmul.f32 v16, v2;
	v2 =	vmul.f32 v15, v2  }
0xa6: {  	v46 =	vmul.f32 v44, v11;
	v6 =	vmul.f32 v42, v17;
	v49 =	vld [tilespmem:s14+$0xFFFFFFD0];
	v3 =	vadd.f32 v40, v3  }
0xa7: {  	v50 =	vunpack.i.l.bf16.f32 v21;
	v51 =	vadd.f32 v48, v20;
	v2 =	vadd.f32 v2, v47  }
0xa8: {  	v52 =	vmul.f32 v50, v11;
	v6 =	vadd.f32 v6, v43;
	v53 =	vld [tilespmem:s14+$0xFFFFFFF0];
	v3 =	vadd.f32 v46, v3  }
0xa9: {  	v54 =	vunpack.i.u.bf16.f32 v41;
	v5 =	vunpack.i.l.bf16.f32 v41;
	v55 =	vunpack.i.l.bf16.f32 v45  }
0xaa: {  	v56 =	vunpack.i.u.bf16.f32 v45;
	v5 =	vmul.f32 v5, v9;
	v14 =	vmul.f32 v55, v8  }
0xab: {  	v58 =	vunpack.i.l.bf16.f32 v49;
	v57 =	vmul.f32 v54, v9;
	v59 =	vmul.f32 v56, v8  }
0xac: {  	v15 =	vunpack.i.u.bf16.f32 v49;
	v13 =	vmul.f32 v58, v7;
	v5 =	vadd.f32 v14, v5  }
0xad: {  	v61 =	vunpack.i.l.bf16.f32 v53;
	v60 =	vmul.f32 v15, v7;
	v8 =	vadd.f32 v59, v57  }
0xae: {  	[tilespmem:s11+$0xF0] =	vst v3;
	v3 =	vunpack.i.u.bf16.f32 v53;
	v9 =	vmul.f32 v61, v10;
	v5 =	vadd.f32 v13, v5  }
0xaf: {  	[tilespmem:s10+$0xFFFFFFE0] =	vst v51;
	v62 =	vadd.f32 v52, v6;
	v3 =	vmul.f32 v3, v10;
	v63 =	vadd.f32 v60, v8  }
0xb0: {  	[tilespmem:s10+$0xFFFFFFF0] =	vst v2;
	v2 =	vadd.f32 v9, v5  }
0xb1: {  	[tilespmem:s13+$0xE0] =	vst v62;
	v3 =	vadd.f32 v3, v63  }
0xb2: {  	[tilespmem:s13+$0xFFFFFFE0] =	vst v2  }
0xb3: {  	[tilespmem:s13+$0xFFFFFFF0] =	vst v3  }
0xb4: {  	[spmem:s2] =	stream.indirect.scatter.add.f32 [tilespmem:s19], [sflag:$0x5], $0x40, s0, s21, $0xb8;
	[tilespmem:$0x1B380] =	vst v63  }
.LBB2_13:
0xb5: {  	s17 =	sadd.s32 $0x1, s17  }
0xb6: {  	p1 =	sne.s32 s17, $0x7D  }
.Ltmp5:
0xb7: {  	_ = 	snop;
	(pc) =	sbr.rel @!p1 .LBB2_14-.Ltmp5, $1  }
0xb8: {  	_ =	sdelay $0x3  }
.LBB2_6:
0xb9: {  	s10 =	sand.u32 $0x1, s17  }
0xba: {  	p1 =	seq.s32 s10, $0x1  }
.Ltmp6:
0xbb: {  	_ = 	snop;
	(pc) =	sbr.rel @!p1 .LBB2_7-.Ltmp6, $2  }
0xbc: {  	_ =	sdelay $0x2  }
0xbd: {  	s10 =	smul.u32 $0x140, s17  }
0xbe: {  	_ = 	snop  }
0xbf: {  	s11 =	sadd.s32 $0x140, s10  }
0xc0: {  	s12 =	sadd.s32 s6, s11  }
0xc1: {  	s12 =	sshrl.u32 s12, $0x3  }
0xc2: {  	s12 =	sadd.s32 s5, s12  }
0xc3: {  	[tilespmem:s20], [sflag:$0x3] =	stream.linear.gather [hbm4b:s12+s3], $0x140, $0x38;
	[tilespmem:$0x1B380] =	vst v63  }
0xc4: {  	s11 =	sshra.s32 s11, $0x2  }
0xc5: {  	[tilespmem:s22], [sflag:$0x1] =	stream.indirect.gather [hbm4b:s4+s21], $0x80, s11, s21, $0xb8;
	[tilespmem:$0x1B380] =	vst v63  }
0xc6: {  	_ =	swait.ge [sflag:s23], $0x2800  }
0xc7: {  	[sflag:s23] =	ssyncset.done $0x0  }
0xc8: {  	[sflag:s23] =	ssyncadd.s32 $0xFFFFD800  }
0xc9: {  	_ =	swait.ge [sflag:s24], $0x140  }
0xca: {  	p1 =	slt.u32 s17, $0x2;
	[sflag:s24] =	ssyncset.done $0x0  }
0xcb: {  	s11 =	simm.s32 @!p1 $0x6;
	[sflag:s24] =	ssyncadd.s32 $0xFFFFFEC0  }
0xcc: {  	_ =	swait.ge @!p1 [sflag:s11], $0x1400  }
0xcd: {  	[sflag:s11] =	ssyncset.done @!p1 $0x0  }
0xce: {  	s14 =	sshra.s32 s10, $0x2;
	[sflag:s11] =	ssyncadd.s32 @!p1 $0xFFFFEC00  }
0xcf: {  	v2 =	vld [tilespmem:s14+$0x2710];
	_ =	sdelay $0x4  }
0xd0: {  	[tilespmem:$0x50F0] =	vst v2  }
0xd1: {  	v2 =	vld [tilespmem:s14+$0x2720];
	_ =	sdelay $0x4  }
0xd2: {  	[tilespmem:$0x5100] =	vst v2  }
0xd3: {  	v2 =	vld [tilespmem:s14+$0x2730];
	_ =	sdelay $0x4  }
0xd4: {  	[tilespmem:$0x5110] =	vst v2  }
0xd5: {  	v2 =	vld [tilespmem:s14+$0x2740];
	_ =	sdelay $0x4  }
0xd6: {  	[tilespmem:$0x5120] =	vst v2  }
0xd7: {  	v2 =	vld [tilespmem:s14+$0x2750];
	_ =	sdelay $0x4  }
0xd8: {  	s15 =	simm.s32 $0x4F70;
	[tilespmem:$0x5130] =	vst v2  }
0xd9: {  	s13 =	simm.s32 $0x7D30;
	v2 =	vld [tilespmem:s15+$0x0]  }
0xda: {  	v3 =	vld [tilespmem:s13+$0xFFFFFE10]  }
0xdb: {  	v4 =	vld [tilespmem:s13+$0xFFFFFE30];
	_ =	sdelay $0x1  }
0xdc: {  	v5 =	vld [tilespmem:s13+$0xFFFFFE50]  }
0xdd: {  	v6 =	vbroadcast v2, $0x2;
	v7 =	vbroadcast v2, $0x3  }
0xde: {  	v10 =	vld [tilespmem:s13+$0xFFFFFE70];
	v8 =	vbroadcast v2, $0x0;
	v9 =	vbroadcast v2, $0x1  }
0xdf: {  	v11 =	vunpack.i.u.bf16.f32 v3;
	v3 =	vunpack.i.l.bf16.f32 v3;
	v12 =	vunpack.i.l.bf16.f32 v4  }
0xe0: {  	v4 =	vunpack.i.u.bf16.f32 v4;
	v3 =	vmul.f32 v3, v8;
	v12 =	vmul.f32 v12, v9  }
0xe1: {  	v13 =	vunpack.i.l.bf16.f32 v5;
	v11 =	vmul.f32 v11, v8;
	v4 =	vmul.f32 v4, v9  }
0xe2: {  	v5 =	vunpack.i.u.bf16.f32 v5;
	v3 =	vadd.f32 v12, v3;
	v12 =	vmul.f32 v13, v6  }
0xe3: {  	v5 =	vmul.f32 v5, v6;
	v4 =	vadd.f32 v4, v11;
	v11 =	vunpack.i.l.bf16.f32 v10  }
0xe4: {  	v10 =	vunpack.i.u.bf16.f32 v10;
	v11 =	vmul.f32 v11, v7;
	v3 =	vadd.f32 v12, v3  }
0xe5: {  	v4 =	vadd.f32 v5, v4;
	v5 =	vmul.f32 v10, v7  }
0xe6: {  	v3 =	vadd.f32 v11, v3  }
0xe7: {  	s10 =	simm.s32 $0xB730;
	v4 =	vadd.f32 v5, v4  }
0xe8: {  	[tilespmem:s10+$0xFFFFFF10] =	vst v3  }
0xe9: {  	[tilespmem:s10+$0xFFFFFF20] =	vst v4  }
0xea: {  	v3 =	vld [tilespmem:s13+$0xFFFFFE20]  }
0xeb: {  	v4 =	vld [tilespmem:s13+$0xFFFFFE40];
	_ =	sdelay $0x1  }
0xec: {  	v5 =	vld [tilespmem:s13+$0xFFFFFE60];
	_ =	sdelay $0x1  }
0xed: {  	v10 =	vld [tilespmem:s13+$0xFFFFFE80]  }
0xee: {  	v11 =	vunpack.i.u.bf16.f32 v3;
	v3 =	vunpack.i.l.bf16.f32 v3;
	v12 =	vunpack.i.l.bf16.f32 v4  }
0xef: {  	v4 =	vunpack.i.u.bf16.f32 v4;
	v3 =	vmul.f32 v3, v8;
	v12 =	vmul.f32 v12, v9  }
0xf0: {  	v8 =	vmul.f32 v11, v8;
	v4 =	vmul.f32 v4, v9;
	v9 =	vunpack.i.l.bf16.f32 v5  }
0xf1: {  	v5 =	vunpack.i.u.bf16.f32 v5;
	v9 =	vmul.f32 v9, v6;
	v3 =	vadd.f32 v12, v3  }
0xf2: {  	v5 =	vmul.f32 v5, v6;
	v6 =	vunpack.i.l.bf16.f32 v10;
	v4 =	vadd.f32 v4, v8  }
0xf3: {  	v8 =	vunpack.i.u.bf16.f32 v10;
	v6 =	vmul.f32 v6, v7;
	v3 =	vadd.f32 v9, v3  }
0xf4: {  	v4 =	vadd.f32 v5, v4;
	v5 =	vmul.f32 v8, v7  }
0xf5: {  	v6 =	vadd.f32 v6, v3  }
0xf6: {  	v4 =	vadd.f32 v5, v4  }
0xf7: {  	v3 =	vld [tilespmem:s15+$0xFFFFFFF0];
	[tilespmem:s10+$0xFFFFFF30] =	vst v6  }
0xf8: {  	v5 =	vld [tilespmem:s13+$0xFFFFFC10];
	[tilespmem:s10+$0xFFFFFF40] =	vst v4  }
0xf9: {  	v4 =	vld [tilespmem:s13+$0xFFFFFE90]  }
0xfa: {  	v6 =	vld [tilespmem:s13+$0xFFFFFEB0];
	_ =	sdelay $0x1  }
0xfb: {  	v13 =	vbroadcast v2, $0x5;
	v8 =	vld [tilespmem:s13+$0xFFFFFED0]  }
0xfc: {  	v10 =	vbroadcast v2, $0x7;
	v12 =	vbroadcast v2, $0x4  }
0xfd: {  	v9 =	vbroadcast v2, $0x6;
	v14 =	vld [tilespmem:s13+$0xFFFFFEF0];
	v7 =	vbroadcast v3, $0x0;
	v11 =	vunpack.i.u.bf16.f32 v5  }
0xfe: {  	v15 =	vunpack.i.u.bf16.f32 v4;
	v4 =	vunpack.i.l.bf16.f32 v4;
	v16 =	vunpack.i.l.bf16.f32 v6  }
0xff: {  	v6 =	vunpack.i.u.bf16.f32 v6;
	v4 =	vmul.f32 v4, v12;
	v16 =	vmul.f32 v16, v13  }
0x100: {  	v17 =	vunpack.i.l.bf16.f32 v8;
	v15 =	vmul.f32 v15, v12;
	v6 =	vmul.f32 v6, v13  }
0x101: {  	v18 =	vld [tilespmem:s13+$0xFFFFFC30];
	v8 =	vunpack.i.u.bf16.f32 v8;
	v4 =	vadd.f32 v16, v4;
	v16 =	vmul.f32 v17, v9  }
0x102: {  	v8 =	vmul.f32 v8, v9;
	v6 =	vadd.f32 v6, v15;
	v15 =	vunpack.i.l.bf16.f32 v14  }
0x103: {  	v17 =	vld [tilespmem:s13+$0xFFFFFC50];
	v14 =	vunpack.i.u.bf16.f32 v14;
	v15 =	vmul.f32 v15, v10;
	v4 =	vadd.f32 v16, v4  }
0x104: {  	v5 =	vunpack.i.l.bf16.f32 v5;
	v6 =	vadd.f32 v8, v6;
	v8 =	vmul.f32 v14, v10  }
0x105: {  	v5 =	vmul.f32 v5, v7;
	v14 =	vld [tilespmem:s13+$0xFFFFFC70];
	v16 =	vbroadcast v3, $0x1;
	v4 =	vadd.f32 v15, v4  }
0x106: {  	v11 =	vmul.f32 v11, v7;
	v15 =	vunpack.i.l.bf16.f32 v18;
	v6 =	vadd.f32 v8, v6  }
0x107: {  	v8 =	vunpack.i.u.bf16.f32 v18;
	v18 =	vbroadcast v3, $0x2;
	v15 =	vmul.f32 v15, v16;
	[tilespmem:s10+$0xFFFFFF50] =	vst v4  }
0x108: {  	v4 =	vmul.f32 v8, v16;
	v8 =	vunpack.i.u.bf16.f32 v17;
	v17 =	vunpack.i.l.bf16.f32 v17;
	[tilespmem:s10+$0xFFFFFF60] =	vst v6  }
0x109: {  	v6 =	vbroadcast v3, $0x3;
	v5 =	vadd.f32 v15, v5;
	v15 =	vmul.f32 v17, v18;
	v17 =	vld [tilespmem:s13+$0xFFFFFEA0]  }
0x10a: {  	v8 =	vmul.f32 v8, v18;
	v19 =	vld [tilespmem:s13+$0xFFFFFEC0];
	v4 =	vadd.f32 v4, v11;
	v11 =	vunpack.i.l.bf16.f32 v14  }
0x10b: {  	v14 =	vunpack.i.u.bf16.f32 v14;
	v11 =	vmul.f32 v11, v6;
	v5 =	vadd.f32 v15, v5  }
0x10c: {  	v14 =	vmul.f32 v14, v6;
	v4 =	vadd.f32 v8, v4;
	v8 =	vld [tilespmem:s13+$0xFFFFFEE0]  }
0x10d: {  	v5 =	vadd.f32 v11, v5  }
0x10e: {  	v11 =	vld [tilespmem:s13+$0xFFFFFF00];
	v4 =	vadd.f32 v14, v4  }
0x10f: {  	v14 =	vunpack.i.l.bf16.f32 v17;
	v15 =	vunpack.i.l.bf16.f32 v19;
	[tilespmem:s10+$0xFFFFFE10] =	vst v5;
	v5 =	vunpack.i.u.bf16.f32 v17  }
0x110: {  	v15 =	vmul.f32 v15, v13;
	[tilespmem:s10+$0xFFFFFE20] =	vst v4;
	v4 =	vmul.f32 v14, v12;
	v14 =	vunpack.i.u.bf16.f32 v19  }
0x111: {  	v5 =	vmul.f32 v5, v12;
	v17 =	vld [tilespmem:s13+$0xFFFFFC20];
	v12 =	vmul.f32 v14, v13;
	v13 =	vunpack.i.l.bf16.f32 v8  }
0x112: {  	v14 =	vld [tilespmem:s13+$0xFFFFFC40];
	v8 =	vunpack.i.u.bf16.f32 v8;
	v4 =	vadd.f32 v15, v4;
	v13 =	vmul.f32 v13, v9  }
0x113: {  	v8 =	vmul.f32 v8, v9;
	v9 =	vunpack.i.l.bf16.f32 v11;
	v5 =	vadd.f32 v12, v5  }
0x114: {  	v12 =	vld [tilespmem:s13+$0xFFFFFC60];
	v9 =	vmul.f32 v9, v10;
	v13 =	vadd.f32 v13, v4;
	v4 =	vunpack.i.u.bf16.f32 v11  }
0x115: {  	v5 =	vadd.f32 v8, v5;
	v8 =	vmul.f32 v4, v10  }
0x116: {  	v4 =	vbroadcast v3, $0x4;
	v10 =	vld [tilespmem:s13+$0xFFFFFC80];
	v11 =	vunpack.i.u.bf16.f32 v17;
	v9 =	vadd.f32 v9, v13  }
0x117: {  	v13 =	vunpack.i.l.bf16.f32 v17;
	v15 =	vunpack.i.l.bf16.f32 v14;
	v5 =	vadd.f32 v8, v5  }
0x118: {  	v8 =	vunpack.i.u.bf16.f32 v14;
	v13 =	vmul.f32 v13, v7;
	v14 =	vmul.f32 v15, v16;
	[tilespmem:s10+$0xFFFFFF70] =	vst v9  }
0x119: {  	v7 =	vmul.f32 v11, v7;
	v8 =	vmul.f32 v8, v16;
	v9 =	vunpack.i.l.bf16.f32 v12;
	[tilespmem:s10+$0xFFFFFF80] =	vst v5  }
0x11a: {  	v5 =	vunpack.i.u.bf16.f32 v12;
	v11 =	vadd.f32 v14, v13;
	v9 =	vmul.f32 v9, v18;
	v12 =	vld [tilespmem:s13+$0xFFFFFF10]  }
0x11b: {  	v5 =	vmul.f32 v5, v18;
	v7 =	vadd.f32 v8, v7;
	v8 =	vunpack.i.l.bf16.f32 v10;
	v13 =	vld [tilespmem:s13+$0xFFFFFF30]  }
0x11c: {  	v10 =	vunpack.i.u.bf16.f32 v10;
	v9 =	vadd.f32 v9, v11;
	v8 =	vmul.f32 v8, v6  }
0x11d: {  	v14 =	vbroadcast v2, $0x9;
	v6 =	vmul.f32 v10, v6;
	v5 =	vadd.f32 v5, v7;
	v7 =	vld [tilespmem:s13+$0xFFFFFF50]  }
0x11e: {  	v11 =	vbroadcast v3, $0x5;
	v10 =	vbroadcast v2, $0xB;
	v8 =	vadd.f32 v8, v9  }
0x11f: {  	v15 =	vld [tilespmem:s13+$0xFFFFFF70];
	v9 =	vbroadcast v2, $0xA;
	v5 =	vadd.f32 v6, v5;
	v6 =	vbroadcast v2, $0x8  }
0x120: {  	[tilespmem:s10+$0xFFFFFE30] =	vst v8;
	v8 =	vunpack.i.u.bf16.f32 v12;
	v12 =	vunpack.i.l.bf16.f32 v12;
	v16 =	vunpack.i.l.bf16.f32 v13  }
0x121: {  	[tilespmem:s10+$0xFFFFFE40] =	vst v5;
	v5 =	vmul.f32 v12, v6;
	v12 =	vunpack.i.u.bf16.f32 v13;
	v13 =	vmul.f32 v16, v14  }
0x122: {  	v8 =	vmul.f32 v8, v6;
	v16 =	vld [tilespmem:s13+$0xFFFFFC90];
	v12 =	vmul.f32 v12, v14;
	v17 =	vunpack.i.l.bf16.f32 v7  }
0x123: {  	v18 =	vld [tilespmem:s13+$0xFFFFFCB0];
	v7 =	vunpack.i.u.bf16.f32 v7;
	v5 =	vadd.f32 v13, v5;
	v13 =	vmul.f32 v17, v9  }
0x124: {  	v7 =	vmul.f32 v7, v9;
	v8 =	vadd.f32 v12, v8;
	v12 =	vunpack.i.l.bf16.f32 v15  }
0x125: {  	v17 =	vld [tilespmem:s13+$0xFFFFFCD0];
	v5 =	vadd.f32 v13, v5;
	v13 =	vunpack.i.u.bf16.f32 v15;
	v12 =	vmul.f32 v12, v10  }
0x126: {  	v15 =	vbroadcast v3, $0x6;
	v7 =	vadd.f32 v7, v8;
	v8 =	vmul.f32 v13, v10  }
0x127: {  	v19 =	vld [tilespmem:s13+$0xFFFFFCF0];
	v13 =	vbroadcast v3, $0x7;
	v20 =	vunpack.i.u.bf16.f32 v16;
	v5 =	vadd.f32 v12, v5  }
0x128: {  	v12 =	vunpack.i.l.bf16.f32 v16;
	v16 =	vunpack.i.l.bf16.f32 v18;
	v7 =	vadd.f32 v8, v7  }
0x129: {  	v8 =	vunpack.i.u.bf16.f32 v18;
	v12 =	vmul.f32 v12, v4;
	v16 =	vmul.f32 v16, v11;
	[tilespmem:s10+$0xFFFFFF90] =	vst v5  }
0x12a: {  	v18 =	vunpack.i.l.bf16.f32 v17;
	v5 =	vmul.f32 v20, v4;
	v8 =	vmul.f32 v8, v11;
	[tilespmem:s10+$0xFFFFFFA0] =	vst v7  }
0x12b: {  	v7 =	vunpack.i.u.bf16.f32 v17;
	v17 =	vmul.f32 v18, v15;
	v12 =	vadd.f32 v16, v12;
	v16 =	vld [tilespmem:s13+$0xFFFFFF20]  }
0x12c: {  	v7 =	vmul.f32 v7, v15;
	v5 =	vadd.f32 v8, v5;
	v8 =	vunpack.i.l.bf16.f32 v19;
	v18 =	vld [tilespmem:s13+$0xFFFFFF40]  }
0x12d: {  	v19 =	vunpack.i.u.bf16.f32 v19;
	v8 =	vmul.f32 v8, v13;
	v12 =	vadd.f32 v17, v12  }
0x12e: {  	v17 =	vmul.f32 v19, v13;
	v5 =	vadd.f32 v7, v5;
	v7 =	vld [tilespmem:s13+$0xFFFFFF60]  }
0x12f: {  	v8 =	vadd.f32 v8, v12  }
0x130: {  	v12 =	vld [tilespmem:s13+$0xFFFFFF80];
	v5 =	vadd.f32 v17, v5  }
0x131: {  	[tilespmem:s10+$0xFFFFFE50] =	vst v8;
	v8 =	vunpack.i.u.bf16.f32 v16;
	v16 =	vunpack.i.l.bf16.f32 v16;
	v17 =	vunpack.i.l.bf16.f32 v18  }
0x132: {  	[tilespmem:s10+$0xFFFFFE60] =	vst v5;
	v5 =	vmul.f32 v16, v6;
	v16 =	vunpack.i.u.bf16.f32 v18;
	v17 =	vmul.f32 v17, v14  }
0x133: {  	v6 =	vmul.f32 v8, v6;
	v18 =	vld [tilespmem:s13+$0xFFFFFCA0];
	v8 =	vmul.f32 v16, v14;
	v14 =	vunpack.i.l.bf16.f32 v7  }
0x134: {  	v16 =	vld [tilespmem:s13+$0xFFFFFCC0];
	v7 =	vunpack.i.u.bf16.f32 v7;
	v5 =	vadd.f32 v17, v5;
	v14 =	vmul.f32 v14, v9  }
0x135: {  	v7 =	vmul.f32 v7, v9;
	v6 =	vadd.f32 v8, v6;
	v8 =	vunpack.i.l.bf16.f32 v12  }
0x136: {  	v9 =	vld [tilespmem:s13+$0xFFFFFCE0];
	v12 =	vunpack.i.u.bf16.f32 v12;
	v5 =	vadd.f32 v14, v5;
	v8 =	vmul.f32 v8, v10  }
0x137: {  	v6 =	vadd.f32 v7, v6;
	v7 =	vmul.f32 v12, v10  }
0x138: {  	v10 =	vunpack.i.u.bf16.f32 v18;
	v5 =	vadd.f32 v8, v5  }
0x139: {  	v12 =	vld [tilespmem:s13+$0xFFFFFD00];
	v8 =	vunpack.i.l.bf16.f32 v18;
	v14 =	vunpack.i.l.bf16.f32 v16;
	v6 =	vadd.f32 v7, v6  }
0x13a: {  	s12 =	simm.s32 $0x8130;
	v7 =	vmul.f32 v8, v4;
	v8 =	vunpack.i.u.bf16.f32 v16;
	v14 =	vmul.f32 v14, v11;
	[tilespmem:s10+$0xFFFFFFB0] =	vst v5  }
0x13b: {  	v30 =	vld [tilespmem:s12+$0xFFFFFC10];
	v4 =	vmul.f32 v10, v4;
	v5 =	vmul.f32 v8, v11;
	v8 =	vunpack.i.l.bf16.f32 v9;
	[tilespmem:s10+$0xFFFFFFC0] =	vst v6  }
0x13c: {  	v6 =	vunpack.i.u.bf16.f32 v9;
	v7 =	vadd.f32 v14, v7;
	v8 =	vmul.f32 v8, v15;
	v9 =	vld [tilespmem:s13+$0xFFFFFF90]  }
0x13d: {  	v17 =	vbroadcast v2, $0xC;
	v4 =	vadd.f32 v5, v4;
	v5 =	vmul.f32 v6, v15;
	v10 =	vld [tilespmem:s13+$0xFFFFFFB0]  }
0x13e: {  	v6 =	vunpack.i.l.bf16.f32 v12;
	v11 =	vunpack.i.u.bf16.f32 v12;
	v7 =	vadd.f32 v8, v7  }
0x13f: {  	v6 =	vmul.f32 v6, v13;
	v8 =	vmul.f32 v11, v13;
	v4 =	vadd.f32 v5, v4;
	v5 =	vld [tilespmem:s13+$0xFFFFFFD0]  }
0x140: {  	v43 =	vunpack.i.u.bf16.f32 v30;
	v18 =	vbroadcast v2, $0xD;
	v16 =	vbroadcast v2, $0xE  }
0x141: {  	v15 =	vbroadcast v2, $0xF;
	v2 =	vld [tilespmem:s13+$0xFFFFFFF0];
	v6 =	vadd.f32 v6, v7;
	v4 =	vadd.f32 v8, v4  }
0x142: {  	v7 =	vunpack.i.u.bf16.f32 v9;
	v8 =	vunpack.i.l.bf16.f32 v9;
	v9 =	vunpack.i.l.bf16.f32 v10  }
0x143: {  	v10 =	vunpack.i.u.bf16.f32 v10;
	v8 =	vmul.f32 v8, v17;
	v9 =	vmul.f32 v9, v18  }
0x144: {  	[tilespmem:s10+$0xFFFFFE70] =	vst v6;
	v6 =	vmul.f32 v7, v17;
	v7 =	vmul.f32 v10, v18;
	v10 =	vunpack.i.l.bf16.f32 v5  }
0x145: {  	v41 =	vld [tilespmem:s12+$0xFFFFFC30];
	[tilespmem:s10+$0xFFFFFE80] =	vst v4;
	v5 =	vunpack.i.u.bf16.f32 v5;
	v4 =	vadd.f32 v9, v8;
	v8 =	vmul.f32 v10, v16  }
0x146: {  	v14 =	vld [tilespmem:s13+$0xFFFFFD30];
	v6 =	vadd.f32 v7, v6;
	v5 =	vmul.f32 v5, v16;
	v7 =	vunpack.i.l.bf16.f32 v2  }
0x147: {  	v10 =	vld [tilespmem:s13+$0xFFFFFD10];
	v2 =	vunpack.i.u.bf16.f32 v2;
	v7 =	vmul.f32 v7, v15;
	v4 =	vadd.f32 v8, v4  }
0x148: {  	v23 =	vbroadcast v3, $0x8;
	v2 =	vmul.f32 v2, v15;
	v5 =	vadd.f32 v5, v6  }
0x149: {  	v12 =	vbroadcast v3, $0xE;
	v11 =	vbroadcast v3, $0xC;
	v6 =	vld [tilespmem:s13+$0xFFFFFD50];
	v4 =	vadd.f32 v7, v4  }
0x14a: {  	v13 =	vbroadcast v3, $0xD;
	v9 =	vbroadcast v3, $0x9;
	v2 =	vadd.f32 v2, v5  }
0x14b: {  	v44 =	vunpack.i.u.bf16.f32 v41;
	v8 =	vbroadcast v3, $0xA;
	v7 =	vbroadcast v3, $0xB;
	v5 =	vld [tilespmem:s13+$0xFFFFFD70];
	[tilespmem:s10+$0xFFFFFFD0] =	vst v4  }
0x14c: {  	v19 =	vunpack.i.l.bf16.f32 v14;
	v4 =	vunpack.i.u.bf16.f32 v10;
	v10 =	vunpack.i.l.bf16.f32 v10;
	[tilespmem:s10+$0xFFFFFFE0] =	vst v2  }
0x14d: {  	v2 =	vunpack.i.u.bf16.f32 v14;
	v14 =	vmul.f32 v19, v9;
	v10 =	vmul.f32 v10, v23;
	v19 =	vld [tilespmem:s13+$0xFFFFFFA0]  }
0x14e: {  	v4 =	vmul.f32 v4, v23;
	v2 =	vmul.f32 v2, v9;
	v20 =	vunpack.i.l.bf16.f32 v6;
	v21 =	vld [tilespmem:s13+$0xFFFFFFC0]  }
0x14f: {  	v6 =	vunpack.i.u.bf16.f32 v6;
	v10 =	vadd.f32 v14, v10;
	v14 =	vmul.f32 v20, v8  }
0x150: {  	v6 =	vmul.f32 v6, v8;
	v4 =	vadd.f32 v2, v4;
	v2 =	vunpack.i.l.bf16.f32 v5  }
0x151: {  	v5 =	vunpack.i.u.bf16.f32 v5;
	v20 =	vld [tilespmem:s13+$0xFFFFFFE0];
	v10 =	vadd.f32 v14, v10;
	v14 =	vmul.f32 v2, v7  }
0x152: {  	v2 =	vbroadcast v3, $0xF;
	v3 =	vmul.f32 v5, v7;
	v4 =	vadd.f32 v6, v4;
	v5 =	vld [tilespmem:s13+$0x0]  }
0x153: {  	s16 =	simm.s32 $0x4F90;
	v6 =	vadd.f32 v14, v10;
	v10 =	vunpack.i.u.bf16.f32 v19;
	v14 =	vunpack.i.u.bf16.f32 v21  }
0x154: {  	v19 =	vunpack.i.l.bf16.f32 v19;
	v3 =	vadd.f32 v3, v4;
	v22 =	vmul.f32 v14, v18;
	v14 =	vld [tilespmem:s16+$0x0]  }
0x155: {  	v4 =	vunpack.i.l.bf16.f32 v21;
	v21 =	vld [tilespmem:s12+$0xFFFFFE30];
	v10 =	vmul.f32 v10, v17;
	v17 =	vmul.f32 v19, v17  }
0x156: {  	v19 =	vld [tilespmem:s12+$0xFFFFFE10];
	v4 =	vmul.f32 v4, v18;
	v18 =	vunpack.i.u.bf16.f32 v20;
	v20 =	vunpack.i.l.bf16.f32 v20  }
0x157: {  	v18 =	vmul.f32 v18, v16;
	[tilespmem:s10+$0xFFFFFE90] =	vst v6;
	v10 =	vadd.f32 v22, v10;
	v22 =	vunpack.i.u.bf16.f32 v5  }
0x158: {  	v16 =	vmul.f32 v20, v16;
	[tilespmem:s10+$0xFFFFFEA0] =	vst v3;
	v4 =	vadd.f32 v4, v17;
	v17 =	vld [tilespmem:s12+$0xFFFFFE50];
	v20 =	vmul.f32 v22, v15  }
0x159: {  	v27 =	vld [tilespmem:s13+$0xFFFFFD20];
	v22 =	vunpack.i.l.bf16.f32 v5;
	v25 =	vbroadcast v14, $0x2;
	v26 =	vbroadcast v14, $0x3  }
0x15a: {  	v18 =	vadd.f32 v18, v10;
	v5 =	vbroadcast v14, $0x0;
	v6 =	vbroadcast v14, $0x1  }
0x15b: {  	v24 =	vld [tilespmem:s12+$0xFFFFFE70];
	v3 =	vunpack.i.u.bf16.f32 v19;
	v10 =	vunpack.i.l.bf16.f32 v19;
	v19 =	vunpack.i.l.bf16.f32 v21  }
0x15c: {  	v21 =	vunpack.i.u.bf16.f32 v21;
	v28 =	vmul.f32 v10, v5;
	v19 =	vmul.f32 v19, v6  }
0x15d: {  	v45 =	vunpack.i.l.bf16.f32 v41;
	v3 =	vmul.f32 v3, v5;
	v21 =	vmul.f32 v21, v6  }
0x15e: {  	v29 =	vunpack.i.l.bf16.f32 v17;
	v17 =	vunpack.i.u.bf16.f32 v17;
	v31 =	vunpack.i.u.bf16.f32 v27  }
0x15f: {  	v10 =	vld [tilespmem:s16+$0xFFFFFFF0];
	v27 =	vunpack.i.l.bf16.f32 v27;
	v40 =	vmul.f32 v29, v25;
	v19 =	vadd.f32 v19, v28  }
0x160: {  	v3 =	vadd.f32 v21, v3;
	v21 =	vmul.f32 v17, v25;
	v17 =	vunpack.i.l.bf16.f32 v24  }
0x161: {  	v33 =	vld [tilespmem:s13+$0xFFFFFD40];
	v24 =	vunpack.i.u.bf16.f32 v24;
	v42 =	vmul.f32 v17, v26;
	v19 =	vadd.f32 v40, v19  }
0x162: {  	v17 =	vadd.f32 v16, v4;
	v4 =	vld [tilespmem:s12+$0xFFFFFC50];
	v16 =	vmul.f32 v24, v26;
	v3 =	vadd.f32 v21, v3  }
0x163: {  	v15 =	vmul.f32 v22, v15;
	v27 =	vmul.f32 v27, v23;
	v21 =	vld [tilespmem:s12+$0xFFFFFC70];
	v19 =	vadd.f32 v42, v19  }
0x164: {  	s11 =	simm.s32 $0xB930;
	v24 =	vbroadcast v10, $0x0;
	v32 =	vbroadcast v10, $0x1;
	v3 =	vadd.f32 v16, v3  }
0x165: {  	v34 =	vbroadcast v10, $0x2;
	v35 =	vbroadcast v10, $0x3;
	v16 =	vunpack.i.l.bf16.f32 v30;
	[tilespmem:s11+$0xFFFFFF10] =	vst v19  }
0x166: {  	v39 =	vunpack.i.u.bf16.f32 v33;
	v16 =	vmul.f32 v16, v24;
	v46 =	vmul.f32 v44, v32;
	[tilespmem:s11+$0xFFFFFF20] =	vst v3  }
0x167: {  	v33 =	vunpack.i.l.bf16.f32 v33;
	v19 =	vmul.f32 v43, v24;
	v3 =	vmul.f32 v45, v32;
	v48 =	vld [tilespmem:s12+$0xFFFFFE20]  }
0x168: {  	v47 =	vunpack.i.u.bf16.f32 v4;
	v4 =	vunpack.i.l.bf16.f32 v4;
	v36 =	vld [tilespmem:s12+$0xFFFFFE40];
	v49 =	vunpack.i.u.bf16.f32 v21  }
0x169: {  	v4 =	vmul.f32 v4, v34;
	v29 =	vmul.f32 v47, v34;
	v3 =	vadd.f32 v3, v16  }
0x16a: {  	v21 =	vunpack.i.l.bf16.f32 v21;
	v37 =	vld [tilespmem:s12+$0xFFFFFE60];
	v19 =	vadd.f32 v46, v19;
	v16 =	vadd.f32 v20, v18  }
0x16b: {  	v38 =	vmul.f32 v21, v35;
	v28 =	vmul.f32 v49, v35;
	v3 =	vadd.f32 v4, v3  }
0x16c: {  	v29 =	vadd.f32 v29, v19;
	v4 =	vld [tilespmem:s12+$0xFFFFFE80];
	v18 =	vunpack.i.u.bf16.f32 v48;
	v19 =	vunpack.i.l.bf16.f32 v48  }
0x16d: {  	v20 =	vunpack.i.l.bf16.f32 v36;
	v21 =	vunpack.i.u.bf16.f32 v36;
	v52 =	vadd.f32 v38, v3  }
0x16e: {  	v28 =	vadd.f32 v28, v29;
	v19 =	vmul.f32 v19, v5;
	v20 =	vmul.f32 v20, v6  }
0x16f: {  	v5 =	vmul.f32 v18, v5;
	v6 =	vmul.f32 v21, v6;
	v18 =	vunpack.i.l.bf16.f32 v37  }
0x170: {  	v18 =	vmul.f32 v18, v25;
	v19 =	vadd.f32 v20, v19;
	v20 =	vunpack.i.u.bf16.f32 v37  }
0x171: {  	v5 =	vadd.f32 v6, v5;
	v6 =	vmul.f32 v20, v25;
	v20 =	vunpack.i.l.bf16.f32 v4  }
0x172: {  	[tilespmem:s11+$0xFFFFFE10] =	vst v52;
	v4 =	vunpack.i.u.bf16.f32 v4;
	v18 =	vadd.f32 v18, v19;
	v50 =	vmul.f32 v20, v26  }
0x173: {  	v33 =	vmul.f32 v33, v9;
	[tilespmem:s11+$0xFFFFFE20] =	vst v28;
	v4 =	vmul.f32 v4, v26;
	v5 =	vadd.f32 v6, v5  }
0x174: {  	v23 =	vmul.f32 v31, v23;
	v9 =	vmul.f32 v39, v9;
	v63 =	vld [tilespmem:s12+$0xFFFFFC20];
	v30 =	vadd.f32 v50, v18  }
0x175: {  	v27 =	vadd.f32 v33, v27;
	v33 =	vbroadcast v14, $0x7;
	v25 =	vld [tilespmem:s13+$0xFFFFFD60];
	v51 =	vadd.f32 v4, v5  }
0x176: {  	v9 =	vadd.f32 v9, v23;
	v23 =	vbroadcast v14, $0x4;
	v3 =	vbroadcast v10, $0xB;
	v42 =	vld [tilespmem:s12+$0xFFFFFC40];
	[tilespmem:s11+$0xFFFFFF30] =	vst v30  }
0x177: {  	v36 =	vbroadcast v14, $0x5;
	v21 =	vbroadcast v10, $0x4;
	v26 =	vld [tilespmem:s13+$0xFFFFFD80];
	[tilespmem:s11+$0xFFFFFF40] =	vst v51  }
0x178: {  	v20 =	vbroadcast v10, $0x5;
	v19 =	vbroadcast v10, $0x6;
	v54 =	vld [tilespmem:s12+$0xFFFFFE90]  }
0x179: {  	v6 =	vbroadcast v10, $0x9;
	v18 =	vbroadcast v10, $0x7;
	v56 =	vld [tilespmem:s12+$0xFFFFFEB0]  }
0x17a: {  	v5 =	vbroadcast v10, $0x8;
	v53 =	vunpack.i.u.bf16.f32 v25;
	v25 =	vunpack.i.l.bf16.f32 v25  }
0x17b: {  	v25 =	vmul.f32 v25, v8;
	v8 =	vmul.f32 v53, v8;
	v57 =	vld [tilespmem:s12+$0xFFFFFED0]  }
0x17c: {  	v50 =	vunpack.i.l.bf16.f32 v63;
	v52 =	vunpack.i.u.bf16.f32 v42;
	v30 =	vbroadcast v14, $0x6  }
0x17d: {  	v55 =	vunpack.i.u.bf16.f32 v26;
	v26 =	vunpack.i.l.bf16.f32 v26;
	v58 =	vld [tilespmem:s12+$0xFFFFFEF0];
	v49 =	vadd.f32 v8, v9  }
0x17e: {  	v59 =	vunpack.i.u.bf16.f32 v54;
	v31 =	vunpack.i.l.bf16.f32 v54;
	v40 =	vunpack.i.l.bf16.f32 v56  }
0x17f: {  	v61 =	vunpack.i.u.bf16.f32 v56;
	v60 =	vmul.f32 v31, v23;
	v62 =	vmul.f32 v40, v36  }
0x180: {  	v46 =	vld [tilespmem:s12+$0xFFFFFC60];
	v41 =	vunpack.i.l.bf16.f32 v57;
	v37 =	vmul.f32 v59, v23;
	v31 =	vmul.f32 v61, v36  }
0x181: {  	v29 =	vunpack.i.u.bf16.f32 v57;
	v44 =	vmul.f32 v41, v30;
	v28 =	vadd.f32 v62, v60  }
0x182: {  	v45 =	vunpack.i.l.bf16.f32 v58;
	v29 =	vmul.f32 v29, v30;
	v31 =	vadd.f32 v31, v37  }
0x183: {  	v8 =	vld [tilespmem:s12+$0xFFFFFC80];
	v47 =	vunpack.i.u.bf16.f32 v58;
	v37 =	vmul.f32 v45, v33;
	v28 =	vadd.f32 v44, v28  }
0x184: {  	v25 =	vadd.f32 v25, v27;
	v48 =	vmul.f32 v47, v33;
	v27 =	vadd.f32 v29, v31  }
0x185: {  	v51 =	vunpack.i.l.bf16.f32 v42;
	v53 =	vunpack.i.l.bf16.f32 v46;
	v28 =	vadd.f32 v37, v28  }
0x186: {  	v26 =	vmul.f32 v26, v7;
	v7 =	vmul.f32 v55, v7;
	v27 =	vadd.f32 v48, v27  }
0x187: {  	v38 =	vmul.f32 v51, v32;
	v9 =	vunpack.i.u.bf16.f32 v63;
	v37 =	vmul.f32 v50, v24;
	[tilespmem:s11+$0xFFFFFF50] =	vst v28  }
0x188: {  	v9 =	vmul.f32 v9, v24;
	v56 =	vunpack.i.u.bf16.f32 v8;
	v24 =	vmul.f32 v52, v32;
	[tilespmem:s11+$0xFFFFFF60] =	vst v27  }
0x189: {  	v8 =	vunpack.i.l.bf16.f32 v8;
	v27 =	vunpack.i.u.bf16.f32 v46;
	v54 =	vadd.f32 v38, v37;
	v55 =	vld [tilespmem:s12+$0xFFFFFEA0]  }
0x18a: {  	v28 =	vmul.f32 v53, v34;
	v9 =	vadd.f32 v24, v9;
	v27 =	vmul.f32 v27, v34;
	v24 =	vld [tilespmem:s12+$0xFFFFFEC0]  }
0x18b: {  	v4 =	vbroadcast v10, $0xA;
	v25 =	vadd.f32 v26, v25;
	v57 =	vmul.f32 v8, v35  }
0x18c: {  	v34 =	vmul.f32 v56, v35;
	v28 =	vadd.f32 v28, v54;
	v26 =	vadd.f32 v27, v9;
	v27 =	vld [tilespmem:s12+$0xFFFFFEE0]  }
0x18d: {  	v8 =	vbroadcast v10, $0xD;
	v31 =	vadd.f32 v7, v49;
	v7 =	vbroadcast v10, $0xE  }
0x18e: {  	[tilespmem:s10+$0xFFFFFEB0] =	vst v25;
	v32 =	vbroadcast v14, $0xB;
	v28 =	vadd.f32 v57, v28;
	v25 =	vadd.f32 v34, v26;
	v26 =	vld [tilespmem:s12+$0xFFFFFF00]  }
0x18f: {  	[tilespmem:s10+$0xFFFFFEC0] =	vst v31;
	v58 =	vunpack.i.u.bf16.f32 v55;
	v59 =	vunpack.i.l.bf16.f32 v55;
	v60 =	vunpack.i.l.bf16.f32 v24  }
0x190: {  	v63 =	vld [tilespmem:s13+$0xFFFFFD90];
	[tilespmem:s11+$0xFFFFFE30] =	vst v28;
	v24 =	vunpack.i.u.bf16.f32 v24;
	v61 =	vmul.f32 v59, v23;
	v62 =	vmul.f32 v60, v36  }
0x191: {  	v51 =	vld [tilespmem:s13+$0xFFFFFDB0];
	[tilespmem:s11+$0xFFFFFE40] =	vst v25;
	v23 =	vmul.f32 v58, v23;
	v24 =	vmul.f32 v24, v36;
	v25 =	vunpack.i.l.bf16.f32 v27  }
0x192: {  	v37 =	vld [tilespmem:s12+$0xFFFFFC90];
	v27 =	vunpack.i.u.bf16.f32 v27;
	v28 =	vadd.f32 v62, v61;
	v25 =	vmul.f32 v25, v30  }
0x193: {  	v38 =	vld [tilespmem:s12+$0xFFFFFCB0];
	v23 =	vadd.f32 v24, v23;
	v24 =	vmul.f32 v27, v30;
	v27 =	vunpack.i.l.bf16.f32 v26  }
0x194: {  	v26 =	vunpack.i.u.bf16.f32 v26;
	v25 =	vadd.f32 v25, v28;
	v27 =	vmul.f32 v27, v33  }
0x195: {  	v9 =	vbroadcast v10, $0xC;
	v39 =	vld [tilespmem:s12+$0xFFFFFCD0];
	v23 =	vadd.f32 v24, v23;
	v24 =	vmul.f32 v26, v33  }
0x196: {  	v46 =	vunpack.i.l.bf16.f32 v63;
	v58 =	vunpack.i.u.bf16.f32 v51;
	v25 =	vadd.f32 v27, v25  }
0x197: {  	v59 =	vunpack.i.l.bf16.f32 v51;
	v22 =	vld [tilespmem:s12+$0xFFFFFCF0];
	v40 =	vunpack.i.l.bf16.f32 v37;
	v23 =	vadd.f32 v24, v23  }
0x198: {  	v27 =	vunpack.i.u.bf16.f32 v37;
	v41 =	vunpack.i.l.bf16.f32 v38;
	v28 =	vmul.f32 v40, v21;
	[tilespmem:s11+$0xFFFFFF70] =	vst v25  }
0x199: {  	v24 =	vunpack.i.u.bf16.f32 v38;
	v25 =	vmul.f32 v27, v21;
	v27 =	vmul.f32 v41, v20;
	[tilespmem:s11+$0xFFFFFF80] =	vst v23  }
0x19a: {  	v33 =	vbroadcast v14, $0x9;
	v42 =	vunpack.i.l.bf16.f32 v39;
	v24 =	vmul.f32 v24, v20;
	v43 =	vld [tilespmem:s12+$0xFFFFFF10]  }
0x19b: {  	v29 =	vmul.f32 v42, v19;
	v23 =	vunpack.i.u.bf16.f32 v39;
	v45 =	vld [tilespmem:s12+$0xFFFFFF30];
	v27 =	vadd.f32 v27, v28  }
0x19c: {  	v44 =	vunpack.i.l.bf16.f32 v22;
	v23 =	vmul.f32 v23, v19;
	v47 =	vld [tilespmem:s12+$0xFFFFFF50];
	v24 =	vadd.f32 v24, v25  }
0x19d: {  	v22 =	vunpack.i.u.bf16.f32 v22;
	v25 =	vmul.f32 v44, v18;
	v27 =	vadd.f32 v29, v27  }
0x19e: {  	v22 =	vmul.f32 v22, v18;
	v48 =	vld [tilespmem:s12+$0xFFFFFF70];
	v23 =	vadd.f32 v23, v24;
	v24 =	vbroadcast v14, $0xA  }
0x19f: {  	v25 =	vadd.f32 v25, v27;
	v27 =	vbroadcast v14, $0x8;
	v49 =	vunpack.i.u.bf16.f32 v43  }
0x1a0: {  	v30 =	vunpack.i.l.bf16.f32 v43;
	v50 =	vunpack.i.l.bf16.f32 v45;
	v31 =	vunpack.i.u.bf16.f32 v45  }
0x1a1: {  	v52 =	vunpack.i.l.bf16.f32 v47;
	v36 =	vmul.f32 v50, v33;
	v30 =	vmul.f32 v30, v27  }
0x1a2: {  	v54 =	vld [tilespmem:s13+$0xFFFFFDD0];
	v29 =	vunpack.i.u.bf16.f32 v47;
	v31 =	vmul.f32 v31, v33;
	v35 =	vmul.f32 v49, v27  }
0x1a3: {  	v55 =	vunpack.i.l.bf16.f32 v48;
	v53 =	vmul.f32 v52, v24;
	v30 =	vadd.f32 v36, v30  }
0x1a4: {  	v56 =	vld [tilespmem:s13+$0xFFFFFDF0];
	v22 =	vadd.f32 v22, v23;
	v29 =	vmul.f32 v29, v24;
	v31 =	vadd.f32 v31, v35  }
0x1a5: {  	v34 =	vunpack.i.u.bf16.f32 v48;
	[tilespmem:s11+$0xFFFFFE50] =	vst v25;
	v35 =	vmul.f32 v55, v32;
	v30 =	vadd.f32 v53, v30  }
0x1a6: {  	v60 =	vmul.f32 v58, v13;
	v57 =	vmul.f32 v34, v32;
	[tilespmem:s11+$0xFFFFFE60] =	vst v22;
	v23 =	vadd.f32 v29, v31  }
0x1a7: {  	v62 =	vunpack.i.u.bf16.f32 v54;
	v26 =	vunpack.i.u.bf16.f32 v63;
	v63 =	vld [tilespmem:s12+$0xFFFFFCC0];
	v25 =	vadd.f32 v35, v30  }
0x1a8: {  	v26 =	vmul.f32 v26, v11;
	v37 =	vmul.f32 v62, v12;
	v47 =	vld [tilespmem:s12+$0xFFFFFCE0];
	v22 =	vadd.f32 v57, v23  }
0x1a9: {  	v38 =	vunpack.i.l.bf16.f32 v56;
	v28 =	vmul.f32 v46, v11;
	v61 =	vld [tilespmem:s12+$0xFFFFFCA0];
	v23 =	vmul.f32 v59, v13;
	[tilespmem:s11+$0xFFFFFF90] =	vst v25  }
0x1aa: {  	v39 =	vunpack.i.u.bf16.f32 v56;
	v29 =	vmul.f32 v38, v2;
	v25 =	vunpack.i.l.bf16.f32 v54;
	[tilespmem:s11+$0xFFFFFFA0] =	vst v22  }
0x1ab: {  	v22 =	vadd.f32 v23, v28;
	v23 =	vmul.f32 v25, v12;
	v25 =	vadd.f32 v60, v26;
	v26 =	vld [tilespmem:s12+$0xFFFFFF20]  }
0x1ac: {  	v31 =	vmul.f32 v39, v2;
	v42 =	vunpack.i.u.bf16.f32 v63;
	v43 =	vunpack.i.l.bf16.f32 v63;
	v40 =	vld [tilespmem:s12+$0xFFFFFF40]  }
0x1ad: {  	v52 =	vunpack.i.u.bf16.f32 v47;
	v23 =	vadd.f32 v23, v22;
	v25 =	vadd.f32 v37, v25  }
0x1ae: {  	v41 =	vld [tilespmem:s12+$0xFFFFFF60];
	v22 =	vadd.f32 v15, v17;
	v15 =	vunpack.i.u.bf16.f32 v61;
	v17 =	vunpack.i.l.bf16.f32 v61  }
0x1af: {  	v53 =	vunpack.i.l.bf16.f32 v47;
	v17 =	vmul.f32 v17, v21;
	v15 =	vmul.f32 v15, v21  }
0x1b0: {  	v44 =	vld [tilespmem:s12+$0xFFFFFF80];
	v21 =	vmul.f32 v43, v20;
	v23 =	vadd.f32 v29, v23;
	v25 =	vadd.f32 v31, v25  }
0x1b1: {  	v45 =	vunpack.i.u.bf16.f32 v26;
	v26 =	vunpack.i.l.bf16.f32 v26;
	v46 =	vunpack.i.l.bf16.f32 v40  }
0x1b2: {  	v35 =	vunpack.i.u.bf16.f32 v40;
	v26 =	vmul.f32 v26, v27;
	v34 =	vmul.f32 v46, v33  }
0x1b3: {  	v49 =	vunpack.i.l.bf16.f32 v41;
	v27 =	vmul.f32 v45, v27;
	v48 =	vmul.f32 v35, v33  }
0x1b4: {  	v28 =	vunpack.i.u.bf16.f32 v41;
	v33 =	vmul.f32 v49, v24;
	v26 =	vadd.f32 v34, v26  }
0x1b5: {  	v50 =	vld [tilespmem:s12+$0xFFFFFD00];
	[tilespmem:s10+$0xFFFFFED0] =	vst v23;
	v24 =	vmul.f32 v28, v24;
	v23 =	vadd.f32 v48, v27;
	v27 =	vunpack.i.l.bf16.f32 v44  }
0x1b6: {  	[tilespmem:s10+$0xFFFFFEE0] =	vst v25;
	v27 =	vmul.f32 v27, v32;
	v25 =	vadd.f32 v33, v26;
	v26 =	vunpack.i.u.bf16.f32 v44  }
0x1b7: {  	v20 =	vmul.f32 v42, v20;
	v23 =	vadd.f32 v24, v23;
	v24 =	vmul.f32 v26, v32  }
0x1b8: {  	v17 =	vadd.f32 v21, v17;
	v21 =	vmul.f32 v53, v19;
	v51 =	vld [tilespmem:s13+$0xFFFFFDA0];
	v25 =	vadd.f32 v27, v25  }
0x1b9: {  	v15 =	vadd.f32 v20, v15;
	v19 =	vmul.f32 v52, v19;
	v26 =	vld [tilespmem:s13+$0xFFFFFDC0];
	v23 =	vadd.f32 v24, v23  }
0x1ba: {  	v20 =	vunpack.i.u.bf16.f32 v50;
	v17 =	vadd.f32 v21, v17;
	v21 =	vunpack.i.l.bf16.f32 v50;
	v62 =	vld [tilespmem:s13+$0xFFFFFE00];
	[tilespmem:s11+$0xFFFFFFB0] =	vst v25  }
0x1bb: {  	v20 =	vmul.f32 v20, v18;
	v15 =	vadd.f32 v19, v15;
	v18 =	vmul.f32 v21, v18;
	v24 =	vld [tilespmem:s13+$0xFFFFFDE0];
	[tilespmem:s11+$0xFFFFFFC0] =	vst v23  }
0x1bc: {  	v10 =	vbroadcast v10, $0xF;
	v56 =	vbroadcast v14, $0xD;
	v19 =	vld [tilespmem:s12+$0xFFFFFF90]  }
0x1bd: {  	v55 =	vbroadcast v14, $0xC;
	v15 =	vadd.f32 v20, v15;
	v18 =	vadd.f32 v18, v17;
	v23 =	vld [tilespmem:s12+$0xFFFFFFB0]  }
0x1be: {  	v25 =	vunpack.i.l.bf16.f32 v51;
	v27 =	vunpack.i.u.bf16.f32 v26;
	v26 =	vunpack.i.l.bf16.f32 v26  }
0x1bf: {  	v21 =	vunpack.i.u.bf16.f32 v51;
	v20 =	vmul.f32 v25, v11;
	v25 =	vld [tilespmem:s12+$0xFFFFFFD0];
	v26 =	vmul.f32 v26, v13  }
0x1c0: {  	[tilespmem:s10+$0x0] =	vst v16;
	v17 =	vbroadcast v14, $0xE;
	v16 =	vunpack.i.l.bf16.f32 v62;
	v21 =	vmul.f32 v21, v11  }
0x1c1: {  	[tilespmem:s11+$0xFFFFFE80] =	vst v15;
	v11 =	vbroadcast v14, $0xF;
	v14 =	vld [tilespmem:s12+$0xFFFFFFF0];
	v54 =	vunpack.i.u.bf16.f32 v24;
	v20 =	vadd.f32 v26, v20  }
0x1c2: {  	[tilespmem:s11+$0xFFFFFE70] =	vst v18;
	v15 =	vunpack.i.u.bf16.f32 v19;
	v18 =	vunpack.i.l.bf16.f32 v19;
	v19 =	vunpack.i.l.bf16.f32 v23  }
0x1c3: {  	v59 =	vld [tilespmem:s12+$0xFFFFFD50];
	v23 =	vunpack.i.u.bf16.f32 v23;
	v18 =	vmul.f32 v18, v55;
	v19 =	vmul.f32 v19, v56  }
0x1c4: {  	v26 =	vld [tilespmem:s12+$0xFFFFFD10];
	v58 =	vunpack.i.l.bf16.f32 v25;
	v15 =	vmul.f32 v15, v55;
	v23 =	vmul.f32 v23, v56  }
0x1c5: {  	v57 =	vld [tilespmem:s12+$0xFFFFFD30];
	v18 =	vadd.f32 v19, v18;
	v19 =	vunpack.i.u.bf16.f32 v25;
	v25 =	vmul.f32 v58, v17  }
0x1c6: {  	v15 =	vadd.f32 v23, v15;
	v23 =	vunpack.i.l.bf16.f32 v14;
	v19 =	vmul.f32 v19, v17  }
0x1c7: {  	v14 =	vunpack.i.u.bf16.f32 v14;
	v23 =	vmul.f32 v23, v11;
	v18 =	vadd.f32 v25, v18  }
0x1c8: {  	v24 =	vunpack.i.l.bf16.f32 v24;
	v14 =	vmul.f32 v14, v11;
	v15 =	vadd.f32 v19, v15  }
0x1c9: {  	v61 =	vunpack.i.u.bf16.f32 v59;
	v60 =	vunpack.i.u.bf16.f32 v26;
	v25 =	vld [tilespmem:s12+$0xFFFFFD70];
	v18 =	vadd.f32 v23, v18  }
0x1ca: {  	v19 =	vunpack.i.l.bf16.f32 v26;
	v23 =	vunpack.i.l.bf16.f32 v57;
	v14 =	vadd.f32 v14, v15  }
0x1cb: {  	v26 =	vunpack.i.u.bf16.f32 v57;
	v19 =	vmul.f32 v19, v5;
	v23 =	vmul.f32 v23, v6;
	[tilespmem:s11+$0xFFFFFFD0] =	vst v18  }
0x1cc: {  	v15 =	vmul.f32 v60, v5;
	v18 =	vmul.f32 v26, v6;
	v26 =	vunpack.i.l.bf16.f32 v59;
	[tilespmem:s11+$0xFFFFFFE0] =	vst v14  }
0x1cd: {  	v31 =	vmul.f32 v61, v4;
	v14 =	vadd.f32 v23, v19;
	v19 =	vmul.f32 v26, v4;
	v26 =	vld [tilespmem:s12+$0xFFFFFFA0]  }
0x1ce: {  	v23 =	vunpack.i.u.bf16.f32 v25;
	v15 =	vadd.f32 v18, v15;
	v18 =	vunpack.i.l.bf16.f32 v25;
	v25 =	vld [tilespmem:s12+$0xFFFFFFC0]  }
0x1cf: {  	v24 =	vmul.f32 v24, v12;
	v63 =	vadd.f32 v19, v14;
	v18 =	vmul.f32 v18, v3  }
0x1d0: {  	v13 =	vmul.f32 v27, v13;
	v23 =	vmul.f32 v23, v3;
	v19 =	vld [tilespmem:s12+$0xFFFFFFE0];
	v27 =	vadd.f32 v31, v15  }
0x1d1: {  	v20 =	vadd.f32 v24, v20;
	v14 =	vmul.f32 v54, v12;
	v12 =	vadd.f32 v18, v63  }
0x1d2: {  	v15 =	vunpack.i.u.bf16.f32 v62;
	v18 =	vadd.f32 v13, v21;
	v21 =	vld [tilespmem:s12+$0x0];
	v13 =	vadd.f32 v23, v27  }
0x1d3: {  	v27 =	vunpack.i.l.bf16.f32 v26;
	[tilespmem:s11+$0xFFFFFE90] =	vst v12;
	v12 =	vunpack.i.u.bf16.f32 v26;
	v23 =	vunpack.i.u.bf16.f32 v25  }
0x1d4: {  	s14 =	simm.s32 $0x8130;
	v25 =	vunpack.i.l.bf16.f32 v25;
	[tilespmem:s11+$0xFFFFFEA0] =	vst v13;
	v13 =	vmul.f32 v12, v55;
	v23 =	vmul.f32 v23, v56  }
0x1d5: {  	s15 =	simm.s32 $0x2;
	s16 =	simm.s32 $0x4FB0;
	[tilespmem:s10+$0xFFFFFFF0] =	vst v22;
	s13 =	simm.s32 $0xB930;
	v22 =	vmul.f32 v27, v55;
	v24 =	vmul.f32 v25, v56;
	v25 =	vunpack.i.u.bf16.f32 v19;
	v26 =	vld [tilespmem:s12+$0xFFFFFD20]  }
.LBB2_11:
0x1d6: {  	v12 =	vld [tilespmem:s16+$0x0];
	v13 =	vadd.f32 v23, v13;
	v19 =	vunpack.i.l.bf16.f32 v19;
	v23 =	vmul.f32 v25, v17;
	s12 =	sadd.s32 $0x400, s12  }
0x1d7: {  	v25 =	vld [tilespmem:s12+$0xFFFFFE10];
	v22 =	vadd.f32 v24, v22;
	v17 =	vmul.f32 v19, v17;
	v19 =	vunpack.i.u.bf16.f32 v21  }
0x1d8: {  	v28 =	vld [tilespmem:s12+$0xFFFFFE30];
	v29 =	vadd.f32 v23, v13;
	v23 =	vunpack.i.l.bf16.f32 v21;
	v21 =	vmul.f32 v19, v11  }
0x1d9: {  	v14 =	vadd.f32 v14, v18;
	v16 =	vmul.f32 v16, v2;
	v24 =	vld [tilespmem:s16+$0xFFFFFFF0];
	v13 =	vadd.f32 v17, v22  }
0x1da: {  	v17 =	vld [tilespmem:s12+$0xFFFFFE50];
	v19 =	vunpack.i.u.bf16.f32 v26;
	v27 =	vunpack.i.l.bf16.f32 v26;
	v18 =	vadd.f32 v21, v29  }
0x1db: {  	v16 =	vadd.f32 v16, v20;
	v22 =	vld [tilespmem:s12+$0xFFFFFC10];
	v29 =	vbroadcast v12, $0x2;
	v30 =	vbroadcast v12, $0x3  }
0x1dc: {  	v31 =	vbroadcast v12, $0x0;
	v32 =	vbroadcast v12, $0x1;
	v20 =	vld [tilespmem:s12+$0xFFFFFE70];
	[tilespmem:s11+$0x0] =	vst v18  }
0x1dd: {  	v21 =	vunpack.i.u.bf16.f32 v25;
	v25 =	vunpack.i.l.bf16.f32 v25;
	v18 =	vld [tilespmem:s12+$0xFFFFFC30];
	v26 =	vunpack.i.l.bf16.f32 v28;
	[tilespmem:s10+$0xFFFFFEF0] =	vst v16  }
0x1de: {  	v25 =	vmul.f32 v25, v31;
	v28 =	vunpack.i.u.bf16.f32 v28;
	v16 =	vld [tilespmem:s12+$0xFFFFFC50];
	v26 =	vmul.f32 v26, v32  }
0x1df: {  	v21 =	vmul.f32 v21, v31;
	v28 =	vmul.f32 v28, v32;
	v33 =	vld [tilespmem:s12+$0xFFFFFC70];
	v34 =	vunpack.i.l.bf16.f32 v17  }
0x1e0: {  	v17 =	vunpack.i.u.bf16.f32 v17;
	v25 =	vadd.f32 v26, v25;
	v26 =	vmul.f32 v34, v29;
	v34 =	vld [tilespmem:s14+$0xFFFFFD40]  }
0x1e1: {  	v21 =	vadd.f32 v28, v21;
	v17 =	vmul.f32 v17, v29;
	v28 =	vunpack.i.l.bf16.f32 v20;
	v35 =	vld [tilespmem:s14+$0xFFFFFD60]  }
0x1e2: {  	v25 =	vadd.f32 v26, v25;
	v26 =	vunpack.i.u.bf16.f32 v20;
	v28 =	vmul.f32 v28, v30;
	v36 =	vld [tilespmem:s14+$0xFFFFFD80]  }
0x1e3: {  	v20 =	vbroadcast v24, $0x0;
	v17 =	vadd.f32 v17, v21;
	v26 =	vmul.f32 v26, v30  }
0x1e4: {  	v37 =	vunpack.i.u.bf16.f32 v22;
	v21 =	vbroadcast v24, $0x1;
	v25 =	vadd.f32 v28, v25  }
0x1e5: {  	s15 =	sadd.s32 $0x2, s15;
	s11 =	sadd.s32 $0x200, s11;
	v22 =	vunpack.i.l.bf16.f32 v22;
	v28 =	vunpack.i.u.bf16.f32 v18;
	v17 =	vadd.f32 v26, v17  }
0x1e6: {  	p1 =	slt.u32 s15, $0x12;
	v22 =	vmul.f32 v22, v20;
	v37 =	vmul.f32 v37, v20;
	v18 =	vunpack.i.l.bf16.f32 v18;
	[tilespmem:s11+$0xFFFFFF10] =	vst v25  }
0x1e7: {  	v38 =	vunpack.i.u.bf16.f32 v16;
	v18 =	vmul.f32 v18, v21;
	v28 =	vmul.f32 v28, v21;
	[tilespmem:s11+$0xFFFFFF20] =	vst v17  }
0x1e8: {  	v16 =	vunpack.i.l.bf16.f32 v16;
	v26 =	vbroadcast v24, $0x2;
	v25 =	vbroadcast v24, $0x3;
	v39 =	vld [tilespmem:s12+$0xFFFFFE20]  }
0x1e9: {  	v17 =	vadd.f32 v18, v22;
	v18 =	vadd.f32 v28, v37;
	v22 =	vunpack.i.u.bf16.f32 v33;
	v28 =	vld [tilespmem:s12+$0xFFFFFE40]  }
0x1ea: {  	v16 =	vmul.f32 v16, v26;
	v37 =	vmul.f32 v38, v26;
	v33 =	vunpack.i.l.bf16.f32 v33  }
0x1eb: {  	v41 =	vunpack.i.u.bf16.f32 v34;
	v33 =	vmul.f32 v33, v25;
	v38 =	vmul.f32 v22, v25;
	v40 =	vld [tilespmem:s12+$0xFFFFFE60]  }
0x1ec: {  	v22 =	vbroadcast v24, $0x4;
	v42 =	vadd.f32 v16, v17;
	v18 =	vadd.f32 v37, v18  }
0x1ed: {  	v34 =	vunpack.i.l.bf16.f32 v34;
	v17 =	vbroadcast v24, $0x5;
	v16 =	vbroadcast v24, $0x6;
	v37 =	vld [tilespmem:s12+$0xFFFFFE80]  }
0x1ee: {  	v43 =	vunpack.i.u.bf16.f32 v39;
	v39 =	vunpack.i.l.bf16.f32 v39;
	v44 =	vunpack.i.l.bf16.f32 v28  }
0x1ef: {  	v39 =	vmul.f32 v39, v31;
	v28 =	vunpack.i.u.bf16.f32 v28;
	v44 =	vmul.f32 v44, v32  }
0x1f0: {  	v31 =	vmul.f32 v43, v31;
	v28 =	vmul.f32 v28, v32;
	v32 =	vunpack.i.l.bf16.f32 v40  }
0x1f1: {  	v40 =	vunpack.i.u.bf16.f32 v40;
	v39 =	vadd.f32 v44, v39;
	v32 =	vmul.f32 v32, v29  }
0x1f2: {  	v28 =	vadd.f32 v28, v31;
	v29 =	vmul.f32 v40, v29;
	v31 =	vunpack.i.l.bf16.f32 v37  }
0x1f3: {  	v37 =	vunpack.i.u.bf16.f32 v37;
	v32 =	vadd.f32 v32, v39;
	v31 =	vmul.f32 v31, v30  }
0x1f4: {  	v33 =	vadd.f32 v33, v42;
	v28 =	vadd.f32 v29, v28;
	v29 =	vmul.f32 v37, v30  }
0x1f5: {  	v30 =	vadd.f32 v38, v18;
	v18 =	vbroadcast v24, $0x7;
	v31 =	vadd.f32 v31, v32  }
0x1f6: {  	v32 =	vbroadcast v24, $0x8;
	v28 =	vadd.f32 v29, v28;
	[tilespmem:s11+$0xFFFFFE10] =	vst v33;
	v33 =	vbroadcast v24, $0x9  }
0x1f7: {  	v37 =	vbroadcast v24, $0xB;
	v29 =	vbroadcast v24, $0xA;
	[tilespmem:s11+$0xFFFFFF30] =	vst v31;
	v31 =	vunpack.i.u.bf16.f32 v35  }
0x1f8: {  	v27 =	vmul.f32 v27, v5;
	v19 =	vmul.f32 v19, v5;
	v5 =	vmovc v32;
	[tilespmem:s11+$0xFFFFFF40] =	vst v28;
	v28 =	vunpack.i.l.bf16.f32 v35  }
0x1f9: {  	v32 =	vmul.f32 v34, v6;
	v34 =	vmul.f32 v41, v6;
	v35 =	vunpack.i.u.bf16.f32 v36;
	v6 =	vmovc v33;
	[tilespmem:s11+$0xFFFFFE20] =	vst v30;
	v30 =	vld [tilespmem:s12+$0xFFFFFE90]  }
0x1fa: {  	v31 =	vmul.f32 v31, v4;
	v36 =	vunpack.i.l.bf16.f32 v36;
	v28 =	vmul.f32 v28, v4;
	v4 =	vmovc v29;
	v33 =	vld [tilespmem:s12+$0xFFFFFEB0]  }
0x1fb: {  	v27 =	vadd.f32 v32, v27;
	v32 =	vadd.f32 v34, v19;
	v34 =	vmul.f32 v36, v3;
	v29 =	vld [tilespmem:s12+$0xFFFFFC20]  }
0x1fc: {  	v19 =	vbroadcast v24, $0xC;
	v35 =	vmul.f32 v35, v3;
	v3 =	vmov v37;
	v36 =	vld [tilespmem:s12+$0xFFFFFED0]  }
0x1fd: {  	v38 =	vbroadcast v12, $0x6;
	v39 =	vbroadcast v12, $0x7;
	v27 =	vadd.f32 v28, v27;
	v37 =	vld [tilespmem:s12+$0xFFFFFC40]  }
0x1fe: {  	v40 =	vbroadcast v12, $0x5;
	v28 =	vbroadcast v12, $0x4;
	v31 =	vadd.f32 v31, v32;
	v41 =	vld [tilespmem:s12+$0xFFFFFEF0]  }
0x1ff: {  	v42 =	vunpack.i.u.bf16.f32 v30;
	v30 =	vunpack.i.l.bf16.f32 v30;
	v32 =	vld [tilespmem:s12+$0xFFFFFC60];
	v43 =	vunpack.i.l.bf16.f32 v33  }
0x200: {  	v30 =	vmul.f32 v30, v28;
	v33 =	vunpack.i.u.bf16.f32 v33;
	v44 =	vld [tilespmem:s12+$0xFFFFFC80];
	v43 =	vmul.f32 v43, v40  }
0x201: {  	v42 =	vmul.f32 v42, v28;
	v33 =	vmul.f32 v33, v40;
	v45 =	vunpack.i.l.bf16.f32 v36  }
0x202: {  	v36 =	vunpack.i.u.bf16.f32 v36;
	v30 =	vadd.f32 v43, v30;
	v43 =	vmul.f32 v45, v38  }
0x203: {  	v33 =	vadd.f32 v33, v42;
	v36 =	vmul.f32 v36, v38;
	v42 =	vunpack.i.l.bf16.f32 v41  }
0x204: {  	v41 =	vunpack.i.u.bf16.f32 v41;
	v30 =	vadd.f32 v43, v30;
	v42 =	vmul.f32 v42, v39  }
0x205: {  	v43 =	vunpack.i.u.bf16.f32 v29;
	v33 =	vadd.f32 v36, v33;
	v36 =	vmul.f32 v41, v39  }
0x206: {  	v29 =	vunpack.i.l.bf16.f32 v29;
	v41 =	vunpack.i.u.bf16.f32 v37;
	v30 =	vadd.f32 v42, v30  }
0x207: {  	v37 =	vunpack.i.l.bf16.f32 v37;
	v29 =	vmul.f32 v29, v20;
	v33 =	vadd.f32 v36, v33  }
0x208: {  	v20 =	vmul.f32 v43, v20;
	v36 =	vmul.f32 v37, v21;
	v37 =	vunpack.i.u.bf16.f32 v32;
	[tilespmem:s11+$0xFFFFFF50] =	vst v30  }
0x209: {  	v21 =	vmul.f32 v41, v21;
	v30 =	vunpack.i.l.bf16.f32 v32;
	v32 =	vmul.f32 v37, v26;
	[tilespmem:s11+$0xFFFFFF60] =	vst v33  }
0x20a: {  	v29 =	vadd.f32 v36, v29;
	v26 =	vmul.f32 v30, v26;
	v30 =	vunpack.i.u.bf16.f32 v44;
	v33 =	vld [tilespmem:s12+$0xFFFFFEA0]  }
0x20b: {  	v20 =	vadd.f32 v21, v20;
	v21 =	vunpack.i.l.bf16.f32 v44;
	v30 =	vmul.f32 v30, v25;
	v36 =	vld [tilespmem:s12+$0xFFFFFEC0]  }
0x20c: {  	v27 =	vadd.f32 v34, v27;
	v25 =	vmul.f32 v21, v25;
	v26 =	vadd.f32 v26, v29  }
0x20d: {  	v31 =	vadd.f32 v35, v31;
	v21 =	vbroadcast v24, $0xD;
	v29 =	vadd.f32 v32, v20;
	v32 =	vld [tilespmem:s12+$0xFFFFFEE0]  }
0x20e: {  	v20 =	vbroadcast v24, $0xE;
	v24 =	vbroadcast v24, $0xF;
	v25 =	vadd.f32 v25, v26;
	[tilespmem:s13+$0xFFFFFEB0] =	vst v27  }
0x20f: {  	v15 =	vmul.f32 v15, v2;
	v11 =	vmul.f32 v23, v11;
	v26 =	vadd.f32 v30, v29;
	v27 =	vld [tilespmem:s12+$0xFFFFFF00];
	[tilespmem:s13+$0xFFFFFEC0] =	vst v31  }
0x210: {  	v2 =	vmovc v10;
	v10 =	vmovc v24;
	v23 =	vunpack.i.u.bf16.f32 v33;
	[tilespmem:s11+$0xFFFFFE30] =	vst v25;
	v25 =	vunpack.i.l.bf16.f32 v33;
	v29 =	vunpack.i.l.bf16.f32 v36;
	v30 =	vld [tilespmem:s14+$0xFFFFFD90]  }
0x211: {  	[tilespmem:s11+$0xFFFFFE40] =	vst v26;
	v24 =	vmul.f32 v25, v28;
	v25 =	vunpack.i.u.bf16.f32 v36;
	v26 =	vmul.f32 v29, v40;
	v29 =	vld [tilespmem:s14+$0xFFFFFDB0]  }
0x212: {  	v23 =	vmul.f32 v23, v28;
	v31 =	vld [tilespmem:s12+$0xFFFFFC90];
	v25 =	vmul.f32 v25, v40;
	v28 =	vunpack.i.l.bf16.f32 v32  }
0x213: {  	v33 =	vld [tilespmem:s12+$0xFFFFFCB0];
	v24 =	vadd.f32 v26, v24;
	v26 =	vunpack.i.u.bf16.f32 v32;
	v28 =	vmul.f32 v28, v38  }
0x214: {  	v32 =	vld [tilespmem:s12+$0xFFFFFCD0];
	v23 =	vadd.f32 v25, v23;
	v25 =	vmul.f32 v26, v38;
	v26 =	vunpack.i.l.bf16.f32 v27  }
0x215: {  	v27 =	vunpack.i.u.bf16.f32 v27;
	v34 =	vld [tilespmem:s12+$0xFFFFFCF0];
	v24 =	vadd.f32 v28, v24;
	v26 =	vmul.f32 v26, v39  }
0x216: {  	v23 =	vadd.f32 v25, v23;
	v25 =	vmul.f32 v27, v39;
	v27 =	vunpack.i.u.bf16.f32 v30;
	v28 =	vld [tilespmem:s14+$0xFFFFFDD0]  }
0x217: {  	v35 =	vunpack.i.u.bf16.f32 v31;
	v31 =	vunpack.i.l.bf16.f32 v31;
	v24 =	vadd.f32 v26, v24;
	v26 =	vld [tilespmem:s14+$0xFFFFFDF0]  }
0x218: {  	v36 =	vunpack.i.u.bf16.f32 v33;
	v33 =	vunpack.i.l.bf16.f32 v33;
	v23 =	vadd.f32 v25, v23  }
0x219: {  	v25 =	vmul.f32 v31, v22;
	v31 =	vmul.f32 v35, v22;
	v35 =	vunpack.i.u.bf16.f32 v32;
	[tilespmem:s11+$0xFFFFFF70] =	vst v24  }
0x21a: {  	v24 =	vmul.f32 v33, v17;
	v33 =	vmul.f32 v36, v17;
	v32 =	vunpack.i.l.bf16.f32 v32;
	[tilespmem:s11+$0xFFFFFF80] =	vst v23  }
0x21b: {  	v23 =	vmul.f32 v32, v16;
	v32 =	vmul.f32 v35, v16;
	v35 =	vunpack.i.u.bf16.f32 v34;
	v36 =	vld [tilespmem:s12+$0xFFFFFF10]  }
0x21c: {  	v24 =	vadd.f32 v24, v25;
	v25 =	vadd.f32 v33, v31;
	v31 =	vunpack.i.l.bf16.f32 v34;
	v33 =	vld [tilespmem:s12+$0xFFFFFF30]  }
0x21d: {  	v30 =	vunpack.i.l.bf16.f32 v30;
	v34 =	vmul.f32 v35, v18;
	v31 =	vmul.f32 v31, v18  }
0x21e: {  	v23 =	vadd.f32 v23, v24;
	v24 =	vadd.f32 v32, v25;
	v32 =	vunpack.i.u.bf16.f32 v29;
	v25 =	vld [tilespmem:s12+$0xFFFFFF50]  }
0x21f: {  	v37 =	vbroadcast v12, $0xB;
	v35 =	vbroadcast v12, $0xA;
	v29 =	vunpack.i.l.bf16.f32 v29  }
0x220: {  	v38 =	vbroadcast v12, $0x9;
	v23 =	vadd.f32 v31, v23;
	v31 =	vbroadcast v12, $0x8;
	v39 =	vld [tilespmem:s12+$0xFFFFFF70]  }
0x221: {  	v40 =	vunpack.i.u.bf16.f32 v36;
	v36 =	vunpack.i.l.bf16.f32 v36;
	v41 =	vunpack.i.l.bf16.f32 v33  }
0x222: {  	v33 =	vunpack.i.u.bf16.f32 v33;
	[tilespmem:s11+$0xFFFFFE50] =	vst v23;
	v23 =	vmul.f32 v36, v31;
	v36 =	vmul.f32 v41, v38  }
0x223: {  	v40 =	vmul.f32 v40, v31;
	v33 =	vmul.f32 v33, v38;
	v41 =	vunpack.i.l.bf16.f32 v25  }
0x224: {  	v25 =	vunpack.i.u.bf16.f32 v25;
	v23 =	vadd.f32 v36, v23;
	v36 =	vmul.f32 v41, v35  }
0x225: {  	v33 =	vadd.f32 v33, v40;
	v25 =	vmul.f32 v25, v35;
	v40 =	vunpack.i.l.bf16.f32 v39  }
0x226: {  	v23 =	vadd.f32 v36, v23;
	v36 =	vunpack.i.u.bf16.f32 v39;
	v39 =	vmul.f32 v40, v37  }
0x227: {  	v24 =	vadd.f32 v34, v24;
	v25 =	vadd.f32 v25, v33;
	v33 =	vmul.f32 v36, v37  }
0x228: {  	v30 =	vmul.f32 v30, v9;
	v27 =	vmul.f32 v27, v9;
	v23 =	vadd.f32 v39, v23  }
0x229: {  	[tilespmem:s11+$0xFFFFFE60] =	vst v24;
	v24 =	vadd.f32 v33, v25;
	v25 =	vmul.f32 v29, v8;
	v29 =	vmul.f32 v32, v8  }
0x22a: {  	v33 =	vunpack.i.u.bf16.f32 v26;
	v32 =	vld [tilespmem:s12+$0xFFFFFCA0];
	[tilespmem:s11+$0xFFFFFF90] =	vst v23;
	v23 =	vunpack.i.u.bf16.f32 v28;
	v28 =	vunpack.i.l.bf16.f32 v28  }
0x22b: {  	v34 =	vld [tilespmem:s12+$0xFFFFFCC0];
	[tilespmem:s11+$0xFFFFFFA0] =	vst v24;
	v24 =	vadd.f32 v25, v30;
	v25 =	vadd.f32 v29, v27;
	v27 =	vmul.f32 v28, v7  }
0x22c: {  	v26 =	vunpack.i.l.bf16.f32 v26;
	v23 =	vmul.f32 v23, v7;
	v29 =	vmul.f32 v33, v2;
	v28 =	vld [tilespmem:s12+$0xFFFFFF20]  }
0x22d: {  	v14 =	vadd.f32 v15, v14;
	v26 =	vmul.f32 v26, v2;
	v30 =	vld [tilespmem:s12+$0xFFFFFF40];
	v24 =	vadd.f32 v27, v24  }
0x22e: {  	v11 =	vadd.f32 v11, v13;
	v23 =	vadd.f32 v23, v25;
	v15 =	vld [tilespmem:s12+$0xFFFFFCE0]  }
0x22f: {  	v13 =	vunpack.i.u.bf16.f32 v32;
	v25 =	vunpack.i.l.bf16.f32 v32;
	v27 =	vld [tilespmem:s12+$0xFFFFFF60];
	v24 =	vadd.f32 v26, v24;
	[tilespmem:s10+$0xFFFFFF00] =	vst v14;
	s10 =	smov.u32 s13;
	s13 =	smov.u32 s11  }
0x230: {  	v14 =	vmul.f32 v25, v22;
	v25 =	vunpack.i.u.bf16.f32 v34;
	v26 =	vunpack.i.l.bf16.f32 v34;
	v32 =	vld [tilespmem:s12+$0xFFFFFD00];
	[tilespmem:s10+$0xFFFFFFF0] =	vst v11  }
0x231: {  	v23 =	vadd.f32 v29, v23;
	v11 =	vmul.f32 v13, v22;
	v22 =	vmul.f32 v26, v17;
	v13 =	vld [tilespmem:s12+$0xFFFFFF80];
	[tilespmem:s10+$0xFFFFFED0] =	vst v24  }
0x232: {  	v24 =	vunpack.i.u.bf16.f32 v28;
	v26 =	vunpack.i.l.bf16.f32 v28;
	v28 =	vunpack.i.l.bf16.f32 v30  }
0x233: {  	v26 =	vmul.f32 v26, v31;
	v29 =	vunpack.i.u.bf16.f32 v30;
	v28 =	vmul.f32 v28, v38;
	[tilespmem:s10+$0xFFFFFEE0] =	vst v23  }
0x234: {  	v23 =	vmul.f32 v24, v31;
	v24 =	vmul.f32 v29, v38;
	v29 =	vunpack.i.l.bf16.f32 v27;
	v30 =	vld [tilespmem:s14+$0xFFFFFDA0]  }
0x235: {  	v27 =	vunpack.i.u.bf16.f32 v27;
	v26 =	vadd.f32 v28, v26;
	v28 =	vmul.f32 v29, v35;
	v29 =	vld [tilespmem:s14+$0xFFFFFDC0]  }
0x236: {  	v23 =	vadd.f32 v24, v23;
	v24 =	vmul.f32 v27, v35;
	v27 =	vunpack.i.l.bf16.f32 v13;
	v31 =	vld [tilespmem:s14+$0xFFFFFDE0]  }
0x237: {  	v26 =	vadd.f32 v28, v26;
	v28 =	vunpack.i.u.bf16.f32 v13;
	v27 =	vmul.f32 v27, v37;
	v13 =	vld [tilespmem:s14+$0xFFFFFE00];
	s14 =	smov.u32 s12  }
0x238: {  	v17 =	vmul.f32 v25, v17;
	v23 =	vadd.f32 v24, v23;
	v24 =	vmul.f32 v28, v37  }
0x239: {  	v25 =	vunpack.i.u.bf16.f32 v15;
	v15 =	vunpack.i.l.bf16.f32 v15;
	v26 =	vadd.f32 v27, v26  }
0x23a: {  	v14 =	vadd.f32 v22, v14;
	v15 =	vmul.f32 v15, v16;
	v22 =	vadd.f32 v24, v23  }
0x23b: {  	v11 =	vadd.f32 v17, v11;
	v16 =	vmul.f32 v25, v16;
	v17 =	vunpack.i.u.bf16.f32 v32;
	[tilespmem:s11+$0xFFFFFFB0] =	vst v26  }
0x23c: {  	v14 =	vadd.f32 v15, v14;
	v15 =	vunpack.i.l.bf16.f32 v32;
	v17 =	vmul.f32 v17, v18;
	[tilespmem:s11+$0xFFFFFFC0] =	vst v22  }
0x23d: {  	v11 =	vadd.f32 v16, v11;
	v15 =	vmul.f32 v15, v18;
	v18 =	vunpack.i.u.bf16.f32 v30;
	v16 =	vld [tilespmem:s12+$0xFFFFFF90]  }
0x23e: {  	v23 =	vunpack.i.l.bf16.f32 v30;
	v24 =	vunpack.i.u.bf16.f32 v29;
	v25 =	vunpack.i.l.bf16.f32 v29;
	v22 =	vld [tilespmem:s12+$0xFFFFFFB0]  }
0x23f: {  	v14 =	vadd.f32 v15, v14;
	v15 =	vadd.f32 v17, v11;
	v23 =	vmul.f32 v23, v9  }
0x240: {  	v18 =	vmul.f32 v18, v9;
	v25 =	vmul.f32 v25, v8;
	v27 =	vunpack.i.u.bf16.f32 v31;
	v9 =	vmovc v19;
	v26 =	vld [tilespmem:s12+$0xFFFFFFD0]  }
0x241: {  	v17 =	vbroadcast v12, $0xE;
	v11 =	vbroadcast v12, $0xF;
	[tilespmem:s11+$0xFFFFFE70] =	vst v14;
	v14 =	vunpack.i.l.bf16.f32 v31  }
0x242: {  	v28 =	vbroadcast v12, $0xC;
	v12 =	vbroadcast v12, $0xD;
	v25 =	vadd.f32 v25, v23;
	[tilespmem:s11+$0xFFFFFE80] =	vst v15;
	v15 =	vld [tilespmem:s12+$0xFFFFFFF0]  }
0x243: {  	v23 =	vunpack.i.u.bf16.f32 v16;
	v16 =	vunpack.i.l.bf16.f32 v16;
	v19 =	vld [tilespmem:s12+$0xFFFFFD10];
	v29 =	vunpack.i.l.bf16.f32 v22  }
0x244: {  	v16 =	vmul.f32 v16, v28;
	v22 =	vunpack.i.u.bf16.f32 v22;
	v30 =	vld [tilespmem:s12+$0xFFFFFD30];
	v29 =	vmul.f32 v29, v12  }
0x245: {  	v23 =	vmul.f32 v23, v28;
	v22 =	vmul.f32 v22, v12;
	v31 =	vld [tilespmem:s12+$0xFFFFFD50];
	v32 =	vunpack.i.l.bf16.f32 v26  }
0x246: {  	v26 =	vunpack.i.u.bf16.f32 v26;
	v33 =	vld [tilespmem:s12+$0xFFFFFD70];
	v16 =	vadd.f32 v29, v16;
	v29 =	vmul.f32 v32, v17  }
0x247: {  	v22 =	vadd.f32 v22, v23;
	v23 =	vmul.f32 v26, v17;
	v26 =	vunpack.i.l.bf16.f32 v15  }
0x248: {  	v15 =	vunpack.i.u.bf16.f32 v15;
	v16 =	vadd.f32 v29, v16;
	v26 =	vmul.f32 v26, v11  }
0x249: {  	v29 =	vunpack.i.u.bf16.f32 v19;
	v22 =	vadd.f32 v23, v22;
	v15 =	vmul.f32 v15, v11  }
0x24a: {  	v19 =	vunpack.i.l.bf16.f32 v19;
	v23 =	vunpack.i.u.bf16.f32 v30;
	v16 =	vadd.f32 v26, v16  }
0x24b: {  	v19 =	vmul.f32 v19, v5;
	v26 =	vunpack.i.l.bf16.f32 v30;
	v15 =	vadd.f32 v15, v22  }
0x24c: {  	v22 =	vmul.f32 v29, v5;
	v29 =	vunpack.i.u.bf16.f32 v31;
	v26 =	vmul.f32 v26, v6;
	[tilespmem:s11+$0xFFFFFFD0] =	vst v16  }
0x24d: {  	v29 =	vmul.f32 v29, v4;
	v16 =	vmul.f32 v23, v6;
	v23 =	vunpack.i.l.bf16.f32 v31;
	[tilespmem:s11+$0xFFFFFFE0] =	vst v15  }
0x24e: {  	v15 =	vadd.f32 v26, v19;
	v19 =	vmul.f32 v23, v4;
	v23 =	vunpack.i.u.bf16.f32 v33;
	v26 =	vld [tilespmem:s12+$0xFFFFFFA0]  }
0x24f: {  	v16 =	vadd.f32 v16, v22;
	v22 =	vunpack.i.l.bf16.f32 v33;
	v23 =	vmul.f32 v23, v3;
	v30 =	vld [tilespmem:s12+$0xFFFFFFC0]  }
0x250: {  	v24 =	vmul.f32 v24, v8;
	v8 =	vmovc v21;
	v15 =	vadd.f32 v19, v15;
	v22 =	vmul.f32 v22, v3  }
0x251: {  	v16 =	vadd.f32 v29, v16;
	v29 =	vmul.f32 v14, v7;
	v14 =	vmul.f32 v27, v7;
	v7 =	vmovc v20;
	v19 =	vld [tilespmem:s12+$0xFFFFFFE0]  }
.Ltmp7:
0x252: {  	v18 =	vadd.f32 v24, v18;
	v20 =	vadd.f32 v22, v15;
	v15 =	vunpack.i.u.bf16.f32 v13;
	(pc) =	sbr.rel @p1 .LBB2_11-.Ltmp7, $4  }
0x253: {  	v22 =	vadd.f32 v23, v16;
	v16 =	vunpack.i.l.bf16.f32 v13;
	v24 =	vunpack.i.l.bf16.f32 v26;
	v21 =	vld [tilespmem:s12+$0x0]  }
0x254: {  	v13 =	vunpack.i.u.bf16.f32 v26;
	[tilespmem:s11+$0xFFFFFE90] =	vst v20;
	v20 =	vunpack.i.u.bf16.f32 v30;
	v27 =	vunpack.i.l.bf16.f32 v30  }
0x255: {  	v13 =	vmul.f32 v13, v28;
	[tilespmem:s11+$0xFFFFFEA0] =	vst v22;
	v23 =	vmul.f32 v20, v12;
	v20 =	vadd.f32 v29, v25  }
0x256: {  	s16 =	sadd.s32 $0x20, s16;
	v22 =	vmul.f32 v24, v28;
	v24 =	vmul.f32 v27, v12;
	v26 =	vld [tilespmem:s12+$0xFFFFFD20];
	v25 =	vunpack.i.u.bf16.f32 v19  }
0x257: {  	v12 =	vld [tilespmem:s14+$0xFFFFFD40];
	_ =	sdelay $0x1  }
0x258: {  	v27 =	vld [tilespmem:s14+$0xFFFFFD60];
	_ =	sdelay $0x1  }
0x259: {  	v28 =	vld [tilespmem:s14+$0xFFFFFD80]  }
0x25a: {  	v29 =	vunpack.i.u.bf16.f32 v26;
	v59 =	vunpack.i.l.bf16.f32 v26;
	v30 =	vunpack.i.l.bf16.f32 v12  }
0x25b: {  	v12 =	vunpack.i.u.bf16.f32 v12;
	v26 =	vmul.f32 v59, v5;
	v30 =	vmul.f32 v30, v6  }
0x25c: {  	v60 =	vmul.f32 v29, v5;
	v62 =	vunpack.i.l.bf16.f32 v27;
	v61 =	vmul.f32 v12, v6  }
0x25d: {  	v27 =	vunpack.i.u.bf16.f32 v27;
	v12 =	vmul.f32 v62, v4;
	v26 =	vadd.f32 v30, v26  }
0x25e: {  	v63 =	vmul.f32 v27, v4;
	v5 =	vadd.f32 v61, v60;
	v30 =	vunpack.i.l.bf16.f32 v28  }
0x25f: {  	v31 =	vunpack.i.u.bf16.f32 v28;
	v6 =	vmul.f32 v30, v3;
	v12 =	vadd.f32 v12, v26  }
0x260: {  	v3 =	vmul.f32 v31, v3;
	v4 =	vadd.f32 v63, v5  }
0x261: {  	v32 =	vadd.f32 v6, v12  }
0x262: {  	v3 =	vadd.f32 v3, v4  }
0x263: {  	[tilespmem:s13+$0xFFFFFEB0] =	vst v32  }
0x264: {  	[tilespmem:s13+$0xFFFFFEC0] =	vst v3  }
0x265: {  	v3 =	vld [tilespmem:s14+$0xFFFFFD90]  }
0x266: {  	v33 =	vld [tilespmem:s14+$0xFFFFFDB0];
	_ =	sdelay $0x1  }
0x267: {  	v5 =	vld [tilespmem:s14+$0xFFFFFDD0];
	_ =	sdelay $0x1  }
0x268: {  	v34 =	vld [tilespmem:s14+$0xFFFFFDF0]  }
0x269: {  	v35 =	vunpack.i.u.bf16.f32 v3;
	v3 =	vunpack.i.l.bf16.f32 v3;
	v36 =	vunpack.i.l.bf16.f32 v33  }
0x26a: {  	v4 =	vunpack.i.u.bf16.f32 v33;
	v3 =	vmul.f32 v3, v9;
	v26 =	vmul.f32 v36, v8  }
0x26b: {  	v37 =	vunpack.i.l.bf16.f32 v5;
	v12 =	vmul.f32 v35, v9;
	v4 =	vmul.f32 v4, v8  }
0x26c: {  	v5 =	vunpack.i.u.bf16.f32 v5;
	v38 =	vmul.f32 v37, v7;
	v3 =	vadd.f32 v26, v3  }
0x26d: {  	v39 =	vunpack.i.l.bf16.f32 v34;
	v5 =	vmul.f32 v5, v7;
	v4 =	vadd.f32 v4, v12  }
0x26e: {  	v6 =	vunpack.i.u.bf16.f32 v34;
	v12 =	vmul.f32 v39, v10;
	v3 =	vadd.f32 v38, v3  }
0x26f: {  	v6 =	vmul.f32 v6, v10;
	v4 =	vadd.f32 v5, v4  }
0x270: {  	v3 =	vadd.f32 v12, v3  }
0x271: {  	v4 =	vadd.f32 v6, v4  }
0x272: {  	[tilespmem:s13+$0xFFFFFED0] =	vst v3  }
0x273: {  	[tilespmem:s13+$0xFFFFFEE0] =	vst v4  }
0x274: {  	v40 =	vmul.f32 v25, v17;
	v42 =	vunpack.i.l.bf16.f32 v19;
	v41 =	vld [tilespmem:s14+$0xFFFFFDA0]  }
0x275: {  	v47 =	vadd.f32 v14, v18;
	v48 =	vmul.f32 v16, v2;
	v3 =	vadd.f32 v23, v13;
	v45 =	vld [tilespmem:s14+$0xFFFFFDC0]  }
0x276: {  	v2 =	vmul.f32 v15, v2;
	v43 =	vadd.f32 v24, v22;
	v44 =	vunpack.i.u.bf16.f32 v21  }
0x277: {  	v46 =	vmul.f32 v44, v11;
	v6 =	vmul.f32 v42, v17;
	v49 =	vld [tilespmem:s14+$0xFFFFFDE0];
	v3 =	vadd.f32 v40, v3  }
0x278: {  	v50 =	vunpack.i.l.bf16.f32 v21;
	v51 =	vadd.f32 v48, v20;
	v2 =	vadd.f32 v2, v47  }
0x279: {  	v52 =	vmul.f32 v50, v11;
	v6 =	vadd.f32 v6, v43;
	v53 =	vld [tilespmem:s14+$0xFFFFFE00];
	v3 =	vadd.f32 v46, v3  }
0x27a: {  	v54 =	vunpack.i.u.bf16.f32 v41;
	v5 =	vunpack.i.l.bf16.f32 v41;
	v55 =	vunpack.i.l.bf16.f32 v45  }
0x27b: {  	v56 =	vunpack.i.u.bf16.f32 v45;
	v5 =	vmul.f32 v5, v9;
	v14 =	vmul.f32 v55, v8  }
0x27c: {  	v58 =	vunpack.i.l.bf16.f32 v49;
	v57 =	vmul.f32 v54, v9;
	v59 =	vmul.f32 v56, v8  }
0x27d: {  	v15 =	vunpack.i.u.bf16.f32 v49;
	v13 =	vmul.f32 v58, v7;
	v5 =	vadd.f32 v14, v5  }
0x27e: {  	v61 =	vunpack.i.l.bf16.f32 v53;
	v60 =	vmul.f32 v15, v7;
	v8 =	vadd.f32 v59, v57  }
0x27f: {  	[tilespmem:s11+$0x0] =	vst v3;
	v3 =	vunpack.i.u.bf16.f32 v53;
	v9 =	vmul.f32 v61, v10;
	v5 =	vadd.f32 v13, v5  }
0x280: {  	[tilespmem:s10+$0xFFFFFEF0] =	vst v51;
	v62 =	vadd.f32 v52, v6;
	v3 =	vmul.f32 v3, v10;
	v63 =	vadd.f32 v60, v8  }
.Ltmp8:
0x281: {  	[tilespmem:s10+$0xFFFFFF00] =	vst v2;
	v2 =	vadd.f32 v9, v5;
	(pc) =	sbr.rel .LBB2_13-.Ltmp8, $4  }
0x282: {  	[tilespmem:s13+$0xFFFFFFF0] =	vst v62;
	v3 =	vadd.f32 v3, v63  }
0x283: {  	[tilespmem:s13+$0xFFFFFEF0] =	vst v2  }
0x284: {  	[tilespmem:s13+$0xFFFFFF00] =	vst v3  }
0x285: {  	[spmem:s2] =	stream.indirect.scatter.add.f32 [tilespmem:s26], [sflag:$0x6], $0x40, s25, s21, $0xb8;
	[tilespmem:$0x1B380] =	vst v63  }
.LBB2_7:
0x286: {  	p1 =	seq.s32 s17, $0x7C  }
0x287: {  	s11 =	smul.u32 @!p1 $0x140, s17;
	_ =	sdelay $0x1  }
0x288: {  	s11 =	sadd.s32 @!p1 $0x140, s11  }
0x289: {  	s12 =	sadd.s32 @!p1 s6, s11  }
0x28a: {  	s12 =	sshrl.u32 @!p1 s12, $0x3  }
0x28b: {  	s13 =	simm.s32 @!p1 $0x0;
	s14 =	simm.s32 @!p1 $0x4F60;
	s12 =	sadd.s32 @!p1 s5, s12  }
0x28c: {  	[tilespmem:s14], [sflag:$0x4] =	stream.linear.gather @!p1 [hbm4b:s12+s13], $0x140, $0x38;
	[tilespmem:$0x1B380] =	vst v63  }
0x28d: {  	s11 =	sshra.s32 @!p1 s11, $0x2;
	s12 =	simm.s32 @!p1 $0x50;
	s13 =	simm.s32 @!p1 $0x7940  }
0x28e: {  	[tilespmem:s13], [sflag:$0x2] =	stream.indirect.gather @!p1 [hbm4b:s4+s12], $0x80, s11, s12, $0xb8;
	[tilespmem:$0x1B380] =	vst v63  }
0x28f: {  	_ =	swait.ge [sflag:s30], $0x2800  }
0x290: {  	[sflag:s30] =	ssyncset.done $0x0  }
0x291: {  	[sflag:s30] =	ssyncadd.s32 $0xFFFFD800  }
0x292: {  	_ =	swait.ge [sflag:s31], $0x140  }
0x293: {  	p1 =	slt.u32 s17, $0x2;
	[sflag:s31] =	ssyncset.done $0x0  }
0x294: {  	s11 =	simm.s32 @!p1 $0x5;
	[sflag:s31] =	ssyncadd.s32 $0xFFFFFEC0  }
0x295: {  	_ =	swait.ge @!p1 [sflag:s11], $0x1400  }
0x296: {  	[sflag:s11] =	ssyncset.done @!p1 $0x0  }
0x297: {  	s10 =	sshra.s32 s10, $0x2;
	[sflag:s11] =	ssyncadd.s32 @!p1 $0xFFFFEC00  }
0x298: {  	v2 =	vld [tilespmem:s10+$0x2710];
	_ =	sdelay $0x4  }
0x299: {  	[tilespmem:$0x50A0] =	vst v2  }
0x29a: {  	v2 =	vld [tilespmem:s10+$0x2720];
	_ =	sdelay $0x4  }
0x29b: {  	[tilespmem:$0x50B0] =	vst v2  }
0x29c: {  	v2 =	vld [tilespmem:s10+$0x2730];
	_ =	sdelay $0x4  }
0x29d: {  	[tilespmem:$0x50C0] =	vst v2  }
0x29e: {  	v2 =	vld [tilespmem:s10+$0x2740];
	_ =	sdelay $0x4  }
0x29f: {  	[tilespmem:$0x50D0] =	vst v2  }
0x2a0: {  	v2 =	vld [tilespmem:s10+$0x2750];
	_ =	sdelay $0x4  }
0x2a1: {  	s14 =	simm.s32 $0x4E30;
	[tilespmem:$0x50E0] =	vst v2  }
0x2a2: {  	s15 =	simm.s32 $0x5340;
	v2 =	vld [tilespmem:s14+$0x0]  }
0x2a3: {  	v3 =	vld [tilespmem:s15+$0x0]  }
0x2a4: {  	v4 =	vld [tilespmem:s15+$0x20];
	_ =	sdelay $0x1  }
0x2a5: {  	v5 =	vld [tilespmem:s15+$0x40]  }
0x2a6: {  	v6 =	vbroadcast v2, $0x2;
	v7 =	vbroadcast v2, $0x3  }
0x2a7: {  	v10 =	vld [tilespmem:s15+$0x60];
	v8 =	vbroadcast v2, $0x0;
	v9 =	vbroadcast v2, $0x1  }
0x2a8: {  	v11 =	vunpack.i.u.bf16.f32 v3;
	v3 =	vunpack.i.l.bf16.f32 v3;
	v12 =	vunpack.i.l.bf16.f32 v4  }
0x2a9: {  	v4 =	vunpack.i.u.bf16.f32 v4;
	v3 =	vmul.f32 v3, v8;
	v12 =	vmul.f32 v12, v9  }
0x2aa: {  	v13 =	vunpack.i.l.bf16.f32 v5;
	v11 =	vmul.f32 v11, v8;
	v4 =	vmul.f32 v4, v9  }
0x2ab: {  	v5 =	vunpack.i.u.bf16.f32 v5;
	v3 =	vadd.f32 v12, v3;
	v12 =	vmul.f32 v13, v6  }
0x2ac: {  	v5 =	vmul.f32 v5, v6;
	v4 =	vadd.f32 v4, v11;
	v11 =	vunpack.i.l.bf16.f32 v10  }
0x2ad: {  	v10 =	vunpack.i.u.bf16.f32 v10;
	v11 =	vmul.f32 v11, v7;
	v3 =	vadd.f32 v12, v3  }
0x2ae: {  	v4 =	vadd.f32 v5, v4;
	v5 =	vmul.f32 v10, v7  }
0x2af: {  	v3 =	vadd.f32 v11, v3  }
0x2b0: {  	s10 =	simm.s32 $0xA240;
	v4 =	vadd.f32 v5, v4  }
0x2b1: {  	[tilespmem:s10+$0x0] =	vst v3  }
0x2b2: {  	[tilespmem:s10+$0x10] =	vst v4  }
0x2b3: {  	v3 =	vld [tilespmem:s15+$0x10]  }
0x2b4: {  	v4 =	vld [tilespmem:s15+$0x30];
	_ =	sdelay $0x1  }
0x2b5: {  	v5 =	vld [tilespmem:s15+$0x50];
	_ =	sdelay $0x1  }
0x2b6: {  	v10 =	vld [tilespmem:s15+$0x70]  }
0x2b7: {  	v11 =	vunpack.i.u.bf16.f32 v3;
	v3 =	vunpack.i.l.bf16.f32 v3;
	v12 =	vunpack.i.l.bf16.f32 v4  }
0x2b8: {  	v4 =	vunpack.i.u.bf16.f32 v4;
	v3 =	vmul.f32 v3, v8;
	v12 =	vmul.f32 v12, v9  }
0x2b9: {  	v8 =	vmul.f32 v11, v8;
	v4 =	vmul.f32 v4, v9;
	v9 =	vunpack.i.l.bf16.f32 v5  }
0x2ba: {  	v5 =	vunpack.i.u.bf16.f32 v5;
	v9 =	vmul.f32 v9, v6;
	v3 =	vadd.f32 v12, v3  }
0x2bb: {  	v5 =	vmul.f32 v5, v6;
	v6 =	vunpack.i.l.bf16.f32 v10;
	v4 =	vadd.f32 v4, v8  }
0x2bc: {  	v8 =	vunpack.i.u.bf16.f32 v10;
	v6 =	vmul.f32 v6, v7;
	v3 =	vadd.f32 v9, v3  }
0x2bd: {  	v4 =	vadd.f32 v5, v4;
	v5 =	vmul.f32 v8, v7  }
0x2be: {  	v6 =	vadd.f32 v6, v3  }
0x2bf: {  	v4 =	vadd.f32 v5, v4  }
0x2c0: {  	v3 =	vld [tilespmem:s14+$0xFFFFFFF0];
	[tilespmem:s10+$0x20] =	vst v6  }
0x2c1: {  	v5 =	vld [tilespmem:s15+$0xFFFFFE00];
	[tilespmem:s10+$0x30] =	vst v4  }
0x2c2: {  	v4 =	vld [tilespmem:s15+$0x80]  }
0x2c3: {  	v6 =	vld [tilespmem:s15+$0xA0];
	_ =	sdelay $0x1  }
0x2c4: {  	v13 =	vbroadcast v2, $0x5;
	v8 =	vld [tilespmem:s15+$0xC0]  }
0x2c5: {  	v10 =	vbroadcast v2, $0x7;
	v12 =	vbroadcast v2, $0x4  }
0x2c6: {  	v9 =	vbroadcast v2, $0x6;
	v14 =	vld [tilespmem:s15+$0xE0];
	v7 =	vbroadcast v3, $0x0;
	v11 =	vunpack.i.u.bf16.f32 v5  }
0x2c7: {  	v15 =	vunpack.i.u.bf16.f32 v4;
	v4 =	vunpack.i.l.bf16.f32 v4;
	v16 =	vunpack.i.l.bf16.f32 v6  }
0x2c8: {  	v6 =	vunpack.i.u.bf16.f32 v6;
	v4 =	vmul.f32 v4, v12;
	v16 =	vmul.f32 v16, v13  }
0x2c9: {  	v17 =	vunpack.i.l.bf16.f32 v8;
	v15 =	vmul.f32 v15, v12;
	v6 =	vmul.f32 v6, v13  }
0x2ca: {  	v18 =	vld [tilespmem:s15+$0xFFFFFE20];
	v8 =	vunpack.i.u.bf16.f32 v8;
	v4 =	vadd.f32 v16, v4;
	v16 =	vmul.f32 v17, v9  }
0x2cb: {  	v8 =	vmul.f32 v8, v9;
	v6 =	vadd.f32 v6, v15;
	v15 =	vunpack.i.l.bf16.f32 v14  }
0x2cc: {  	v17 =	vld [tilespmem:s15+$0xFFFFFE40];
	v14 =	vunpack.i.u.bf16.f32 v14;
	v15 =	vmul.f32 v15, v10;
	v4 =	vadd.f32 v16, v4  }
0x2cd: {  	v5 =	vunpack.i.l.bf16.f32 v5;
	v6 =	vadd.f32 v8, v6;
	v8 =	vmul.f32 v14, v10  }
0x2ce: {  	v5 =	vmul.f32 v5, v7;
	v14 =	vld [tilespmem:s15+$0xFFFFFE60];
	v16 =	vbroadcast v3, $0x1;
	v4 =	vadd.f32 v15, v4  }
0x2cf: {  	v11 =	vmul.f32 v11, v7;
	v15 =	vunpack.i.l.bf16.f32 v18;
	v6 =	vadd.f32 v8, v6  }
0x2d0: {  	v8 =	vunpack.i.u.bf16.f32 v18;
	v18 =	vbroadcast v3, $0x2;
	v15 =	vmul.f32 v15, v16;
	[tilespmem:s10+$0x40] =	vst v4  }
0x2d1: {  	v4 =	vmul.f32 v8, v16;
	v8 =	vunpack.i.u.bf16.f32 v17;
	v17 =	vunpack.i.l.bf16.f32 v17;
	[tilespmem:s10+$0x50] =	vst v6  }
0x2d2: {  	v6 =	vbroadcast v3, $0x3;
	v5 =	vadd.f32 v15, v5;
	v15 =	vmul.f32 v17, v18;
	v17 =	vld [tilespmem:s15+$0x90]  }
0x2d3: {  	v8 =	vmul.f32 v8, v18;
	v19 =	vld [tilespmem:s15+$0xB0];
	v4 =	vadd.f32 v4, v11;
	v11 =	vunpack.i.l.bf16.f32 v14  }
0x2d4: {  	v14 =	vunpack.i.u.bf16.f32 v14;
	v11 =	vmul.f32 v11, v6;
	v5 =	vadd.f32 v15, v5  }
0x2d5: {  	v14 =	vmul.f32 v14, v6;
	v4 =	vadd.f32 v8, v4;
	v8 =	vld [tilespmem:s15+$0xD0]  }
0x2d6: {  	v5 =	vadd.f32 v11, v5  }
0x2d7: {  	v11 =	vld [tilespmem:s15+$0xF0];
	v4 =	vadd.f32 v14, v4  }
0x2d8: {  	v14 =	vunpack.i.l.bf16.f32 v17;
	v15 =	vunpack.i.l.bf16.f32 v19;
	[tilespmem:s10+$0xFFFFFF00] =	vst v5;
	v5 =	vunpack.i.u.bf16.f32 v17  }
0x2d9: {  	v15 =	vmul.f32 v15, v13;
	[tilespmem:s10+$0xFFFFFF10] =	vst v4;
	v4 =	vmul.f32 v14, v12;
	v14 =	vunpack.i.u.bf16.f32 v19  }
0x2da: {  	v5 =	vmul.f32 v5, v12;
	v17 =	vld [tilespmem:s15+$0xFFFFFE10];
	v12 =	vmul.f32 v14, v13;
	v13 =	vunpack.i.l.bf16.f32 v8  }
0x2db: {  	v14 =	vld [tilespmem:s15+$0xFFFFFE30];
	v8 =	vunpack.i.u.bf16.f32 v8;
	v4 =	vadd.f32 v15, v4;
	v13 =	vmul.f32 v13, v9  }
0x2dc: {  	v8 =	vmul.f32 v8, v9;
	v9 =	vunpack.i.l.bf16.f32 v11;
	v5 =	vadd.f32 v12, v5  }
0x2dd: {  	v12 =	vld [tilespmem:s15+$0xFFFFFE50];
	v9 =	vmul.f32 v9, v10;
	v13 =	vadd.f32 v13, v4;
	v4 =	vunpack.i.u.bf16.f32 v11  }
0x2de: {  	v5 =	vadd.f32 v8, v5;
	v8 =	vmul.f32 v4, v10  }
0x2df: {  	v4 =	vbroadcast v3, $0x4;
	v10 =	vld [tilespmem:s15+$0xFFFFFE70];
	v11 =	vunpack.i.u.bf16.f32 v17;
	v9 =	vadd.f32 v9, v13  }
0x2e0: {  	v13 =	vunpack.i.l.bf16.f32 v17;
	v15 =	vunpack.i.l.bf16.f32 v14;
	v5 =	vadd.f32 v8, v5  }
0x2e1: {  	v8 =	vunpack.i.u.bf16.f32 v14;
	v13 =	vmul.f32 v13, v7;
	v14 =	vmul.f32 v15, v16;
	[tilespmem:s10+$0x60] =	vst v9  }
0x2e2: {  	v7 =	vmul.f32 v11, v7;
	v8 =	vmul.f32 v8, v16;
	v9 =	vunpack.i.l.bf16.f32 v12;
	[tilespmem:s10+$0x70] =	vst v5  }
0x2e3: {  	v5 =	vunpack.i.u.bf16.f32 v12;
	v11 =	vadd.f32 v14, v13;
	v9 =	vmul.f32 v9, v18;
	v12 =	vld [tilespmem:s15+$0x100]  }
0x2e4: {  	v5 =	vmul.f32 v5, v18;
	v7 =	vadd.f32 v8, v7;
	v8 =	vunpack.i.l.bf16.f32 v10;
	v13 =	vld [tilespmem:s15+$0x120]  }
0x2e5: {  	v10 =	vunpack.i.u.bf16.f32 v10;
	v9 =	vadd.f32 v9, v11;
	v8 =	vmul.f32 v8, v6  }
0x2e6: {  	v14 =	vbroadcast v2, $0x9;
	v6 =	vmul.f32 v10, v6;
	v5 =	vadd.f32 v5, v7;
	v7 =	vld [tilespmem:s15+$0x140]  }
0x2e7: {  	v11 =	vbroadcast v3, $0x5;
	v10 =	vbroadcast v2, $0xB;
	v8 =	vadd.f32 v8, v9  }
0x2e8: {  	v15 =	vld [tilespmem:s15+$0x160];
	v9 =	vbroadcast v2, $0xA;
	v5 =	vadd.f32 v6, v5;
	v6 =	vbroadcast v2, $0x8  }
0x2e9: {  	[tilespmem:s10+$0xFFFFFF20] =	vst v8;
	v8 =	vunpack.i.u.bf16.f32 v12;
	v12 =	vunpack.i.l.bf16.f32 v12;
	v16 =	vunpack.i.l.bf16.f32 v13  }
0x2ea: {  	[tilespmem:s10+$0xFFFFFF30] =	vst v5;
	v5 =	vmul.f32 v12, v6;
	v12 =	vunpack.i.u.bf16.f32 v13;
	v13 =	vmul.f32 v16, v14  }
0x2eb: {  	v8 =	vmul.f32 v8, v6;
	v16 =	vld [tilespmem:s15+$0xFFFFFE80];
	v12 =	vmul.f32 v12, v14;
	v17 =	vunpack.i.l.bf16.f32 v7  }
0x2ec: {  	v18 =	vld [tilespmem:s15+$0xFFFFFEA0];
	v7 =	vunpack.i.u.bf16.f32 v7;
	v5 =	vadd.f32 v13, v5;
	v13 =	vmul.f32 v17, v9  }
0x2ed: {  	v7 =	vmul.f32 v7, v9;
	v8 =	vadd.f32 v12, v8;
	v12 =	vunpack.i.l.bf16.f32 v15  }
0x2ee: {  	v17 =	vld [tilespmem:s15+$0xFFFFFEC0];
	v5 =	vadd.f32 v13, v5;
	v13 =	vunpack.i.u.bf16.f32 v15;
	v12 =	vmul.f32 v12, v10  }
0x2ef: {  	v15 =	vbroadcast v3, $0x6;
	v7 =	vadd.f32 v7, v8;
	v8 =	vmul.f32 v13, v10  }
0x2f0: {  	v19 =	vld [tilespmem:s15+$0xFFFFFEE0];
	v13 =	vbroadcast v3, $0x7;
	v20 =	vunpack.i.u.bf16.f32 v16;
	v5 =	vadd.f32 v12, v5  }
0x2f1: {  	v12 =	vunpack.i.l.bf16.f32 v16;
	v16 =	vunpack.i.l.bf16.f32 v18;
	v7 =	vadd.f32 v8, v7  }
0x2f2: {  	v8 =	vunpack.i.u.bf16.f32 v18;
	v12 =	vmul.f32 v12, v4;
	v16 =	vmul.f32 v16, v11;
	[tilespmem:s10+$0x80] =	vst v5  }
0x2f3: {  	v18 =	vunpack.i.l.bf16.f32 v17;
	v5 =	vmul.f32 v20, v4;
	v8 =	vmul.f32 v8, v11;
	[tilespmem:s10+$0x90] =	vst v7  }
0x2f4: {  	v7 =	vunpack.i.u.bf16.f32 v17;
	v17 =	vmul.f32 v18, v15;
	v12 =	vadd.f32 v16, v12;
	v16 =	vld [tilespmem:s15+$0x110]  }
0x2f5: {  	v7 =	vmul.f32 v7, v15;
	v5 =	vadd.f32 v8, v5;
	v8 =	vunpack.i.l.bf16.f32 v19;
	v18 =	vld [tilespmem:s15+$0x130]  }
0x2f6: {  	v19 =	vunpack.i.u.bf16.f32 v19;
	v8 =	vmul.f32 v8, v13;
	v12 =	vadd.f32 v17, v12  }
0x2f7: {  	v17 =	vmul.f32 v19, v13;
	v5 =	vadd.f32 v7, v5;
	v7 =	vld [tilespmem:s15+$0x150]  }
0x2f8: {  	v8 =	vadd.f32 v8, v12  }
0x2f9: {  	v12 =	vld [tilespmem:s15+$0x170];
	v5 =	vadd.f32 v17, v5  }
0x2fa: {  	[tilespmem:s10+$0xFFFFFF40] =	vst v8;
	v8 =	vunpack.i.u.bf16.f32 v16;
	v16 =	vunpack.i.l.bf16.f32 v16;
	v17 =	vunpack.i.l.bf16.f32 v18  }
0x2fb: {  	[tilespmem:s10+$0xFFFFFF50] =	vst v5;
	v5 =	vmul.f32 v16, v6;
	v16 =	vunpack.i.u.bf16.f32 v18;
	v17 =	vmul.f32 v17, v14  }
0x2fc: {  	v6 =	vmul.f32 v8, v6;
	v18 =	vld [tilespmem:s15+$0xFFFFFE90];
	v8 =	vmul.f32 v16, v14;
	v14 =	vunpack.i.l.bf16.f32 v7  }
0x2fd: {  	v16 =	vld [tilespmem:s15+$0xFFFFFEB0];
	v7 =	vunpack.i.u.bf16.f32 v7;
	v5 =	vadd.f32 v17, v5;
	v14 =	vmul.f32 v14, v9  }
0x2fe: {  	v7 =	vmul.f32 v7, v9;
	v6 =	vadd.f32 v8, v6;
	v8 =	vunpack.i.l.bf16.f32 v12  }
0x2ff: {  	v9 =	vld [tilespmem:s15+$0xFFFFFED0];
	v12 =	vunpack.i.u.bf16.f32 v12;
	v5 =	vadd.f32 v14, v5;
	v8 =	vmul.f32 v8, v10  }
0x300: {  	v6 =	vadd.f32 v7, v6;
	v7 =	vmul.f32 v12, v10  }
0x301: {  	v10 =	vunpack.i.u.bf16.f32 v18;
	v5 =	vadd.f32 v8, v5  }
0x302: {  	v12 =	vld [tilespmem:s15+$0xFFFFFEF0];
	v8 =	vunpack.i.l.bf16.f32 v18;
	v14 =	vunpack.i.l.bf16.f32 v16;
	v6 =	vadd.f32 v7, v6  }
0x303: {  	s12 =	simm.s32 $0x5740;
	v7 =	vmul.f32 v8, v4;
	v8 =	vunpack.i.u.bf16.f32 v16;
	v14 =	vmul.f32 v14, v11;
	[tilespmem:s10+$0xA0] =	vst v5  }
0x304: {  	v30 =	vld [tilespmem:s12+$0xFFFFFE00];
	v4 =	vmul.f32 v10, v4;
	v5 =	vmul.f32 v8, v11;
	v8 =	vunpack.i.l.bf16.f32 v9;
	[tilespmem:s10+$0xB0] =	vst v6  }
0x305: {  	v6 =	vunpack.i.u.bf16.f32 v9;
	v7 =	vadd.f32 v14, v7;
	v8 =	vmul.f32 v8, v15;
	v9 =	vld [tilespmem:s15+$0x180]  }
0x306: {  	v17 =	vbroadcast v2, $0xC;
	v4 =	vadd.f32 v5, v4;
	v5 =	vmul.f32 v6, v15;
	v10 =	vld [tilespmem:s15+$0x1A0]  }
0x307: {  	v6 =	vunpack.i.l.bf16.f32 v12;
	v11 =	vunpack.i.u.bf16.f32 v12;
	v7 =	vadd.f32 v8, v7  }
0x308: {  	v6 =	vmul.f32 v6, v13;
	v8 =	vmul.f32 v11, v13;
	v4 =	vadd.f32 v5, v4;
	v5 =	vld [tilespmem:s15+$0x1C0]  }
0x309: {  	v43 =	vunpack.i.u.bf16.f32 v30;
	v18 =	vbroadcast v2, $0xD;
	v16 =	vbroadcast v2, $0xE  }
0x30a: {  	v15 =	vbroadcast v2, $0xF;
	v2 =	vld [tilespmem:s15+$0x1E0];
	v6 =	vadd.f32 v6, v7;
	v4 =	vadd.f32 v8, v4  }
0x30b: {  	v7 =	vunpack.i.u.bf16.f32 v9;
	v8 =	vunpack.i.l.bf16.f32 v9;
	v9 =	vunpack.i.l.bf16.f32 v10  }
0x30c: {  	v10 =	vunpack.i.u.bf16.f32 v10;
	v8 =	vmul.f32 v8, v17;
	v9 =	vmul.f32 v9, v18  }
0x30d: {  	[tilespmem:s10+$0xFFFFFF60] =	vst v6;
	v6 =	vmul.f32 v7, v17;
	v7 =	vmul.f32 v10, v18;
	v10 =	vunpack.i.l.bf16.f32 v5  }
0x30e: {  	v41 =	vld [tilespmem:s12+$0xFFFFFE20];
	[tilespmem:s10+$0xFFFFFF70] =	vst v4;
	v5 =	vunpack.i.u.bf16.f32 v5;
	v4 =	vadd.f32 v9, v8;
	v8 =	vmul.f32 v10, v16  }
0x30f: {  	v14 =	vld [tilespmem:s15+$0xFFFFFF20];
	v6 =	vadd.f32 v7, v6;
	v5 =	vmul.f32 v5, v16;
	v7 =	vunpack.i.l.bf16.f32 v2  }
0x310: {  	v10 =	vld [tilespmem:s15+$0xFFFFFF00];
	v2 =	vunpack.i.u.bf16.f32 v2;
	v7 =	vmul.f32 v7, v15;
	v4 =	vadd.f32 v8, v4  }
0x311: {  	v23 =	vbroadcast v3, $0x8;
	v2 =	vmul.f32 v2, v15;
	v5 =	vadd.f32 v5, v6  }
0x312: {  	v12 =	vbroadcast v3, $0xE;
	v11 =	vbroadcast v3, $0xC;
	v6 =	vld [tilespmem:s15+$0xFFFFFF40];
	v4 =	vadd.f32 v7, v4  }
0x313: {  	v13 =	vbroadcast v3, $0xD;
	v9 =	vbroadcast v3, $0x9;
	v2 =	vadd.f32 v2, v5  }
0x314: {  	v44 =	vunpack.i.u.bf16.f32 v41;
	v8 =	vbroadcast v3, $0xA;
	v7 =	vbroadcast v3, $0xB;
	v5 =	vld [tilespmem:s15+$0xFFFFFF60];
	[tilespmem:s10+$0xC0] =	vst v4  }
0x315: {  	v19 =	vunpack.i.l.bf16.f32 v14;
	v4 =	vunpack.i.u.bf16.f32 v10;
	v10 =	vunpack.i.l.bf16.f32 v10;
	[tilespmem:s10+$0xD0] =	vst v2  }
0x316: {  	v2 =	vunpack.i.u.bf16.f32 v14;
	v14 =	vmul.f32 v19, v9;
	v10 =	vmul.f32 v10, v23;
	v19 =	vld [tilespmem:s15+$0x190]  }
0x317: {  	v4 =	vmul.f32 v4, v23;
	v2 =	vmul.f32 v2, v9;
	v20 =	vunpack.i.l.bf16.f32 v6;
	v21 =	vld [tilespmem:s15+$0x1B0]  }
0x318: {  	v6 =	vunpack.i.u.bf16.f32 v6;
	v10 =	vadd.f32 v14, v10;
	v14 =	vmul.f32 v20, v8  }
0x319: {  	v6 =	vmul.f32 v6, v8;
	v4 =	vadd.f32 v2, v4;
	v2 =	vunpack.i.l.bf16.f32 v5  }
0x31a: {  	v5 =	vunpack.i.u.bf16.f32 v5;
	v20 =	vld [tilespmem:s15+$0x1D0];
	v10 =	vadd.f32 v14, v10;
	v14 =	vmul.f32 v2, v7  }
0x31b: {  	v2 =	vbroadcast v3, $0xF;
	v3 =	vmul.f32 v5, v7;
	v4 =	vadd.f32 v6, v4;
	v5 =	vld [tilespmem:s15+$0x1F0]  }
0x31c: {  	s16 =	simm.s32 $0x4E50;
	v6 =	vadd.f32 v14, v10;
	v10 =	vunpack.i.u.bf16.f32 v19;
	v14 =	vunpack.i.u.bf16.f32 v21  }
0x31d: {  	v19 =	vunpack.i.l.bf16.f32 v19;
	v3 =	vadd.f32 v3, v4;
	v22 =	vmul.f32 v14, v18;
	v14 =	vld [tilespmem:s16+$0x0]  }
0x31e: {  	v4 =	vunpack.i.l.bf16.f32 v21;
	v21 =	vld [tilespmem:s12+$0x20];
	v10 =	vmul.f32 v10, v17;
	v17 =	vmul.f32 v19, v17  }
0x31f: {  	v19 =	vld [tilespmem:s12+$0x0];
	v4 =	vmul.f32 v4, v18;
	v18 =	vunpack.i.u.bf16.f32 v20;
	v20 =	vunpack.i.l.bf16.f32 v20  }
0x320: {  	v18 =	vmul.f32 v18, v16;
	[tilespmem:s10+$0xFFFFFF80] =	vst v6;
	v10 =	vadd.f32 v22, v10;
	v22 =	vunpack.i.u.bf16.f32 v5  }
0x321: {  	v16 =	vmul.f32 v20, v16;
	[tilespmem:s10+$0xFFFFFF90] =	vst v3;
	v4 =	vadd.f32 v4, v17;
	v17 =	vld [tilespmem:s12+$0x40];
	v20 =	vmul.f32 v22, v15  }
0x322: {  	v27 =	vld [tilespmem:s15+$0xFFFFFF10];
	v22 =	vunpack.i.l.bf16.f32 v5;
	v25 =	vbroadcast v14, $0x2;
	v26 =	vbroadcast v14, $0x3  }
0x323: {  	v18 =	vadd.f32 v18, v10;
	v5 =	vbroadcast v14, $0x0;
	v6 =	vbroadcast v14, $0x1  }
0x324: {  	v24 =	vld [tilespmem:s12+$0x60];
	v3 =	vunpack.i.u.bf16.f32 v19;
	v10 =	vunpack.i.l.bf16.f32 v19;
	v19 =	vunpack.i.l.bf16.f32 v21  }
0x325: {  	v21 =	vunpack.i.u.bf16.f32 v21;
	v28 =	vmul.f32 v10, v5;
	v19 =	vmul.f32 v19, v6  }
0x326: {  	v45 =	vunpack.i.l.bf16.f32 v41;
	v3 =	vmul.f32 v3, v5;
	v21 =	vmul.f32 v21, v6  }
0x327: {  	v29 =	vunpack.i.l.bf16.f32 v17;
	v17 =	vunpack.i.u.bf16.f32 v17;
	v31 =	vunpack.i.u.bf16.f32 v27  }
0x328: {  	v10 =	vld [tilespmem:s16+$0xFFFFFFF0];
	v27 =	vunpack.i.l.bf16.f32 v27;
	v40 =	vmul.f32 v29, v25;
	v19 =	vadd.f32 v19, v28  }
0x329: {  	v3 =	vadd.f32 v21, v3;
	v21 =	vmul.f32 v17, v25;
	v17 =	vunpack.i.l.bf16.f32 v24  }
0x32a: {  	v33 =	vld [tilespmem:s15+$0xFFFFFF30];
	v24 =	vunpack.i.u.bf16.f32 v24;
	v42 =	vmul.f32 v17, v26;
	v19 =	vadd.f32 v40, v19  }
0x32b: {  	v17 =	vadd.f32 v16, v4;
	v4 =	vld [tilespmem:s12+$0xFFFFFE40];
	v16 =	vmul.f32 v24, v26;
	v3 =	vadd.f32 v21, v3  }
0x32c: {  	v15 =	vmul.f32 v22, v15;
	v27 =	vmul.f32 v27, v23;
	v21 =	vld [tilespmem:s12+$0xFFFFFE60];
	v19 =	vadd.f32 v42, v19  }
0x32d: {  	s11 =	simm.s32 $0xA440;
	v24 =	vbroadcast v10, $0x0;
	v32 =	vbroadcast v10, $0x1;
	v3 =	vadd.f32 v16, v3  }
0x32e: {  	v34 =	vbroadcast v10, $0x2;
	v35 =	vbroadcast v10, $0x3;
	v16 =	vunpack.i.l.bf16.f32 v30;
	[tilespmem:s11+$0x0] =	vst v19  }
0x32f: {  	v39 =	vunpack.i.u.bf16.f32 v33;
	v16 =	vmul.f32 v16, v24;
	v46 =	vmul.f32 v44, v32;
	[tilespmem:s11+$0x10] =	vst v3  }
0x330: {  	v33 =	vunpack.i.l.bf16.f32 v33;
	v19 =	vmul.f32 v43, v24;
	v3 =	vmul.f32 v45, v32;
	v48 =	vld [tilespmem:s12+$0x10]  }
0x331: {  	v47 =	vunpack.i.u.bf16.f32 v4;
	v4 =	vunpack.i.l.bf16.f32 v4;
	v36 =	vld [tilespmem:s12+$0x30];
	v49 =	vunpack.i.u.bf16.f32 v21  }
0x332: {  	v4 =	vmul.f32 v4, v34;
	v29 =	vmul.f32 v47, v34;
	v3 =	vadd.f32 v3, v16  }
0x333: {  	v21 =	vunpack.i.l.bf16.f32 v21;
	v37 =	vld [tilespmem:s12+$0x50];
	v19 =	vadd.f32 v46, v19;
	v16 =	vadd.f32 v20, v18  }
0x334: {  	v38 =	vmul.f32 v21, v35;
	v28 =	vmul.f32 v49, v35;
	v3 =	vadd.f32 v4, v3  }
0x335: {  	v29 =	vadd.f32 v29, v19;
	v4 =	vld [tilespmem:s12+$0x70];
	v18 =	vunpack.i.u.bf16.f32 v48;
	v19 =	vunpack.i.l.bf16.f32 v48  }
0x336: {  	v20 =	vunpack.i.l.bf16.f32 v36;
	v21 =	vunpack.i.u.bf16.f32 v36;
	v52 =	vadd.f32 v38, v3  }
0x337: {  	v28 =	vadd.f32 v28, v29;
	v19 =	vmul.f32 v19, v5;
	v20 =	vmul.f32 v20, v6  }
0x338: {  	v5 =	vmul.f32 v18, v5;
	v6 =	vmul.f32 v21, v6;
	v18 =	vunpack.i.l.bf16.f32 v37  }
0x339: {  	v18 =	vmul.f32 v18, v25;
	v19 =	vadd.f32 v20, v19;
	v20 =	vunpack.i.u.bf16.f32 v37  }
0x33a: {  	v5 =	vadd.f32 v6, v5;
	v6 =	vmul.f32 v20, v25;
	v20 =	vunpack.i.l.bf16.f32 v4  }
0x33b: {  	[tilespmem:s11+$0xFFFFFF00] =	vst v52;
	v4 =	vunpack.i.u.bf16.f32 v4;
	v18 =	vadd.f32 v18, v19;
	v50 =	vmul.f32 v20, v26  }
0x33c: {  	v33 =	vmul.f32 v33, v9;
	[tilespmem:s11+$0xFFFFFF10] =	vst v28;
	v4 =	vmul.f32 v4, v26;
	v5 =	vadd.f32 v6, v5  }
0x33d: {  	v23 =	vmul.f32 v31, v23;
	v9 =	vmul.f32 v39, v9;
	v63 =	vld [tilespmem:s12+$0xFFFFFE10];
	v30 =	vadd.f32 v50, v18  }
0x33e: {  	v27 =	vadd.f32 v33, v27;
	v33 =	vbroadcast v14, $0x7;
	v25 =	vld [tilespmem:s15+$0xFFFFFF50];
	v51 =	vadd.f32 v4, v5  }
0x33f: {  	v9 =	vadd.f32 v9, v23;
	v23 =	vbroadcast v14, $0x4;
	v3 =	vbroadcast v10, $0xB;
	v42 =	vld [tilespmem:s12+$0xFFFFFE30];
	[tilespmem:s11+$0x20] =	vst v30  }
0x340: {  	v36 =	vbroadcast v14, $0x5;
	v21 =	vbroadcast v10, $0x4;
	v26 =	vld [tilespmem:s15+$0xFFFFFF70];
	[tilespmem:s11+$0x30] =	vst v51  }
0x341: {  	v20 =	vbroadcast v10, $0x5;
	v19 =	vbroadcast v10, $0x6;
	v54 =	vld [tilespmem:s12+$0x80]  }
0x342: {  	v6 =	vbroadcast v10, $0x9;
	v18 =	vbroadcast v10, $0x7;
	v56 =	vld [tilespmem:s12+$0xA0]  }
0x343: {  	v5 =	vbroadcast v10, $0x8;
	v53 =	vunpack.i.u.bf16.f32 v25;
	v25 =	vunpack.i.l.bf16.f32 v25  }
0x344: {  	v25 =	vmul.f32 v25, v8;
	v8 =	vmul.f32 v53, v8;
	v57 =	vld [tilespmem:s12+$0xC0]  }
0x345: {  	v50 =	vunpack.i.l.bf16.f32 v63;
	v52 =	vunpack.i.u.bf16.f32 v42;
	v30 =	vbroadcast v14, $0x6  }
0x346: {  	v55 =	vunpack.i.u.bf16.f32 v26;
	v26 =	vunpack.i.l.bf16.f32 v26;
	v58 =	vld [tilespmem:s12+$0xE0];
	v49 =	vadd.f32 v8, v9  }
0x347: {  	v59 =	vunpack.i.u.bf16.f32 v54;
	v31 =	vunpack.i.l.bf16.f32 v54;
	v40 =	vunpack.i.l.bf16.f32 v56  }
0x348: {  	v61 =	vunpack.i.u.bf16.f32 v56;
	v60 =	vmul.f32 v31, v23;
	v62 =	vmul.f32 v40, v36  }
0x349: {  	v46 =	vld [tilespmem:s12+$0xFFFFFE50];
	v41 =	vunpack.i.l.bf16.f32 v57;
	v37 =	vmul.f32 v59, v23;
	v31 =	vmul.f32 v61, v36  }
0x34a: {  	v29 =	vunpack.i.u.bf16.f32 v57;
	v44 =	vmul.f32 v41, v30;
	v28 =	vadd.f32 v62, v60  }
0x34b: {  	v45 =	vunpack.i.l.bf16.f32 v58;
	v29 =	vmul.f32 v29, v30;
	v31 =	vadd.f32 v31, v37  }
0x34c: {  	v8 =	vld [tilespmem:s12+$0xFFFFFE70];
	v47 =	vunpack.i.u.bf16.f32 v58;
	v37 =	vmul.f32 v45, v33;
	v28 =	vadd.f32 v44, v28  }
0x34d: {  	v25 =	vadd.f32 v25, v27;
	v48 =	vmul.f32 v47, v33;
	v27 =	vadd.f32 v29, v31  }
0x34e: {  	v51 =	vunpack.i.l.bf16.f32 v42;
	v53 =	vunpack.i.l.bf16.f32 v46;
	v28 =	vadd.f32 v37, v28  }
0x34f: {  	v26 =	vmul.f32 v26, v7;
	v7 =	vmul.f32 v55, v7;
	v27 =	vadd.f32 v48, v27  }
0x350: {  	v38 =	vmul.f32 v51, v32;
	v9 =	vunpack.i.u.bf16.f32 v63;
	v37 =	vmul.f32 v50, v24;
	[tilespmem:s11+$0x40] =	vst v28  }
0x351: {  	v9 =	vmul.f32 v9, v24;
	v56 =	vunpack.i.u.bf16.f32 v8;
	v24 =	vmul.f32 v52, v32;
	[tilespmem:s11+$0x50] =	vst v27  }
0x352: {  	v8 =	vunpack.i.l.bf16.f32 v8;
	v27 =	vunpack.i.u.bf16.f32 v46;
	v54 =	vadd.f32 v38, v37;
	v55 =	vld [tilespmem:s12+$0x90]  }
0x353: {  	v28 =	vmul.f32 v53, v34;
	v9 =	vadd.f32 v24, v9;
	v27 =	vmul.f32 v27, v34;
	v24 =	vld [tilespmem:s12+$0xB0]  }
0x354: {  	v4 =	vbroadcast v10, $0xA;
	v25 =	vadd.f32 v26, v25;
	v57 =	vmul.f32 v8, v35  }
0x355: {  	v34 =	vmul.f32 v56, v35;
	v28 =	vadd.f32 v28, v54;
	v26 =	vadd.f32 v27, v9;
	v27 =	vld [tilespmem:s12+$0xD0]  }
0x356: {  	v8 =	vbroadcast v10, $0xD;
	v31 =	vadd.f32 v7, v49;
	v7 =	vbroadcast v10, $0xE  }
0x357: {  	[tilespmem:s10+$0xFFFFFFA0] =	vst v25;
	v32 =	vbroadcast v14, $0xB;
	v28 =	vadd.f32 v57, v28;
	v25 =	vadd.f32 v34, v26;
	v26 =	vld [tilespmem:s12+$0xF0]  }
0x358: {  	[tilespmem:s10+$0xFFFFFFB0] =	vst v31;
	v58 =	vunpack.i.u.bf16.f32 v55;
	v59 =	vunpack.i.l.bf16.f32 v55;
	v60 =	vunpack.i.l.bf16.f32 v24  }
0x359: {  	v63 =	vld [tilespmem:s15+$0xFFFFFF80];
	[tilespmem:s11+$0xFFFFFF20] =	vst v28;
	v24 =	vunpack.i.u.bf16.f32 v24;
	v61 =	vmul.f32 v59, v23;
	v62 =	vmul.f32 v60, v36  }
0x35a: {  	v51 =	vld [tilespmem:s15+$0xFFFFFFA0];
	[tilespmem:s11+$0xFFFFFF30] =	vst v25;
	v23 =	vmul.f32 v58, v23;
	v24 =	vmul.f32 v24, v36;
	v25 =	vunpack.i.l.bf16.f32 v27  }
0x35b: {  	v37 =	vld [tilespmem:s12+$0xFFFFFE80];
	v27 =	vunpack.i.u.bf16.f32 v27;
	v28 =	vadd.f32 v62, v61;
	v25 =	vmul.f32 v25, v30  }
0x35c: {  	v38 =	vld [tilespmem:s12+$0xFFFFFEA0];
	v23 =	vadd.f32 v24, v23;
	v24 =	vmul.f32 v27, v30;
	v27 =	vunpack.i.l.bf16.f32 v26  }
0x35d: {  	v26 =	vunpack.i.u.bf16.f32 v26;
	v25 =	vadd.f32 v25, v28;
	v27 =	vmul.f32 v27, v33  }
0x35e: {  	v9 =	vbroadcast v10, $0xC;
	v39 =	vld [tilespmem:s12+$0xFFFFFEC0];
	v23 =	vadd.f32 v24, v23;
	v24 =	vmul.f32 v26, v33  }
0x35f: {  	v46 =	vunpack.i.l.bf16.f32 v63;
	v58 =	vunpack.i.u.bf16.f32 v51;
	v25 =	vadd.f32 v27, v25  }
0x360: {  	v59 =	vunpack.i.l.bf16.f32 v51;
	v22 =	vld [tilespmem:s12+$0xFFFFFEE0];
	v40 =	vunpack.i.l.bf16.f32 v37;
	v23 =	vadd.f32 v24, v23  }
0x361: {  	v27 =	vunpack.i.u.bf16.f32 v37;
	v41 =	vunpack.i.l.bf16.f32 v38;
	v28 =	vmul.f32 v40, v21;
	[tilespmem:s11+$0x60] =	vst v25  }
0x362: {  	v24 =	vunpack.i.u.bf16.f32 v38;
	v25 =	vmul.f32 v27, v21;
	v27 =	vmul.f32 v41, v20;
	[tilespmem:s11+$0x70] =	vst v23  }
0x363: {  	v33 =	vbroadcast v14, $0x9;
	v42 =	vunpack.i.l.bf16.f32 v39;
	v24 =	vmul.f32 v24, v20;
	v43 =	vld [tilespmem:s12+$0x100]  }
0x364: {  	v29 =	vmul.f32 v42, v19;
	v23 =	vunpack.i.u.bf16.f32 v39;
	v45 =	vld [tilespmem:s12+$0x120];
	v27 =	vadd.f32 v27, v28  }
0x365: {  	v44 =	vunpack.i.l.bf16.f32 v22;
	v23 =	vmul.f32 v23, v19;
	v47 =	vld [tilespmem:s12+$0x140];
	v24 =	vadd.f32 v24, v25  }
0x366: {  	v22 =	vunpack.i.u.bf16.f32 v22;
	v25 =	vmul.f32 v44, v18;
	v27 =	vadd.f32 v29, v27  }
0x367: {  	v22 =	vmul.f32 v22, v18;
	v48 =	vld [tilespmem:s12+$0x160];
	v23 =	vadd.f32 v23, v24;
	v24 =	vbroadcast v14, $0xA  }
0x368: {  	v25 =	vadd.f32 v25, v27;
	v27 =	vbroadcast v14, $0x8;
	v49 =	vunpack.i.u.bf16.f32 v43  }
0x369: {  	v30 =	vunpack.i.l.bf16.f32 v43;
	v50 =	vunpack.i.l.bf16.f32 v45;
	v31 =	vunpack.i.u.bf16.f32 v45  }
0x36a: {  	v52 =	vunpack.i.l.bf16.f32 v47;
	v36 =	vmul.f32 v50, v33;
	v30 =	vmul.f32 v30, v27  }
0x36b: {  	v54 =	vld [tilespmem:s15+$0xFFFFFFC0];
	v29 =	vunpack.i.u.bf16.f32 v47;
	v31 =	vmul.f32 v31, v33;
	v35 =	vmul.f32 v49, v27  }
0x36c: {  	v55 =	vunpack.i.l.bf16.f32 v48;
	v53 =	vmul.f32 v52, v24;
	v30 =	vadd.f32 v36, v30  }
0x36d: {  	v56 =	vld [tilespmem:s15+$0xFFFFFFE0];
	v22 =	vadd.f32 v22, v23;
	v29 =	vmul.f32 v29, v24;
	v31 =	vadd.f32 v31, v35  }
0x36e: {  	v34 =	vunpack.i.u.bf16.f32 v48;
	[tilespmem:s11+$0xFFFFFF40] =	vst v25;
	v35 =	vmul.f32 v55, v32;
	v30 =	vadd.f32 v53, v30  }
0x36f: {  	v60 =	vmul.f32 v58, v13;
	v57 =	vmul.f32 v34, v32;
	[tilespmem:s11+$0xFFFFFF50] =	vst v22;
	v23 =	vadd.f32 v29, v31  }
0x370: {  	v62 =	vunpack.i.u.bf16.f32 v54;
	v26 =	vunpack.i.u.bf16.f32 v63;
	v63 =	vld [tilespmem:s12+$0xFFFFFEB0];
	v25 =	vadd.f32 v35, v30  }
0x371: {  	v26 =	vmul.f32 v26, v11;
	v37 =	vmul.f32 v62, v12;
	v47 =	vld [tilespmem:s12+$0xFFFFFED0];
	v22 =	vadd.f32 v57, v23  }
0x372: {  	v38 =	vunpack.i.l.bf16.f32 v56;
	v28 =	vmul.f32 v46, v11;
	v61 =	vld [tilespmem:s12+$0xFFFFFE90];
	v23 =	vmul.f32 v59, v13;
	[tilespmem:s11+$0x80] =	vst v25  }
0x373: {  	v39 =	vunpack.i.u.bf16.f32 v56;
	v29 =	vmul.f32 v38, v2;
	v25 =	vunpack.i.l.bf16.f32 v54;
	[tilespmem:s11+$0x90] =	vst v22  }
0x374: {  	v22 =	vadd.f32 v23, v28;
	v23 =	vmul.f32 v25, v12;
	v25 =	vadd.f32 v60, v26;
	v26 =	vld [tilespmem:s12+$0x110]  }
0x375: {  	v31 =	vmul.f32 v39, v2;
	v42 =	vunpack.i.u.bf16.f32 v63;
	v43 =	vunpack.i.l.bf16.f32 v63;
	v40 =	vld [tilespmem:s12+$0x130]  }
0x376: {  	v52 =	vunpack.i.u.bf16.f32 v47;
	v23 =	vadd.f32 v23, v22;
	v25 =	vadd.f32 v37, v25  }
0x377: {  	v41 =	vld [tilespmem:s12+$0x150];
	v22 =	vadd.f32 v15, v17;
	v15 =	vunpack.i.u.bf16.f32 v61;
	v17 =	vunpack.i.l.bf16.f32 v61  }
0x378: {  	v53 =	vunpack.i.l.bf16.f32 v47;
	v17 =	vmul.f32 v17, v21;
	v15 =	vmul.f32 v15, v21  }
0x379: {  	v44 =	vld [tilespmem:s12+$0x170];
	v21 =	vmul.f32 v43, v20;
	v23 =	vadd.f32 v29, v23;
	v25 =	vadd.f32 v31, v25  }
0x37a: {  	v45 =	vunpack.i.u.bf16.f32 v26;
	v26 =	vunpack.i.l.bf16.f32 v26;
	v46 =	vunpack.i.l.bf16.f32 v40  }
0x37b: {  	v35 =	vunpack.i.u.bf16.f32 v40;
	v26 =	vmul.f32 v26, v27;
	v34 =	vmul.f32 v46, v33  }
0x37c: {  	v49 =	vunpack.i.l.bf16.f32 v41;
	v27 =	vmul.f32 v45, v27;
	v48 =	vmul.f32 v35, v33  }
0x37d: {  	v28 =	vunpack.i.u.bf16.f32 v41;
	v33 =	vmul.f32 v49, v24;
	v26 =	vadd.f32 v34, v26  }
0x37e: {  	v50 =	vld [tilespmem:s12+$0xFFFFFEF0];
	[tilespmem:s10+$0xFFFFFFC0] =	vst v23;
	v24 =	vmul.f32 v28, v24;
	v23 =	vadd.f32 v48, v27;
	v27 =	vunpack.i.l.bf16.f32 v44  }
0x37f: {  	[tilespmem:s10+$0xFFFFFFD0] =	vst v25;
	v27 =	vmul.f32 v27, v32;
	v25 =	vadd.f32 v33, v26;
	v26 =	vunpack.i.u.bf16.f32 v44  }
0x380: {  	v20 =	vmul.f32 v42, v20;
	v23 =	vadd.f32 v24, v23;
	v24 =	vmul.f32 v26, v32  }
0x381: {  	v17 =	vadd.f32 v21, v17;
	v21 =	vmul.f32 v53, v19;
	v51 =	vld [tilespmem:s15+$0xFFFFFF90];
	v25 =	vadd.f32 v27, v25  }
0x382: {  	v15 =	vadd.f32 v20, v15;
	v19 =	vmul.f32 v52, v19;
	v26 =	vld [tilespmem:s15+$0xFFFFFFB0];
	v23 =	vadd.f32 v24, v23  }
0x383: {  	v20 =	vunpack.i.u.bf16.f32 v50;
	v17 =	vadd.f32 v21, v17;
	v21 =	vunpack.i.l.bf16.f32 v50;
	v62 =	vld [tilespmem:s15+$0xFFFFFFF0];
	[tilespmem:s11+$0xA0] =	vst v25  }
0x384: {  	v20 =	vmul.f32 v20, v18;
	v15 =	vadd.f32 v19, v15;
	v18 =	vmul.f32 v21, v18;
	v24 =	vld [tilespmem:s15+$0xFFFFFFD0];
	[tilespmem:s11+$0xB0] =	vst v23  }
0x385: {  	v10 =	vbroadcast v10, $0xF;
	v56 =	vbroadcast v14, $0xD;
	v19 =	vld [tilespmem:s12+$0x180]  }
0x386: {  	v55 =	vbroadcast v14, $0xC;
	v15 =	vadd.f32 v20, v15;
	v18 =	vadd.f32 v18, v17;
	v23 =	vld [tilespmem:s12+$0x1A0]  }
0x387: {  	v25 =	vunpack.i.l.bf16.f32 v51;
	v27 =	vunpack.i.u.bf16.f32 v26;
	v26 =	vunpack.i.l.bf16.f32 v26  }
0x388: {  	v21 =	vunpack.i.u.bf16.f32 v51;
	v20 =	vmul.f32 v25, v11;
	v25 =	vld [tilespmem:s12+$0x1C0];
	v26 =	vmul.f32 v26, v13  }
0x389: {  	[tilespmem:s10+$0xF0] =	vst v16;
	v17 =	vbroadcast v14, $0xE;
	v16 =	vunpack.i.l.bf16.f32 v62;
	v21 =	vmul.f32 v21, v11  }
0x38a: {  	[tilespmem:s11+$0xFFFFFF70] =	vst v15;
	v11 =	vbroadcast v14, $0xF;
	v14 =	vld [tilespmem:s12+$0x1E0];
	v54 =	vunpack.i.u.bf16.f32 v24;
	v20 =	vadd.f32 v26, v20  }
0x38b: {  	[tilespmem:s11+$0xFFFFFF60] =	vst v18;
	v15 =	vunpack.i.u.bf16.f32 v19;
	v18 =	vunpack.i.l.bf16.f32 v19;
	v19 =	vunpack.i.l.bf16.f32 v23  }
0x38c: {  	v59 =	vld [tilespmem:s12+$0xFFFFFF40];
	v23 =	vunpack.i.u.bf16.f32 v23;
	v18 =	vmul.f32 v18, v55;
	v19 =	vmul.f32 v19, v56  }
0x38d: {  	v26 =	vld [tilespmem:s12+$0xFFFFFF00];
	v58 =	vunpack.i.l.bf16.f32 v25;
	v15 =	vmul.f32 v15, v55;
	v23 =	vmul.f32 v23, v56  }
0x38e: {  	v57 =	vld [tilespmem:s12+$0xFFFFFF20];
	v18 =	vadd.f32 v19, v18;
	v19 =	vunpack.i.u.bf16.f32 v25;
	v25 =	vmul.f32 v58, v17  }
0x38f: {  	v15 =	vadd.f32 v23, v15;
	v23 =	vunpack.i.l.bf16.f32 v14;
	v19 =	vmul.f32 v19, v17  }
0x390: {  	v14 =	vunpack.i.u.bf16.f32 v14;
	v23 =	vmul.f32 v23, v11;
	v18 =	vadd.f32 v25, v18  }
0x391: {  	v24 =	vunpack.i.l.bf16.f32 v24;
	v14 =	vmul.f32 v14, v11;
	v15 =	vadd.f32 v19, v15  }
0x392: {  	v61 =	vunpack.i.u.bf16.f32 v59;
	v60 =	vunpack.i.u.bf16.f32 v26;
	v25 =	vld [tilespmem:s12+$0xFFFFFF60];
	v18 =	vadd.f32 v23, v18  }
0x393: {  	v19 =	vunpack.i.l.bf16.f32 v26;
	v23 =	vunpack.i.l.bf16.f32 v57;
	v14 =	vadd.f32 v14, v15  }
0x394: {  	v26 =	vunpack.i.u.bf16.f32 v57;
	v19 =	vmul.f32 v19, v5;
	v23 =	vmul.f32 v23, v6;
	[tilespmem:s11+$0xC0] =	vst v18  }
0x395: {  	v15 =	vmul.f32 v60, v5;
	v18 =	vmul.f32 v26, v6;
	v26 =	vunpack.i.l.bf16.f32 v59;
	[tilespmem:s11+$0xD0] =	vst v14  }
0x396: {  	v31 =	vmul.f32 v61, v4;
	v14 =	vadd.f32 v23, v19;
	v19 =	vmul.f32 v26, v4;
	v26 =	vld [tilespmem:s12+$0x190]  }
0x397: {  	v23 =	vunpack.i.u.bf16.f32 v25;
	v15 =	vadd.f32 v18, v15;
	v18 =	vunpack.i.l.bf16.f32 v25;
	v25 =	vld [tilespmem:s12+$0x1B0]  }
0x398: {  	v24 =	vmul.f32 v24, v12;
	v63 =	vadd.f32 v19, v14;
	v18 =	vmul.f32 v18, v3  }
0x399: {  	v13 =	vmul.f32 v27, v13;
	v23 =	vmul.f32 v23, v3;
	v19 =	vld [tilespmem:s12+$0x1D0];
	v27 =	vadd.f32 v31, v15  }
0x39a: {  	v20 =	vadd.f32 v24, v20;
	v14 =	vmul.f32 v54, v12;
	v12 =	vadd.f32 v18, v63  }
0x39b: {  	v15 =	vunpack.i.u.bf16.f32 v62;
	v18 =	vadd.f32 v13, v21;
	v21 =	vld [tilespmem:s12+$0x1F0];
	v13 =	vadd.f32 v23, v27  }
0x39c: {  	v27 =	vunpack.i.l.bf16.f32 v26;
	[tilespmem:s11+$0xFFFFFF80] =	vst v12;
	v12 =	vunpack.i.u.bf16.f32 v26;
	v23 =	vunpack.i.u.bf16.f32 v25  }
0x39d: {  	s13 =	simm.s32 $0xA440;
	v25 =	vunpack.i.l.bf16.f32 v25;
	[tilespmem:s11+$0xFFFFFF90] =	vst v13;
	v13 =	vmul.f32 v12, v55;
	v23 =	vmul.f32 v23, v56  }
0x39e: {  	s14 =	simm.s32 $0x5740;
	s16 =	simm.s32 $0x4E70;
	[tilespmem:s10+$0xE0] =	vst v22;
	s15 =	simm.s32 $0x2;
	v22 =	vmul.f32 v27, v55;
	v24 =	vmul.f32 v25, v56;
	v25 =	vunpack.i.u.bf16.f32 v19;
	v26 =	vld [tilespmem:s12+$0xFFFFFF10]  }
.LBB2_8:
0x39f: {  	v12 =	vld [tilespmem:s16+$0x0];
	v13 =	vadd.f32 v23, v13;
	v19 =	vunpack.i.l.bf16.f32 v19;
	v23 =	vmul.f32 v25, v17;
	s12 =	sadd.s32 $0x400, s12  }
0x3a0: {  	v22 =	vadd.f32 v24, v22;
	v25 =	vld [tilespmem:s12+$0x0];
	v17 =	vmul.f32 v19, v17;
	v19 =	vunpack.i.u.bf16.f32 v21  }
0x3a1: {  	v28 =	vld [tilespmem:s12+$0x20];
	v29 =	vadd.f32 v23, v13;
	v23 =	vunpack.i.l.bf16.f32 v21;
	v21 =	vmul.f32 v19, v11  }
0x3a2: {  	v14 =	vadd.f32 v14, v18;
	v16 =	vmul.f32 v16, v2;
	v24 =	vld [tilespmem:s16+$0xFFFFFFF0];
	v13 =	vadd.f32 v17, v22  }
0x3a3: {  	v27 =	vunpack.i.l.bf16.f32 v26;
	v19 =	vunpack.i.u.bf16.f32 v26;
	v17 =	vld [tilespmem:s12+$0x40];
	v18 =	vadd.f32 v21, v29  }
0x3a4: {  	v16 =	vadd.f32 v16, v20;
	v22 =	vld [tilespmem:s12+$0xFFFFFE00];
	v29 =	vbroadcast v12, $0x2;
	v30 =	vbroadcast v12, $0x3  }
0x3a5: {  	v31 =	vbroadcast v12, $0x0;
	v32 =	vbroadcast v12, $0x1;
	v20 =	vld [tilespmem:s12+$0x60];
	[tilespmem:s11+$0xF0] =	vst v18  }
0x3a6: {  	v21 =	vunpack.i.u.bf16.f32 v25;
	v25 =	vunpack.i.l.bf16.f32 v25;
	v18 =	vld [tilespmem:s12+$0xFFFFFE20];
	v26 =	vunpack.i.l.bf16.f32 v28;
	[tilespmem:s10+$0xFFFFFFE0] =	vst v16  }
0x3a7: {  	v25 =	vmul.f32 v25, v31;
	v28 =	vunpack.i.u.bf16.f32 v28;
	v16 =	vld [tilespmem:s12+$0xFFFFFE40];
	v26 =	vmul.f32 v26, v32  }
0x3a8: {  	v21 =	vmul.f32 v21, v31;
	v28 =	vmul.f32 v28, v32;
	v33 =	vld [tilespmem:s12+$0xFFFFFE60];
	v34 =	vunpack.i.l.bf16.f32 v17  }
0x3a9: {  	v17 =	vunpack.i.u.bf16.f32 v17;
	v25 =	vadd.f32 v26, v25;
	v26 =	vmul.f32 v34, v29;
	v34 =	vld [tilespmem:s14+$0xFFFFFF30]  }
0x3aa: {  	v21 =	vadd.f32 v28, v21;
	v17 =	vmul.f32 v17, v29;
	v28 =	vunpack.i.l.bf16.f32 v20;
	v35 =	vld [tilespmem:s14+$0xFFFFFF50]  }
0x3ab: {  	v25 =	vadd.f32 v26, v25;
	v26 =	vunpack.i.u.bf16.f32 v20;
	v28 =	vmul.f32 v28, v30;
	v36 =	vld [tilespmem:s14+$0xFFFFFF70]  }
0x3ac: {  	v20 =	vbroadcast v24, $0x0;
	v17 =	vadd.f32 v17, v21;
	v26 =	vmul.f32 v26, v30  }
0x3ad: {  	v37 =	vunpack.i.u.bf16.f32 v22;
	v21 =	vbroadcast v24, $0x1;
	v25 =	vadd.f32 v28, v25  }
0x3ae: {  	s15 =	sadd.s32 $0x2, s15;
	s11 =	sadd.s32 $0x200, s11;
	v22 =	vunpack.i.l.bf16.f32 v22;
	v28 =	vunpack.i.u.bf16.f32 v18;
	v17 =	vadd.f32 v26, v17  }
0x3af: {  	p1 =	slt.u32 s15, $0x12;
	v22 =	vmul.f32 v22, v20;
	v37 =	vmul.f32 v37, v20;
	v18 =	vunpack.i.l.bf16.f32 v18;
	[tilespmem:s11+$0x0] =	vst v25  }
0x3b0: {  	v38 =	vunpack.i.u.bf16.f32 v16;
	v18 =	vmul.f32 v18, v21;
	v28 =	vmul.f32 v28, v21;
	[tilespmem:s11+$0x10] =	vst v17  }
0x3b1: {  	v16 =	vunpack.i.l.bf16.f32 v16;
	v26 =	vbroadcast v24, $0x2;
	v25 =	vbroadcast v24, $0x3;
	v39 =	vld [tilespmem:s12+$0x10]  }
0x3b2: {  	v17 =	vadd.f32 v18, v22;
	v18 =	vadd.f32 v28, v37;
	v22 =	vunpack.i.u.bf16.f32 v33;
	v28 =	vld [tilespmem:s12+$0x30]  }
0x3b3: {  	v16 =	vmul.f32 v16, v26;
	v37 =	vmul.f32 v38, v26;
	v33 =	vunpack.i.l.bf16.f32 v33  }
0x3b4: {  	v41 =	vunpack.i.u.bf16.f32 v34;
	v33 =	vmul.f32 v33, v25;
	v38 =	vmul.f32 v22, v25;
	v40 =	vld [tilespmem:s12+$0x50]  }
0x3b5: {  	v22 =	vbroadcast v24, $0x4;
	v42 =	vadd.f32 v16, v17;
	v18 =	vadd.f32 v37, v18  }
0x3b6: {  	v34 =	vunpack.i.l.bf16.f32 v34;
	v17 =	vbroadcast v24, $0x5;
	v16 =	vbroadcast v24, $0x6;
	v37 =	vld [tilespmem:s12+$0x70]  }
0x3b7: {  	v43 =	vunpack.i.u.bf16.f32 v39;
	v39 =	vunpack.i.l.bf16.f32 v39;
	v44 =	vunpack.i.l.bf16.f32 v28  }
0x3b8: {  	v39 =	vmul.f32 v39, v31;
	v28 =	vunpack.i.u.bf16.f32 v28;
	v44 =	vmul.f32 v44, v32  }
0x3b9: {  	v31 =	vmul.f32 v43, v31;
	v28 =	vmul.f32 v28, v32;
	v32 =	vunpack.i.l.bf16.f32 v40  }
0x3ba: {  	v40 =	vunpack.i.u.bf16.f32 v40;
	v39 =	vadd.f32 v44, v39;
	v32 =	vmul.f32 v32, v29  }
0x3bb: {  	v28 =	vadd.f32 v28, v31;
	v29 =	vmul.f32 v40, v29;
	v31 =	vunpack.i.l.bf16.f32 v37  }
0x3bc: {  	v37 =	vunpack.i.u.bf16.f32 v37;
	v32 =	vadd.f32 v32, v39;
	v31 =	vmul.f32 v31, v30  }
0x3bd: {  	v33 =	vadd.f32 v33, v42;
	v28 =	vadd.f32 v29, v28;
	v29 =	vmul.f32 v37, v30  }
0x3be: {  	v30 =	vadd.f32 v38, v18;
	v18 =	vbroadcast v24, $0x7;
	v31 =	vadd.f32 v31, v32  }
0x3bf: {  	v32 =	vbroadcast v24, $0x8;
	v28 =	vadd.f32 v29, v28;
	[tilespmem:s11+$0xFFFFFF00] =	vst v33;
	v33 =	vbroadcast v24, $0x9  }
0x3c0: {  	v37 =	vbroadcast v24, $0xB;
	v29 =	vbroadcast v24, $0xA;
	[tilespmem:s11+$0x20] =	vst v31;
	v31 =	vunpack.i.u.bf16.f32 v35  }
0x3c1: {  	v27 =	vmul.f32 v27, v5;
	v19 =	vmul.f32 v19, v5;
	v5 =	vmovc v32;
	[tilespmem:s11+$0x30] =	vst v28;
	v28 =	vunpack.i.l.bf16.f32 v35  }
0x3c2: {  	v32 =	vmul.f32 v34, v6;
	v34 =	vmul.f32 v41, v6;
	v35 =	vunpack.i.u.bf16.f32 v36;
	v6 =	vmovc v33;
	[tilespmem:s11+$0xFFFFFF10] =	vst v30;
	v30 =	vld [tilespmem:s12+$0x80]  }
0x3c3: {  	v31 =	vmul.f32 v31, v4;
	v36 =	vunpack.i.l.bf16.f32 v36;
	v28 =	vmul.f32 v28, v4;
	v4 =	vmovc v29;
	v33 =	vld [tilespmem:s12+$0xA0]  }
0x3c4: {  	v27 =	vadd.f32 v32, v27;
	v32 =	vadd.f32 v34, v19;
	v34 =	vmul.f32 v36, v3;
	v29 =	vld [tilespmem:s12+$0xFFFFFE10]  }
0x3c5: {  	v19 =	vbroadcast v24, $0xC;
	v35 =	vmul.f32 v35, v3;
	v3 =	vmov v37;
	v36 =	vld [tilespmem:s12+$0xC0]  }
0x3c6: {  	v38 =	vbroadcast v12, $0x6;
	v39 =	vbroadcast v12, $0x7;
	v27 =	vadd.f32 v28, v27;
	v37 =	vld [tilespmem:s12+$0xFFFFFE30]  }
0x3c7: {  	v40 =	vbroadcast v12, $0x5;
	v28 =	vbroadcast v12, $0x4;
	v31 =	vadd.f32 v31, v32;
	v41 =	vld [tilespmem:s12+$0xE0]  }
0x3c8: {  	v42 =	vunpack.i.u.bf16.f32 v30;
	v30 =	vunpack.i.l.bf16.f32 v30;
	v32 =	vld [tilespmem:s12+$0xFFFFFE50];
	v43 =	vunpack.i.l.bf16.f32 v33  }
0x3c9: {  	v30 =	vmul.f32 v30, v28;
	v33 =	vunpack.i.u.bf16.f32 v33;
	v44 =	vld [tilespmem:s12+$0xFFFFFE70];
	v43 =	vmul.f32 v43, v40  }
0x3ca: {  	v42 =	vmul.f32 v42, v28;
	v33 =	vmul.f32 v33, v40;
	v45 =	vunpack.i.l.bf16.f32 v36  }
0x3cb: {  	v36 =	vunpack.i.u.bf16.f32 v36;
	v30 =	vadd.f32 v43, v30;
	v43 =	vmul.f32 v45, v38  }
0x3cc: {  	v33 =	vadd.f32 v33, v42;
	v36 =	vmul.f32 v36, v38;
	v42 =	vunpack.i.l.bf16.f32 v41  }
0x3cd: {  	v41 =	vunpack.i.u.bf16.f32 v41;
	v30 =	vadd.f32 v43, v30;
	v42 =	vmul.f32 v42, v39  }
0x3ce: {  	v43 =	vunpack.i.u.bf16.f32 v29;
	v33 =	vadd.f32 v36, v33;
	v36 =	vmul.f32 v41, v39  }
0x3cf: {  	v29 =	vunpack.i.l.bf16.f32 v29;
	v41 =	vunpack.i.u.bf16.f32 v37;
	v30 =	vadd.f32 v42, v30  }
0x3d0: {  	v37 =	vunpack.i.l.bf16.f32 v37;
	v29 =	vmul.f32 v29, v20;
	v33 =	vadd.f32 v36, v33  }
0x3d1: {  	v20 =	vmul.f32 v43, v20;
	v36 =	vmul.f32 v37, v21;
	v37 =	vunpack.i.u.bf16.f32 v32;
	[tilespmem:s11+$0x40] =	vst v30  }
0x3d2: {  	v21 =	vmul.f32 v41, v21;
	v30 =	vunpack.i.l.bf16.f32 v32;
	v32 =	vmul.f32 v37, v26;
	[tilespmem:s11+$0x50] =	vst v33  }
0x3d3: {  	v29 =	vadd.f32 v36, v29;
	v26 =	vmul.f32 v30, v26;
	v30 =	vunpack.i.u.bf16.f32 v44;
	v33 =	vld [tilespmem:s12+$0x90]  }
0x3d4: {  	v20 =	vadd.f32 v21, v20;
	v21 =	vunpack.i.l.bf16.f32 v44;
	v30 =	vmul.f32 v30, v25;
	v36 =	vld [tilespmem:s12+$0xB0]  }
0x3d5: {  	v27 =	vadd.f32 v34, v27;
	v25 =	vmul.f32 v21, v25;
	v26 =	vadd.f32 v26, v29  }
0x3d6: {  	v31 =	vadd.f32 v35, v31;
	v21 =	vbroadcast v24, $0xD;
	v29 =	vadd.f32 v32, v20;
	v32 =	vld [tilespmem:s12+$0xD0]  }
0x3d7: {  	v20 =	vbroadcast v24, $0xE;
	v24 =	vbroadcast v24, $0xF;
	v25 =	vadd.f32 v25, v26;
	[tilespmem:s13+$0xFFFFFFA0] =	vst v27  }
0x3d8: {  	v15 =	vmul.f32 v15, v2;
	v11 =	vmul.f32 v23, v11;
	v26 =	vadd.f32 v30, v29;
	v27 =	vld [tilespmem:s12+$0xF0];
	[tilespmem:s13+$0xFFFFFFB0] =	vst v31  }
0x3d9: {  	v2 =	vmovc v10;
	v10 =	vmovc v24;
	v23 =	vunpack.i.u.bf16.f32 v33;
	[tilespmem:s11+$0xFFFFFF20] =	vst v25;
	v25 =	vunpack.i.l.bf16.f32 v33;
	v29 =	vunpack.i.l.bf16.f32 v36;
	v30 =	vld [tilespmem:s14+$0xFFFFFF80]  }
0x3da: {  	[tilespmem:s11+$0xFFFFFF30] =	vst v26;
	v24 =	vmul.f32 v25, v28;
	v25 =	vunpack.i.u.bf16.f32 v36;
	v26 =	vmul.f32 v29, v40;
	v29 =	vld [tilespmem:s14+$0xFFFFFFA0]  }
0x3db: {  	v23 =	vmul.f32 v23, v28;
	v31 =	vld [tilespmem:s12+$0xFFFFFE80];
	v25 =	vmul.f32 v25, v40;
	v28 =	vunpack.i.l.bf16.f32 v32  }
0x3dc: {  	v33 =	vld [tilespmem:s12+$0xFFFFFEA0];
	v24 =	vadd.f32 v26, v24;
	v26 =	vunpack.i.u.bf16.f32 v32;
	v28 =	vmul.f32 v28, v38  }
0x3dd: {  	v32 =	vld [tilespmem:s12+$0xFFFFFEC0];
	v23 =	vadd.f32 v25, v23;
	v25 =	vmul.f32 v26, v38;
	v26 =	vunpack.i.l.bf16.f32 v27  }
0x3de: {  	v27 =	vunpack.i.u.bf16.f32 v27;
	v34 =	vld [tilespmem:s12+$0xFFFFFEE0];
	v24 =	vadd.f32 v28, v24;
	v26 =	vmul.f32 v26, v39  }
0x3df: {  	v23 =	vadd.f32 v25, v23;
	v25 =	vmul.f32 v27, v39;
	v27 =	vunpack.i.u.bf16.f32 v30;
	v28 =	vld [tilespmem:s14+$0xFFFFFFC0]  }
0x3e0: {  	v35 =	vunpack.i.u.bf16.f32 v31;
	v31 =	vunpack.i.l.bf16.f32 v31;
	v24 =	vadd.f32 v26, v24;
	v26 =	vld [tilespmem:s14+$0xFFFFFFE0]  }
0x3e1: {  	v36 =	vunpack.i.u.bf16.f32 v33;
	v33 =	vunpack.i.l.bf16.f32 v33;
	v23 =	vadd.f32 v25, v23  }
0x3e2: {  	v25 =	vmul.f32 v31, v22;
	v31 =	vmul.f32 v35, v22;
	v35 =	vunpack.i.u.bf16.f32 v32;
	[tilespmem:s11+$0x60] =	vst v24  }
0x3e3: {  	v24 =	vmul.f32 v33, v17;
	v33 =	vmul.f32 v36, v17;
	v32 =	vunpack.i.l.bf16.f32 v32;
	[tilespmem:s11+$0x70] =	vst v23  }
0x3e4: {  	v23 =	vmul.f32 v32, v16;
	v32 =	vmul.f32 v35, v16;
	v35 =	vunpack.i.u.bf16.f32 v34;
	v36 =	vld [tilespmem:s12+$0x100]  }
0x3e5: {  	v24 =	vadd.f32 v24, v25;
	v25 =	vadd.f32 v33, v31;
	v31 =	vunpack.i.l.bf16.f32 v34;
	v33 =	vld [tilespmem:s12+$0x120]  }
0x3e6: {  	v30 =	vunpack.i.l.bf16.f32 v30;
	v34 =	vmul.f32 v35, v18;
	v31 =	vmul.f32 v31, v18  }
0x3e7: {  	v23 =	vadd.f32 v23, v24;
	v24 =	vadd.f32 v32, v25;
	v32 =	vunpack.i.u.bf16.f32 v29;
	v25 =	vld [tilespmem:s12+$0x140]  }
0x3e8: {  	v37 =	vbroadcast v12, $0xB;
	v35 =	vbroadcast v12, $0xA;
	v29 =	vunpack.i.l.bf16.f32 v29  }
0x3e9: {  	v38 =	vbroadcast v12, $0x9;
	v23 =	vadd.f32 v31, v23;
	v31 =	vbroadcast v12, $0x8;
	v39 =	vld [tilespmem:s12+$0x160]  }
0x3ea: {  	v40 =	vunpack.i.u.bf16.f32 v36;
	v36 =	vunpack.i.l.bf16.f32 v36;
	v41 =	vunpack.i.l.bf16.f32 v33  }
0x3eb: {  	v33 =	vunpack.i.u.bf16.f32 v33;
	[tilespmem:s11+$0xFFFFFF40] =	vst v23;
	v23 =	vmul.f32 v36, v31;
	v36 =	vmul.f32 v41, v38  }
0x3ec: {  	v40 =	vmul.f32 v40, v31;
	v33 =	vmul.f32 v33, v38;
	v41 =	vunpack.i.l.bf16.f32 v25  }
0x3ed: {  	v25 =	vunpack.i.u.bf16.f32 v25;
	v23 =	vadd.f32 v36, v23;
	v36 =	vmul.f32 v41, v35  }
0x3ee: {  	v33 =	vadd.f32 v33, v40;
	v25 =	vmul.f32 v25, v35;
	v40 =	vunpack.i.l.bf16.f32 v39  }
0x3ef: {  	v23 =	vadd.f32 v36, v23;
	v36 =	vunpack.i.u.bf16.f32 v39;
	v39 =	vmul.f32 v40, v37  }
0x3f0: {  	v24 =	vadd.f32 v34, v24;
	v25 =	vadd.f32 v25, v33;
	v33 =	vmul.f32 v36, v37  }
0x3f1: {  	v30 =	vmul.f32 v30, v9;
	v27 =	vmul.f32 v27, v9;
	v23 =	vadd.f32 v39, v23  }
0x3f2: {  	[tilespmem:s11+$0xFFFFFF50] =	vst v24;
	v24 =	vadd.f32 v33, v25;
	v25 =	vmul.f32 v29, v8;
	v29 =	vmul.f32 v32, v8  }
0x3f3: {  	v33 =	vunpack.i.u.bf16.f32 v26;
	v32 =	vld [tilespmem:s12+$0xFFFFFE90];
	[tilespmem:s11+$0x80] =	vst v23;
	v23 =	vunpack.i.u.bf16.f32 v28;
	v28 =	vunpack.i.l.bf16.f32 v28  }
0x3f4: {  	v34 =	vld [tilespmem:s12+$0xFFFFFEB0];
	[tilespmem:s11+$0x90] =	vst v24;
	v24 =	vadd.f32 v25, v30;
	v25 =	vadd.f32 v29, v27;
	v27 =	vmul.f32 v28, v7  }
0x3f5: {  	v26 =	vunpack.i.l.bf16.f32 v26;
	v23 =	vmul.f32 v23, v7;
	v29 =	vmul.f32 v33, v2;
	v28 =	vld [tilespmem:s12+$0x110]  }
0x3f6: {  	v14 =	vadd.f32 v15, v14;
	v26 =	vmul.f32 v26, v2;
	v30 =	vld [tilespmem:s12+$0x130];
	v24 =	vadd.f32 v27, v24  }
0x3f7: {  	v11 =	vadd.f32 v11, v13;
	v23 =	vadd.f32 v23, v25;
	v15 =	vld [tilespmem:s12+$0xFFFFFED0]  }
0x3f8: {  	v13 =	vunpack.i.u.bf16.f32 v32;
	v25 =	vunpack.i.l.bf16.f32 v32;
	v27 =	vld [tilespmem:s12+$0x150];
	v24 =	vadd.f32 v26, v24;
	[tilespmem:s10+$0xFFFFFFF0] =	vst v14;
	s10 =	smov.u32 s13;
	s13 =	smov.u32 s11  }
0x3f9: {  	v14 =	vmul.f32 v25, v22;
	v25 =	vunpack.i.u.bf16.f32 v34;
	v26 =	vunpack.i.l.bf16.f32 v34;
	v32 =	vld [tilespmem:s12+$0xFFFFFEF0];
	[tilespmem:s10+$0xE0] =	vst v11  }
0x3fa: {  	v23 =	vadd.f32 v29, v23;
	v11 =	vmul.f32 v13, v22;
	v22 =	vmul.f32 v26, v17;
	v13 =	vld [tilespmem:s12+$0x170];
	[tilespmem:s10+$0xFFFFFFC0] =	vst v24  }
0x3fb: {  	v24 =	vunpack.i.u.bf16.f32 v28;
	v26 =	vunpack.i.l.bf16.f32 v28;
	v28 =	vunpack.i.l.bf16.f32 v30  }
0x3fc: {  	v26 =	vmul.f32 v26, v31;
	v29 =	vunpack.i.u.bf16.f32 v30;
	v28 =	vmul.f32 v28, v38;
	[tilespmem:s10+$0xFFFFFFD0] =	vst v23  }
0x3fd: {  	v23 =	vmul.f32 v24, v31;
	v24 =	vmul.f32 v29, v38;
	v29 =	vunpack.i.l.bf16.f32 v27;
	v30 =	vld [tilespmem:s14+$0xFFFFFF90]  }
0x3fe: {  	v27 =	vunpack.i.u.bf16.f32 v27;
	v26 =	vadd.f32 v28, v26;
	v28 =	vmul.f32 v29, v35;
	v29 =	vld [tilespmem:s14+$0xFFFFFFB0]  }
0x3ff: {  	v23 =	vadd.f32 v24, v23;
	v24 =	vmul.f32 v27, v35;
	v27 =	vunpack.i.l.bf16.f32 v13;
	v31 =	vld [tilespmem:s14+$0xFFFFFFD0]  }
0x400: {  	v26 =	vadd.f32 v28, v26;
	v28 =	vunpack.i.u.bf16.f32 v13;
	v27 =	vmul.f32 v27, v37;
	v13 =	vld [tilespmem:s14+$0xFFFFFFF0];
	s14 =	smov.u32 s12  }
0x401: {  	v17 =	vmul.f32 v25, v17;
	v23 =	vadd.f32 v24, v23;
	v24 =	vmul.f32 v28, v37  }
0x402: {  	v25 =	vunpack.i.u.bf16.f32 v15;
	v15 =	vunpack.i.l.bf16.f32 v15;
	v26 =	vadd.f32 v27, v26  }
0x403: {  	v14 =	vadd.f32 v22, v14;
	v15 =	vmul.f32 v15, v16;
	v22 =	vadd.f32 v24, v23  }
0x404: {  	v11 =	vadd.f32 v17, v11;
	v16 =	vmul.f32 v25, v16;
	v17 =	vunpack.i.u.bf16.f32 v32;
	[tilespmem:s11+$0xA0] =	vst v26  }
0x405: {  	v14 =	vadd.f32 v15, v14;
	v15 =	vunpack.i.l.bf16.f32 v32;
	v17 =	vmul.f32 v17, v18;
	[tilespmem:s11+$0xB0] =	vst v22  }
0x406: {  	v11 =	vadd.f32 v16, v11;
	v15 =	vmul.f32 v15, v18;
	v18 =	vunpack.i.u.bf16.f32 v30;
	v16 =	vld [tilespmem:s12+$0x180]  }
0x407: {  	v23 =	vunpack.i.l.bf16.f32 v30;
	v24 =	vunpack.i.u.bf16.f32 v29;
	v25 =	vunpack.i.l.bf16.f32 v29;
	v22 =	vld [tilespmem:s12+$0x1A0]  }
0x408: {  	v14 =	vadd.f32 v15, v14;
	v15 =	vadd.f32 v17, v11;
	v23 =	vmul.f32 v23, v9  }
0x409: {  	v18 =	vmul.f32 v18, v9;
	v25 =	vmul.f32 v25, v8;
	v27 =	vunpack.i.u.bf16.f32 v31;
	v9 =	vmovc v19;
	v26 =	vld [tilespmem:s12+$0x1C0]  }
0x40a: {  	v17 =	vbroadcast v12, $0xE;
	v11 =	vbroadcast v12, $0xF;
	[tilespmem:s11+$0xFFFFFF60] =	vst v14;
	v14 =	vunpack.i.l.bf16.f32 v31  }
0x40b: {  	v28 =	vbroadcast v12, $0xC;
	v12 =	vbroadcast v12, $0xD;
	v25 =	vadd.f32 v25, v23;
	[tilespmem:s11+$0xFFFFFF70] =	vst v15;
	v15 =	vld [tilespmem:s12+$0x1E0]  }
0x40c: {  	v23 =	vunpack.i.u.bf16.f32 v16;
	v16 =	vunpack.i.l.bf16.f32 v16;
	v19 =	vld [tilespmem:s12+$0xFFFFFF00];
	v29 =	vunpack.i.l.bf16.f32 v22  }
0x40d: {  	v16 =	vmul.f32 v16, v28;
	v22 =	vunpack.i.u.bf16.f32 v22;
	v30 =	vld [tilespmem:s12+$0xFFFFFF20];
	v29 =	vmul.f32 v29, v12  }
0x40e: {  	v23 =	vmul.f32 v23, v28;
	v22 =	vmul.f32 v22, v12;
	v31 =	vld [tilespmem:s12+$0xFFFFFF40];
	v32 =	vunpack.i.l.bf16.f32 v26  }
0x40f: {  	v26 =	vunpack.i.u.bf16.f32 v26;
	v33 =	vld [tilespmem:s12+$0xFFFFFF60];
	v16 =	vadd.f32 v29, v16;
	v29 =	vmul.f32 v32, v17  }
0x410: {  	v22 =	vadd.f32 v22, v23;
	v23 =	vmul.f32 v26, v17;
	v26 =	vunpack.i.l.bf16.f32 v15  }
0x411: {  	v15 =	vunpack.i.u.bf16.f32 v15;
	v16 =	vadd.f32 v29, v16;
	v26 =	vmul.f32 v26, v11  }
0x412: {  	v29 =	vunpack.i.u.bf16.f32 v19;
	v22 =	vadd.f32 v23, v22;
	v15 =	vmul.f32 v15, v11  }
0x413: {  	v19 =	vunpack.i.l.bf16.f32 v19;
	v23 =	vunpack.i.u.bf16.f32 v30;
	v16 =	vadd.f32 v26, v16  }
0x414: {  	v19 =	vmul.f32 v19, v5;
	v26 =	vunpack.i.l.bf16.f32 v30;
	v15 =	vadd.f32 v15, v22  }
0x415: {  	v22 =	vmul.f32 v29, v5;
	v29 =	vunpack.i.u.bf16.f32 v31;
	v26 =	vmul.f32 v26, v6;
	[tilespmem:s11+$0xC0] =	vst v16  }
0x416: {  	v29 =	vmul.f32 v29, v4;
	v16 =	vmul.f32 v23, v6;
	v23 =	vunpack.i.l.bf16.f32 v31;
	[tilespmem:s11+$0xD0] =	vst v15  }
0x417: {  	v15 =	vadd.f32 v26, v19;
	v19 =	vmul.f32 v23, v4;
	v23 =	vunpack.i.u.bf16.f32 v33;
	v26 =	vld [tilespmem:s12+$0x190]  }
0x418: {  	v16 =	vadd.f32 v16, v22;
	v22 =	vunpack.i.l.bf16.f32 v33;
	v23 =	vmul.f32 v23, v3;
	v30 =	vld [tilespmem:s12+$0x1B0]  }
0x419: {  	v24 =	vmul.f32 v24, v8;
	v8 =	vmovc v21;
	v15 =	vadd.f32 v19, v15;
	v22 =	vmul.f32 v22, v3  }
0x41a: {  	v16 =	vadd.f32 v29, v16;
	v29 =	vmul.f32 v14, v7;
	v14 =	vmul.f32 v27, v7;
	v7 =	vmovc v20;
	v19 =	vld [tilespmem:s12+$0x1D0]  }
.Ltmp9:
0x41b: {  	v18 =	vadd.f32 v24, v18;
	v20 =	vadd.f32 v22, v15;
	v15 =	vunpack.i.u.bf16.f32 v13;
	(pc) =	sbr.rel @p1 .LBB2_8-.Ltmp9, $4  }
0x41c: {  	v22 =	vadd.f32 v23, v16;
	v16 =	vunpack.i.l.bf16.f32 v13;
	v24 =	vunpack.i.l.bf16.f32 v26;
	v21 =	vld [tilespmem:s12+$0x1F0]  }
0x41d: {  	v13 =	vunpack.i.u.bf16.f32 v26;
	[tilespmem:s11+$0xFFFFFF80] =	vst v20;
	v20 =	vunpack.i.u.bf16.f32 v30;
	v27 =	vunpack.i.l.bf16.f32 v30  }
0x41e: {  	v13 =	vmul.f32 v13, v28;
	[tilespmem:s11+$0xFFFFFF90] =	vst v22;
	v23 =	vmul.f32 v20, v12;
	v20 =	vadd.f32 v29, v25  }
0x41f: {  	s16 =	sadd.s32 $0x20, s16;
	v22 =	vmul.f32 v24, v28;
	v24 =	vmul.f32 v27, v12;
	v26 =	vld [tilespmem:s12+$0xFFFFFF10];
	v25 =	vunpack.i.u.bf16.f32 v19  }
.Ltmp10:
0x420: {  	_ = 	snop;
	(pc) =	sbr.rel .LBB2_9-.Ltmp10, $1  }
0x421: {  	_ =	sdelay $0x3  }
.LBB2_15:
0x422: {  	_ =	sfence.sel $0x180000  }
0x423: {  	[bflag:$0x0] =	sbarrier.arrive $0xFFFF  }
0x424: {  	_ =	strace $0x90000047  }
0x425: {  	s0 =	stileid.u32;
	[bflag:$0x2] =	sbarrier.arrive $0xFFFF  }
0x426: {  	p0 =	sne.s32 s0, $0x0;
	s0 =	rddreg [dreg:$0x3]  }
0x427: {  	s0 =	sadd.s32 @!p0 $0x100000, s0  }
0x428: {  	[sflag:s0] =	ssyncadd.tile.s32 @!p0 $0x1;
	_ =	shalt  }
.Lfunc_end2:
_tile_overlayer_lowered:
.L_overlay_start_2:
0x429: {  	(tag) =	ssettag $0x2  }
0x42a: {  	s0 =	rddreg [dreg:$0x0];
	s2 =	stileid.u32  }
0x42b: {  	s1 =	rddreg [dreg:$0x1];
	p0 =	sne.s32 s2, $0x0  }
0x42c: {  	s3 =	rddreg [dreg:$0x2];
	[bflag:$0x3] =	sbarrier.arrive $0xFFFF;
	s2 =	simm.s32 @!p0 $0x1C07  }
0x42d: {  	[timem:s3], [sflag:s2] =	dma.local @!p0 [hbm:s0], s1  }
0x42e: {  	s0 =	simm.s32 @!p0 $0x7  }
0x42f: {  	_ =	swait.ge @!p0 [sflag:s0], s1  }
0x430: {  	s1 =	ssub.s32 @!p0 $0x0, s1;
	[sflag:s0] =	ssyncset.done @!p0 $0x0  }
0x431: {  	[sflag:s0] =	ssyncadd.s32 @!p0 s1  }
0x432: {  	[bflag:$0x3] =	sbarrier.arrive $0xFFFF  }
0x433: {  	_ =	shalt  }

</sc_bundles>
